<compile_context>
chip_gen: v7x
topology: tpu7x:2x2x1
jax: 0.10.2.dev20260603
libtpu: 0.0.44.dev20260713+nightly
codegen_flags: <defaults>
</compile_context>

<pallas_src>
import functools
import math

import numpy as np

import jax
import jax.numpy as jnp
from jax import lax
from jax.experimental import pallas as pl
from jax.experimental.pallas import tpu as pltpu
from jax.experimental.pallas import tpu_sc as plsc

N_NODES = 10000
N_EDGES = 320000
D = 128
EA_D = 44
ACC_W = D + 16
NC = 2
NS = 16
E_PER_TILE = N_EDGES // (NC * NS)
CH = 16
N_CHUNK = E_PER_TILE // CH
IB = 2000
IBC = IB // CH
DEPTH = 3
N_PAD = 10240
ROWS_PER_TILE = N_PAD // NS
ZR = 8
INV_SQRT = 1.0 / math.sqrt(D)


def _proj_body(x_ref, wq_ref, bq_ref, wkv_ref, bkv_ref, wskip_ref, bskip_ref,
               q_ref, kv_ref, skip_ref):
    x = x_ref[...]
    q_ref[...] = jnp.dot(x, wq_ref[...], preferred_element_type=jnp.float32) + bq_ref[...]
    kv_ref[...] = jnp.dot(x, wkv_ref[...], preferred_element_type=jnp.float32) + bkv_ref[...]
    skip_ref[...] = jnp.dot(x, wskip_ref[...], preferred_element_type=jnp.float32) + bskip_ref[...]


_NB = 1000


def _project(x, Wq, bq, Wkv, bkv, Wskip, bskip):
    return pl.pallas_call(
        _proj_body,
        grid=(N_NODES // _NB,),
        in_specs=[
            pl.BlockSpec((_NB, D), lambda i: (i, 0)),
            pl.BlockSpec((D, D), lambda i: (0, 0)),
            pl.BlockSpec((1, D), lambda i: (0, 0)),
            pl.BlockSpec((D, 2 * D), lambda i: (0, 0)),
            pl.BlockSpec((1, 2 * D), lambda i: (0, 0)),
            pl.BlockSpec((D, D), lambda i: (0, 0)),
            pl.BlockSpec((1, D), lambda i: (0, 0)),
        ],
        out_specs=(
            pl.BlockSpec((_NB, D), lambda i: (i, 0)),
            pl.BlockSpec((_NB, 2 * D), lambda i: (i, 0)),
            pl.BlockSpec((_NB, D), lambda i: (i, 0)),
        ),
        out_shape=(
            jax.ShapeDtypeStruct((N_NODES, D), jnp.float32),
            jax.ShapeDtypeStruct((N_NODES, 2 * D), jnp.float32),
            jax.ShapeDtypeStruct((N_NODES, D), jnp.float32),
        ),
    )(x, Wq, bq.reshape(1, D), Wkv, bkv.reshape(1, 2 * D),
      Wskip, bskip.reshape(1, D))


_EA_BLK = 20000


def _eproj_body(ea_ref, we_ref, e_ref):
    e_ref[...] = jnp.dot(
        ea_ref[...], we_ref[...], preferred_element_type=jnp.float32
    ).astype(jnp.bfloat16)


def _eproj(edge_attr, We):
    return pl.pallas_call(
        _eproj_body,
        grid=(N_EDGES // _EA_BLK,),
        in_specs=[
            pl.BlockSpec((_EA_BLK, EA_D), lambda i: (i, 0)),
            pl.BlockSpec((EA_D, D), lambda i: (0, 0)),
        ],
        out_specs=pl.BlockSpec((_EA_BLK, D), lambda i: (i, 0)),
        out_shape=jax.ShapeDtypeStruct((N_EDGES, D), jnp.bfloat16),
    )(edge_attr, We)


_MESH = plsc.VectorSubcoreMesh(core_axis_name="c", subcore_axis_name="s")
_ENABLE_COMPUTE = True


@functools.partial(
    pl.kernel,
    out_type=jax.ShapeDtypeStruct((NC, N_PAD, ACC_W), jnp.float32),
    mesh=_MESH,
    compiler_params=pltpu.CompilerParams(
        needs_layout_passes=False, use_tc_tiling_on_sc=False
    ),
    scratch_types=[
        pltpu.VMEM((IB,), jnp.int32),
        pltpu.VMEM((IB,), jnp.int32),
        pltpu.VMEM((CH, D), jnp.float32),
        pltpu.VMEM((CH, 2 * D), jnp.float32),
        pltpu.VMEM((CH, D), jnp.bfloat16),
        pltpu.VMEM((CH, D), jnp.float32),
        pltpu.VMEM((CH, 2 * D), jnp.float32),
        pltpu.VMEM((CH, D), jnp.bfloat16),
        pltpu.VMEM((CH, D), jnp.float32),
        pltpu.VMEM((CH, 2 * D), jnp.float32),
        pltpu.VMEM((CH, D), jnp.bfloat16),
        pltpu.VMEM((CH, ACC_W), jnp.float32),
        pltpu.VMEM((CH, ACC_W), jnp.float32),
        pltpu.VMEM((CH, ACC_W), jnp.float32),
        pltpu.VMEM((ZR, ACC_W), jnp.float32),
        pltpu.VMEM((CH, 16), jnp.float32),
        pltpu.VMEM_SHARED((N_PAD, ACC_W), jnp.float32),
        pltpu.SemaphoreType.DMA,
        pltpu.SemaphoreType.DMA,
        pltpu.SemaphoreType.DMA,
        pltpu.SemaphoreType.DMA,
        pltpu.SemaphoreType.DMA,
        pltpu.SemaphoreType.DMA,
    ],
)
def _edge_kernel(q_hbm, kv_hbm, e_hbm, src_hbm, dst_hbm, out_hbm,
                 srcb, dstb, qr0, kv0, er0, qr1, kv1, er1,
                 qr2, kv2, er2, st0, st1, st2, zbuf, red, acc,
                 sg0, sg1, sg2, ss0, ss1, ss2):
    cid = lax.axis_index("c")
    sid = lax.axis_index("s")

    zv = jnp.zeros((16,), jnp.float32)

    def zbody(i, carry):
        r = i // (ACC_W // 16)
        t = i % (ACC_W // 16)
        zbuf[r, pl.ds(t * 16, 16)] = zv
        return carry

    lax.fori_loop(0, ZR * (ACC_W // 16), zbody, 0)

    row0 = sid * ROWS_PER_TILE

    def zcopy(j, carry):
        pltpu.sync_copy(zbuf, acc.at[pl.ds(row0 + j * ZR, ZR)])
        return carry

    lax.fori_loop(0, ROWS_PER_TILE // ZR, zcopy, 0)
    plsc.subcore_barrier()

    tile_base = (cid * NS + sid) * E_PER_TILE
    lanes = lax.iota(jnp.int32, 16)
    den_mask = (lanes == 0).astype(jnp.float32)
    zidx = jnp.zeros((CH,), jnp.int32)

    def issue(c, qr, kvr, er, sg):
        @pl.when((lax.rem(c, IBC) == 0) & (c < N_CHUNK))
        def _():
            ebase = tile_base + (c // IBC) * IB
            pltpu.sync_copy(src_hbm.at[pl.ds(ebase, IB)], srcb)
            pltpu.sync_copy(dst_hbm.at[pl.ds(ebase, IB)], dstb)

        off = lax.rem(c, IBC) * CH
        srcv = srcb[pl.ds(off, CH)]
        dstv = dstb[pl.ds(off, CH)]

        @pl.when(c < N_CHUNK)
        def _():
            pltpu.async_copy(e_hbm.at[pl.ds(tile_base + lax.min(c, N_CHUNK - 1) * CH, CH)], er, sg)
            pltpu.async_copy(kv_hbm.at[srcv], kvr, sg)
            pltpu.async_copy(q_hbm.at[dstv], qr, sg)

        return dstv

    def wait_gathers(qr, kvr, er, sg):
        pltpu.make_async_copy(e_hbm.at[pl.ds(0, CH)], er, sg).wait()
        pltpu.make_async_copy(kv_hbm.at[zidx], kvr, sg).wait()
        pltpu.make_async_copy(q_hbm.at[zidx], qr, sg).wait()

    def wait_scatter(st, ss):
        pltpu.make_async_copy(st, acc.at[zidx], ss).wait()

    def compute(qr, kvr, er, st):
        @plsc.parallel_loop(0, CH, unroll=4)
        def _(e):
            ps = []
            for gidx in range(D // 32):
                e32 = er[e, pl.ds(gidx * 32, 32)]
                elo, ehi = plsc.unpack(e32, format=plsc.PackFormat.INTERLEAVED)
                slo = pl.ds(gidx * 32, 16)
                shi = pl.ds(gidx * 32 + 16, 16)
                ps.append(qr[e, slo] * (kvr[e, slo] + elo))
                ps.append(qr[e, shi] * (kvr[e, shi] + ehi))
            while len(ps) > 1:
                ps = [a + b for a, b in zip(ps[::2], ps[1::2])]
            part = ps[0]
            erow = jnp.full((16,), e, jnp.int32)
            for b in (1, 2, 4, 8):
                red[e, :] = part
                part = part + plsc.load_gather(red, [erow, lanes ^ b])
            w = jnp.exp(part * INV_SQRT)
            for gidx in range(D // 32):
                e32 = er[e, pl.ds(gidx * 32, 32)]
                elo, ehi = plsc.unpack(e32, format=plsc.PackFormat.INTERLEAVED)
                st[e, pl.ds(gidx * 32, 16)] = w * (
                    kvr[e, pl.ds(D + gidx * 32, 16)] + elo
                )
                st[e, pl.ds(gidx * 32 + 16, 16)] = w * (
                    kvr[e, pl.ds(D + gidx * 32 + 16, 16)] + ehi
                )
            st[e, pl.ds(D, 16)] = w * den_mask

    gsets = (
        (qr0, kv0, er0, sg0),
        (qr1, kv1, er1, sg1),
        (qr2, kv2, er2, sg2),
    )
    ssets = ((st0, ss0), (st1, ss1), (st2, ss2))

    def process(c, dstv, wait_prev, gset, sset):
        qr, kvr, er, sg = gset
        st, ss = sset
        wait_gathers(qr, kvr, er, sg)

        @pl.when(wait_prev)
        def _():
            wait_scatter(st, ss)

        if _ENABLE_COMPUTE:
            compute(qr, kvr, er, st)
        pltpu.async_copy(st, acc.at[dstv], ss, add=True)

    def issue_set(c, gset):
        qr, kvr, er, sg = gset
        return issue(c, qr, kvr, er, sg)

    dvs0 = tuple(issue_set(jnp.int32(i), gsets[i]) for i in range(DEPTH - 1))

    def pipe_body(g, carry):
        dvs = list(carry)
        nxt = []
        dv_last = None
        for b in range(DEPTH):
            c = DEPTH * g + b
            issued = issue_set(c + DEPTH - 1, gsets[(b + DEPTH - 1) % DEPTH])
            if b == 0:
                dv_last = issued
            else:
                nxt.append(issued)
            process(c, dvs[b] if b < DEPTH - 1 else dv_last, g >= 1,
                    gsets[b], ssets[b])
        return tuple(nxt)

    dvl = lax.fori_loop(0, N_CHUNK // DEPTH, pipe_body, dvs0)
    process(jnp.int32(N_CHUNK - 1), dvl[0], jnp.bool_(True), gsets[0],
            ssets[0])
    for st_, ss_ in ssets:
        wait_scatter(st_, ss_)
    plsc.subcore_barrier()

    def ocopy(j, carry):
        r = row0 + j * ZR
        pltpu.sync_copy(acc.at[pl.ds(r, ZR)], zbuf)
        pltpu.sync_copy(zbuf, out_hbm.at[cid, pl.ds(r, ZR)])
        return carry

    lax.fori_loop(0, ROWS_PER_TILE // ZR, ocopy, 0)


def _combine_body(acc_ref, skip_ref, out_ref):
    accs = acc_ref[0] + acc_ref[1]
    num = accs[:, :D]
    den = accs[:, D:D + 1]
    den_safe = jnp.where(den > 0.0, den, 1.0)
    out_ref[...] = num / den_safe + skip_ref[...]


def _combine(acc, skip):
    return pl.pallas_call(
        _combine_body,
        grid=(N_NODES // _NB,),
        in_specs=[
            pl.BlockSpec((2, _NB, ACC_W), lambda i: (0, i, 0)),
            pl.BlockSpec((_NB, D), lambda i: (i, 0)),
        ],
        out_specs=pl.BlockSpec((_NB, D), lambda i: (i, 0)),
        out_shape=jax.ShapeDtypeStruct((N_NODES, D), jnp.float32),
    )(acc, skip)


@jax.jit
def kernel(x, edge_index, edge_attr, Wq, bq, Wk, bk, Wv, bv, We, Wskip, bskip):
    src = edge_index[0].astype(jnp.int32)
    dst = edge_index[1].astype(jnp.int32)
    Wkv = jnp.concatenate([Wk, Wv], axis=1)
    bkv = jnp.concatenate([bk, bv], axis=0)
    q, kv, skip = _project(x, Wq, bq, Wkv, bkv, Wskip, bskip)
    perm = np.empty((D,), np.int32)
    for g in range(D // 32):
        for i in range(16):
            perm[32 * g + 2 * i] = 32 * g + i
            perm[32 * g + 2 * i + 1] = 32 * g + 16 + i
    e = _eproj(edge_attr, We[:, perm])
    acc = _edge_kernel(q, kv, e, src, dst)
    return _combine(acc, skip)

# --- scband reference (transcript-rebuilt; emitter-appended) ---
"""Pipeline reference for scband-transformer-conv-53644141527046 (READ-ONLY COPY).

The authoritative reference and input builder live on the scoring server;
editing this copy changes nothing except your own understanding.
"""

import jax, jax.numpy as jnp
import numpy as np
import math

N_NODES = 10000
N_EDGES = 320000
D_IN = 128
HEADS = 1
D_HEAD = 128  # nout // nhead
EDGE_DIM = 44  # (nin - 16) / 4 + 16


def _lin_params(key, fan_in, fan_out, bias=True):
    kw, kb = jax.random.split(key)
    bound = 1.0 / math.sqrt(fan_in)
    W = jax.random.uniform(kw, (fan_in, fan_out), minval=-bound, maxval=bound, dtype=jnp.float32)
    if bias:
        b = jax.random.uniform(kb, (fan_out,), minval=-bound, maxval=bound, dtype=jnp.float32)
        return W, b
    return W, None


def setup_inputs(seed: int = 0) -> dict:
    key = jax.random.key(seed)
    kx, ke, kei, k1, k2, k3, k4, k5 = jax.random.split(key, 8)
    x = jax.random.normal(kx, (N_NODES, D_IN), dtype=jnp.float32)
    edge_index = jax.random.randint(kei, (2, N_EDGES), 0, N_NODES, dtype=jnp.int64)
    edge_attr = jax.random.normal(ke, (N_EDGES, EDGE_DIM), dtype=jnp.float32)
    Wq, bq = _lin_params(k1, D_IN, HEADS * D_HEAD)
    Wk, bk = _lin_params(k2, D_IN, HEADS * D_HEAD)
    Wv, bv = _lin_params(k3, D_IN, HEADS * D_HEAD)
    We, _ = _lin_params(k4, EDGE_DIM, HEADS * D_HEAD, bias=False)
    Wskip, bskip = _lin_params(k5, D_IN, HEADS * D_HEAD)
    return {
        "x": x, "edge_index": edge_index, "edge_attr": edge_attr,
        "Wq": Wq, "bq": bq, "Wk": Wk, "bk": bk, "Wv": Wv, "bv": bv,
        "We": We, "Wskip": Wskip, "bskip": bskip,
    }


def reference(x, edge_index, edge_attr, Wq, bq, Wk, bk, Wv, bv, We, Wskip, bskip):
    # PyG TransformerConv: heads=1, concat=True, root_weight=True, beta=False, dropout=0
    src = edge_index[0]  # x_j (source / message sender)
    dst = edge_index[1]  # x_i (target / aggregation index)
    n = x.shape[0]

    q = x @ Wq + bq                       # [N, H*C]
    k = x @ Wk + bk
    v = x @ Wv + bv
    e = edge_attr @ We                    # [E, H*C] (lin_edge, no bias)

    q_i = jnp.take(q, dst, axis=0)        # [E, C] gather
    k_j = jnp.take(k, src, axis=0) + e
    v_j = jnp.take(v, src, axis=0) + e

    alpha = jnp.sum(q_i * k_j, axis=-1) / math.sqrt(D_HEAD)   # [E]

    # segment softmax over incoming edges of each dst node
    amax = jax.ops.segment_max(alpha, dst, num_segments=n)    # [N]
    alpha = jnp.exp(alpha - jnp.take(amax, dst, axis=0))
    denom = jax.ops.segment_sum(alpha, dst, num_segments=n)   # [N]
    alpha = alpha / jnp.take(denom, dst, axis=0)

    out = jax.ops.segment_sum(alpha[:, None] * v_j, dst, num_segments=n)  # [N, C] scatter-add
    out = out + (x @ Wskip + bskip)       # root/skip connection
    return out

if __name__ == "__main__":
    import jax
    _d = setup_inputs()
    print(jax.jit(kernel)(*tuple(_d.values())))

</pallas_src>

<mosaic_0001>
#map = affine_map<(d0, d1) -> (0, 0)>
#map1 = affine_map<(d0, d1) -> (0)>
#map2 = affine_map<(d0, d1) -> (0, 0, 0)>
module attributes {stable_mosaic.version = 14 : i64} {
  func.func @_edge_kernel(%arg0: i32, %arg1: i32, %arg2: memref<10000x128xf32, #tpu.memory_space<hbm>>, %arg3: memref<10000x256xf32, #tpu.memory_space<hbm>>, %arg4: memref<320000x128xbf16, #tpu.memory_space<hbm>>, %arg5: memref<320000xi32, #tpu.memory_space<hbm>>, %arg6: memref<320000xi32, #tpu.memory_space<hbm>>, %arg7: memref<2x10240x144xf32, #tpu.memory_space<hbm>>, %arg8: memref<2000xi32, #tpu.memory_space<vmem>>, %arg9: memref<2000xi32, #tpu.memory_space<vmem>>, %arg10: memref<16x128xf32, #tpu.memory_space<vmem>>, %arg11: memref<16x256xf32, #tpu.memory_space<vmem>>, %arg12: memref<16x128xbf16, #tpu.memory_space<vmem>>, %arg13: memref<16x128xf32, #tpu.memory_space<vmem>>, %arg14: memref<16x256xf32, #tpu.memory_space<vmem>>, %arg15: memref<16x128xbf16, #tpu.memory_space<vmem>>, %arg16: memref<16x128xf32, #tpu.memory_space<vmem>>, %arg17: memref<16x256xf32, #tpu.memory_space<vmem>>, %arg18: memref<16x128xbf16, #tpu.memory_space<vmem>>, %arg19: memref<16x144xf32, #tpu.memory_space<vmem>>, %arg20: memref<16x144xf32, #tpu.memory_space<vmem>>, %arg21: memref<16x144xf32, #tpu.memory_space<vmem>>, %arg22: memref<8x144xf32, #tpu.memory_space<vmem>>, %arg23: memref<16x16xf32, #tpu.memory_space<vmem>>, %arg24: memref<10240x144xf32, #tpu.memory_space<vmem_shared>>, %arg25: memref<!tpu.dma_semaphore, #tpu.memory_space<semaphore_mem>>, %arg26: memref<!tpu.dma_semaphore, #tpu.memory_space<semaphore_mem>>, %arg27: memref<!tpu.dma_semaphore, #tpu.memory_space<semaphore_mem>>, %arg28: memref<!tpu.dma_semaphore, #tpu.memory_space<semaphore_mem>>, %arg29: memref<!tpu.dma_semaphore, #tpu.memory_space<semaphore_mem>>, %arg30: memref<!tpu.dma_semaphore, #tpu.memory_space<semaphore_mem>>) attributes {dimension_semantics = [#tpu.dimension_semantics<core_parallel>, #tpu.dimension_semantics<subcore_parallel>], iteration_bounds = array<i64: 2, 16>, scalar_prefetch = 0 : i64, scratch_operands = 23 : i64, tpu.core_type = #tpu.core_type<sc_vector_subcore>, window_params = [{transform_indices = #map}, {transform_indices = #map}, {transform_indices = #map}, {transform_indices = #map1}, {transform_indices = #map1}, {transform_indices = #map2}]} {
    %broadcast_in_dim3A = arith.constant 0.000000e+00 : f32
    %broadcast_in_dim3A_0 = vector.broadcast %broadcast_in_dim3A : f32 to vector<16xf32>
    %scan3A = arith.constant 0 : i32
    %scan3A_1 = arith.constant 0 : i32
    %scan3A_2 = arith.constant 72 : i32
    %scan3A_3 = arith.addi %scan3A_1, %scan3A_2 : i32
    %scan3A_4 = arith.constant 1 : i32
    scf.for %scan3A_116 = %scan3A_1 to %scan3A_3 step %scan3A_4  : i32 {
      %jit3A = arith.constant 9 : i32
      %div3A = arith.divsi %scan3A_116, %jit3A : i32
      %sign3A = arith.constant 0 : i32
      %sign3A_117 = arith.cmpi sgt, %scan3A_116, %sign3A : i32
      %sign3A_118 = arith.extui %sign3A_117 : i1 to i32
      %sign3A_119 = arith.constant 0 : i32
      %sign3A_120 = arith.cmpi slt, %scan3A_116, %sign3A_119 : i32
      %sign3A_121 = arith.extui %sign3A_120 : i1 to i32
      %sign3A_122 = arith.subi %sign3A_118, %sign3A_121 : i32
      %sign3A_123 = arith.constant 0 : i32
      %sign3A_124 = arith.cmpi sgt, %jit3A, %sign3A_123 : i32
      %sign3A_125 = arith.extui %sign3A_124 : i1 to i32
      %sign3A_126 = arith.constant 0 : i32
      %sign3A_127 = arith.cmpi slt, %jit3A, %sign3A_126 : i32
      %sign3A_128 = arith.extui %sign3A_127 : i1 to i32
      %sign3A_129 = arith.subi %sign3A_125, %sign3A_128 : i32
      %ne3A = arith.cmpi ne, %sign3A_122, %sign3A_129 : i32
      %rem3A_130 = arith.remsi %scan3A_116, %jit3A : i32
      %ne3A_131 = arith.constant 0 : i32
      %ne3A_132 = arith.cmpi ne, %rem3A_130, %ne3A_131 : i32
      %and3A_133 = arith.andi %ne3A, %ne3A_132 : i1
      %sub3A = arith.constant 1 : i32
      %sub3A_134 = arith.subi %div3A, %sub3A : i32
      %select_n3A = arith.select %and3A_133, %sub3A_134, %div3A : i32
      %jit3A_135 = arith.constant 9 : i32
      %eq3A_136 = arith.constant 0 : i32
      %eq3A_137 = arith.cmpi eq, %jit3A_135, %eq3A_136 : i32
      %jit3A_138 = arith.constant 1 : i32
      %select_n3A_139 = arith.select %eq3A_137, %jit3A_138, %jit3A_135 : i32
      %rem3A_140 = arith.remsi %scan3A_116, %select_n3A_139 : i32
      %ne3A_141 = arith.constant 0 : i32
      %ne3A_142 = arith.cmpi ne, %rem3A_140, %ne3A_141 : i32
      %lt3A_143 = arith.constant 0 : i32
      %lt3A_144 = arith.cmpi slt, %rem3A_140, %lt3A_143 : i32
      %lt3A_145 = arith.constant 0 : i32
      %lt3A_146 = arith.cmpi slt, %select_n3A_139, %lt3A_145 : i32
      %ne3A_147 = arith.xori %lt3A_144, %lt3A_146 : i1
      %and3A_148 = arith.andi %ne3A_147, %ne3A_142 : i1
      %add3A_149 = arith.addi %rem3A_140, %select_n3A_139 : i32
      %select_n3A_150 = arith.select %and3A_148, %add3A_149, %rem3A_140 : i32
      %mul3A_151 = arith.constant 16 : i32
      %mul3A_152 = arith.muli %select_n3A_150, %mul3A_151 : i32
      %swap3A = arith.index_cast %select_n3A : i32 to index
      %swap3A_153 = arith.index_cast %mul3A_152 : i32 to index
      %swap3A_154 = tpu.vector_load %arg22[%swap3A, %swap3A_153] {strides = array<i32>} : memref<8x144xf32, #tpu.memory_space<vmem>>, vector<16xf32>,
      tpu.vector_store %arg22[%swap3A, %swap3A_153], %broadcast_in_dim3A_0 {strides = array<i32>} : memref<8x144xf32, #tpu.memory_space<vmem>>, vector<16xf32>,
    }
    %scan3A_5 = arith.constant 72 : i32
    %mul3A = arith.constant 640 : i32
    %mul3A_6 = arith.muli %arg1, %mul3A : i32
    %scan3A_7 = arith.constant 0 : i32
    %scan3A_8 = arith.constant 0 : i32
    %scan3A_9 = arith.constant 80 : i32
    %scan3A_10 = arith.addi %scan3A_8, %scan3A_9 : i32
    %scan3A_11 = arith.constant 1 : i32
    scf.for %scan3A_116 = %scan3A_8 to %scan3A_10 step %scan3A_11  : i32 {
      %mul3A_117 = arith.constant 8 : i32
      %mul3A_118 = arith.muli %scan3A_116, %mul3A_117 : i32
      %add3A_119 = arith.addi %mul3A_6, %mul3A_118 : i32
      "tpu.region"() ({
        %run_scoped3A = tpu.sem_alloc : memref<!tpu.dma_semaphore, #tpu.memory_space<semaphore_mem>>
        %dma_start3A_120 = arith.constant 0 : i32
        %dma_start3A_121 = tpu.memref_slice %arg24[%add3A_119, %dma_start3A_120] : memref<10240x144xf32, #tpu.memory_space<vmem_shared>> -> memref<8x144xf32, #tpu.memory_space<vmem_shared>>
        %dma_start3A_122 = arith.constant 0 : i32
        %dma_start3A_123 = tpu.memref_slice %arg24[%add3A_119, %dma_start3A_122] : memref<10240x144xf32, #tpu.memory_space<vmem_shared>> -> memref<8x144xf32, #tpu.memory_space<vmem_shared>>
        tpu.enqueue_dma source(%arg22 : memref<8x144xf32, #tpu.memory_space<vmem>>) target(%dma_start3A_123 : memref<8x144xf32, #tpu.memory_space<vmem_shared>>) target_semaphore(%run_scoped3A : memref<!tpu.dma_semaphore, #tpu.memory_space<semaphore_mem>>)
        %dma_wait3A_124 = arith.constant 0 : i32
        %dma_wait3A_125 = tpu.memref_slice %arg24[%add3A_119, %dma_wait3A_124] : memref<10240x144xf32, #tpu.memory_space<vmem_shared>> -> memref<8x144xf32, #tpu.memory_space<vmem_shared>>
        %dma_wait3A_126 = arith.constant 0 : i32
        %dma_wait3A_127 = tpu.memref_slice %arg24[%add3A_119, %dma_wait3A_126] : memref<10240x144xf32, #tpu.memory_space<vmem_shared>> -> memref<8x144xf32, #tpu.memory_space<vmem_shared>>
        tpu.wait_dma2 semaphore(%run_scoped3A : memref<!tpu.dma_semaphore, #tpu.memory_space<semaphore_mem>>) src(%arg22 : memref<8x144xf32, #tpu.memory_space<vmem>>) dst(%dma_wait3A_127 : memref<8x144xf32, #tpu.memory_space<vmem_shared>>)
        tpu.yield
      }) : () -> ()
    }
    %scan3A_12 = arith.constant 80 : i32
    %barrier3A = arith.constant 0 : index
    tpu.barrier barrier_id(%barrier3A)
    %mul3A_13 = arith.constant 16 : i32
    %mul3A_14 = arith.muli %arg0, %mul3A_13 : i32
    %add3A = arith.addi %mul3A_14, %arg1 : i32
    %mul3A_15 = arith.constant 10000 : i32
    %mul3A_16 = arith.muli %add3A, %mul3A_15 : i32
    %iota3A = tpu.iota {dimensions = array<i32: 0>} : vector<16xi32>
    %eq3A = arith.constant 0 : i32
    %eq3A_17 = vector.broadcast %eq3A : i32 to vector<16xi32>
    %eq3A_18 = arith.cmpi eq, %iota3A, %eq3A_17 : vector<16xi32>
    %convert_element_type3A = arith.extui %eq3A_18 : vector<16xi1> to vector<16xi32>
    %convert_element_type3A_19 = arith.sitofp %convert_element_type3A : vector<16xi32> to vector<16xf32>
    %broadcast_in_dim3A_20 = arith.constant 0 : i32
    %broadcast_in_dim3A_21 = vector.broadcast %broadcast_in_dim3A_20 : i32 to vector<16xi32>
    %rem3A = arith.constant 0 : i32
    %rem3A_22 = arith.constant 125 : i32
    %rem3A_23 = arith.remsi %rem3A, %rem3A_22 : i32
    %eq3A_24 = arith.constant 0 : i32
    %eq3A_25 = arith.cmpi eq, %rem3A_23, %eq3A_24 : i32
    %lt3A = arith.constant 0 : i32
    %lt3A_26 = arith.constant 625 : i32
    %lt3A_27 = arith.cmpi slt, %lt3A, %lt3A_26 : i32
    %and3A = arith.andi %eq3A_25, %lt3A_27 : i1
    %convert_element_type3A_28 = arith.extui %and3A : i1 to i32
    %cond3A = arith.constant 0 : i32
    %cond3A_29 = arith.constant 0 : i32
    %cond3A_30 = arith.cmpi ne, %convert_element_type3A_28, %cond3A_29 : i32
    scf.if %cond3A_30 {
      %jit3A = arith.constant 125 : i32
      %div3A = arith.divsi %cond3A, %jit3A : i32
      %sign3A = arith.constant 0 : i32
      %sign3A_116 = arith.cmpi sgt, %cond3A, %sign3A : i32
      %sign3A_117 = arith.extui %sign3A_116 : i1 to i32
      %sign3A_118 = arith.constant 0 : i32
      %sign3A_119 = arith.cmpi slt, %cond3A, %sign3A_118 : i32
      %sign3A_120 = arith.extui %sign3A_119 : i1 to i32
      %sign3A_121 = arith.subi %sign3A_117, %sign3A_120 : i32
      %sign3A_122 = arith.constant 0 : i32
      %sign3A_123 = arith.cmpi sgt, %jit3A, %sign3A_122 : i32
      %sign3A_124 = arith.extui %sign3A_123 : i1 to i32
      %sign3A_125 = arith.constant 0 : i32
      %sign3A_126 = arith.cmpi slt, %jit3A, %sign3A_125 : i32
      %sign3A_127 = arith.extui %sign3A_126 : i1 to i32
      %sign3A_128 = arith.subi %sign3A_124, %sign3A_127 : i32
      %ne3A = arith.cmpi ne, %sign3A_121, %sign3A_128 : i32
      %rem3A_129 = arith.remsi %cond3A, %jit3A : i32
      %ne3A_130 = arith.constant 0 : i32
      %ne3A_131 = arith.cmpi ne, %rem3A_129, %ne3A_130 : i32
      %and3A_132 = arith.andi %ne3A, %ne3A_131 : i1
      %sub3A = arith.constant 1 : i32
      %sub3A_133 = arith.subi %div3A, %sub3A : i32
      %select_n3A = arith.select %and3A_132, %sub3A_133, %div3A : i32
      %mul3A_134 = arith.constant 2000 : i32
      %mul3A_135 = arith.muli %select_n3A, %mul3A_134 : i32
      %add3A_136 = arith.addi %mul3A_16, %mul3A_135 : i32
      "tpu.region"() ({
        %run_scoped3A = tpu.sem_alloc : memref<!tpu.dma_semaphore, #tpu.memory_space<semaphore_mem>>
        %dma_start3A_137 = tpu.memref_slice %arg5[%add3A_136] : memref<320000xi32, #tpu.memory_space<hbm>> -> memref<2000xi32, #tpu.memory_space<hbm>>
        %dma_start3A_138 = tpu.memref_slice %arg5[%add3A_136] : memref<320000xi32, #tpu.memory_space<hbm>> -> memref<2000xi32, #tpu.memory_space<hbm>>
        tpu.enqueue_dma source(%dma_start3A_138 : memref<2000xi32, #tpu.memory_space<hbm>>) target(%arg8 : memref<2000xi32, #tpu.memory_space<vmem>>) target_semaphore(%run_scoped3A : memref<!tpu.dma_semaphore, #tpu.memory_space<semaphore_mem>>)
        %dma_wait3A_139 = tpu.memref_slice %arg5[%add3A_136] : memref<320000xi32, #tpu.memory_space<hbm>> -> memref<2000xi32, #tpu.memory_space<hbm>>
        %dma_wait3A_140 = tpu.memref_slice %arg5[%add3A_136] : memref<320000xi32, #tpu.memory_space<hbm>> -> memref<2000xi32, #tpu.memory_space<hbm>>
        tpu.wait_dma2 semaphore(%run_scoped3A : memref<!tpu.dma_semaphore, #tpu.memory_space<semaphore_mem>>) src(%dma_wait3A_140 : memref<2000xi32, #tpu.memory_space<hbm>>) dst(%arg8 : memref<2000xi32, #tpu.memory_space<vmem>>)
        tpu.yield
      }) : () -> ()
      "tpu.region"() ({
        %run_scoped3A = tpu.sem_alloc : memref<!tpu.dma_semaphore, #tpu.memory_space<semaphore_mem>>
        %dma_start3A_137 = tpu.memref_slice %arg6[%add3A_136] : memref<320000xi32, #tpu.memory_space<hbm>> -> memref<2000xi32, #tpu.memory_space<hbm>>
        %dma_start3A_138 = tpu.memref_slice %arg6[%add3A_136] : memref<320000xi32, #tpu.memory_space<hbm>> -> memref<2000xi32, #tpu.memory_space<hbm>>
        tpu.enqueue_dma source(%dma_start3A_138 : memref<2000xi32, #tpu.memory_space<hbm>>) target(%arg9 : memref<2000xi32, #tpu.memory_space<vmem>>) target_semaphore(%run_scoped3A : memref<!tpu.dma_semaphore, #tpu.memory_space<semaphore_mem>>)
        %dma_wait3A_139 = tpu.memref_slice %arg6[%add3A_136] : memref<320000xi32, #tpu.memory_space<hbm>> -> memref<2000xi32, #tpu.memory_space<hbm>>
        %dma_wait3A_140 = tpu.memref_slice %arg6[%add3A_136] : memref<320000xi32, #tpu.memory_space<hbm>> -> memref<2000xi32, #tpu.memory_space<hbm>>
        tpu.wait_dma2 semaphore(%run_scoped3A : memref<!tpu.dma_semaphore, #tpu.memory_space<semaphore_mem>>) src(%dma_wait3A_140 : memref<2000xi32, #tpu.memory_space<hbm>>) dst(%arg9 : memref<2000xi32, #tpu.memory_space<vmem>>)
        tpu.yield
      }) : () -> ()
    } else {
    }
    %rem3A_31 = arith.constant 0 : i32
    %rem3A_32 = arith.constant 125 : i32
    %rem3A_33 = arith.remsi %rem3A_31, %rem3A_32 : i32
    %mul3A_34 = arith.constant 16 : i32
    %mul3A_35 = arith.muli %rem3A_33, %mul3A_34 : i32
    %get3A = arith.index_cast %mul3A_35 : i32 to index
    %get3A_36 = tpu.vector_load %arg8[%get3A] {strides = array<i32>} : memref<2000xi32, #tpu.memory_space<vmem>>, vector<16xi32>,
    %get3A_37 = arith.index_cast %mul3A_35 : i32 to index
    %get3A_38 = tpu.vector_load %arg9[%get3A_37] {strides = array<i32>} : memref<2000xi32, #tpu.memory_space<vmem>>, vector<16xi32>,
    %lt3A_39 = arith.constant 0 : i32
    %lt3A_40 = arith.constant 625 : i32
    %lt3A_41 = arith.cmpi slt, %lt3A_39, %lt3A_40 : i32
    %convert_element_type3A_42 = arith.extui %lt3A_41 : i1 to i32
    %cond3A_43 = arith.constant 0 : i32
    %cond3A_44 = arith.constant 0 : i32
    %cond3A_45 = arith.cmpi ne, %convert_element_type3A_42, %cond3A_44 : i32
    scf.if %cond3A_45 {
      %min3A = arith.constant 624 : i32
      %min3A_116 = arith.minsi %cond3A_43, %min3A : i32
      %mul3A_117 = arith.constant 16 : i32
      %mul3A_118 = arith.muli %min3A_116, %mul3A_117 : i32
      %add3A_119 = arith.addi %mul3A_16, %mul3A_118 : i32
      %dma_start3A_120 = arith.constant 0 : i32
      %dma_start3A_121 = tpu.memref_slice %arg4[%add3A_119, %dma_start3A_120] : memref<320000x128xbf16, #tpu.memory_space<hbm>> -> memref<16x128xbf16, #tpu.memory_space<hbm>>
      %dma_start3A_122 = arith.constant 0 : i32
      %dma_start3A_123 = tpu.memref_slice %arg4[%add3A_119, %dma_start3A_122] : memref<320000x128xbf16, #tpu.memory_space<hbm>> -> memref<16x128xbf16, #tpu.memory_space<hbm>>
      tpu.enqueue_dma source(%dma_start3A_123 : memref<16x128xbf16, #tpu.memory_space<hbm>>) target(%arg12 : memref<16x128xbf16, #tpu.memory_space<vmem>>) target_semaphore(%arg25 : memref<!tpu.dma_semaphore, #tpu.memory_space<semaphore_mem>>)
      %dma_start3A_124 = arith.constant 0 : i32
      %dma_start3A_125 = arith.constant 0 : i32
      %dma_start3A_126 = tpu.memref_slice %arg3[%dma_start3A_124, %dma_start3A_125] : memref<10000x256xf32, #tpu.memory_space<hbm>> -> memref<10000x256xf32, #tpu.memory_space<hbm>>
      tpu.enqueue_indirect_dma source(%dma_start3A_126 : memref<10000x256xf32, #tpu.memory_space<hbm>>) target(%arg11 : memref<16x256xf32, #tpu.memory_space<vmem>>) offsets(%get3A_36 : vector<16xi32>) semaphore(%arg25 : memref<!tpu.dma_semaphore, #tpu.memory_space<semaphore_mem>>)
      %dma_start3A_127 = arith.constant 0 : i32
      %dma_start3A_128 = arith.constant 0 : i32
      %dma_start3A_129 = tpu.memref_slice %arg2[%dma_start3A_127, %dma_start3A_128] : memref<10000x128xf32, #tpu.memory_space<hbm>> -> memref<10000x128xf32, #tpu.memory_space<hbm>>
      tpu.enqueue_indirect_dma source(%dma_start3A_129 : memref<10000x128xf32, #tpu.memory_space<hbm>>) target(%arg10 : memref<16x128xf32, #tpu.memory_space<vmem>>) offsets(%get3A_38 : vector<16xi32>) semaphore(%arg25 : memref<!tpu.dma_semaphore, #tpu.memory_space<semaphore_mem>>)
    } else {
    }
    %rem3A_46 = arith.constant 1 : i32
    %rem3A_47 = arith.constant 125 : i32
    %rem3A_48 = arith.remsi %rem3A_46, %rem3A_47 : i32
    %eq3A_49 = arith.constant 0 : i32
    %eq3A_50 = arith.cmpi eq, %rem3A_48, %eq3A_49 : i32
    %lt3A_51 = arith.constant 1 : i32
    %lt3A_52 = arith.constant 625 : i32
    %lt3A_53 = arith.cmpi slt, %lt3A_51, %lt3A_52 : i32
    %and3A_54 = arith.andi %eq3A_50, %lt3A_53 : i1
    %convert_element_type3A_55 = arith.extui %and3A_54 : i1 to i32
    %cond3A_56 = arith.constant 1 : i32
    %cond3A_57 = arith.constant 0 : i32
    %cond3A_58 = arith.cmpi ne, %convert_element_type3A_55, %cond3A_57 : i32
    scf.if %cond3A_58 {
      %jit3A = arith.constant 125 : i32
      %div3A = arith.divsi %cond3A_56, %jit3A : i32
      %sign3A = arith.constant 0 : i32
      %sign3A_116 = arith.cmpi sgt, %cond3A_56, %sign3A : i32
      %sign3A_117 = arith.extui %sign3A_116 : i1 to i32
      %sign3A_118 = arith.constant 0 : i32
      %sign3A_119 = arith.cmpi slt, %cond3A_56, %sign3A_118 : i32
      %sign3A_120 = arith.extui %sign3A_119 : i1 to i32
      %sign3A_121 = arith.subi %sign3A_117, %sign3A_120 : i32
      %sign3A_122 = arith.constant 0 : i32
      %sign3A_123 = arith.cmpi sgt, %jit3A, %sign3A_122 : i32
      %sign3A_124 = arith.extui %sign3A_123 : i1 to i32
      %sign3A_125 = arith.constant 0 : i32
      %sign3A_126 = arith.cmpi slt, %jit3A, %sign3A_125 : i32
      %sign3A_127 = arith.extui %sign3A_126 : i1 to i32
      %sign3A_128 = arith.subi %sign3A_124, %sign3A_127 : i32
      %ne3A = arith.cmpi ne, %sign3A_121, %sign3A_128 : i32
      %rem3A_129 = arith.remsi %cond3A_56, %jit3A : i32
      %ne3A_130 = arith.constant 0 : i32
      %ne3A_131 = arith.cmpi ne, %rem3A_129, %ne3A_130 : i32
      %and3A_132 = arith.andi %ne3A, %ne3A_131 : i1
      %sub3A = arith.constant 1 : i32
      %sub3A_133 = arith.subi %div3A, %sub3A : i32
      %select_n3A = arith.select %and3A_132, %sub3A_133, %div3A : i32
      %mul3A_134 = arith.constant 2000 : i32
      %mul3A_135 = arith.muli %select_n3A, %mul3A_134 : i32
      %add3A_136 = arith.addi %mul3A_16, %mul3A_135 : i32
      "tpu.region"() ({
        %run_scoped3A = tpu.sem_alloc : memref<!tpu.dma_semaphore, #tpu.memory_space<semaphore_mem>>
        %dma_start3A_137 = tpu.memref_slice %arg5[%add3A_136] : memref<320000xi32, #tpu.memory_space<hbm>> -> memref<2000xi32, #tpu.memory_space<hbm>>
        %dma_start3A_138 = tpu.memref_slice %arg5[%add3A_136] : memref<320000xi32, #tpu.memory_space<hbm>> -> memref<2000xi32, #tpu.memory_space<hbm>>
        tpu.enqueue_dma source(%dma_start3A_138 : memref<2000xi32, #tpu.memory_space<hbm>>) target(%arg8 : memref<2000xi32, #tpu.memory_space<vmem>>) target_semaphore(%run_scoped3A : memref<!tpu.dma_semaphore, #tpu.memory_space<semaphore_mem>>)
        %dma_wait3A_139 = tpu.memref_slice %arg5[%add3A_136] : memref<320000xi32, #tpu.memory_space<hbm>> -> memref<2000xi32, #tpu.memory_space<hbm>>
        %dma_wait3A_140 = tpu.memref_slice %arg5[%add3A_136] : memref<320000xi32, #tpu.memory_space<hbm>> -> memref<2000xi32, #tpu.memory_space<hbm>>
        tpu.wait_dma2 semaphore(%run_scoped3A : memref<!tpu.dma_semaphore, #tpu.memory_space<semaphore_mem>>) src(%dma_wait3A_140 : memref<2000xi32, #tpu.memory_space<hbm>>) dst(%arg8 : memref<2000xi32, #tpu.memory_space<vmem>>)
        tpu.yield
      }) : () -> ()
      "tpu.region"() ({
        %run_scoped3A = tpu.sem_alloc : memref<!tpu.dma_semaphore, #tpu.memory_space<semaphore_mem>>
        %dma_start3A_137 = tpu.memref_slice %arg6[%add3A_136] : memref<320000xi32, #tpu.memory_space<hbm>> -> memref<2000xi32, #tpu.memory_space<hbm>>
        %dma_start3A_138 = tpu.memref_slice %arg6[%add3A_136] : memref<320000xi32, #tpu.memory_space<hbm>> -> memref<2000xi32, #tpu.memory_space<hbm>>
        tpu.enqueue_dma source(%dma_start3A_138 : memref<2000xi32, #tpu.memory_space<hbm>>) target(%arg9 : memref<2000xi32, #tpu.memory_space<vmem>>) target_semaphore(%run_scoped3A : memref<!tpu.dma_semaphore, #tpu.memory_space<semaphore_mem>>)
        %dma_wait3A_139 = tpu.memref_slice %arg6[%add3A_136] : memref<320000xi32, #tpu.memory_space<hbm>> -> memref<2000xi32, #tpu.memory_space<hbm>>
        %dma_wait3A_140 = tpu.memref_slice %arg6[%add3A_136] : memref<320000xi32, #tpu.memory_space<hbm>> -> memref<2000xi32, #tpu.memory_space<hbm>>
        tpu.wait_dma2 semaphore(%run_scoped3A : memref<!tpu.dma_semaphore, #tpu.memory_space<semaphore_mem>>) src(%dma_wait3A_140 : memref<2000xi32, #tpu.memory_space<hbm>>) dst(%arg9 : memref<2000xi32, #tpu.memory_space<vmem>>)
        tpu.yield
      }) : () -> ()
    } else {
    }
    %rem3A_59 = arith.constant 1 : i32
    %rem3A_60 = arith.constant 125 : i32
    %rem3A_61 = arith.remsi %rem3A_59, %rem3A_60 : i32
    %mul3A_62 = arith.constant 16 : i32
    %mul3A_63 = arith.muli %rem3A_61, %mul3A_62 : i32
    %get3A_64 = arith.index_cast %mul3A_63 : i32 to index
    %get3A_65 = tpu.vector_load %arg8[%get3A_64] {strides = array<i32>} : memref<2000xi32, #tpu.memory_space<vmem>>, vector<16xi32>,
    %get3A_66 = arith.index_cast %mul3A_63 : i32 to index
    %get3A_67 = tpu.vector_load %arg9[%get3A_66] {strides = array<i32>} : memref<2000xi32, #tpu.memory_space<vmem>>, vector<16xi32>,
    %lt3A_68 = arith.constant 1 : i32
    %lt3A_69 = arith.constant 625 : i32
    %lt3A_70 = arith.cmpi slt, %lt3A_68, %lt3A_69 : i32
    %convert_element_type3A_71 = arith.extui %lt3A_70 : i1 to i32
    %cond3A_72 = arith.constant 1 : i32
    %cond3A_73 = arith.constant 0 : i32
    %cond3A_74 = arith.cmpi ne, %convert_element_type3A_71, %cond3A_73 : i32
    scf.if %cond3A_74 {
      %min3A = arith.constant 624 : i32
      %min3A_116 = arith.minsi %cond3A_72, %min3A : i32
      %mul3A_117 = arith.constant 16 : i32
      %mul3A_118 = arith.muli %min3A_116, %mul3A_117 : i32
      %add3A_119 = arith.addi %mul3A_16, %mul3A_118 : i32
      %dma_start3A_120 = arith.constant 0 : i32
      %dma_start3A_121 = tpu.memref_slice %arg4[%add3A_119, %dma_start3A_120] : memref<320000x128xbf16, #tpu.memory_space<hbm>> -> memref<16x128xbf16, #tpu.memory_space<hbm>>
      %dma_start3A_122 = arith.constant 0 : i32
      %dma_start3A_123 = tpu.memref_slice %arg4[%add3A_119, %dma_start3A_122] : memref<320000x128xbf16, #tpu.memory_space<hbm>> -> memref<16x128xbf16, #tpu.memory_space<hbm>>
      tpu.enqueue_dma source(%dma_start3A_123 : memref<16x128xbf16, #tpu.memory_space<hbm>>) target(%arg15 : memref<16x128xbf16, #tpu.memory_space<vmem>>) target_semaphore(%arg26 : memref<!tpu.dma_semaphore, #tpu.memory_space<semaphore_mem>>)
      %dma_start3A_124 = arith.constant 0 : i32
      %dma_start3A_125 = arith.constant 0 : i32
      %dma_start3A_126 = tpu.memref_slice %arg3[%dma_start3A_124, %dma_start3A_125] : memref<10000x256xf32, #tpu.memory_space<hbm>> -> memref<10000x256xf32, #tpu.memory_space<hbm>>
      tpu.enqueue_indirect_dma source(%dma_start3A_126 : memref<10000x256xf32, #tpu.memory_space<hbm>>) target(%arg14 : memref<16x256xf32, #tpu.memory_space<vmem>>) offsets(%get3A_65 : vector<16xi32>) semaphore(%arg26 : memref<!tpu.dma_semaphore, #tpu.memory_space<semaphore_mem>>)
      %dma_start3A_127 = arith.constant 0 : i32
      %dma_start3A_128 = arith.constant 0 : i32
      %dma_start3A_129 = tpu.memref_slice %arg2[%dma_start3A_127, %dma_start3A_128] : memref<10000x128xf32, #tpu.memory_space<hbm>> -> memref<10000x128xf32, #tpu.memory_space<hbm>>
      tpu.enqueue_indirect_dma source(%dma_start3A_129 : memref<10000x128xf32, #tpu.memory_space<hbm>>) target(%arg13 : memref<16x128xf32, #tpu.memory_space<vmem>>) offsets(%get3A_67 : vector<16xi32>) semaphore(%arg26 : memref<!tpu.dma_semaphore, #tpu.memory_space<semaphore_mem>>)
    } else {
    }
    %scan3A_75 = arith.constant 0 : i32
    %scan3A_76 = arith.constant 208 : i32
    %scan3A_77 = arith.addi %scan3A_75, %scan3A_76 : i32
    %scan3A_78 = arith.constant 1 : i32
    %scan3A_79:2 = scf.for %scan3A_116 = %scan3A_75 to %scan3A_77 step %scan3A_78 iter_args(%scan3A_117 = %get3A_38, %scan3A_118 = %get3A_67) -> (vector<16xi32>, vector<16xi32>)  : i32 {
      %mul3A_119 = arith.constant 3 : i32
      %mul3A_120 = arith.muli %mul3A_119, %scan3A_116 : i32
      %add3A_121 = arith.constant 0 : i32
      %add3A_122 = arith.addi %mul3A_120, %add3A_121 : i32
      %add3A_123 = arith.constant 3 : i32
      %add3A_124 = arith.addi %add3A_122, %add3A_123 : i32
      %sub3A = arith.constant 1 : i32
      %sub3A_125 = arith.subi %add3A_124, %sub3A : i32
      %rem3A_126 = arith.constant 125 : i32
      %rem3A_127 = arith.remsi %sub3A_125, %rem3A_126 : i32
      %eq3A_128 = arith.constant 0 : i32
      %eq3A_129 = arith.cmpi eq, %rem3A_127, %eq3A_128 : i32
      %lt3A_130 = arith.constant 625 : i32
      %lt3A_131 = arith.cmpi slt, %sub3A_125, %lt3A_130 : i32
      %and3A_132 = arith.andi %eq3A_129, %lt3A_131 : i1
      %convert_element_type3A_133 = arith.extui %and3A_132 : i1 to i32
      %cond3A_134 = arith.constant 0 : i32
      %cond3A_135 = arith.cmpi ne, %convert_element_type3A_133, %cond3A_134 : i32
      scf.if %cond3A_135 {
        %jit3A = arith.constant 125 : i32
        %div3A = arith.divsi %sub3A_125, %jit3A : i32
        %sign3A = arith.constant 0 : i32
        %sign3A_279 = arith.cmpi sgt, %sub3A_125, %sign3A : i32
        %sign3A_280 = arith.extui %sign3A_279 : i1 to i32
        %sign3A_281 = arith.constant 0 : i32
        %sign3A_282 = arith.cmpi slt, %sub3A_125, %sign3A_281 : i32
        %sign3A_283 = arith.extui %sign3A_282 : i1 to i32
        %sign3A_284 = arith.subi %sign3A_280, %sign3A_283 : i32
        %sign3A_285 = arith.constant 0 : i32
        %sign3A_286 = arith.cmpi sgt, %jit3A, %sign3A_285 : i32
        %sign3A_287 = arith.extui %sign3A_286 : i1 to i32
        %sign3A_288 = arith.constant 0 : i32
        %sign3A_289 = arith.cmpi slt, %jit3A, %sign3A_288 : i32
        %sign3A_290 = arith.extui %sign3A_289 : i1 to i32
        %sign3A_291 = arith.subi %sign3A_287, %sign3A_290 : i32
        %ne3A = arith.cmpi ne, %sign3A_284, %sign3A_291 : i32
        %rem3A_292 = arith.remsi %sub3A_125, %jit3A : i32
        %ne3A_293 = arith.constant 0 : i32
        %ne3A_294 = arith.cmpi ne, %rem3A_292, %ne3A_293 : i32
        %and3A_295 = arith.andi %ne3A, %ne3A_294 : i1
        %sub3A_296 = arith.constant 1 : i32
        %sub3A_297 = arith.subi %div3A, %sub3A_296 : i32
        %select_n3A = arith.select %and3A_295, %sub3A_297, %div3A : i32
        %mul3A_298 = arith.constant 2000 : i32
        %mul3A_299 = arith.muli %select_n3A, %mul3A_298 : i32
        %add3A_300 = arith.addi %mul3A_16, %mul3A_299 : i32
        "tpu.region"() ({
          %run_scoped3A = tpu.sem_alloc : memref<!tpu.dma_semaphore, #tpu.memory_space<semaphore_mem>>
          %dma_start3A_301 = tpu.memref_slice %arg5[%add3A_300] : memref<320000xi32, #tpu.memory_space<hbm>> -> memref<2000xi32, #tpu.memory_space<hbm>>
          %dma_start3A_302 = tpu.memref_slice %arg5[%add3A_300] : memref<320000xi32, #tpu.memory_space<hbm>> -> memref<2000xi32, #tpu.memory_space<hbm>>
          tpu.enqueue_dma source(%dma_start3A_302 : memref<2000xi32, #tpu.memory_space<hbm>>) target(%arg8 : memref<2000xi32, #tpu.memory_space<vmem>>) target_semaphore(%run_scoped3A : memref<!tpu.dma_semaphore, #tpu.memory_space<semaphore_mem>>)
          %dma_wait3A_303 = tpu.memref_slice %arg5[%add3A_300] : memref<320000xi32, #tpu.memory_space<hbm>> -> memref<2000xi32, #tpu.memory_space<hbm>>
          %dma_wait3A_304 = tpu.memref_slice %arg5[%add3A_300] : memref<320000xi32, #tpu.memory_space<hbm>> -> memref<2000xi32, #tpu.memory_space<hbm>>
          tpu.wait_dma2 semaphore(%run_scoped3A : memref<!tpu.dma_semaphore, #tpu.memory_space<semaphore_mem>>) src(%dma_wait3A_304 : memref<2000xi32, #tpu.memory_space<hbm>>) dst(%arg8 : memref<2000xi32, #tpu.memory_space<vmem>>)
          tpu.yield
        }) : () -> ()
        "tpu.region"() ({
          %run_scoped3A = tpu.sem_alloc : memref<!tpu.dma_semaphore, #tpu.memory_space<semaphore_mem>>
          %dma_start3A_301 = tpu.memref_slice %arg6[%add3A_300] : memref<320000xi32, #tpu.memory_space<hbm>> -> memref<2000xi32, #tpu.memory_space<hbm>>
          %dma_start3A_302 = tpu.memref_slice %arg6[%add3A_300] : memref<320000xi32, #tpu.memory_space<hbm>> -> memref<2000xi32, #tpu.memory_space<hbm>>
          tpu.enqueue_dma source(%dma_start3A_302 : memref<2000xi32, #tpu.memory_space<hbm>>) target(%arg9 : memref<2000xi32, #tpu.memory_space<vmem>>) target_semaphore(%run_scoped3A : memref<!tpu.dma_semaphore, #tpu.memory_space<semaphore_mem>>)
          %dma_wait3A_303 = tpu.memref_slice %arg6[%add3A_300] : memref<320000xi32, #tpu.memory_space<hbm>> -> memref<2000xi32, #tpu.memory_space<hbm>>
          %dma_wait3A_304 = tpu.memref_slice %arg6[%add3A_300] : memref<320000xi32, #tpu.memory_space<hbm>> -> memref<2000xi32, #tpu.memory_space<hbm>>
          tpu.wait_dma2 semaphore(%run_scoped3A : memref<!tpu.dma_semaphore, #tpu.memory_space<semaphore_mem>>) src(%dma_wait3A_304 : memref<2000xi32, #tpu.memory_space<hbm>>) dst(%arg9 : memref<2000xi32, #tpu.memory_space<vmem>>)
          tpu.yield
        }) : () -> ()
      } else {
      }
      %rem3A_136 = arith.constant 125 : i32
      %rem3A_137 = arith.remsi %sub3A_125, %rem3A_136 : i32
      %mul3A_138 = arith.constant 16 : i32
      %mul3A_139 = arith.muli %rem3A_137, %mul3A_138 : i32
      %get3A_140 = arith.index_cast %mul3A_139 : i32 to index
      %get3A_141 = tpu.vector_load %arg8[%get3A_140] {strides = array<i32>} : memref<2000xi32, #tpu.memory_space<vmem>>, vector<16xi32>,
      %get3A_142 = arith.index_cast %mul3A_139 : i32 to index
      %get3A_143 = tpu.vector_load %arg9[%get3A_142] {strides = array<i32>} : memref<2000xi32, #tpu.memory_space<vmem>>, vector<16xi32>,
      %lt3A_144 = arith.constant 625 : i32
      %lt3A_145 = arith.cmpi slt, %sub3A_125, %lt3A_144 : i32
      %convert_element_type3A_146 = arith.extui %lt3A_145 : i1 to i32
      %cond3A_147 = arith.constant 0 : i32
      %cond3A_148 = arith.cmpi ne, %convert_element_type3A_146, %cond3A_147 : i32
      scf.if %cond3A_148 {
        %min3A = arith.constant 624 : i32
        %min3A_279 = arith.minsi %sub3A_125, %min3A : i32
        %mul3A_280 = arith.constant 16 : i32
        %mul3A_281 = arith.muli %min3A_279, %mul3A_280 : i32
        %add3A_282 = arith.addi %mul3A_16, %mul3A_281 : i32
        %dma_start3A_283 = arith.constant 0 : i32
        %dma_start3A_284 = tpu.memref_slice %arg4[%add3A_282, %dma_start3A_283] : memref<320000x128xbf16, #tpu.memory_space<hbm>> -> memref<16x128xbf16, #tpu.memory_space<hbm>>
        %dma_start3A_285 = arith.constant 0 : i32
        %dma_start3A_286 = tpu.memref_slice %arg4[%add3A_282, %dma_start3A_285] : memref<320000x128xbf16, #tpu.memory_space<hbm>> -> memref<16x128xbf16, #tpu.memory_space<hbm>>
        tpu.enqueue_dma source(%dma_start3A_286 : memref<16x128xbf16, #tpu.memory_space<hbm>>) target(%arg18 : memref<16x128xbf16, #tpu.memory_space<vmem>>) target_semaphore(%arg27 : memref<!tpu.dma_semaphore, #tpu.memory_space<semaphore_mem>>)
        %dma_start3A_287 = arith.constant 0 : i32
        %dma_start3A_288 = arith.constant 0 : i32
        %dma_start3A_289 = tpu.memref_slice %arg3[%dma_start3A_287, %dma_start3A_288] : memref<10000x256xf32, #tpu.memory_space<hbm>> -> memref<10000x256xf32, #tpu.memory_space<hbm>>
        tpu.enqueue_indirect_dma source(%dma_start3A_289 : memref<10000x256xf32, #tpu.memory_space<hbm>>) target(%arg17 : memref<16x256xf32, #tpu.memory_space<vmem>>) offsets(%get3A_141 : vector<16xi32>) semaphore(%arg27 : memref<!tpu.dma_semaphore, #tpu.memory_space<semaphore_mem>>)
        %dma_start3A_290 = arith.constant 0 : i32
        %dma_start3A_291 = arith.constant 0 : i32
        %dma_start3A_292 = tpu.memref_slice %arg2[%dma_start3A_290, %dma_start3A_291] : memref<10000x128xf32, #tpu.memory_space<hbm>> -> memref<10000x128xf32, #tpu.memory_space<hbm>>
        tpu.enqueue_indirect_dma source(%dma_start3A_292 : memref<10000x128xf32, #tpu.memory_space<hbm>>) target(%arg16 : memref<16x128xf32, #tpu.memory_space<vmem>>) offsets(%get3A_143 : vector<16xi32>) semaphore(%arg27 : memref<!tpu.dma_semaphore, #tpu.memory_space<semaphore_mem>>)
      } else {
      }
      %ge3A = arith.constant 1 : i32
      %ge3A_149 = arith.cmpi sge, %scan3A_116, %ge3A : i32
      %dma_wait3A_150 = arith.constant 0 : i32
      %dma_wait3A_151 = arith.constant 0 : i32
      %dma_wait3A_152 = tpu.memref_slice %arg4[%dma_wait3A_150, %dma_wait3A_151] : memref<320000x128xbf16, #tpu.memory_space<hbm>> -> memref<16x128xbf16, #tpu.memory_space<hbm>>
      %dma_wait3A_153 = arith.constant 0 : i32
      %dma_wait3A_154 = arith.constant 0 : i32
      %dma_wait3A_155 = tpu.memref_slice %arg4[%dma_wait3A_153, %dma_wait3A_154] : memref<320000x128xbf16, #tpu.memory_space<hbm>> -> memref<16x128xbf16, #tpu.memory_space<hbm>>
      tpu.wait_dma2 semaphore(%arg25 : memref<!tpu.dma_semaphore, #tpu.memory_space<semaphore_mem>>) src(%dma_wait3A_155 : memref<16x128xbf16, #tpu.memory_space<hbm>>) dst(%arg12 : memref<16x128xbf16, #tpu.memory_space<vmem>>)
      %dma_wait3A_156 = arith.constant 0 : i32
      %dma_wait3A_157 = arith.constant 0 : i32
      %dma_wait3A_158 = tpu.memref_slice %arg3[%dma_wait3A_156, %dma_wait3A_157] : memref<10000x256xf32, #tpu.memory_space<hbm>> -> memref<10000x256xf32, #tpu.memory_space<hbm>>
      tpu.wait_indirect_dma semaphore(%arg25 : memref<!tpu.dma_semaphore, #tpu.memory_space<semaphore_mem>>) src(%dma_wait3A_158 : memref<10000x256xf32, #tpu.memory_space<hbm>>) dst(%arg11 : memref<16x256xf32, #tpu.memory_space<vmem>>)
      %dma_wait3A_159 = arith.constant 0 : i32
      %dma_wait3A_160 = arith.constant 0 : i32
      %dma_wait3A_161 = tpu.memref_slice %arg2[%dma_wait3A_159, %dma_wait3A_160] : memref<10000x128xf32, #tpu.memory_space<hbm>> -> memref<10000x128xf32, #tpu.memory_space<hbm>>
      tpu.wait_indirect_dma semaphore(%arg25 : memref<!tpu.dma_semaphore, #tpu.memory_space<semaphore_mem>>) src(%dma_wait3A_161 : memref<10000x128xf32, #tpu.memory_space<hbm>>) dst(%arg10 : memref<16x128xf32, #tpu.memory_space<vmem>>)
      %convert_element_type3A_162 = arith.extui %ge3A_149 : i1 to i32
      %cond3A_163 = arith.constant 0 : i32
      %cond3A_164 = arith.cmpi ne, %convert_element_type3A_162, %cond3A_163 : i32
      scf.if %cond3A_164 {
        %dma_wait3A_279 = arith.constant 0 : i32
        %dma_wait3A_280 = arith.constant 0 : i32
        %dma_wait3A_281 = tpu.memref_slice %arg24[%dma_wait3A_279, %dma_wait3A_280] : memref<10240x144xf32, #tpu.memory_space<vmem_shared>> -> memref<10240x144xf32, #tpu.memory_space<vmem_shared>>
        tpu.wait_indirect_dma semaphore(%arg28 : memref<!tpu.dma_semaphore, #tpu.memory_space<semaphore_mem>>) src(%arg19 : memref<16x144xf32, #tpu.memory_space<vmem>>) dst(%dma_wait3A_281 : memref<10240x144xf32, #tpu.memory_space<vmem_shared>>)
      } else {
      }
      %parallel_loop3A_165 = arith.constant 0 : i32
      %parallel_loop3A_166 = arith.constant 16 : i32
      %parallel_loop3A_167 = arith.constant 1 : i32
      scf.for %parallel_loop3A_279 = %parallel_loop3A_165 to %parallel_loop3A_166 step %parallel_loop3A_167  : i32 {
        %parallel_loop3A_280 = arith.index_cast %parallel_loop3A_279 : i32 to index
        %parallel_loop3A_281 = arith.constant 0 : index
        %parallel_loop3A_282 = tpu.vector_load %arg12[%parallel_loop3A_280, %parallel_loop3A_281] {strides = array<i32>} : memref<16x128xbf16, #tpu.memory_space<vmem>>, vector<32xbf16>,
        %parallel_loop3A_283 = tpu.unpack_subelements %parallel_loop3A_282, 0 {pack_format = #tpu.pack_format<interleaved>} : vector<32xbf16> -> vector<16xf32>
        %parallel_loop3A_284 = tpu.unpack_subelements %parallel_loop3A_282, 1 {pack_format = #tpu.pack_format<interleaved>} : vector<32xbf16> -> vector<16xf32>
        %parallel_loop3A_285 = arith.index_cast %parallel_loop3A_279 : i32 to index
        %parallel_loop3A_286 = arith.constant 0 : index
        %parallel_loop3A_287 = tpu.vector_load %arg10[%parallel_loop3A_285, %parallel_loop3A_286] {strides = array<i32>} : memref<16x128xf32, #tpu.memory_space<vmem>>, vector<16xf32>,
        %parallel_loop3A_288 = arith.index_cast %parallel_loop3A_279 : i32 to index
        %parallel_loop3A_289 = arith.constant 0 : index
        %parallel_loop3A_290 = tpu.vector_load %arg11[%parallel_loop3A_288, %parallel_loop3A_289] {strides = array<i32>} : memref<16x256xf32, #tpu.memory_space<vmem>>, vector<16xf32>,
        %parallel_loop3A_291 = arith.addf %parallel_loop3A_290, %parallel_loop3A_283 : vector<16xf32>
        %parallel_loop3A_292 = arith.mulf %parallel_loop3A_287, %parallel_loop3A_291 : vector<16xf32>
        %parallel_loop3A_293 = arith.index_cast %parallel_loop3A_279 : i32 to index
        %parallel_loop3A_294 = arith.constant 16 : index
        %parallel_loop3A_295 = tpu.vector_load %arg10[%parallel_loop3A_293, %parallel_loop3A_294] {strides = array<i32>} : memref<16x128xf32, #tpu.memory_space<vmem>>, vector<16xf32>,
        %parallel_loop3A_296 = arith.index_cast %parallel_loop3A_279 : i32 to index
        %parallel_loop3A_297 = arith.constant 16 : index
        %parallel_loop3A_298 = tpu.vector_load %arg11[%parallel_loop3A_296, %parallel_loop3A_297] {strides = array<i32>} : memref<16x256xf32, #tpu.memory_space<vmem>>, vector<16xf32>,
        %parallel_loop3A_299 = arith.addf %parallel_loop3A_298, %parallel_loop3A_284 : vector<16xf32>
        %parallel_loop3A_300 = arith.mulf %parallel_loop3A_295, %parallel_loop3A_299 : vector<16xf32>
        %parallel_loop3A_301 = arith.index_cast %parallel_loop3A_279 : i32 to index
        %parallel_loop3A_302 = arith.constant 32 : index
        %parallel_loop3A_303 = tpu.vector_load %arg12[%parallel_loop3A_301, %parallel_loop3A_302] {strides = array<i32>} : memref<16x128xbf16, #tpu.memory_space<vmem>>, vector<32xbf16>,
        %parallel_loop3A_304 = tpu.unpack_subelements %parallel_loop3A_303, 0 {pack_format = #tpu.pack_format<interleaved>} : vector<32xbf16> -> vector<16xf32>
        %parallel_loop3A_305 = tpu.unpack_subelements %parallel_loop3A_303, 1 {pack_format = #tpu.pack_format<interleaved>} : vector<32xbf16> -> vector<16xf32>
        %parallel_loop3A_306 = arith.index_cast %parallel_loop3A_279 : i32 to index
        %parallel_loop3A_307 = arith.constant 32 : index
        %parallel_loop3A_308 = tpu.vector_load %arg10[%parallel_loop3A_306, %parallel_loop3A_307] {strides = array<i32>} : memref<16x128xf32, #tpu.memory_space<vmem>>, vector<16xf32>,
        %parallel_loop3A_309 = arith.index_cast %parallel_loop3A_279 : i32 to index
        %parallel_loop3A_310 = arith.constant 32 : index
        %parallel_loop3A_311 = tpu.vector_load %arg11[%parallel_loop3A_309, %parallel_loop3A_310] {strides = array<i32>} : memref<16x256xf32, #tpu.memory_space<vmem>>, vector<16xf32>,
        %parallel_loop3A_312 = arith.addf %parallel_loop3A_311, %parallel_loop3A_304 : vector<16xf32>
        %parallel_loop3A_313 = arith.mulf %parallel_loop3A_308, %parallel_loop3A_312 : vector<16xf32>
        %parallel_loop3A_314 = arith.index_cast %parallel_loop3A_279 : i32 to index
        %parallel_loop3A_315 = arith.constant 48 : index
        %parallel_loop3A_316 = tpu.vector_load %arg10[%parallel_loop3A_314, %parallel_loop3A_315] {strides = array<i32>} : memref<16x128xf32, #tpu.memory_space<vmem>>, vector<16xf32>,
        %parallel_loop3A_317 = arith.index_cast %parallel_loop3A_279 : i32 to index
        %parallel_loop3A_318 = arith.constant 48 : index
        %parallel_loop3A_319 = tpu.vector_load %arg11[%parallel_loop3A_317, %parallel_loop3A_318] {strides = array<i32>} : memref<16x256xf32, #tpu.memory_space<vmem>>, vector<16xf32>,
        %parallel_loop3A_320 = arith.addf %parallel_loop3A_319, %parallel_loop3A_305 : vector<16xf32>
        %parallel_loop3A_321 = arith.mulf %parallel_loop3A_316, %parallel_loop3A_320 : vector<16xf32>
        %parallel_loop3A_322 = arith.index_cast %parallel_loop3A_279 : i32 to index
        %parallel_loop3A_323 = arith.constant 64 : index
        %parallel_loop3A_324 = tpu.vector_load %arg12[%parallel_loop3A_322, %parallel_loop3A_323] {strides = array<i32>} : memref<16x128xbf16, #tpu.memory_space<vmem>>, vector<32xbf16>,
        %parallel_loop3A_325 = tpu.unpack_subelements %parallel_loop3A_324, 0 {pack_format = #tpu.pack_format<interleaved>} : vector<32xbf16> -> vector<16xf32>
        %parallel_loop3A_326 = tpu.unpack_subelements %parallel_loop3A_324, 1 {pack_format = #tpu.pack_format<interleaved>} : vector<32xbf16> -> vector<16xf32>
        %parallel_loop3A_327 = arith.index_cast %parallel_loop3A_279 : i32 to index
        %parallel_loop3A_328 = arith.constant 64 : index
        %parallel_loop3A_329 = tpu.vector_load %arg10[%parallel_loop3A_327, %parallel_loop3A_328] {strides = array<i32>} : memref<16x128xf32, #tpu.memory_space<vmem>>, vector<16xf32>,
        %parallel_loop3A_330 = arith.index_cast %parallel_loop3A_279 : i32 to index
        %parallel_loop3A_331 = arith.constant 64 : index
        %parallel_loop3A_332 = tpu.vector_load %arg11[%parallel_loop3A_330, %parallel_loop3A_331] {strides = array<i32>} : memref<16x256xf32, #tpu.memory_space<vmem>>, vector<16xf32>,
        %parallel_loop3A_333 = arith.addf %parallel_loop3A_332, %parallel_loop3A_325 : vector<16xf32>
        %parallel_loop3A_334 = arith.mulf %parallel_loop3A_329, %parallel_loop3A_333 : vector<16xf32>
        %parallel_loop3A_335 = arith.index_cast %parallel_loop3A_279 : i32 to index
        %parallel_loop3A_336 = arith.constant 80 : index
        %parallel_loop3A_337 = tpu.vector_load %arg10[%parallel_loop3A_335, %parallel_loop3A_336] {strides = array<i32>} : memref<16x128xf32, #tpu.memory_space<vmem>>, vector<16xf32>,
        %parallel_loop3A_338 = arith.index_cast %parallel_loop3A_279 : i32 to index
        %parallel_loop3A_339 = arith.constant 80 : index
        %parallel_loop3A_340 = tpu.vector_load %arg11[%parallel_loop3A_338, %parallel_loop3A_339] {strides = array<i32>} : memref<16x256xf32, #tpu.memory_space<vmem>>, vector<16xf32>,
        %parallel_loop3A_341 = arith.addf %parallel_loop3A_340, %parallel_loop3A_326 : vector<16xf32>
        %parallel_loop3A_342 = arith.mulf %parallel_loop3A_337, %parallel_loop3A_341 : vector<16xf32>
        %parallel_loop3A_343 = arith.index_cast %parallel_loop3A_279 : i32 to index
        %parallel_loop3A_344 = arith.constant 96 : index
        %parallel_loop3A_345 = tpu.vector_load %arg12[%parallel_loop3A_343, %parallel_loop3A_344] {strides = array<i32>} : memref<16x128xbf16, #tpu.memory_space<vmem>>, vector<32xbf16>,
        %parallel_loop3A_346 = tpu.unpack_subelements %parallel_loop3A_345, 0 {pack_format = #tpu.pack_format<interleaved>} : vector<32xbf16> -> vector<16xf32>
        %parallel_loop3A_347 = tpu.unpack_subelements %parallel_loop3A_345, 1 {pack_format = #tpu.pack_format<interleaved>} : vector<32xbf16> -> vector<16xf32>
        %parallel_loop3A_348 = arith.index_cast %parallel_loop3A_279 : i32 to index
        %parallel_loop3A_349 = arith.constant 96 : index
        %parallel_loop3A_350 = tpu.vector_load %arg10[%parallel_loop3A_348, %parallel_loop3A_349] {strides = array<i32>} : memref<16x128xf32, #tpu.memory_space<vmem>>, vector<16xf32>,
        %parallel_loop3A_351 = arith.index_cast %parallel_loop3A_279 : i32 to index
        %parallel_loop3A_352 = arith.constant 96 : index
        %parallel_loop3A_353 = tpu.vector_load %arg11[%parallel_loop3A_351, %parallel_loop3A_352] {strides = array<i32>} : memref<16x256xf32, #tpu.memory_space<vmem>>, vector<16xf32>,
        %parallel_loop3A_354 = arith.addf %parallel_loop3A_353, %parallel_loop3A_346 : vector<16xf32>
        %parallel_loop3A_355 = arith.mulf %parallel_loop3A_350, %parallel_loop3A_354 : vector<16xf32>
        %parallel_loop3A_356 = arith.index_cast %parallel_loop3A_279 : i32 to index
        %parallel_loop3A_357 = arith.constant 112 : index
        %parallel_loop3A_358 = tpu.vector_load %arg10[%parallel_loop3A_356, %parallel_loop3A_357] {strides = array<i32>} : memref<16x128xf32, #tpu.memory_space<vmem>>, vector<16xf32>,
        %parallel_loop3A_359 = arith.index_cast %parallel_loop3A_279 : i32 to index
        %parallel_loop3A_360 = arith.constant 112 : index
        %parallel_loop3A_361 = tpu.vector_load %arg11[%parallel_loop3A_359, %parallel_loop3A_360] {strides = array<i32>} : memref<16x256xf32, #tpu.memory_space<vmem>>, vector<16xf32>,
        %parallel_loop3A_362 = arith.addf %parallel_loop3A_361, %parallel_loop3A_347 : vector<16xf32>
        %parallel_loop3A_363 = arith.mulf %parallel_loop3A_358, %parallel_loop3A_362 : vector<16xf32>
        %parallel_loop3A_364 = arith.addf %parallel_loop3A_292, %parallel_loop3A_300 : vector<16xf32>
        %parallel_loop3A_365 = arith.addf %parallel_loop3A_313, %parallel_loop3A_321 : vector<16xf32>
        %parallel_loop3A_366 = arith.addf %parallel_loop3A_334, %parallel_loop3A_342 : vector<16xf32>
        %parallel_loop3A_367 = arith.addf %parallel_loop3A_355, %parallel_loop3A_363 : vector<16xf32>
        %parallel_loop3A_368 = arith.addf %parallel_loop3A_364, %parallel_loop3A_365 : vector<16xf32>
        %parallel_loop3A_369 = arith.addf %parallel_loop3A_366, %parallel_loop3A_367 : vector<16xf32>
        %parallel_loop3A_370 = arith.addf %parallel_loop3A_368, %parallel_loop3A_369 : vector<16xf32>
        %parallel_loop3A_371 = vector.broadcast %parallel_loop3A_279 : i32 to vector<16xi32>
        %parallel_loop3A_372 = arith.index_cast %parallel_loop3A_279 : i32 to index
        %parallel_loop3A_373 = arith.constant 0 : index
        %parallel_loop3A_374 = tpu.vector_load %arg23[%parallel_loop3A_372, %parallel_loop3A_373] {strides = array<i32>} : memref<16x16xf32, #tpu.memory_space<vmem>>, vector<16xf32>,
        tpu.vector_store %arg23[%parallel_loop3A_372, %parallel_loop3A_373], %parallel_loop3A_370 {strides = array<i32>} : memref<16x16xf32, #tpu.memory_space<vmem>>, vector<16xf32>,
        %parallel_loop3A_375 = arith.constant 1 : i32
        %parallel_loop3A_376 = vector.broadcast %parallel_loop3A_375 : i32 to vector<16xi32>
        %parallel_loop3A_377 = arith.xori %iota3A, %parallel_loop3A_376 : vector<16xi32>
        %parallel_loop3A_378 = tpu.vector_load_idx %arg23[%parallel_loop3A_371, %parallel_loop3A_377] : memref<16x16xf32, #tpu.memory_space<vmem>>[vector<16xi32>, vector<16xi32>], vector<16xf32>,
        %parallel_loop3A_379 = arith.addf %parallel_loop3A_370, %parallel_loop3A_378 : vector<16xf32>
        %parallel_loop3A_380 = arith.index_cast %parallel_loop3A_279 : i32 to index
        %parallel_loop3A_381 = arith.constant 0 : index
        %parallel_loop3A_382 = tpu.vector_load %arg23[%parallel_loop3A_380, %parallel_loop3A_381] {strides = array<i32>} : memref<16x16xf32, #tpu.memory_space<vmem>>, vector<16xf32>,
        tpu.vector_store %arg23[%parallel_loop3A_380, %parallel_loop3A_381], %parallel_loop3A_379 {strides = array<i32>} : memref<16x16xf32, #tpu.memory_space<vmem>>, vector<16xf32>,
        %parallel_loop3A_383 = arith.constant 2 : i32
        %parallel_loop3A_384 = vector.broadcast %parallel_loop3A_383 : i32 to vector<16xi32>
        %parallel_loop3A_385 = arith.xori %iota3A, %parallel_loop3A_384 : vector<16xi32>
        %parallel_loop3A_386 = tpu.vector_load_idx %arg23[%parallel_loop3A_371, %parallel_loop3A_385] : memref<16x16xf32, #tpu.memory_space<vmem>>[vector<16xi32>, vector<16xi32>], vector<16xf32>,
        %parallel_loop3A_387 = arith.addf %parallel_loop3A_379, %parallel_loop3A_386 : vector<16xf32>
        %parallel_loop3A_388 = arith.index_cast %parallel_loop3A_279 : i32 to index
        %parallel_loop3A_389 = arith.constant 0 : index
        %parallel_loop3A_390 = tpu.vector_load %arg23[%parallel_loop3A_388, %parallel_loop3A_389] {strides = array<i32>} : memref<16x16xf32, #tpu.memory_space<vmem>>, vector<16xf32>,
        tpu.vector_store %arg23[%parallel_loop3A_388, %parallel_loop3A_389], %parallel_loop3A_387 {strides = array<i32>} : memref<16x16xf32, #tpu.memory_space<vmem>>, vector<16xf32>,
        %parallel_loop3A_391 = arith.constant 4 : i32
        %parallel_loop3A_392 = vector.broadcast %parallel_loop3A_391 : i32 to vector<16xi32>
        %parallel_loop3A_393 = arith.xori %iota3A, %parallel_loop3A_392 : vector<16xi32>
        %parallel_loop3A_394 = tpu.vector_load_idx %arg23[%parallel_loop3A_371, %parallel_loop3A_393] : memref<16x16xf32, #tpu.memory_space<vmem>>[vector<16xi32>, vector<16xi32>], vector<16xf32>,
        %parallel_loop3A_395 = arith.addf %parallel_loop3A_387, %parallel_loop3A_394 : vector<16xf32>
        %parallel_loop3A_396 = arith.index_cast %parallel_loop3A_279 : i32 to index
        %parallel_loop3A_397 = arith.constant 0 : index
        %parallel_loop3A_398 = tpu.vector_load %arg23[%parallel_loop3A_396, %parallel_loop3A_397] {strides = array<i32>} : memref<16x16xf32, #tpu.memory_space<vmem>>, vector<16xf32>,
        tpu.vector_store %arg23[%parallel_loop3A_396, %parallel_loop3A_397], %parallel_loop3A_395 {strides = array<i32>} : memref<16x16xf32, #tpu.memory_space<vmem>>, vector<16xf32>,
        %parallel_loop3A_399 = arith.constant 8 : i32
        %parallel_loop3A_400 = vector.broadcast %parallel_loop3A_399 : i32 to vector<16xi32>
        %parallel_loop3A_401 = arith.xori %iota3A, %parallel_loop3A_400 : vector<16xi32>
        %parallel_loop3A_402 = tpu.vector_load_idx %arg23[%parallel_loop3A_371, %parallel_loop3A_401] : memref<16x16xf32, #tpu.memory_space<vmem>>[vector<16xi32>, vector<16xi32>], vector<16xf32>,
        %parallel_loop3A_403 = arith.addf %parallel_loop3A_395, %parallel_loop3A_402 : vector<16xf32>
        %parallel_loop3A_404 = arith.constant 0.0883883461 : f32
        %parallel_loop3A_405 = vector.broadcast %parallel_loop3A_404 : f32 to vector<16xf32>
        %parallel_loop3A_406 = arith.mulf %parallel_loop3A_403, %parallel_loop3A_405 : vector<16xf32>
        %parallel_loop3A_407 = math.exp %parallel_loop3A_406 : vector<16xf32>
        %parallel_loop3A_408 = arith.index_cast %parallel_loop3A_279 : i32 to index
        %parallel_loop3A_409 = arith.constant 0 : index
        %parallel_loop3A_410 = tpu.vector_load %arg12[%parallel_loop3A_408, %parallel_loop3A_409] {strides = array<i32>} : memref<16x128xbf16, #tpu.memory_space<vmem>>, vector<32xbf16>,
        %parallel_loop3A_411 = tpu.unpack_subelements %parallel_loop3A_410, 0 {pack_format = #tpu.pack_format<interleaved>} : vector<32xbf16> -> vector<16xf32>
        %parallel_loop3A_412 = tpu.unpack_subelements %parallel_loop3A_410, 1 {pack_format = #tpu.pack_format<interleaved>} : vector<32xbf16> -> vector<16xf32>
        %parallel_loop3A_413 = arith.index_cast %parallel_loop3A_279 : i32 to index
        %parallel_loop3A_414 = arith.constant 128 : index
        %parallel_loop3A_415 = tpu.vector_load %arg11[%parallel_loop3A_413, %parallel_loop3A_414] {strides = array<i32>} : memref<16x256xf32, #tpu.memory_space<vmem>>, vector<16xf32>,
        %parallel_loop3A_416 = arith.addf %parallel_loop3A_415, %parallel_loop3A_411 : vector<16xf32>
        %parallel_loop3A_417 = arith.mulf %parallel_loop3A_407, %parallel_loop3A_416 : vector<16xf32>
        %parallel_loop3A_418 = arith.index_cast %parallel_loop3A_279 : i32 to index
        %parallel_loop3A_419 = arith.constant 0 : index
        %parallel_loop3A_420 = tpu.vector_load %arg19[%parallel_loop3A_418, %parallel_loop3A_419] {strides = array<i32>} : memref<16x144xf32, #tpu.memory_space<vmem>>, vector<16xf32>,
        tpu.vector_store %arg19[%parallel_loop3A_418, %parallel_loop3A_419], %parallel_loop3A_417 {strides = array<i32>} : memref<16x144xf32, #tpu.memory_space<vmem>>, vector<16xf32>,
        %parallel_loop3A_421 = arith.index_cast %parallel_loop3A_279 : i32 to index
        %parallel_loop3A_422 = arith.constant 144 : index
        %parallel_loop3A_423 = tpu.vector_load %arg11[%parallel_loop3A_421, %parallel_loop3A_422] {strides = array<i32>} : memref<16x256xf32, #tpu.memory_space<vmem>>, vector<16xf32>,
        %parallel_loop3A_424 = arith.addf %parallel_loop3A_423, %parallel_loop3A_412 : vector<16xf32>
        %parallel_loop3A_425 = arith.mulf %parallel_loop3A_407, %parallel_loop3A_424 : vector<16xf32>
        %parallel_loop3A_426 = arith.index_cast %parallel_loop3A_279 : i32 to index
        %parallel_loop3A_427 = arith.constant 16 : index
        %parallel_loop3A_428 = tpu.vector_load %arg19[%parallel_loop3A_426, %parallel_loop3A_427] {strides = array<i32>} : memref<16x144xf32, #tpu.memory_space<vmem>>, vector<16xf32>,
        tpu.vector_store %arg19[%parallel_loop3A_426, %parallel_loop3A_427], %parallel_loop3A_425 {strides = array<i32>} : memref<16x144xf32, #tpu.memory_space<vmem>>, vector<16xf32>,
        %parallel_loop3A_429 = arith.index_cast %parallel_loop3A_279 : i32 to index
        %parallel_loop3A_430 = arith.constant 32 : index
        %parallel_loop3A_431 = tpu.vector_load %arg12[%parallel_loop3A_429, %parallel_loop3A_430] {strides = array<i32>} : memref<16x128xbf16, #tpu.memory_space<vmem>>, vector<32xbf16>,
        %parallel_loop3A_432 = tpu.unpack_subelements %parallel_loop3A_431, 0 {pack_format = #tpu.pack_format<interleaved>} : vector<32xbf16> -> vector<16xf32>
        %parallel_loop3A_433 = tpu.unpack_subelements %parallel_loop3A_431, 1 {pack_format = #tpu.pack_format<interleaved>} : vector<32xbf16> -> vector<16xf32>
        %parallel_loop3A_434 = arith.index_cast %parallel_loop3A_279 : i32 to index
        %parallel_loop3A_435 = arith.constant 160 : index
        %parallel_loop3A_436 = tpu.vector_load %arg11[%parallel_loop3A_434, %parallel_loop3A_435] {strides = array<i32>} : memref<16x256xf32, #tpu.memory_space<vmem>>, vector<16xf32>,
        %parallel_loop3A_437 = arith.addf %parallel_loop3A_436, %parallel_loop3A_432 : vector<16xf32>
        %parallel_loop3A_438 = arith.mulf %parallel_loop3A_407, %parallel_loop3A_437 : vector<16xf32>
        %parallel_loop3A_439 = arith.index_cast %parallel_loop3A_279 : i32 to index
        %parallel_loop3A_440 = arith.constant 32 : index
        %parallel_loop3A_441 = tpu.vector_load %arg19[%parallel_loop3A_439, %parallel_loop3A_440] {strides = array<i32>} : memref<16x144xf32, #tpu.memory_space<vmem>>, vector<16xf32>,
        tpu.vector_store %arg19[%parallel_loop3A_439, %parallel_loop3A_440], %parallel_loop3A_438 {strides = array<i32>} : memref<16x144xf32, #tpu.memory_space<vmem>>, vector<16xf32>,
        %parallel_loop3A_442 = arith.index_cast %parallel_loop3A_279 : i32 to index
        %parallel_loop3A_443 = arith.constant 176 : index
        %parallel_loop3A_444 = tpu.vector_load %arg11[%parallel_loop3A_442, %parallel_loop3A_443] {strides = array<i32>} : memref<16x256xf32, #tpu.memory_space<vmem>>, vector<16xf32>,
        %parallel_loop3A_445 = arith.addf %parallel_loop3A_444, %parallel_loop3A_433 : vector<16xf32>
        %parallel_loop3A_446 = arith.mulf %parallel_loop3A_407, %parallel_loop3A_445 : vector<16xf32>
        %parallel_loop3A_447 = arith.index_cast %parallel_loop3A_279 : i32 to index
        %parallel_loop3A_448 = arith.constant 48 : index
        %parallel_loop3A_449 = tpu.vector_load %arg19[%parallel_loop3A_447, %parallel_loop3A_448] {strides = array<i32>} : memref<16x144xf32, #tpu.memory_space<vmem>>, vector<16xf32>,
        tpu.vector_store %arg19[%parallel_loop3A_447, %parallel_loop3A_448], %parallel_loop3A_446 {strides = array<i32>} : memref<16x144xf32, #tpu.memory_space<vmem>>, vector<16xf32>,
        %parallel_loop3A_450 = arith.index_cast %parallel_loop3A_279 : i32 to index
        %parallel_loop3A_451 = arith.constant 64 : index
        %parallel_loop3A_452 = tpu.vector_load %arg12[%parallel_loop3A_450, %parallel_loop3A_451] {strides = array<i32>} : memref<16x128xbf16, #tpu.memory_space<vmem>>, vector<32xbf16>,
        %parallel_loop3A_453 = tpu.unpack_subelements %parallel_loop3A_452, 0 {pack_format = #tpu.pack_format<interleaved>} : vector<32xbf16> -> vector<16xf32>
        %parallel_loop3A_454 = tpu.unpack_subelements %parallel_loop3A_452, 1 {pack_format = #tpu.pack_format<interleaved>} : vector<32xbf16> -> vector<16xf32>
        %parallel_loop3A_455 = arith.index_cast %parallel_loop3A_279 : i32 to index
        %parallel_loop3A_456 = arith.constant 192 : index
        %parallel_loop3A_457 = tpu.vector_load %arg11[%parallel_loop3A_455, %parallel_loop3A_456] {strides = array<i32>} : memref<16x256xf32, #tpu.memory_space<vmem>>, vector<16xf32>,
        %parallel_loop3A_458 = arith.addf %parallel_loop3A_457, %parallel_loop3A_453 : vector<16xf32>
        %parallel_loop3A_459 = arith.mulf %parallel_loop3A_407, %parallel_loop3A_458 : vector<16xf32>
        %parallel_loop3A_460 = arith.index_cast %parallel_loop3A_279 : i32 to index
        %parallel_loop3A_461 = arith.constant 64 : index
        %parallel_loop3A_462 = tpu.vector_load %arg19[%parallel_loop3A_460, %parallel_loop3A_461] {strides = array<i32>} : memref<16x144xf32, #tpu.memory_space<vmem>>, vector<16xf32>,
        tpu.vector_store %arg19[%parallel_loop3A_460, %parallel_loop3A_461], %parallel_loop3A_459 {strides = array<i32>} : memref<16x144xf32, #tpu.memory_space<vmem>>, vector<16xf32>,
        %parallel_loop3A_463 = arith.index_cast %parallel_loop3A_279 : i32 to index
        %parallel_loop3A_464 = arith.constant 208 : index
        %parallel_loop3A_465 = tpu.vector_load %arg11[%parallel_loop3A_463, %parallel_loop3A_464] {strides = array<i32>} : memref<16x256xf32, #tpu.memory_space<vmem>>, vector<16xf32>,
        %parallel_loop3A_466 = arith.addf %parallel_loop3A_465, %parallel_loop3A_454 : vector<16xf32>
        %parallel_loop3A_467 = arith.mulf %parallel_loop3A_407, %parallel_loop3A_466 : vector<16xf32>
        %parallel_loop3A_468 = arith.index_cast %parallel_loop3A_279 : i32 to index
        %parallel_loop3A_469 = arith.constant 80 : index
        %parallel_loop3A_470 = tpu.vector_load %arg19[%parallel_loop3A_468, %parallel_loop3A_469] {strides = array<i32>} : memref<16x144xf32, #tpu.memory_space<vmem>>, vector<16xf32>,
        tpu.vector_store %arg19[%parallel_loop3A_468, %parallel_loop3A_469], %parallel_loop3A_467 {strides = array<i32>} : memref<16x144xf32, #tpu.memory_space<vmem>>, vector<16xf32>,
        %parallel_loop3A_471 = arith.index_cast %parallel_loop3A_279 : i32 to index
        %parallel_loop3A_472 = arith.constant 96 : index
        %parallel_loop3A_473 = tpu.vector_load %arg12[%parallel_loop3A_471, %parallel_loop3A_472] {strides = array<i32>} : memref<16x128xbf16, #tpu.memory_space<vmem>>, vector<32xbf16>,
        %parallel_loop3A_474 = tpu.unpack_subelements %parallel_loop3A_473, 0 {pack_format = #tpu.pack_format<interleaved>} : vector<32xbf16> -> vector<16xf32>
        %parallel_loop3A_475 = tpu.unpack_subelements %parallel_loop3A_473, 1 {pack_format = #tpu.pack_format<interleaved>} : vector<32xbf16> -> vector<16xf32>
        %parallel_loop3A_476 = arith.index_cast %parallel_loop3A_279 : i32 to index
        %parallel_loop3A_477 = arith.constant 224 : index
        %parallel_loop3A_478 = tpu.vector_load %arg11[%parallel_loop3A_476, %parallel_loop3A_477] {strides = array<i32>} : memref<16x256xf32, #tpu.memory_space<vmem>>, vector<16xf32>,
        %parallel_loop3A_479 = arith.addf %parallel_loop3A_478, %parallel_loop3A_474 : vector<16xf32>
        %parallel_loop3A_480 = arith.mulf %parallel_loop3A_407, %parallel_loop3A_479 : vector<16xf32>
        %parallel_loop3A_481 = arith.index_cast %parallel_loop3A_279 : i32 to index
        %parallel_loop3A_482 = arith.constant 96 : index
        %parallel_loop3A_483 = tpu.vector_load %arg19[%parallel_loop3A_481, %parallel_loop3A_482] {strides = array<i32>} : memref<16x144xf32, #tpu.memory_space<vmem>>, vector<16xf32>,
        tpu.vector_store %arg19[%parallel_loop3A_481, %parallel_loop3A_482], %parallel_loop3A_480 {strides = array<i32>} : memref<16x144xf32, #tpu.memory_space<vmem>>, vector<16xf32>,
        %parallel_loop3A_484 = arith.index_cast %parallel_loop3A_279 : i32 to index
        %parallel_loop3A_485 = arith.constant 240 : index
        %parallel_loop3A_486 = tpu.vector_load %arg11[%parallel_loop3A_484, %parallel_loop3A_485] {strides = array<i32>} : memref<16x256xf32, #tpu.memory_space<vmem>>, vector<16xf32>,
        %parallel_loop3A_487 = arith.addf %parallel_loop3A_486, %parallel_loop3A_475 : vector<16xf32>
        %parallel_loop3A_488 = arith.mulf %parallel_loop3A_407, %parallel_loop3A_487 : vector<16xf32>
        %parallel_loop3A_489 = arith.index_cast %parallel_loop3A_279 : i32 to index
        %parallel_loop3A_490 = arith.constant 112 : index
        %parallel_loop3A_491 = tpu.vector_load %arg19[%parallel_loop3A_489, %parallel_loop3A_490] {strides = array<i32>} : memref<16x144xf32, #tpu.memory_space<vmem>>, vector<16xf32>,
        tpu.vector_store %arg19[%parallel_loop3A_489, %parallel_loop3A_490], %parallel_loop3A_488 {strides = array<i32>} : memref<16x144xf32, #tpu.memory_space<vmem>>, vector<16xf32>,
        %parallel_loop3A_492 = arith.mulf %parallel_loop3A_407, %convert_element_type3A_19 : vector<16xf32>
        %parallel_loop3A_493 = arith.index_cast %parallel_loop3A_279 : i32 to index
        %parallel_loop3A_494 = arith.constant 128 : index
        %parallel_loop3A_495 = tpu.vector_load %arg19[%parallel_loop3A_493, %parallel_loop3A_494] {strides = array<i32>} : memref<16x144xf32, #tpu.memory_space<vmem>>, vector<16xf32>,
        tpu.vector_store %arg19[%parallel_loop3A_493, %parallel_loop3A_494], %parallel_loop3A_492 {strides = array<i32>} : memref<16x144xf32, #tpu.memory_space<vmem>>, vector<16xf32>,
      } {sc.loop_unroll_factor = 4 : i64, sc.parallel_access}
      %dma_start3A_168 = arith.constant 0 : i32
      %dma_start3A_169 = arith.constant 0 : i32
      %dma_start3A_170 = tpu.memref_slice %arg24[%dma_start3A_168, %dma_start3A_169] : memref<10240x144xf32, #tpu.memory_space<vmem_shared>> -> memref<10240x144xf32, #tpu.memory_space<vmem_shared>>
      tpu.enqueue_indirect_dma source(%arg19 : memref<16x144xf32, #tpu.memory_space<vmem>>) target(%dma_start3A_170 : memref<10240x144xf32, #tpu.memory_space<vmem_shared>>) offsets(%scan3A_117 : vector<16xi32>) semaphore(%arg28 : memref<!tpu.dma_semaphore, #tpu.memory_space<semaphore_mem>>) {add = true}
      %mul3A_171 = arith.constant 3 : i32
      %mul3A_172 = arith.muli %mul3A_171, %scan3A_116 : i32
      %add3A_173 = arith.constant 1 : i32
      %add3A_174 = arith.addi %mul3A_172, %add3A_173 : i32
      %add3A_175 = arith.constant 3 : i32
      %add3A_176 = arith.addi %add3A_174, %add3A_175 : i32
      %sub3A_177 = arith.constant 1 : i32
      %sub3A_178 = arith.subi %add3A_176, %sub3A_177 : i32
      %rem3A_179 = arith.constant 125 : i32
      %rem3A_180 = arith.remsi %sub3A_178, %rem3A_179 : i32
      %eq3A_181 = arith.constant 0 : i32
      %eq3A_182 = arith.cmpi eq, %rem3A_180, %eq3A_181 : i32
      %lt3A_183 = arith.constant 625 : i32
      %lt3A_184 = arith.cmpi slt, %sub3A_178, %lt3A_183 : i32
      %and3A_185 = arith.andi %eq3A_182, %lt3A_184 : i1
      %convert_element_type3A_186 = arith.extui %and3A_185 : i1 to i32
      %cond3A_187 = arith.constant 0 : i32
      %cond3A_188 = arith.cmpi ne, %convert_element_type3A_186, %cond3A_187 : i32
      scf.if %cond3A_188 {
        %jit3A = arith.constant 125 : i32
        %div3A = arith.divsi %sub3A_178, %jit3A : i32
        %sign3A = arith.constant 0 : i32
        %sign3A_279 = arith.cmpi sgt, %sub3A_178, %sign3A : i32
        %sign3A_280 = arith.extui %sign3A_279 : i1 to i32
        %sign3A_281 = arith.constant 0 : i32
        %sign3A_282 = arith.cmpi slt, %sub3A_178, %sign3A_281 : i32
        %sign3A_283 = arith.extui %sign3A_282 : i1 to i32
        %sign3A_284 = arith.subi %sign3A_280, %sign3A_283 : i32
        %sign3A_285 = arith.constant 0 : i32
        %sign3A_286 = arith.cmpi sgt, %jit3A, %sign3A_285 : i32
        %sign3A_287 = arith.extui %sign3A_286 : i1 to i32
        %sign3A_288 = arith.constant 0 : i32
        %sign3A_289 = arith.cmpi slt, %jit3A, %sign3A_288 : i32
        %sign3A_290 = arith.extui %sign3A_289 : i1 to i32
        %sign3A_291 = arith.subi %sign3A_287, %sign3A_290 : i32
        %ne3A = arith.cmpi ne, %sign3A_284, %sign3A_291 : i32
        %rem3A_292 = arith.remsi %sub3A_178, %jit3A : i32
        %ne3A_293 = arith.constant 0 : i32
        %ne3A_294 = arith.cmpi ne, %rem3A_292, %ne3A_293 : i32
        %and3A_295 = arith.andi %ne3A, %ne3A_294 : i1
        %sub3A_296 = arith.constant 1 : i32
        %sub3A_297 = arith.subi %div3A, %sub3A_296 : i32
        %select_n3A = arith.select %and3A_295, %sub3A_297, %div3A : i32
        %mul3A_298 = arith.constant 2000 : i32
        %mul3A_299 = arith.muli %select_n3A, %mul3A_298 : i32
        %add3A_300 = arith.addi %mul3A_16, %mul3A_299 : i32
        "tpu.region"() ({
          %run_scoped3A = tpu.sem_alloc : memref<!tpu.dma_semaphore, #tpu.memory_space<semaphore_mem>>
          %dma_start3A_301 = tpu.memref_slice %arg5[%add3A_300] : memref<320000xi32, #tpu.memory_space<hbm>> -> memref<2000xi32, #tpu.memory_space<hbm>>
          %dma_start3A_302 = tpu.memref_slice %arg5[%add3A_300] : memref<320000xi32, #tpu.memory_space<hbm>> -> memref<2000xi32, #tpu.memory_space<hbm>>
          tpu.enqueue_dma source(%dma_start3A_302 : memref<2000xi32, #tpu.memory_space<hbm>>) target(%arg8 : memref<2000xi32, #tpu.memory_space<vmem>>) target_semaphore(%run_scoped3A : memref<!tpu.dma_semaphore, #tpu.memory_space<semaphore_mem>>)
          %dma_wait3A_303 = tpu.memref_slice %arg5[%add3A_300] : memref<320000xi32, #tpu.memory_space<hbm>> -> memref<2000xi32, #tpu.memory_space<hbm>>
          %dma_wait3A_304 = tpu.memref_slice %arg5[%add3A_300] : memref<320000xi32, #tpu.memory_space<hbm>> -> memref<2000xi32, #tpu.memory_space<hbm>>
          tpu.wait_dma2 semaphore(%run_scoped3A : memref<!tpu.dma_semaphore, #tpu.memory_space<semaphore_mem>>) src(%dma_wait3A_304 : memref<2000xi32, #tpu.memory_space<hbm>>) dst(%arg8 : memref<2000xi32, #tpu.memory_space<vmem>>)
          tpu.yield
        }) : () -> ()
        "tpu.region"() ({
          %run_scoped3A = tpu.sem_alloc : memref<!tpu.dma_semaphore, #tpu.memory_space<semaphore_mem>>
          %dma_start3A_301 = tpu.memref_slice %arg6[%add3A_300] : memref<320000xi32, #tpu.memory_space<hbm>> -> memref<2000xi32, #tpu.memory_space<hbm>>
          %dma_start3A_302 = tpu.memref_slice %arg6[%add3A_300] : memref<320000xi32, #tpu.memory_space<hbm>> -> memref<2000xi32, #tpu.memory_space<hbm>>
          tpu.enqueue_dma source(%dma_start3A_302 : memref<2000xi32, #tpu.memory_space<hbm>>) target(%arg9 : memref<2000xi32, #tpu.memory_space<vmem>>) target_semaphore(%run_scoped3A : memref<!tpu.dma_semaphore, #tpu.memory_space<semaphore_mem>>)
          %dma_wait3A_303 = tpu.memref_slice %arg6[%add3A_300] : memref<320000xi32, #tpu.memory_space<hbm>> -> memref<2000xi32, #tpu.memory_space<hbm>>
          %dma_wait3A_304 = tpu.memref_slice %arg6[%add3A_300] : memref<320000xi32, #tpu.memory_space<hbm>> -> memref<2000xi32, #tpu.memory_space<hbm>>
          tpu.wait_dma2 semaphore(%run_scoped3A : memref<!tpu.dma_semaphore, #tpu.memory_space<semaphore_mem>>) src(%dma_wait3A_304 : memref<2000xi32, #tpu.memory_space<hbm>>) dst(%arg9 : memref<2000xi32, #tpu.memory_space<vmem>>)
          tpu.yield
        }) : () -> ()
      } else {
      }
      %rem3A_189 = arith.constant 125 : i32
      %rem3A_190 = arith.remsi %sub3A_178, %rem3A_189 : i32
      %mul3A_191 = arith.constant 16 : i32
      %mul3A_192 = arith.muli %rem3A_190, %mul3A_191 : i32
      %get3A_193 = arith.index_cast %mul3A_192 : i32 to index
      %get3A_194 = tpu.vector_load %arg8[%get3A_193] {strides = array<i32>} : memref<2000xi32, #tpu.memory_space<vmem>>, vector<16xi32>,
      %get3A_195 = arith.index_cast %mul3A_192 : i32 to index
      %get3A_196 = tpu.vector_load %arg9[%get3A_195] {strides = array<i32>} : memref<2000xi32, #tpu.memory_space<vmem>>, vector<16xi32>,
      %lt3A_197 = arith.constant 625 : i32
      %lt3A_198 = arith.cmpi slt, %sub3A_178, %lt3A_197 : i32
      %convert_element_type3A_199 = arith.extui %lt3A_198 : i1 to i32
      %cond3A_200 = arith.constant 0 : i32
      %cond3A_201 = arith.cmpi ne, %convert_element_type3A_199, %cond3A_200 : i32
      scf.if %cond3A_201 {
        %min3A = arith.constant 624 : i32
        %min3A_279 = arith.minsi %sub3A_178, %min3A : i32
        %mul3A_280 = arith.constant 16 : i32
        %mul3A_281 = arith.muli %min3A_279, %mul3A_280 : i32
        %add3A_282 = arith.addi %mul3A_16, %mul3A_281 : i32
        %dma_start3A_283 = arith.constant 0 : i32
        %dma_start3A_284 = tpu.memref_slice %arg4[%add3A_282, %dma_start3A_283] : memref<320000x128xbf16, #tpu.memory_space<hbm>> -> memref<16x128xbf16, #tpu.memory_space<hbm>>
        %dma_start3A_285 = arith.constant 0 : i32
        %dma_start3A_286 = tpu.memref_slice %arg4[%add3A_282, %dma_start3A_285] : memref<320000x128xbf16, #tpu.memory_space<hbm>> -> memref<16x128xbf16, #tpu.memory_space<hbm>>
        tpu.enqueue_dma source(%dma_start3A_286 : memref<16x128xbf16, #tpu.memory_space<hbm>>) target(%arg12 : memref<16x128xbf16, #tpu.memory_space<vmem>>) target_semaphore(%arg25 : memref<!tpu.dma_semaphore, #tpu.memory_space<semaphore_mem>>)
        %dma_start3A_287 = arith.constant 0 : i32
        %dma_start3A_288 = arith.constant 0 : i32
        %dma_start3A_289 = tpu.memref_slice %arg3[%dma_start3A_287, %dma_start3A_288] : memref<10000x256xf32, #tpu.memory_space<hbm>> -> memref<10000x256xf32, #tpu.memory_space<hbm>>
        tpu.enqueue_indirect_dma source(%dma_start3A_289 : memref<10000x256xf32, #tpu.memory_space<hbm>>) target(%arg11 : memref<16x256xf32, #tpu.memory_space<vmem>>) offsets(%get3A_194 : vector<16xi32>) semaphore(%arg25 : memref<!tpu.dma_semaphore, #tpu.memory_space<semaphore_mem>>)
        %dma_start3A_290 = arith.constant 0 : i32
        %dma_start3A_291 = arith.constant 0 : i32
        %dma_start3A_292 = tpu.memref_slice %arg2[%dma_start3A_290, %dma_start3A_291] : memref<10000x128xf32, #tpu.memory_space<hbm>> -> memref<10000x128xf32, #tpu.memory_space<hbm>>
        tpu.enqueue_indirect_dma source(%dma_start3A_292 : memref<10000x128xf32, #tpu.memory_space<hbm>>) target(%arg10 : memref<16x128xf32, #tpu.memory_space<vmem>>) offsets(%get3A_196 : vector<16xi32>) semaphore(%arg25 : memref<!tpu.dma_semaphore, #tpu.memory_space<semaphore_mem>>)
      } else {
      }
      %ge3A_202 = arith.constant 1 : i32
      %ge3A_203 = arith.cmpi sge, %scan3A_116, %ge3A_202 : i32
      %dma_wait3A_204 = arith.constant 0 : i32
      %dma_wait3A_205 = arith.constant 0 : i32
      %dma_wait3A_206 = tpu.memref_slice %arg4[%dma_wait3A_204, %dma_wait3A_205] : memref<320000x128xbf16, #tpu.memory_space<hbm>> -> memref<16x128xbf16, #tpu.memory_space<hbm>>
      %dma_wait3A_207 = arith.constant 0 : i32
      %dma_wait3A_208 = arith.constant 0 : i32
      %dma_wait3A_209 = tpu.memref_slice %arg4[%dma_wait3A_207, %dma_wait3A_208] : memref<320000x128xbf16, #tpu.memory_space<hbm>> -> memref<16x128xbf16, #tpu.memory_space<hbm>>
      tpu.wait_dma2 semaphore(%arg26 : memref<!tpu.dma_semaphore, #tpu.memory_space<semaphore_mem>>) src(%dma_wait3A_209 : memref<16x128xbf16, #tpu.memory_space<hbm>>) dst(%arg15 : memref<16x128xbf16, #tpu.memory_space<vmem>>)
      %dma_wait3A_210 = arith.constant 0 : i32
      %dma_wait3A_211 = arith.constant 0 : i32
      %dma_wait3A_212 = tpu.memref_slice %arg3[%dma_wait3A_210, %dma_wait3A_211] : memref<10000x256xf32, #tpu.memory_space<hbm>> -> memref<10000x256xf32, #tpu.memory_space<hbm>>
      tpu.wait_indirect_dma semaphore(%arg26 : memref<!tpu.dma_semaphore, #tpu.memory_space<semaphore_mem>>) src(%dma_wait3A_212 : memref<10000x256xf32, #tpu.memory_space<hbm>>) dst(%arg14 : memref<16x256xf32, #tpu.memory_space<vmem>>)
      %dma_wait3A_213 = arith.constant 0 : i32
      %dma_wait3A_214 = arith.constant 0 : i32
      %dma_wait3A_215 = tpu.memref_slice %arg2[%dma_wait3A_213, %dma_wait3A_214] : memref<10000x128xf32, #tpu.memory_space<hbm>> -> memref<10000x128xf32, #tpu.memory_space<hbm>>
      tpu.wait_indirect_dma semaphore(%arg26 : memref<!tpu.dma_semaphore, #tpu.memory_space<semaphore_mem>>) src(%dma_wait3A_215 : memref<10000x128xf32, #tpu.memory_space<hbm>>) dst(%arg13 : memref<16x128xf32, #tpu.memory_space<vmem>>)
      %convert_element_type3A_216 = arith.extui %ge3A_203 : i1 to i32
      %cond3A_217 = arith.constant 0 : i32
      %cond3A_218 = arith.cmpi ne, %convert_element_type3A_216, %cond3A_217 : i32
      scf.if %cond3A_218 {
        %dma_wait3A_279 = arith.constant 0 : i32
        %dma_wait3A_280 = arith.constant 0 : i32
        %dma_wait3A_281 = tpu.memref_slice %arg24[%dma_wait3A_279, %dma_wait3A_280] : memref<10240x144xf32, #tpu.memory_space<vmem_shared>> -> memref<10240x144xf32, #tpu.memory_space<vmem_shared>>
        tpu.wait_indirect_dma semaphore(%arg29 : memref<!tpu.dma_semaphore, #tpu.memory_space<semaphore_mem>>) src(%arg20 : memref<16x144xf32, #tpu.memory_space<vmem>>) dst(%dma_wait3A_281 : memref<10240x144xf32, #tpu.memory_space<vmem_shared>>)
      } else {
      }
      %parallel_loop3A_219 = arith.constant 0 : i32
      %parallel_loop3A_220 = arith.constant 16 : i32
      %parallel_loop3A_221 = arith.constant 1 : i32
      scf.for %parallel_loop3A_279 = %parallel_loop3A_219 to %parallel_loop3A_220 step %parallel_loop3A_221  : i32 {
        %parallel_loop3A_280 = arith.index_cast %parallel_loop3A_279 : i32 to index
        %parallel_loop3A_281 = arith.constant 0 : index
        %parallel_loop3A_282 = tpu.vector_load %arg15[%parallel_loop3A_280, %parallel_loop3A_281] {strides = array<i32>} : memref<16x128xbf16, #tpu.memory_space<vmem>>, vector<32xbf16>,
        %parallel_loop3A_283 = tpu.unpack_subelements %parallel_loop3A_282, 0 {pack_format = #tpu.pack_format<interleaved>} : vector<32xbf16> -> vector<16xf32>
        %parallel_loop3A_284 = tpu.unpack_subelements %parallel_loop3A_282, 1 {pack_format = #tpu.pack_format<interleaved>} : vector<32xbf16> -> vector<16xf32>
        %parallel_loop3A_285 = arith.index_cast %parallel_loop3A_279 : i32 to index
        %parallel_loop3A_286 = arith.constant 0 : index
        %parallel_loop3A_287 = tpu.vector_load %arg13[%parallel_loop3A_285, %parallel_loop3A_286] {strides = array<i32>} : memref<16x128xf32, #tpu.memory_space<vmem>>, vector<16xf32>,
        %parallel_loop3A_288 = arith.index_cast %parallel_loop3A_279 : i32 to index
        %parallel_loop3A_289 = arith.constant 0 : index
        %parallel_loop3A_290 = tpu.vector_load %arg14[%parallel_loop3A_288, %parallel_loop3A_289] {strides = array<i32>} : memref<16x256xf32, #tpu.memory_space<vmem>>, vector<16xf32>,
        %parallel_loop3A_291 = arith.addf %parallel_loop3A_290, %parallel_loop3A_283 : vector<16xf32>
        %parallel_loop3A_292 = arith.mulf %parallel_loop3A_287, %parallel_loop3A_291 : vector<16xf32>
        %parallel_loop3A_293 = arith.index_cast %parallel_loop3A_279 : i32 to index
        %parallel_loop3A_294 = arith.constant 16 : index
        %parallel_loop3A_295 = tpu.vector_load %arg13[%parallel_loop3A_293, %parallel_loop3A_294] {strides = array<i32>} : memref<16x128xf32, #tpu.memory_space<vmem>>, vector<16xf32>,
        %parallel_loop3A_296 = arith.index_cast %parallel_loop3A_279 : i32 to index
        %parallel_loop3A_297 = arith.constant 16 : index
        %parallel_loop3A_298 = tpu.vector_load %arg14[%parallel_loop3A_296, %parallel_loop3A_297] {strides = array<i32>} : memref<16x256xf32, #tpu.memory_space<vmem>>, vector<16xf32>,
        %parallel_loop3A_299 = arith.addf %parallel_loop3A_298, %parallel_loop3A_284 : vector<16xf32>
        %parallel_loop3A_300 = arith.mulf %parallel_loop3A_295, %parallel_loop3A_299 : vector<16xf32>
        %parallel_loop3A_301 = arith.index_cast %parallel_loop3A_279 : i32 to index
        %parallel_loop3A_302 = arith.constant 32 : index
        %parallel_loop3A_303 = tpu.vector_load %arg15[%parallel_loop3A_301, %parallel_loop3A_302] {strides = array<i32>} : memref<16x128xbf16, #tpu.memory_space<vmem>>, vector<32xbf16>,
        %parallel_loop3A_304 = tpu.unpack_subelements %parallel_loop3A_303, 0 {pack_format = #tpu.pack_format<interleaved>} : vector<32xbf16> -> vector<16xf32>
        %parallel_loop3A_305 = tpu.unpack_subelements %parallel_loop3A_303, 1 {pack_format = #tpu.pack_format<interleaved>} : vector<32xbf16> -> vector<16xf32>
        %parallel_loop3A_306 = arith.index_cast %parallel_loop3A_279 : i32 to index
        %parallel_loop3A_307 = arith.constant 32 : index
        %parallel_loop3A_308 = tpu.vector_load %arg13[%parallel_loop3A_306, %parallel_loop3A_307] {strides = array<i32>} : memref<16x128xf32, #tpu.memory_space<vmem>>, vector<16xf32>,
        %parallel_loop3A_309 = arith.index_cast %parallel_loop3A_279 : i32 to index
        %parallel_loop3A_310 = arith.constant 32 : index
        %parallel_loop3A_311 = tpu.vector_load %arg14[%parallel_loop3A_309, %parallel_loop3A_310] {strides = array<i32>} : memref<16x256xf32, #tpu.memory_space<vmem>>, vector<16xf32>,
        %parallel_loop3A_312 = arith.addf %parallel_loop3A_311, %parallel_loop3A_304 : vector<16xf32>
        %parallel_loop3A_313 = arith.mulf %parallel_loop3A_308, %parallel_loop3A_312 : vector<16xf32>
        %parallel_loop3A_314 = arith.index_cast %parallel_loop3A_279 : i32 to index
        %parallel_loop3A_315 = arith.constant 48 : index
        %parallel_loop3A_316 = tpu.vector_load %arg13[%parallel_loop3A_314, %parallel_loop3A_315] {strides = array<i32>} : memref<16x128xf32, #tpu.memory_space<vmem>>, vector<16xf32>,
        %parallel_loop3A_317 = arith.index_cast %parallel_loop3A_279 : i32 to index
        %parallel_loop3A_318 = arith.constant 48 : index
        %parallel_loop3A_319 = tpu.vector_load %arg14[%parallel_loop3A_317, %parallel_loop3A_318] {strides = array<i32>} : memref<16x256xf32, #tpu.memory_space<vmem>>, vector<16xf32>,
        %parallel_loop3A_320 = arith.addf %parallel_loop3A_319, %parallel_loop3A_305 : vector<16xf32>
        %parallel_loop3A_321 = arith.mulf %parallel_loop3A_316, %parallel_loop3A_320 : vector<16xf32>
        %parallel_loop3A_322 = arith.index_cast %parallel_loop3A_279 : i32 to index
        %parallel_loop3A_323 = arith.constant 64 : index
        %parallel_loop3A_324 = tpu.vector_load %arg15[%parallel_loop3A_322, %parallel_loop3A_323] {strides = array<i32>} : memref<16x128xbf16, #tpu.memory_space<vmem>>, vector<32xbf16>,
        %parallel_loop3A_325 = tpu.unpack_subelements %parallel_loop3A_324, 0 {pack_format = #tpu.pack_format<interleaved>} : vector<32xbf16> -> vector<16xf32>
        %parallel_loop3A_326 = tpu.unpack_subelements %parallel_loop3A_324, 1 {pack_format = #tpu.pack_format<interleaved>} : vector<32xbf16> -> vector<16xf32>
        %parallel_loop3A_327 = arith.index_cast %parallel_loop3A_279 : i32 to index
        %parallel_loop3A_328 = arith.constant 64 : index
        %parallel_loop3A_329 = tpu.vector_load %arg13[%parallel_loop3A_327, %parallel_loop3A_328] {strides = array<i32>} : memref<16x128xf32, #tpu.memory_space<vmem>>, vector<16xf32>,
        %parallel_loop3A_330 = arith.index_cast %parallel_loop3A_279 : i32 to index
        %parallel_loop3A_331 = arith.constant 64 : index
        %parallel_loop3A_332 = tpu.vector_load %arg14[%parallel_loop3A_330, %parallel_loop3A_331] {strides = array<i32>} : memref<16x256xf32, #tpu.memory_space<vmem>>, vector<16xf32>,
        %parallel_loop3A_333 = arith.addf %parallel_loop3A_332, %parallel_loop3A_325 : vector<16xf32>
        %parallel_loop3A_334 = arith.mulf %parallel_loop3A_329, %parallel_loop3A_333 : vector<16xf32>
        %parallel_loop3A_335 = arith.index_cast %parallel_loop3A_279 : i32 to index
        %parallel_loop3A_336 = arith.constant 80 : index
        %parallel_loop3A_337 = tpu.vector_load %arg13[%parallel_loop3A_335, %parallel_loop3A_336] {strides = array<i32>} : memref<16x128xf32, #tpu.memory_space<vmem>>, vector<16xf32>,
        %parallel_loop3A_338 = arith.index_cast %parallel_loop3A_279 : i32 to index
        %parallel_loop3A_339 = arith.constant 80 : index
        %parallel_loop3A_340 = tpu.vector_load %arg14[%parallel_loop3A_338, %parallel_loop3A_339] {strides = array<i32>} : memref<16x256xf32, #tpu.memory_space<vmem>>, vector<16xf32>,
        %parallel_loop3A_341 = arith.addf %parallel_loop3A_340, %parallel_loop3A_326 : vector<16xf32>
        %parallel_loop3A_342 = arith.mulf %parallel_loop3A_337, %parallel_loop3A_341 : vector<16xf32>
        %parallel_loop3A_343 = arith.index_cast %parallel_loop3A_279 : i32 to index
        %parallel_loop3A_344 = arith.constant 96 : index
        %parallel_loop3A_345 = tpu.vector_load %arg15[%parallel_loop3A_343, %parallel_loop3A_344] {strides = array<i32>} : memref<16x128xbf16, #tpu.memory_space<vmem>>, vector<32xbf16>,
        %parallel_loop3A_346 = tpu.unpack_subelements %parallel_loop3A_345, 0 {pack_format = #tpu.pack_format<interleaved>} : vector<32xbf16> -> vector<16xf32>
        %parallel_loop3A_347 = tpu.unpack_subelements %parallel_loop3A_345, 1 {pack_format = #tpu.pack_format<interleaved>} : vector<32xbf16> -> vector<16xf32>
        %parallel_loop3A_348 = arith.index_cast %parallel_loop3A_279 : i32 to index
        %parallel_loop3A_349 = arith.constant 96 : index
        %parallel_loop3A_350 = tpu.vector_load %arg13[%parallel_loop3A_348, %parallel_loop3A_349] {strides = array<i32>} : memref<16x128xf32, #tpu.memory_space<vmem>>, vector<16xf32>,
        %parallel_loop3A_351 = arith.index_cast %parallel_loop3A_279 : i32 to index
        %parallel_loop3A_352 = arith.constant 96 : index
        %parallel_loop3A_353 = tpu.vector_load %arg14[%parallel_loop3A_351, %parallel_loop3A_352] {strides = array<i32>} : memref<16x256xf32, #tpu.memory_space<vmem>>, vector<16xf32>,
        %parallel_loop3A_354 = arith.addf %parallel_loop3A_353, %parallel_loop3A_346 : vector<16xf32>
        %parallel_loop3A_355 = arith.mulf %parallel_loop3A_350, %parallel_loop3A_354 : vector<16xf32>
        %parallel_loop3A_356 = arith.index_cast %parallel_loop3A_279 : i32 to index
        %parallel_loop3A_357 = arith.constant 112 : index
        %parallel_loop3A_358 = tpu.vector_load %arg13[%parallel_loop3A_356, %parallel_loop3A_357] {strides = array<i32>} : memref<16x128xf32, #tpu.memory_space<vmem>>, vector<16xf32>,
        %parallel_loop3A_359 = arith.index_cast %parallel_loop3A_279 : i32 to index
        %parallel_loop3A_360 = arith.constant 112 : index
        %parallel_loop3A_361 = tpu.vector_load %arg14[%parallel_loop3A_359, %parallel_loop3A_360] {strides = array<i32>} : memref<16x256xf32, #tpu.memory_space<vmem>>, vector<16xf32>,
        %parallel_loop3A_362 = arith.addf %parallel_loop3A_361, %parallel_loop3A_347 : vector<16xf32>
        %parallel_loop3A_363 = arith.mulf %parallel_loop3A_358, %parallel_loop3A_362 : vector<16xf32>
        %parallel_loop3A_364 = arith.addf %parallel_loop3A_292, %parallel_loop3A_300 : vector<16xf32>
        %parallel_loop3A_365 = arith.addf %parallel_loop3A_313, %parallel_loop3A_321 : vector<16xf32>
        %parallel_loop3A_366 = arith.addf %parallel_loop3A_334, %parallel_loop3A_342 : vector<16xf32>
        %parallel_loop3A_367 = arith.addf %parallel_loop3A_355, %parallel_loop3A_363 : vector<16xf32>
        %parallel_loop3A_368 = arith.addf %parallel_loop3A_364, %parallel_loop3A_365 : vector<16xf32>
        %parallel_loop3A_369 = arith.addf %parallel_loop3A_366, %parallel_loop3A_367 : vector<16xf32>
        %parallel_loop3A_370 = arith.addf %parallel_loop3A_368, %parallel_loop3A_369 : vector<16xf32>
        %parallel_loop3A_371 = vector.broadcast %parallel_loop3A_279 : i32 to vector<16xi32>
        %parallel_loop3A_372 = arith.index_cast %parallel_loop3A_279 : i32 to index
        %parallel_loop3A_373 = arith.constant 0 : index
        %parallel_loop3A_374 = tpu.vector_load %arg23[%parallel_loop3A_372, %parallel_loop3A_373] {strides = array<i32>} : memref<16x16xf32, #tpu.memory_space<vmem>>, vector<16xf32>,
        tpu.vector_store %arg23[%parallel_loop3A_372, %parallel_loop3A_373], %parallel_loop3A_370 {strides = array<i32>} : memref<16x16xf32, #tpu.memory_space<vmem>>, vector<16xf32>,
        %parallel_loop3A_375 = arith.constant 1 : i32
        %parallel_loop3A_376 = vector.broadcast %parallel_loop3A_375 : i32 to vector<16xi32>
        %parallel_loop3A_377 = arith.xori %iota3A, %parallel_loop3A_376 : vector<16xi32>
        %parallel_loop3A_378 = tpu.vector_load_idx %arg23[%parallel_loop3A_371, %parallel_loop3A_377] : memref<16x16xf32, #tpu.memory_space<vmem>>[vector<16xi32>, vector<16xi32>], vector<16xf32>,
        %parallel_loop3A_379 = arith.addf %parallel_loop3A_370, %parallel_loop3A_378 : vector<16xf32>
        %parallel_loop3A_380 = arith.index_cast %parallel_loop3A_279 : i32 to index
        %parallel_loop3A_381 = arith.constant 0 : index
        %parallel_loop3A_382 = tpu.vector_load %arg23[%parallel_loop3A_380, %parallel_loop3A_381] {strides = array<i32>} : memref<16x16xf32, #tpu.memory_space<vmem>>, vector<16xf32>,
        tpu.vector_store %arg23[%parallel_loop3A_380, %parallel_loop3A_381], %parallel_loop3A_379 {strides = array<i32>} : memref<16x16xf32, #tpu.memory_space<vmem>>, vector<16xf32>,
        %parallel_loop3A_383 = arith.constant 2 : i32
        %parallel_loop3A_384 = vector.broadcast %parallel_loop3A_383 : i32 to vector<16xi32>
        %parallel_loop3A_385 = arith.xori %iota3A, %parallel_loop3A_384 : vector<16xi32>
        %parallel_loop3A_386 = tpu.vector_load_idx %arg23[%parallel_loop3A_371, %parallel_loop3A_385] : memref<16x16xf32, #tpu.memory_space<vmem>>[vector<16xi32>, vector<16xi32>], vector<16xf32>,
        %parallel_loop3A_387 = arith.addf %parallel_loop3A_379, %parallel_loop3A_386 : vector<16xf32>
        %parallel_loop3A_388 = arith.index_cast %parallel_loop3A_279 : i32 to index
        %parallel_loop3A_389 = arith.constant 0 : index
        %parallel_loop3A_390 = tpu.vector_load %arg23[%parallel_loop3A_388, %parallel_loop3A_389] {strides = array<i32>} : memref<16x16xf32, #tpu.memory_space<vmem>>, vector<16xf32>,
        tpu.vector_store %arg23[%parallel_loop3A_388, %parallel_loop3A_389], %parallel_loop3A_387 {strides = array<i32>} : memref<16x16xf32, #tpu.memory_space<vmem>>, vector<16xf32>,
        %parallel_loop3A_391 = arith.constant 4 : i32
        %parallel_loop3A_392 = vector.broadcast %parallel_loop3A_391 : i32 to vector<16xi32>
        %parallel_loop3A_393 = arith.xori %iota3A, %parallel_loop3A_392 : vector<16xi32>
        %parallel_loop3A_394 = tpu.vector_load_idx %arg23[%parallel_loop3A_371, %parallel_loop3A_393] : memref<16x16xf32, #tpu.memory_space<vmem>>[vector<16xi32>, vector<16xi32>], vector<16xf32>,
        %parallel_loop3A_395 = arith.addf %parallel_loop3A_387, %parallel_loop3A_394 : vector<16xf32>
        %parallel_loop3A_396 = arith.index_cast %parallel_loop3A_279 : i32 to index
        %parallel_loop3A_397 = arith.constant 0 : index
        %parallel_loop3A_398 = tpu.vector_load %arg23[%parallel_loop3A_396, %parallel_loop3A_397] {strides = array<i32>} : memref<16x16xf32, #tpu.memory_space<vmem>>, vector<16xf32>,
        tpu.vector_store %arg23[%parallel_loop3A_396, %parallel_loop3A_397], %parallel_loop3A_395 {strides = array<i32>} : memref<16x16xf32, #tpu.memory_space<vmem>>, vector<16xf32>,
        %parallel_loop3A_399 = arith.constant 8 : i32
        %parallel_loop3A_400 = vector.broadcast %parallel_loop3A_399 : i32 to vector<16xi32>
        %parallel_loop3A_401 = arith.xori %iota3A, %parallel_loop3A_400 : vector<16xi32>
        %parallel_loop3A_402 = tpu.vector_load_idx %arg23[%parallel_loop3A_371, %parallel_loop3A_401] : memref<16x16xf32, #tpu.memory_space<vmem>>[vector<16xi32>, vector<16xi32>], vector<16xf32>,
        %parallel_loop3A_403 = arith.addf %parallel_loop3A_395, %parallel_loop3A_402 : vector<16xf32>
        %parallel_loop3A_404 = arith.constant 0.0883883461 : f32
        %parallel_loop3A_405 = vector.broadcast %parallel_loop3A_404 : f32 to vector<16xf32>
        %parallel_loop3A_406 = arith.mulf %parallel_loop3A_403, %parallel_loop3A_405 : vector<16xf32>
        %parallel_loop3A_407 = math.exp %parallel_loop3A_406 : vector<16xf32>
        %parallel_loop3A_408 = arith.index_cast %parallel_loop3A_279 : i32 to index
        %parallel_loop3A_409 = arith.constant 0 : index
        %parallel_loop3A_410 = tpu.vector_load %arg15[%parallel_loop3A_408, %parallel_loop3A_409] {strides = array<i32>} : memref<16x128xbf16, #tpu.memory_space<vmem>>, vector<32xbf16>,
        %parallel_loop3A_411 = tpu.unpack_subelements %parallel_loop3A_410, 0 {pack_format = #tpu.pack_format<interleaved>} : vector<32xbf16> -> vector<16xf32>
        %parallel_loop3A_412 = tpu.unpack_subelements %parallel_loop3A_410, 1 {pack_format = #tpu.pack_format<interleaved>} : vector<32xbf16> -> vector<16xf32>
        %parallel_loop3A_413 = arith.index_cast %parallel_loop3A_279 : i32 to index
        %parallel_loop3A_414 = arith.constant 128 : index
        %parallel_loop3A_415 = tpu.vector_load %arg14[%parallel_loop3A_413, %parallel_loop3A_414] {strides = array<i32>} : memref<16x256xf32, #tpu.memory_space<vmem>>, vector<16xf32>,
        %parallel_loop3A_416 = arith.addf %parallel_loop3A_415, %parallel_loop3A_411 : vector<16xf32>
        %parallel_loop3A_417 = arith.mulf %parallel_loop3A_407, %parallel_loop3A_416 : vector<16xf32>
        %parallel_loop3A_418 = arith.index_cast %parallel_loop3A_279 : i32 to index
        %parallel_loop3A_419 = arith.constant 0 : index
        %parallel_loop3A_420 = tpu.vector_load %arg20[%parallel_loop3A_418, %parallel_loop3A_419] {strides = array<i32>} : memref<16x144xf32, #tpu.memory_space<vmem>>, vector<16xf32>,
        tpu.vector_store %arg20[%parallel_loop3A_418, %parallel_loop3A_419], %parallel_loop3A_417 {strides = array<i32>} : memref<16x144xf32, #tpu.memory_space<vmem>>, vector<16xf32>,
        %parallel_loop3A_421 = arith.index_cast %parallel_loop3A_279 : i32 to index
        %parallel_loop3A_422 = arith.constant 144 : index
        %parallel_loop3A_423 = tpu.vector_load %arg14[%parallel_loop3A_421, %parallel_loop3A_422] {strides = array<i32>} : memref<16x256xf32, #tpu.memory_space<vmem>>, vector<16xf32>,
        %parallel_loop3A_424 = arith.addf %parallel_loop3A_423, %parallel_loop3A_412 : vector<16xf32>
        %parallel_loop3A_425 = arith.mulf %parallel_loop3A_407, %parallel_loop3A_424 : vector<16xf32>
        %parallel_loop3A_426 = arith.index_cast %parallel_loop3A_279 : i32 to index
        %parallel_loop3A_427 = arith.constant 16 : index
        %parallel_loop3A_428 = tpu.vector_load %arg20[%parallel_loop3A_426, %parallel_loop3A_427] {strides = array<i32>} : memref<16x144xf32, #tpu.memory_space<vmem>>, vector<16xf32>,
        tpu.vector_store %arg20[%parallel_loop3A_426, %parallel_loop3A_427], %parallel_loop3A_425 {strides = array<i32>} : memref<16x144xf32, #tpu.memory_space<vmem>>, vector<16xf32>,
        %parallel_loop3A_429 = arith.index_cast %parallel_loop3A_279 : i32 to index
        %parallel_loop3A_430 = arith.constant 32 : index
        %parallel_loop3A_431 = tpu.vector_load %arg15[%parallel_loop3A_429, %parallel_loop3A_430] {strides = array<i32>} : memref<16x128xbf16, #tpu.memory_space<vmem>>, vector<32xbf16>,
        %parallel_loop3A_432 = tpu.unpack_subelements %parallel_loop3A_431, 0 {pack_format = #tpu.pack_format<interleaved>} : vector<32xbf16> -> vector<16xf32>
        %parallel_loop3A_433 = tpu.unpack_subelements %parallel_loop3A_431, 1 {pack_format = #tpu.pack_format<interleaved>} : vector<32xbf16> -> vector<16xf32>
        %parallel_loop3A_434 = arith.index_cast %parallel_loop3A_279 : i32 to index
        %parallel_loop3A_435 = arith.constant 160 : index
        %parallel_loop3A_436 = tpu.vector_load %arg14[%parallel_loop3A_434, %parallel_loop3A_435] {strides = array<i32>} : memref<16x256xf32, #tpu.memory_space<vmem>>, vector<16xf32>,
        %parallel_loop3A_437 = arith.addf %parallel_loop3A_436, %parallel_loop3A_432 : vector<16xf32>
        %parallel_loop3A_438 = arith.mulf %parallel_loop3A_407, %parallel_loop3A_437 : vector<16xf32>
        %parallel_loop3A_439 = arith.index_cast %parallel_loop3A_279 : i32 to index
        %parallel_loop3A_440 = arith.constant 32 : index
        %parallel_loop3A_441 = tpu.vector_load %arg20[%parallel_loop3A_439, %parallel_loop3A_440] {strides = array<i32>} : memref<16x144xf32, #tpu.memory_space<vmem>>, vector<16xf32>,
        tpu.vector_store %arg20[%parallel_loop3A_439, %parallel_loop3A_440], %parallel_loop3A_438 {strides = array<i32>} : memref<16x144xf32, #tpu.memory_space<vmem>>, vector<16xf32>,
        %parallel_loop3A_442 = arith.index_cast %parallel_loop3A_279 : i32 to index
        %parallel_loop3A_443 = arith.constant 176 : index
        %parallel_loop3A_444 = tpu.vector_load %arg14[%parallel_loop3A_442, %parallel_loop3A_443] {strides = array<i32>} : memref<16x256xf32, #tpu.memory_space<vmem>>, vector<16xf32>,
        %parallel_loop3A_445 = arith.addf %parallel_loop3A_444, %parallel_loop3A_433 : vector<16xf32>
        %parallel_loop3A_446 = arith.mulf %parallel_loop3A_407, %parallel_loop3A_445 : vector<16xf32>
        %parallel_loop3A_447 = arith.index_cast %parallel_loop3A_279 : i32 to index
        %parallel_loop3A_448 = arith.constant 48 : index
        %parallel_loop3A_449 = tpu.vector_load %arg20[%parallel_loop3A_447, %parallel_loop3A_448] {strides = array<i32>} : memref<16x144xf32, #tpu.memory_space<vmem>>, vector<16xf32>,
        tpu.vector_store %arg20[%parallel_loop3A_447, %parallel_loop3A_448], %parallel_loop3A_446 {strides = array<i32>} : memref<16x144xf32, #tpu.memory_space<vmem>>, vector<16xf32>,
        %parallel_loop3A_450 = arith.index_cast %parallel_loop3A_279 : i32 to index
        %parallel_loop3A_451 = arith.constant 64 : index
        %parallel_loop3A_452 = tpu.vector_load %arg15[%parallel_loop3A_450, %parallel_loop3A_451] {strides = array<i32>} : memref<16x128xbf16, #tpu.memory_space<vmem>>, vector<32xbf16>,
        %parallel_loop3A_453 = tpu.unpack_subelements %parallel_loop3A_452, 0 {pack_format = #tpu.pack_format<interleaved>} : vector<32xbf16> -> vector<16xf32>
        %parallel_loop3A_454 = tpu.unpack_subelements %parallel_loop3A_452, 1 {pack_format = #tpu.pack_format<interleaved>} : vector<32xbf16> -> vector<16xf32>
        %parallel_loop3A_455 = arith.index_cast %parallel_loop3A_279 : i32 to index
        %parallel_loop3A_456 = arith.constant 192 : index
        %parallel_loop3A_457 = tpu.vector_load %arg14[%parallel_loop3A_455, %parallel_loop3A_456] {strides = array<i32>} : memref<16x256xf32, #tpu.memory_space<vmem>>, vector<16xf32>,
        %parallel_loop3A_458 = arith.addf %parallel_loop3A_457, %parallel_loop3A_453 : vector<16xf32>
        %parallel_loop3A_459 = arith.mulf %parallel_loop3A_407, %parallel_loop3A_458 : vector<16xf32>
        %parallel_loop3A_460 = arith.index_cast %parallel_loop3A_279 : i32 to index
        %parallel_loop3A_461 = arith.constant 64 : index
        %parallel_loop3A_462 = tpu.vector_load %arg20[%parallel_loop3A_460, %parallel_loop3A_461] {strides = array<i32>} : memref<16x144xf32, #tpu.memory_space<vmem>>, vector<16xf32>,
        tpu.vector_store %arg20[%parallel_loop3A_460, %parallel_loop3A_461], %parallel_loop3A_459 {strides = array<i32>} : memref<16x144xf32, #tpu.memory_space<vmem>>, vector<16xf32>,
        %parallel_loop3A_463 = arith.index_cast %parallel_loop3A_279 : i32 to index
        %parallel_loop3A_464 = arith.constant 208 : index
        %parallel_loop3A_465 = tpu.vector_load %arg14[%parallel_loop3A_463, %parallel_loop3A_464] {strides = array<i32>} : memref<16x256xf32, #tpu.memory_space<vmem>>, vector<16xf32>,
        %parallel_loop3A_466 = arith.addf %parallel_loop3A_465, %parallel_loop3A_454 : vector<16xf32>
        %parallel_loop3A_467 = arith.mulf %parallel_loop3A_407, %parallel_loop3A_466 : vector<16xf32>
        %parallel_loop3A_468 = arith.index_cast %parallel_loop3A_279 : i32 to index
        %parallel_loop3A_469 = arith.constant 80 : index
        %parallel_loop3A_470 = tpu.vector_load %arg20[%parallel_loop3A_468, %parallel_loop3A_469] {strides = array<i32>} : memref<16x144xf32, #tpu.memory_space<vmem>>, vector<16xf32>,
        tpu.vector_store %arg20[%parallel_loop3A_468, %parallel_loop3A_469], %parallel_loop3A_467 {strides = array<i32>} : memref<16x144xf32, #tpu.memory_space<vmem>>, vector<16xf32>,
        %parallel_loop3A_471 = arith.index_cast %parallel_loop3A_279 : i32 to index
        %parallel_loop3A_472 = arith.constant 96 : index
        %parallel_loop3A_473 = tpu.vector_load %arg15[%parallel_loop3A_471, %parallel_loop3A_472] {strides = array<i32>} : memref<16x128xbf16, #tpu.memory_space<vmem>>, vector<32xbf16>,
        %parallel_loop3A_474 = tpu.unpack_subelements %parallel_loop3A_473, 0 {pack_format = #tpu.pack_format<interleaved>} : vector<32xbf16> -> vector<16xf32>
        %parallel_loop3A_475 = tpu.unpack_subelements %parallel_loop3A_473, 1 {pack_format = #tpu.pack_format<interleaved>} : vector<32xbf16> -> vector<16xf32>
        %parallel_loop3A_476 = arith.index_cast %parallel_loop3A_279 : i32 to index
        %parallel_loop3A_477 = arith.constant 224 : index
        %parallel_loop3A_478 = tpu.vector_load %arg14[%parallel_loop3A_476, %parallel_loop3A_477] {strides = array<i32>} : memref<16x256xf32, #tpu.memory_space<vmem>>, vector<16xf32>,
        %parallel_loop3A_479 = arith.addf %parallel_loop3A_478, %parallel_loop3A_474 : vector<16xf32>
        %parallel_loop3A_480 = arith.mulf %parallel_loop3A_407, %parallel_loop3A_479 : vector<16xf32>
        %parallel_loop3A_481 = arith.index_cast %parallel_loop3A_279 : i32 to index
        %parallel_loop3A_482 = arith.constant 96 : index
        %parallel_loop3A_483 = tpu.vector_load %arg20[%parallel_loop3A_481, %parallel_loop3A_482] {strides = array<i32>} : memref<16x144xf32, #tpu.memory_space<vmem>>, vector<16xf32>,
        tpu.vector_store %arg20[%parallel_loop3A_481, %parallel_loop3A_482], %parallel_loop3A_480 {strides = array<i32>} : memref<16x144xf32, #tpu.memory_space<vmem>>, vector<16xf32>,
        %parallel_loop3A_484 = arith.index_cast %parallel_loop3A_279 : i32 to index
        %parallel_loop3A_485 = arith.constant 240 : index
        %parallel_loop3A_486 = tpu.vector_load %arg14[%parallel_loop3A_484, %parallel_loop3A_485] {strides = array<i32>} : memref<16x256xf32, #tpu.memory_space<vmem>>, vector<16xf32>,
        %parallel_loop3A_487 = arith.addf %parallel_loop3A_486, %parallel_loop3A_475 : vector<16xf32>
        %parallel_loop3A_488 = arith.mulf %parallel_loop3A_407, %parallel_loop3A_487 : vector<16xf32>
        %parallel_loop3A_489 = arith.index_cast %parallel_loop3A_279 : i32 to index
        %parallel_loop3A_490 = arith.constant 112 : index
        %parallel_loop3A_491 = tpu.vector_load %arg20[%parallel_loop3A_489, %parallel_loop3A_490] {strides = array<i32>} : memref<16x144xf32, #tpu.memory_space<vmem>>, vector<16xf32>,
        tpu.vector_store %arg20[%parallel_loop3A_489, %parallel_loop3A_490], %parallel_loop3A_488 {strides = array<i32>} : memref<16x144xf32, #tpu.memory_space<vmem>>, vector<16xf32>,
        %parallel_loop3A_492 = arith.mulf %parallel_loop3A_407, %convert_element_type3A_19 : vector<16xf32>
        %parallel_loop3A_493 = arith.index_cast %parallel_loop3A_279 : i32 to index
        %parallel_loop3A_494 = arith.constant 128 : index
        %parallel_loop3A_495 = tpu.vector_load %arg20[%parallel_loop3A_493, %parallel_loop3A_494] {strides = array<i32>} : memref<16x144xf32, #tpu.memory_space<vmem>>, vector<16xf32>,
        tpu.vector_store %arg20[%parallel_loop3A_493, %parallel_loop3A_494], %parallel_loop3A_492 {strides = array<i32>} : memref<16x144xf32, #tpu.memory_space<vmem>>, vector<16xf32>,
      } {sc.loop_unroll_factor = 4 : i64, sc.parallel_access}
      %dma_start3A_222 = arith.constant 0 : i32
      %dma_start3A_223 = arith.constant 0 : i32
      %dma_start3A_224 = tpu.memref_slice %arg24[%dma_start3A_222, %dma_start3A_223] : memref<10240x144xf32, #tpu.memory_space<vmem_shared>> -> memref<10240x144xf32, #tpu.memory_space<vmem_shared>>
      tpu.enqueue_indirect_dma source(%arg20 : memref<16x144xf32, #tpu.memory_space<vmem>>) target(%dma_start3A_224 : memref<10240x144xf32, #tpu.memory_space<vmem_shared>>) offsets(%scan3A_118 : vector<16xi32>) semaphore(%arg29 : memref<!tpu.dma_semaphore, #tpu.memory_space<semaphore_mem>>) {add = true}
      %mul3A_225 = arith.constant 3 : i32
      %mul3A_226 = arith.muli %mul3A_225, %scan3A_116 : i32
      %add3A_227 = arith.constant 2 : i32
      %add3A_228 = arith.addi %mul3A_226, %add3A_227 : i32
      %add3A_229 = arith.constant 3 : i32
      %add3A_230 = arith.addi %add3A_228, %add3A_229 : i32
      %sub3A_231 = arith.constant 1 : i32
      %sub3A_232 = arith.subi %add3A_230, %sub3A_231 : i32
      %rem3A_233 = arith.constant 125 : i32
      %rem3A_234 = arith.remsi %sub3A_232, %rem3A_233 : i32
      %eq3A_235 = arith.constant 0 : i32
      %eq3A_236 = arith.cmpi eq, %rem3A_234, %eq3A_235 : i32
      %lt3A_237 = arith.constant 625 : i32
      %lt3A_238 = arith.cmpi slt, %sub3A_232, %lt3A_237 : i32
      %and3A_239 = arith.andi %eq3A_236, %lt3A_238 : i1
      %convert_element_type3A_240 = arith.extui %and3A_239 : i1 to i32
      %cond3A_241 = arith.constant 0 : i32
      %cond3A_242 = arith.cmpi ne, %convert_element_type3A_240, %cond3A_241 : i32
      scf.if %cond3A_242 {
        %jit3A = arith.constant 125 : i32
        %div3A = arith.divsi %sub3A_232, %jit3A : i32
        %sign3A = arith.constant 0 : i32
        %sign3A_279 = arith.cmpi sgt, %sub3A_232, %sign3A : i32
        %sign3A_280 = arith.extui %sign3A_279 : i1 to i32
        %sign3A_281 = arith.constant 0 : i32
        %sign3A_282 = arith.cmpi slt, %sub3A_232, %sign3A_281 : i32
        %sign3A_283 = arith.extui %sign3A_282 : i1 to i32
        %sign3A_284 = arith.subi %sign3A_280, %sign3A_283 : i32
        %sign3A_285 = arith.constant 0 : i32
        %sign3A_286 = arith.cmpi sgt, %jit3A, %sign3A_285 : i32
        %sign3A_287 = arith.extui %sign3A_286 : i1 to i32
        %sign3A_288 = arith.constant 0 : i32
        %sign3A_289 = arith.cmpi slt, %jit3A, %sign3A_288 : i32
        %sign3A_290 = arith.extui %sign3A_289 : i1 to i32
        %sign3A_291 = arith.subi %sign3A_287, %sign3A_290 : i32
        %ne3A = arith.cmpi ne, %sign3A_284, %sign3A_291 : i32
        %rem3A_292 = arith.remsi %sub3A_232, %jit3A : i32
        %ne3A_293 = arith.constant 0 : i32
        %ne3A_294 = arith.cmpi ne, %rem3A_292, %ne3A_293 : i32
        %and3A_295 = arith.andi %ne3A, %ne3A_294 : i1
        %sub3A_296 = arith.constant 1 : i32
        %sub3A_297 = arith.subi %div3A, %sub3A_296 : i32
        %select_n3A = arith.select %and3A_295, %sub3A_297, %div3A : i32
        %mul3A_298 = arith.constant 2000 : i32
        %mul3A_299 = arith.muli %select_n3A, %mul3A_298 : i32
        %add3A_300 = arith.addi %mul3A_16, %mul3A_299 : i32
        "tpu.region"() ({
          %run_scoped3A = tpu.sem_alloc : memref<!tpu.dma_semaphore, #tpu.memory_space<semaphore_mem>>
          %dma_start3A_301 = tpu.memref_slice %arg5[%add3A_300] : memref<320000xi32, #tpu.memory_space<hbm>> -> memref<2000xi32, #tpu.memory_space<hbm>>
          %dma_start3A_302 = tpu.memref_slice %arg5[%add3A_300] : memref<320000xi32, #tpu.memory_space<hbm>> -> memref<2000xi32, #tpu.memory_space<hbm>>
          tpu.enqueue_dma source(%dma_start3A_302 : memref<2000xi32, #tpu.memory_space<hbm>>) target(%arg8 : memref<2000xi32, #tpu.memory_space<vmem>>) target_semaphore(%run_scoped3A : memref<!tpu.dma_semaphore, #tpu.memory_space<semaphore_mem>>)
          %dma_wait3A_303 = tpu.memref_slice %arg5[%add3A_300] : memref<320000xi32, #tpu.memory_space<hbm>> -> memref<2000xi32, #tpu.memory_space<hbm>>
          %dma_wait3A_304 = tpu.memref_slice %arg5[%add3A_300] : memref<320000xi32, #tpu.memory_space<hbm>> -> memref<2000xi32, #tpu.memory_space<hbm>>
          tpu.wait_dma2 semaphore(%run_scoped3A : memref<!tpu.dma_semaphore, #tpu.memory_space<semaphore_mem>>) src(%dma_wait3A_304 : memref<2000xi32, #tpu.memory_space<hbm>>) dst(%arg8 : memref<2000xi32, #tpu.memory_space<vmem>>)
          tpu.yield
        }) : () -> ()
        "tpu.region"() ({
          %run_scoped3A = tpu.sem_alloc : memref<!tpu.dma_semaphore, #tpu.memory_space<semaphore_mem>>
          %dma_start3A_301 = tpu.memref_slice %arg6[%add3A_300] : memref<320000xi32, #tpu.memory_space<hbm>> -> memref<2000xi32, #tpu.memory_space<hbm>>
          %dma_start3A_302 = tpu.memref_slice %arg6[%add3A_300] : memref<320000xi32, #tpu.memory_space<hbm>> -> memref<2000xi32, #tpu.memory_space<hbm>>
          tpu.enqueue_dma source(%dma_start3A_302 : memref<2000xi32, #tpu.memory_space<hbm>>) target(%arg9 : memref<2000xi32, #tpu.memory_space<vmem>>) target_semaphore(%run_scoped3A : memref<!tpu.dma_semaphore, #tpu.memory_space<semaphore_mem>>)
          %dma_wait3A_303 = tpu.memref_slice %arg6[%add3A_300] : memref<320000xi32, #tpu.memory_space<hbm>> -> memref<2000xi32, #tpu.memory_space<hbm>>
          %dma_wait3A_304 = tpu.memref_slice %arg6[%add3A_300] : memref<320000xi32, #tpu.memory_space<hbm>> -> memref<2000xi32, #tpu.memory_space<hbm>>
          tpu.wait_dma2 semaphore(%run_scoped3A : memref<!tpu.dma_semaphore, #tpu.memory_space<semaphore_mem>>) src(%dma_wait3A_304 : memref<2000xi32, #tpu.memory_space<hbm>>) dst(%arg9 : memref<2000xi32, #tpu.memory_space<vmem>>)
          tpu.yield
        }) : () -> ()
      } else {
      }
      %rem3A_243 = arith.constant 125 : i32
      %rem3A_244 = arith.remsi %sub3A_232, %rem3A_243 : i32
      %mul3A_245 = arith.constant 16 : i32
      %mul3A_246 = arith.muli %rem3A_244, %mul3A_245 : i32
      %get3A_247 = arith.index_cast %mul3A_246 : i32 to index
      %get3A_248 = tpu.vector_load %arg8[%get3A_247] {strides = array<i32>} : memref<2000xi32, #tpu.memory_space<vmem>>, vector<16xi32>,
      %get3A_249 = arith.index_cast %mul3A_246 : i32 to index
      %get3A_250 = tpu.vector_load %arg9[%get3A_249] {strides = array<i32>} : memref<2000xi32, #tpu.memory_space<vmem>>, vector<16xi32>,
      %lt3A_251 = arith.constant 625 : i32
      %lt3A_252 = arith.cmpi slt, %sub3A_232, %lt3A_251 : i32
      %convert_element_type3A_253 = arith.extui %lt3A_252 : i1 to i32
      %cond3A_254 = arith.constant 0 : i32
      %cond3A_255 = arith.cmpi ne, %convert_element_type3A_253, %cond3A_254 : i32
      scf.if %cond3A_255 {
        %min3A = arith.constant 624 : i32
        %min3A_279 = arith.minsi %sub3A_232, %min3A : i32
        %mul3A_280 = arith.constant 16 : i32
        %mul3A_281 = arith.muli %min3A_279, %mul3A_280 : i32
        %add3A_282 = arith.addi %mul3A_16, %mul3A_281 : i32
        %dma_start3A_283 = arith.constant 0 : i32
        %dma_start3A_284 = tpu.memref_slice %arg4[%add3A_282, %dma_start3A_283] : memref<320000x128xbf16, #tpu.memory_space<hbm>> -> memref<16x128xbf16, #tpu.memory_space<hbm>>
        %dma_start3A_285 = arith.constant 0 : i32
        %dma_start3A_286 = tpu.memref_slice %arg4[%add3A_282, %dma_start3A_285] : memref<320000x128xbf16, #tpu.memory_space<hbm>> -> memref<16x128xbf16, #tpu.memory_space<hbm>>
        tpu.enqueue_dma source(%dma_start3A_286 : memref<16x128xbf16, #tpu.memory_space<hbm>>) target(%arg15 : memref<16x128xbf16, #tpu.memory_space<vmem>>) target_semaphore(%arg26 : memref<!tpu.dma_semaphore, #tpu.memory_space<semaphore_mem>>)
        %dma_start3A_287 = arith.constant 0 : i32
        %dma_start3A_288 = arith.constant 0 : i32
        %dma_start3A_289 = tpu.memref_slice %arg3[%dma_start3A_287, %dma_start3A_288] : memref<10000x256xf32, #tpu.memory_space<hbm>> -> memref<10000x256xf32, #tpu.memory_space<hbm>>
        tpu.enqueue_indirect_dma source(%dma_start3A_289 : memref<10000x256xf32, #tpu.memory_space<hbm>>) target(%arg14 : memref<16x256xf32, #tpu.memory_space<vmem>>) offsets(%get3A_248 : vector<16xi32>) semaphore(%arg26 : memref<!tpu.dma_semaphore, #tpu.memory_space<semaphore_mem>>)
        %dma_start3A_290 = arith.constant 0 : i32
        %dma_start3A_291 = arith.constant 0 : i32
        %dma_start3A_292 = tpu.memref_slice %arg2[%dma_start3A_290, %dma_start3A_291] : memref<10000x128xf32, #tpu.memory_space<hbm>> -> memref<10000x128xf32, #tpu.memory_space<hbm>>
        tpu.enqueue_indirect_dma source(%dma_start3A_292 : memref<10000x128xf32, #tpu.memory_space<hbm>>) target(%arg13 : memref<16x128xf32, #tpu.memory_space<vmem>>) offsets(%get3A_250 : vector<16xi32>) semaphore(%arg26 : memref<!tpu.dma_semaphore, #tpu.memory_space<semaphore_mem>>)
      } else {
      }
      %ge3A_256 = arith.constant 1 : i32
      %ge3A_257 = arith.cmpi sge, %scan3A_116, %ge3A_256 : i32
      %dma_wait3A_258 = arith.constant 0 : i32
      %dma_wait3A_259 = arith.constant 0 : i32
      %dma_wait3A_260 = tpu.memref_slice %arg4[%dma_wait3A_258, %dma_wait3A_259] : memref<320000x128xbf16, #tpu.memory_space<hbm>> -> memref<16x128xbf16, #tpu.memory_space<hbm>>
      %dma_wait3A_261 = arith.constant 0 : i32
      %dma_wait3A_262 = arith.constant 0 : i32
      %dma_wait3A_263 = tpu.memref_slice %arg4[%dma_wait3A_261, %dma_wait3A_262] : memref<320000x128xbf16, #tpu.memory_space<hbm>> -> memref<16x128xbf16, #tpu.memory_space<hbm>>
      tpu.wait_dma2 semaphore(%arg27 : memref<!tpu.dma_semaphore, #tpu.memory_space<semaphore_mem>>) src(%dma_wait3A_263 : memref<16x128xbf16, #tpu.memory_space<hbm>>) dst(%arg18 : memref<16x128xbf16, #tpu.memory_space<vmem>>)
      %dma_wait3A_264 = arith.constant 0 : i32
      %dma_wait3A_265 = arith.constant 0 : i32
      %dma_wait3A_266 = tpu.memref_slice %arg3[%dma_wait3A_264, %dma_wait3A_265] : memref<10000x256xf32, #tpu.memory_space<hbm>> -> memref<10000x256xf32, #tpu.memory_space<hbm>>
      tpu.wait_indirect_dma semaphore(%arg27 : memref<!tpu.dma_semaphore, #tpu.memory_space<semaphore_mem>>) src(%dma_wait3A_266 : memref<10000x256xf32, #tpu.memory_space<hbm>>) dst(%arg17 : memref<16x256xf32, #tpu.memory_space<vmem>>)
      %dma_wait3A_267 = arith.constant 0 : i32
      %dma_wait3A_268 = arith.constant 0 : i32
      %dma_wait3A_269 = tpu.memref_slice %arg2[%dma_wait3A_267, %dma_wait3A_268] : memref<10000x128xf32, #tpu.memory_space<hbm>> -> memref<10000x128xf32, #tpu.memory_space<hbm>>
      tpu.wait_indirect_dma semaphore(%arg27 : memref<!tpu.dma_semaphore, #tpu.memory_space<semaphore_mem>>) src(%dma_wait3A_269 : memref<10000x128xf32, #tpu.memory_space<hbm>>) dst(%arg16 : memref<16x128xf32, #tpu.memory_space<vmem>>)
      %convert_element_type3A_270 = arith.extui %ge3A_257 : i1 to i32
      %cond3A_271 = arith.constant 0 : i32
      %cond3A_272 = arith.cmpi ne, %convert_element_type3A_270, %cond3A_271 : i32
      scf.if %cond3A_272 {
        %dma_wait3A_279 = arith.constant 0 : i32
        %dma_wait3A_280 = arith.constant 0 : i32
        %dma_wait3A_281 = tpu.memref_slice %arg24[%dma_wait3A_279, %dma_wait3A_280] : memref<10240x144xf32, #tpu.memory_space<vmem_shared>> -> memref<10240x144xf32, #tpu.memory_space<vmem_shared>>
        tpu.wait_indirect_dma semaphore(%arg30 : memref<!tpu.dma_semaphore, #tpu.memory_space<semaphore_mem>>) src(%arg21 : memref<16x144xf32, #tpu.memory_space<vmem>>) dst(%dma_wait3A_281 : memref<10240x144xf32, #tpu.memory_space<vmem_shared>>)
      } else {
      }
      %parallel_loop3A_273 = arith.constant 0 : i32
      %parallel_loop3A_274 = arith.constant 16 : i32
      %parallel_loop3A_275 = arith.constant 1 : i32
      scf.for %parallel_loop3A_279 = %parallel_loop3A_273 to %parallel_loop3A_274 step %parallel_loop3A_275  : i32 {
        %parallel_loop3A_280 = arith.index_cast %parallel_loop3A_279 : i32 to index
        %parallel_loop3A_281 = arith.constant 0 : index
        %parallel_loop3A_282 = tpu.vector_load %arg18[%parallel_loop3A_280, %parallel_loop3A_281] {strides = array<i32>} : memref<16x128xbf16, #tpu.memory_space<vmem>>, vector<32xbf16>,
        %parallel_loop3A_283 = tpu.unpack_subelements %parallel_loop3A_282, 0 {pack_format = #tpu.pack_format<interleaved>} : vector<32xbf16> -> vector<16xf32>
        %parallel_loop3A_284 = tpu.unpack_subelements %parallel_loop3A_282, 1 {pack_format = #tpu.pack_format<interleaved>} : vector<32xbf16> -> vector<16xf32>
        %parallel_loop3A_285 = arith.index_cast %parallel_loop3A_279 : i32 to index
        %parallel_loop3A_286 = arith.constant 0 : index
        %parallel_loop3A_287 = tpu.vector_load %arg16[%parallel_loop3A_285, %parallel_loop3A_286] {strides = array<i32>} : memref<16x128xf32, #tpu.memory_space<vmem>>, vector<16xf32>,
        %parallel_loop3A_288 = arith.index_cast %parallel_loop3A_279 : i32 to index
        %parallel_loop3A_289 = arith.constant 0 : index
        %parallel_loop3A_290 = tpu.vector_load %arg17[%parallel_loop3A_288, %parallel_loop3A_289] {strides = array<i32>} : memref<16x256xf32, #tpu.memory_space<vmem>>, vector<16xf32>,
        %parallel_loop3A_291 = arith.addf %parallel_loop3A_290, %parallel_loop3A_283 : vector<16xf32>
        %parallel_loop3A_292 = arith.mulf %parallel_loop3A_287, %parallel_loop3A_291 : vector<16xf32>
        %parallel_loop3A_293 = arith.index_cast %parallel_loop3A_279 : i32 to index
        %parallel_loop3A_294 = arith.constant 16 : index
        %parallel_loop3A_295 = tpu.vector_load %arg16[%parallel_loop3A_293, %parallel_loop3A_294] {strides = array<i32>} : memref<16x128xf32, #tpu.memory_space<vmem>>, vector<16xf32>,
        %parallel_loop3A_296 = arith.index_cast %parallel_loop3A_279 : i32 to index
        %parallel_loop3A_297 = arith.constant 16 : index
        %parallel_loop3A_298 = tpu.vector_load %arg17[%parallel_loop3A_296, %parallel_loop3A_297] {strides = array<i32>} : memref<16x256xf32, #tpu.memory_space<vmem>>, vector<16xf32>,
        %parallel_loop3A_299 = arith.addf %parallel_loop3A_298, %parallel_loop3A_284 : vector<16xf32>
        %parallel_loop3A_300 = arith.mulf %parallel_loop3A_295, %parallel_loop3A_299 : vector<16xf32>
        %parallel_loop3A_301 = arith.index_cast %parallel_loop3A_279 : i32 to index
        %parallel_loop3A_302 = arith.constant 32 : index
        %parallel_loop3A_303 = tpu.vector_load %arg18[%parallel_loop3A_301, %parallel_loop3A_302] {strides = array<i32>} : memref<16x128xbf16, #tpu.memory_space<vmem>>, vector<32xbf16>,
        %parallel_loop3A_304 = tpu.unpack_subelements %parallel_loop3A_303, 0 {pack_format = #tpu.pack_format<interleaved>} : vector<32xbf16> -> vector<16xf32>
        %parallel_loop3A_305 = tpu.unpack_subelements %parallel_loop3A_303, 1 {pack_format = #tpu.pack_format<interleaved>} : vector<32xbf16> -> vector<16xf32>
        %parallel_loop3A_306 = arith.index_cast %parallel_loop3A_279 : i32 to index
        %parallel_loop3A_307 = arith.constant 32 : index
        %parallel_loop3A_308 = tpu.vector_load %arg16[%parallel_loop3A_306, %parallel_loop3A_307] {strides = array<i32>} : memref<16x128xf32, #tpu.memory_space<vmem>>, vector<16xf32>,
        %parallel_loop3A_309 = arith.index_cast %parallel_loop3A_279 : i32 to index
        %parallel_loop3A_310 = arith.constant 32 : index
        %parallel_loop3A_311 = tpu.vector_load %arg17[%parallel_loop3A_309, %parallel_loop3A_310] {strides = array<i32>} : memref<16x256xf32, #tpu.memory_space<vmem>>, vector<16xf32>,
        %parallel_loop3A_312 = arith.addf %parallel_loop3A_311, %parallel_loop3A_304 : vector<16xf32>
        %parallel_loop3A_313 = arith.mulf %parallel_loop3A_308, %parallel_loop3A_312 : vector<16xf32>
        %parallel_loop3A_314 = arith.index_cast %parallel_loop3A_279 : i32 to index
        %parallel_loop3A_315 = arith.constant 48 : index
        %parallel_loop3A_316 = tpu.vector_load %arg16[%parallel_loop3A_314, %parallel_loop3A_315] {strides = array<i32>} : memref<16x128xf32, #tpu.memory_space<vmem>>, vector<16xf32>,
        %parallel_loop3A_317 = arith.index_cast %parallel_loop3A_279 : i32 to index
        %parallel_loop3A_318 = arith.constant 48 : index
        %parallel_loop3A_319 = tpu.vector_load %arg17[%parallel_loop3A_317, %parallel_loop3A_318] {strides = array<i32>} : memref<16x256xf32, #tpu.memory_space<vmem>>, vector<16xf32>,
        %parallel_loop3A_320 = arith.addf %parallel_loop3A_319, %parallel_loop3A_305 : vector<16xf32>
        %parallel_loop3A_321 = arith.mulf %parallel_loop3A_316, %parallel_loop3A_320 : vector<16xf32>
        %parallel_loop3A_322 = arith.index_cast %parallel_loop3A_279 : i32 to index
        %parallel_loop3A_323 = arith.constant 64 : index
        %parallel_loop3A_324 = tpu.vector_load %arg18[%parallel_loop3A_322, %parallel_loop3A_323] {strides = array<i32>} : memref<16x128xbf16, #tpu.memory_space<vmem>>, vector<32xbf16>,
        %parallel_loop3A_325 = tpu.unpack_subelements %parallel_loop3A_324, 0 {pack_format = #tpu.pack_format<interleaved>} : vector<32xbf16> -> vector<16xf32>
        %parallel_loop3A_326 = tpu.unpack_subelements %parallel_loop3A_324, 1 {pack_format = #tpu.pack_format<interleaved>} : vector<32xbf16> -> vector<16xf32>
        %parallel_loop3A_327 = arith.index_cast %parallel_loop3A_279 : i32 to index
        %parallel_loop3A_328 = arith.constant 64 : index
        %parallel_loop3A_329 = tpu.vector_load %arg16[%parallel_loop3A_327, %parallel_loop3A_328] {strides = array<i32>} : memref<16x128xf32, #tpu.memory_space<vmem>>, vector<16xf32>,
        %parallel_loop3A_330 = arith.index_cast %parallel_loop3A_279 : i32 to index
        %parallel_loop3A_331 = arith.constant 64 : index
        %parallel_loop3A_332 = tpu.vector_load %arg17[%parallel_loop3A_330, %parallel_loop3A_331] {strides = array<i32>} : memref<16x256xf32, #tpu.memory_space<vmem>>, vector<16xf32>,
        %parallel_loop3A_333 = arith.addf %parallel_loop3A_332, %parallel_loop3A_325 : vector<16xf32>
        %parallel_loop3A_334 = arith.mulf %parallel_loop3A_329, %parallel_loop3A_333 : vector<16xf32>
        %parallel_loop3A_335 = arith.index_cast %parallel_loop3A_279 : i32 to index
        %parallel_loop3A_336 = arith.constant 80 : index
        %parallel_loop3A_337 = tpu.vector_load %arg16[%parallel_loop3A_335, %parallel_loop3A_336] {strides = array<i32>} : memref<16x128xf32, #tpu.memory_space<vmem>>, vector<16xf32>,
        %parallel_loop3A_338 = arith.index_cast %parallel_loop3A_279 : i32 to index
        %parallel_loop3A_339 = arith.constant 80 : index
        %parallel_loop3A_340 = tpu.vector_load %arg17[%parallel_loop3A_338, %parallel_loop3A_339] {strides = array<i32>} : memref<16x256xf32, #tpu.memory_space<vmem>>, vector<16xf32>,
        %parallel_loop3A_341 = arith.addf %parallel_loop3A_340, %parallel_loop3A_326 : vector<16xf32>
        %parallel_loop3A_342 = arith.mulf %parallel_loop3A_337, %parallel_loop3A_341 : vector<16xf32>
        %parallel_loop3A_343 = arith.index_cast %parallel_loop3A_279 : i32 to index
        %parallel_loop3A_344 = arith.constant 96 : index
        %parallel_loop3A_345 = tpu.vector_load %arg18[%parallel_loop3A_343, %parallel_loop3A_344] {strides = array<i32>} : memref<16x128xbf16, #tpu.memory_space<vmem>>, vector<32xbf16>,
        %parallel_loop3A_346 = tpu.unpack_subelements %parallel_loop3A_345, 0 {pack_format = #tpu.pack_format<interleaved>} : vector<32xbf16> -> vector<16xf32>
        %parallel_loop3A_347 = tpu.unpack_subelements %parallel_loop3A_345, 1 {pack_format = #tpu.pack_format<interleaved>} : vector<32xbf16> -> vector<16xf32>
        %parallel_loop3A_348 = arith.index_cast %parallel_loop3A_279 : i32 to index
        %parallel_loop3A_349 = arith.constant 96 : index
        %parallel_loop3A_350 = tpu.vector_load %arg16[%parallel_loop3A_348, %parallel_loop3A_349] {strides = array<i32>} : memref<16x128xf32, #tpu.memory_space<vmem>>, vector<16xf32>,
        %parallel_loop3A_351 = arith.index_cast %parallel_loop3A_279 : i32 to index
        %parallel_loop3A_352 = arith.constant 96 : index
        %parallel_loop3A_353 = tpu.vector_load %arg17[%parallel_loop3A_351, %parallel_loop3A_352] {strides = array<i32>} : memref<16x256xf32, #tpu.memory_space<vmem>>, vector<16xf32>,
        %parallel_loop3A_354 = arith.addf %parallel_loop3A_353, %parallel_loop3A_346 : vector<16xf32>
        %parallel_loop3A_355 = arith.mulf %parallel_loop3A_350, %parallel_loop3A_354 : vector<16xf32>
        %parallel_loop3A_356 = arith.index_cast %parallel_loop3A_279 : i32 to index
        %parallel_loop3A_357 = arith.constant 112 : index
        %parallel_loop3A_358 = tpu.vector_load %arg16[%parallel_loop3A_356, %parallel_loop3A_357] {strides = array<i32>} : memref<16x128xf32, #tpu.memory_space<vmem>>, vector<16xf32>,
        %parallel_loop3A_359 = arith.index_cast %parallel_loop3A_279 : i32 to index
        %parallel_loop3A_360 = arith.constant 112 : index
        %parallel_loop3A_361 = tpu.vector_load %arg17[%parallel_loop3A_359, %parallel_loop3A_360] {strides = array<i32>} : memref<16x256xf32, #tpu.memory_space<vmem>>, vector<16xf32>,
        %parallel_loop3A_362 = arith.addf %parallel_loop3A_361, %parallel_loop3A_347 : vector<16xf32>
        %parallel_loop3A_363 = arith.mulf %parallel_loop3A_358, %parallel_loop3A_362 : vector<16xf32>
        %parallel_loop3A_364 = arith.addf %parallel_loop3A_292, %parallel_loop3A_300 : vector<16xf32>
        %parallel_loop3A_365 = arith.addf %parallel_loop3A_313, %parallel_loop3A_321 : vector<16xf32>
        %parallel_loop3A_366 = arith.addf %parallel_loop3A_334, %parallel_loop3A_342 : vector<16xf32>
        %parallel_loop3A_367 = arith.addf %parallel_loop3A_355, %parallel_loop3A_363 : vector<16xf32>
        %parallel_loop3A_368 = arith.addf %parallel_loop3A_364, %parallel_loop3A_365 : vector<16xf32>
        %parallel_loop3A_369 = arith.addf %parallel_loop3A_366, %parallel_loop3A_367 : vector<16xf32>
        %parallel_loop3A_370 = arith.addf %parallel_loop3A_368, %parallel_loop3A_369 : vector<16xf32>
        %parallel_loop3A_371 = vector.broadcast %parallel_loop3A_279 : i32 to vector<16xi32>
        %parallel_loop3A_372 = arith.index_cast %parallel_loop3A_279 : i32 to index
        %parallel_loop3A_373 = arith.constant 0 : index
        %parallel_loop3A_374 = tpu.vector_load %arg23[%parallel_loop3A_372, %parallel_loop3A_373] {strides = array<i32>} : memref<16x16xf32, #tpu.memory_space<vmem>>, vector<16xf32>,
        tpu.vector_store %arg23[%parallel_loop3A_372, %parallel_loop3A_373], %parallel_loop3A_370 {strides = array<i32>} : memref<16x16xf32, #tpu.memory_space<vmem>>, vector<16xf32>,
        %parallel_loop3A_375 = arith.constant 1 : i32
        %parallel_loop3A_376 = vector.broadcast %parallel_loop3A_375 : i32 to vector<16xi32>
        %parallel_loop3A_377 = arith.xori %iota3A, %parallel_loop3A_376 : vector<16xi32>
        %parallel_loop3A_378 = tpu.vector_load_idx %arg23[%parallel_loop3A_371, %parallel_loop3A_377] : memref<16x16xf32, #tpu.memory_space<vmem>>[vector<16xi32>, vector<16xi32>], vector<16xf32>,
        %parallel_loop3A_379 = arith.addf %parallel_loop3A_370, %parallel_loop3A_378 : vector<16xf32>
        %parallel_loop3A_380 = arith.index_cast %parallel_loop3A_279 : i32 to index
        %parallel_loop3A_381 = arith.constant 0 : index
        %parallel_loop3A_382 = tpu.vector_load %arg23[%parallel_loop3A_380, %parallel_loop3A_381] {strides = array<i32>} : memref<16x16xf32, #tpu.memory_space<vmem>>, vector<16xf32>,
        tpu.vector_store %arg23[%parallel_loop3A_380, %parallel_loop3A_381], %parallel_loop3A_379 {strides = array<i32>} : memref<16x16xf32, #tpu.memory_space<vmem>>, vector<16xf32>,
        %parallel_loop3A_383 = arith.constant 2 : i32
        %parallel_loop3A_384 = vector.broadcast %parallel_loop3A_383 : i32 to vector<16xi32>
        %parallel_loop3A_385 = arith.xori %iota3A, %parallel_loop3A_384 : vector<16xi32>
        %parallel_loop3A_386 = tpu.vector_load_idx %arg23[%parallel_loop3A_371, %parallel_loop3A_385] : memref<16x16xf32, #tpu.memory_space<vmem>>[vector<16xi32>, vector<16xi32>], vector<16xf32>,
        %parallel_loop3A_387 = arith.addf %parallel_loop3A_379, %parallel_loop3A_386 : vector<16xf32>
        %parallel_loop3A_388 = arith.index_cast %parallel_loop3A_279 : i32 to index
        %parallel_loop3A_389 = arith.constant 0 : index
        %parallel_loop3A_390 = tpu.vector_load %arg23[%parallel_loop3A_388, %parallel_loop3A_389] {strides = array<i32>} : memref<16x16xf32, #tpu.memory_space<vmem>>, vector<16xf32>,
        tpu.vector_store %arg23[%parallel_loop3A_388, %parallel_loop3A_389], %parallel_loop3A_387 {strides = array<i32>} : memref<16x16xf32, #tpu.memory_space<vmem>>, vector<16xf32>,
        %parallel_loop3A_391 = arith.constant 4 : i32
        %parallel_loop3A_392 = vector.broadcast %parallel_loop3A_391 : i32 to vector<16xi32>
        %parallel_loop3A_393 = arith.xori %iota3A, %parallel_loop3A_392 : vector<16xi32>
        %parallel_loop3A_394 = tpu.vector_load_idx %arg23[%parallel_loop3A_371, %parallel_loop3A_393] : memref<16x16xf32, #tpu.memory_space<vmem>>[vector<16xi32>, vector<16xi32>], vector<16xf32>,
        %parallel_loop3A_395 = arith.addf %parallel_loop3A_387, %parallel_loop3A_394 : vector<16xf32>
        %parallel_loop3A_396 = arith.index_cast %parallel_loop3A_279 : i32 to index
        %parallel_loop3A_397 = arith.constant 0 : index
        %parallel_loop3A_398 = tpu.vector_load %arg23[%parallel_loop3A_396, %parallel_loop3A_397] {strides = array<i32>} : memref<16x16xf32, #tpu.memory_space<vmem>>, vector<16xf32>,
        tpu.vector_store %arg23[%parallel_loop3A_396, %parallel_loop3A_397], %parallel_loop3A_395 {strides = array<i32>} : memref<16x16xf32, #tpu.memory_space<vmem>>, vector<16xf32>,
        %parallel_loop3A_399 = arith.constant 8 : i32
        %parallel_loop3A_400 = vector.broadcast %parallel_loop3A_399 : i32 to vector<16xi32>
        %parallel_loop3A_401 = arith.xori %iota3A, %parallel_loop3A_400 : vector<16xi32>
        %parallel_loop3A_402 = tpu.vector_load_idx %arg23[%parallel_loop3A_371, %parallel_loop3A_401] : memref<16x16xf32, #tpu.memory_space<vmem>>[vector<16xi32>, vector<16xi32>], vector<16xf32>,
        %parallel_loop3A_403 = arith.addf %parallel_loop3A_395, %parallel_loop3A_402 : vector<16xf32>
        %parallel_loop3A_404 = arith.constant 0.0883883461 : f32
        %parallel_loop3A_405 = vector.broadcast %parallel_loop3A_404 : f32 to vector<16xf32>
        %parallel_loop3A_406 = arith.mulf %parallel_loop3A_403, %parallel_loop3A_405 : vector<16xf32>
        %parallel_loop3A_407 = math.exp %parallel_loop3A_406 : vector<16xf32>
        %parallel_loop3A_408 = arith.index_cast %parallel_loop3A_279 : i32 to index
        %parallel_loop3A_409 = arith.constant 0 : index
        %parallel_loop3A_410 = tpu.vector_load %arg18[%parallel_loop3A_408, %parallel_loop3A_409] {strides = array<i32>} : memref<16x128xbf16, #tpu.memory_space<vmem>>, vector<32xbf16>,
        %parallel_loop3A_411 = tpu.unpack_subelements %parallel_loop3A_410, 0 {pack_format = #tpu.pack_format<interleaved>} : vector<32xbf16> -> vector<16xf32>
        %parallel_loop3A_412 = tpu.unpack_subelements %parallel_loop3A_410, 1 {pack_format = #tpu.pack_format<interleaved>} : vector<32xbf16> -> vector<16xf32>
        %parallel_loop3A_413 = arith.index_cast %parallel_loop3A_279 : i32 to index
        %parallel_loop3A_414 = arith.constant 128 : index
        %parallel_loop3A_415 = tpu.vector_load %arg17[%parallel_loop3A_413, %parallel_loop3A_414] {strides = array<i32>} : memref<16x256xf32, #tpu.memory_space<vmem>>, vector<16xf32>,
        %parallel_loop3A_416 = arith.addf %parallel_loop3A_415, %parallel_loop3A_411 : vector<16xf32>
        %parallel_loop3A_417 = arith.mulf %parallel_loop3A_407, %parallel_loop3A_416 : vector<16xf32>
        %parallel_loop3A_418 = arith.index_cast %parallel_loop3A_279 : i32 to index
        %parallel_loop3A_419 = arith.constant 0 : index
        %parallel_loop3A_420 = tpu.vector_load %arg21[%parallel_loop3A_418, %parallel_loop3A_419] {strides = array<i32>} : memref<16x144xf32, #tpu.memory_space<vmem>>, vector<16xf32>,
        tpu.vector_store %arg21[%parallel_loop3A_418, %parallel_loop3A_419], %parallel_loop3A_417 {strides = array<i32>} : memref<16x144xf32, #tpu.memory_space<vmem>>, vector<16xf32>,
        %parallel_loop3A_421 = arith.index_cast %parallel_loop3A_279 : i32 to index
        %parallel_loop3A_422 = arith.constant 144 : index
        %parallel_loop3A_423 = tpu.vector_load %arg17[%parallel_loop3A_421, %parallel_loop3A_422] {strides = array<i32>} : memref<16x256xf32, #tpu.memory_space<vmem>>, vector<16xf32>,
        %parallel_loop3A_424 = arith.addf %parallel_loop3A_423, %parallel_loop3A_412 : vector<16xf32>
        %parallel_loop3A_425 = arith.mulf %parallel_loop3A_407, %parallel_loop3A_424 : vector<16xf32>
        %parallel_loop3A_426 = arith.index_cast %parallel_loop3A_279 : i32 to index
        %parallel_loop3A_427 = arith.constant 16 : index
        %parallel_loop3A_428 = tpu.vector_load %arg21[%parallel_loop3A_426, %parallel_loop3A_427] {strides = array<i32>} : memref<16x144xf32, #tpu.memory_space<vmem>>, vector<16xf32>,
        tpu.vector_store %arg21[%parallel_loop3A_426, %parallel_loop3A_427], %parallel_loop3A_425 {strides = array<i32>} : memref<16x144xf32, #tpu.memory_space<vmem>>, vector<16xf32>,
        %parallel_loop3A_429 = arith.index_cast %parallel_loop3A_279 : i32 to index
        %parallel_loop3A_430 = arith.constant 32 : index
        %parallel_loop3A_431 = tpu.vector_load %arg18[%parallel_loop3A_429, %parallel_loop3A_430] {strides = array<i32>} : memref<16x128xbf16, #tpu.memory_space<vmem>>, vector<32xbf16>,
        %parallel_loop3A_432 = tpu.unpack_subelements %parallel_loop3A_431, 0 {pack_format = #tpu.pack_format<interleaved>} : vector<32xbf16> -> vector<16xf32>
        %parallel_loop3A_433 = tpu.unpack_subelements %parallel_loop3A_431, 1 {pack_format = #tpu.pack_format<interleaved>} : vector<32xbf16> -> vector<16xf32>
        %parallel_loop3A_434 = arith.index_cast %parallel_loop3A_279 : i32 to index
        %parallel_loop3A_435 = arith.constant 160 : index
        %parallel_loop3A_436 = tpu.vector_load %arg17[%parallel_loop3A_434, %parallel_loop3A_435] {strides = array<i32>} : memref<16x256xf32, #tpu.memory_space<vmem>>, vector<16xf32>,
        %parallel_loop3A_437 = arith.addf %parallel_loop3A_436, %parallel_loop3A_432 : vector<16xf32>
        %parallel_loop3A_438 = arith.mulf %parallel_loop3A_407, %parallel_loop3A_437 : vector<16xf32>
        %parallel_loop3A_439 = arith.index_cast %parallel_loop3A_279 : i32 to index
        %parallel_loop3A_440 = arith.constant 32 : index
        %parallel_loop3A_441 = tpu.vector_load %arg21[%parallel_loop3A_439, %parallel_loop3A_440] {strides = array<i32>} : memref<16x144xf32, #tpu.memory_space<vmem>>, vector<16xf32>,
        tpu.vector_store %arg21[%parallel_loop3A_439, %parallel_loop3A_440], %parallel_loop3A_438 {strides = array<i32>} : memref<16x144xf32, #tpu.memory_space<vmem>>, vector<16xf32>,
        %parallel_loop3A_442 = arith.index_cast %parallel_loop3A_279 : i32 to index
        %parallel_loop3A_443 = arith.constant 176 : index
        %parallel_loop3A_444 = tpu.vector_load %arg17[%parallel_loop3A_442, %parallel_loop3A_443] {strides = array<i32>} : memref<16x256xf32, #tpu.memory_space<vmem>>, vector<16xf32>,
        %parallel_loop3A_445 = arith.addf %parallel_loop3A_444, %parallel_loop3A_433 : vector<16xf32>
        %parallel_loop3A_446 = arith.mulf %parallel_loop3A_407, %parallel_loop3A_445 : vector<16xf32>
        %parallel_loop3A_447 = arith.index_cast %parallel_loop3A_279 : i32 to index
        %parallel_loop3A_448 = arith.constant 48 : index
        %parallel_loop3A_449 = tpu.vector_load %arg21[%parallel_loop3A_447, %parallel_loop3A_448] {strides = array<i32>} : memref<16x144xf32, #tpu.memory_space<vmem>>, vector<16xf32>,
        tpu.vector_store %arg21[%parallel_loop3A_447, %parallel_loop3A_448], %parallel_loop3A_446 {strides = array<i32>} : memref<16x144xf32, #tpu.memory_space<vmem>>, vector<16xf32>,
        %parallel_loop3A_450 = arith.index_cast %parallel_loop3A_279 : i32 to index
        %parallel_loop3A_451 = arith.constant 64 : index
        %parallel_loop3A_452 = tpu.vector_load %arg18[%parallel_loop3A_450, %parallel_loop3A_451] {strides = array<i32>} : memref<16x128xbf16, #tpu.memory_space<vmem>>, vector<32xbf16>,
        %parallel_loop3A_453 = tpu.unpack_subelements %parallel_loop3A_452, 0 {pack_format = #tpu.pack_format<interleaved>} : vector<32xbf16> -> vector<16xf32>
        %parallel_loop3A_454 = tpu.unpack_subelements %parallel_loop3A_452, 1 {pack_format = #tpu.pack_format<interleaved>} : vector<32xbf16> -> vector<16xf32>
        %parallel_loop3A_455 = arith.index_cast %parallel_loop3A_279 : i32 to index
        %parallel_loop3A_456 = arith.constant 192 : index
        %parallel_loop3A_457 = tpu.vector_load %arg17[%parallel_loop3A_455, %parallel_loop3A_456] {strides = array<i32>} : memref<16x256xf32, #tpu.memory_space<vmem>>, vector<16xf32>,
        %parallel_loop3A_458 = arith.addf %parallel_loop3A_457, %parallel_loop3A_453 : vector<16xf32>
        %parallel_loop3A_459 = arith.mulf %parallel_loop3A_407, %parallel_loop3A_458 : vector<16xf32>
        %parallel_loop3A_460 = arith.index_cast %parallel_loop3A_279 : i32 to index
        %parallel_loop3A_461 = arith.constant 64 : index
        %parallel_loop3A_462 = tpu.vector_load %arg21[%parallel_loop3A_460, %parallel_loop3A_461] {strides = array<i32>} : memref<16x144xf32, #tpu.memory_space<vmem>>, vector<16xf32>,
        tpu.vector_store %arg21[%parallel_loop3A_460, %parallel_loop3A_461], %parallel_loop3A_459 {strides = array<i32>} : memref<16x144xf32, #tpu.memory_space<vmem>>, vector<16xf32>,
        %parallel_loop3A_463 = arith.index_cast %parallel_loop3A_279 : i32 to index
        %parallel_loop3A_464 = arith.constant 208 : index
        %parallel_loop3A_465 = tpu.vector_load %arg17[%parallel_loop3A_463, %parallel_loop3A_464] {strides = array<i32>} : memref<16x256xf32, #tpu.memory_space<vmem>>, vector<16xf32>,
        %parallel_loop3A_466 = arith.addf %parallel_loop3A_465, %parallel_loop3A_454 : vector<16xf32>
        %parallel_loop3A_467 = arith.mulf %parallel_loop3A_407, %parallel_loop3A_466 : vector<16xf32>
        %parallel_loop3A_468 = arith.index_cast %parallel_loop3A_279 : i32 to index
        %parallel_loop3A_469 = arith.constant 80 : index
        %parallel_loop3A_470 = tpu.vector_load %arg21[%parallel_loop3A_468, %parallel_loop3A_469] {strides = array<i32>} : memref<16x144xf32, #tpu.memory_space<vmem>>, vector<16xf32>,
        tpu.vector_store %arg21[%parallel_loop3A_468, %parallel_loop3A_469], %parallel_loop3A_467 {strides = array<i32>} : memref<16x144xf32, #tpu.memory_space<vmem>>, vector<16xf32>,
        %parallel_loop3A_471 = arith.index_cast %parallel_loop3A_279 : i32 to index
        %parallel_loop3A_472 = arith.constant 96 : index
        %parallel_loop3A_473 = tpu.vector_load %arg18[%parallel_loop3A_471, %parallel_loop3A_472] {strides = array<i32>} : memref<16x128xbf16, #tpu.memory_space<vmem>>, vector<32xbf16>,
        %parallel_loop3A_474 = tpu.unpack_subelements %parallel_loop3A_473, 0 {pack_format = #tpu.pack_format<interleaved>} : vector<32xbf16> -> vector<16xf32>
        %parallel_loop3A_475 = tpu.unpack_subelements %parallel_loop3A_473, 1 {pack_format = #tpu.pack_format<interleaved>} : vector<32xbf16> -> vector<16xf32>
        %parallel_loop3A_476 = arith.index_cast %parallel_loop3A_279 : i32 to index
        %parallel_loop3A_477 = arith.constant 224 : index
        %parallel_loop3A_478 = tpu.vector_load %arg17[%parallel_loop3A_476, %parallel_loop3A_477] {strides = array<i32>} : memref<16x256xf32, #tpu.memory_space<vmem>>, vector<16xf32>,
        %parallel_loop3A_479 = arith.addf %parallel_loop3A_478, %parallel_loop3A_474 : vector<16xf32>
        %parallel_loop3A_480 = arith.mulf %parallel_loop3A_407, %parallel_loop3A_479 : vector<16xf32>
        %parallel_loop3A_481 = arith.index_cast %parallel_loop3A_279 : i32 to index
        %parallel_loop3A_482 = arith.constant 96 : index
        %parallel_loop3A_483 = tpu.vector_load %arg21[%parallel_loop3A_481, %parallel_loop3A_482] {strides = array<i32>} : memref<16x144xf32, #tpu.memory_space<vmem>>, vector<16xf32>,
        tpu.vector_store %arg21[%parallel_loop3A_481, %parallel_loop3A_482], %parallel_loop3A_480 {strides = array<i32>} : memref<16x144xf32, #tpu.memory_space<vmem>>, vector<16xf32>,
        %parallel_loop3A_484 = arith.index_cast %parallel_loop3A_279 : i32 to index
        %parallel_loop3A_485 = arith.constant 240 : index
        %parallel_loop3A_486 = tpu.vector_load %arg17[%parallel_loop3A_484, %parallel_loop3A_485] {strides = array<i32>} : memref<16x256xf32, #tpu.memory_space<vmem>>, vector<16xf32>,
        %parallel_loop3A_487 = arith.addf %parallel_loop3A_486, %parallel_loop3A_475 : vector<16xf32>
        %parallel_loop3A_488 = arith.mulf %parallel_loop3A_407, %parallel_loop3A_487 : vector<16xf32>
        %parallel_loop3A_489 = arith.index_cast %parallel_loop3A_279 : i32 to index
        %parallel_loop3A_490 = arith.constant 112 : index
        %parallel_loop3A_491 = tpu.vector_load %arg21[%parallel_loop3A_489, %parallel_loop3A_490] {strides = array<i32>} : memref<16x144xf32, #tpu.memory_space<vmem>>, vector<16xf32>,
        tpu.vector_store %arg21[%parallel_loop3A_489, %parallel_loop3A_490], %parallel_loop3A_488 {strides = array<i32>} : memref<16x144xf32, #tpu.memory_space<vmem>>, vector<16xf32>,
        %parallel_loop3A_492 = arith.mulf %parallel_loop3A_407, %convert_element_type3A_19 : vector<16xf32>
        %parallel_loop3A_493 = arith.index_cast %parallel_loop3A_279 : i32 to index
        %parallel_loop3A_494 = arith.constant 128 : index
        %parallel_loop3A_495 = tpu.vector_load %arg21[%parallel_loop3A_493, %parallel_loop3A_494] {strides = array<i32>} : memref<16x144xf32, #tpu.memory_space<vmem>>, vector<16xf32>,
        tpu.vector_store %arg21[%parallel_loop3A_493, %parallel_loop3A_494], %parallel_loop3A_492 {strides = array<i32>} : memref<16x144xf32, #tpu.memory_space<vmem>>, vector<16xf32>,
      } {sc.loop_unroll_factor = 4 : i64, sc.parallel_access}
      %dma_start3A_276 = arith.constant 0 : i32
      %dma_start3A_277 = arith.constant 0 : i32
      %dma_start3A_278 = tpu.memref_slice %arg24[%dma_start3A_276, %dma_start3A_277] : memref<10240x144xf32, #tpu.memory_space<vmem_shared>> -> memref<10240x144xf32, #tpu.memory_space<vmem_shared>>
      tpu.enqueue_indirect_dma source(%arg21 : memref<16x144xf32, #tpu.memory_space<vmem>>) target(%dma_start3A_278 : memref<10240x144xf32, #tpu.memory_space<vmem_shared>>) offsets(%get3A_143 : vector<16xi32>) semaphore(%arg30 : memref<!tpu.dma_semaphore, #tpu.memory_space<semaphore_mem>>) {add = true}
      scf.yield %get3A_196, %get3A_250 : vector<16xi32>, vector<16xi32>
    }
    %scan3A_80 = arith.constant 208 : i32
    %dma_wait3A = arith.constant 0 : i32
    %dma_wait3A_81 = arith.constant 0 : i32
    %dma_wait3A_82 = tpu.memref_slice %arg4[%dma_wait3A, %dma_wait3A_81] : memref<320000x128xbf16, #tpu.memory_space<hbm>> -> memref<16x128xbf16, #tpu.memory_space<hbm>>
    %dma_wait3A_83 = arith.constant 0 : i32
    %dma_wait3A_84 = arith.constant 0 : i32
    %dma_wait3A_85 = tpu.memref_slice %arg4[%dma_wait3A_83, %dma_wait3A_84] : memref<320000x128xbf16, #tpu.memory_space<hbm>> -> memref<16x128xbf16, #tpu.memory_space<hbm>>
    tpu.wait_dma2 semaphore(%arg25 : memref<!tpu.dma_semaphore, #tpu.memory_space<semaphore_mem>>) src(%dma_wait3A_85 : memref<16x128xbf16, #tpu.memory_space<hbm>>) dst(%arg12 : memref<16x128xbf16, #tpu.memory_space<vmem>>)
    %dma_wait3A_86 = arith.constant 0 : i32
    %dma_wait3A_87 = arith.constant 0 : i32
    %dma_wait3A_88 = tpu.memref_slice %arg3[%dma_wait3A_86, %dma_wait3A_87] : memref<10000x256xf32, #tpu.memory_space<hbm>> -> memref<10000x256xf32, #tpu.memory_space<hbm>>
    tpu.wait_indirect_dma semaphore(%arg25 : memref<!tpu.dma_semaphore, #tpu.memory_space<semaphore_mem>>) src(%dma_wait3A_88 : memref<10000x256xf32, #tpu.memory_space<hbm>>) dst(%arg11 : memref<16x256xf32, #tpu.memory_space<vmem>>)
    %dma_wait3A_89 = arith.constant 0 : i32
    %dma_wait3A_90 = arith.constant 0 : i32
    %dma_wait3A_91 = tpu.memref_slice %arg2[%dma_wait3A_89, %dma_wait3A_90] : memref<10000x128xf32, #tpu.memory_space<hbm>> -> memref<10000x128xf32, #tpu.memory_space<hbm>>
    tpu.wait_indirect_dma semaphore(%arg25 : memref<!tpu.dma_semaphore, #tpu.memory_space<semaphore_mem>>) src(%dma_wait3A_91 : memref<10000x128xf32, #tpu.memory_space<hbm>>) dst(%arg10 : memref<16x128xf32, #tpu.memory_space<vmem>>)
    %cond3A_92 = arith.constant 1 : i32
    %dma_wait3A_93 = arith.constant 0 : i32
    %dma_wait3A_94 = arith.constant 0 : i32
    %dma_wait3A_95 = tpu.memref_slice %arg24[%dma_wait3A_93, %dma_wait3A_94] : memref<10240x144xf32, #tpu.memory_space<vmem_shared>> -> memref<10240x144xf32, #tpu.memory_space<vmem_shared>>
    tpu.wait_indirect_dma semaphore(%arg28 : memref<!tpu.dma_semaphore, #tpu.memory_space<semaphore_mem>>) src(%arg19 : memref<16x144xf32, #tpu.memory_space<vmem>>) dst(%dma_wait3A_95 : memref<10240x144xf32, #tpu.memory_space<vmem_shared>>)
    %parallel_loop3A = arith.constant 0 : i32
    %parallel_loop3A_96 = arith.constant 16 : i32
    %parallel_loop3A_97 = arith.constant 1 : i32
    scf.for %parallel_loop3A_116 = %parallel_loop3A to %parallel_loop3A_96 step %parallel_loop3A_97  : i32 {
      %parallel_loop3A_117 = arith.index_cast %parallel_loop3A_116 : i32 to index
      %parallel_loop3A_118 = arith.constant 0 : index
      %parallel_loop3A_119 = tpu.vector_load %arg12[%parallel_loop3A_117, %parallel_loop3A_118] {strides = array<i32>} : memref<16x128xbf16, #tpu.memory_space<vmem>>, vector<32xbf16>,
      %parallel_loop3A_120 = tpu.unpack_subelements %parallel_loop3A_119, 0 {pack_format = #tpu.pack_format<interleaved>} : vector<32xbf16> -> vector<16xf32>
      %parallel_loop3A_121 = tpu.unpack_subelements %parallel_loop3A_119, 1 {pack_format = #tpu.pack_format<interleaved>} : vector<32xbf16> -> vector<16xf32>
      %parallel_loop3A_122 = arith.index_cast %parallel_loop3A_116 : i32 to index
      %parallel_loop3A_123 = arith.constant 0 : index
      %parallel_loop3A_124 = tpu.vector_load %arg10[%parallel_loop3A_122, %parallel_loop3A_123] {strides = array<i32>} : memref<16x128xf32, #tpu.memory_space<vmem>>, vector<16xf32>,
      %parallel_loop3A_125 = arith.index_cast %parallel_loop3A_116 : i32 to index
      %parallel_loop3A_126 = arith.constant 0 : index
      %parallel_loop3A_127 = tpu.vector_load %arg11[%parallel_loop3A_125, %parallel_loop3A_126] {strides = array<i32>} : memref<16x256xf32, #tpu.memory_space<vmem>>, vector<16xf32>,
      %parallel_loop3A_128 = arith.addf %parallel_loop3A_127, %parallel_loop3A_120 : vector<16xf32>
      %parallel_loop3A_129 = arith.mulf %parallel_loop3A_124, %parallel_loop3A_128 : vector<16xf32>
      %parallel_loop3A_130 = arith.index_cast %parallel_loop3A_116 : i32 to index
      %parallel_loop3A_131 = arith.constant 16 : index
      %parallel_loop3A_132 = tpu.vector_load %arg10[%parallel_loop3A_130, %parallel_loop3A_131] {strides = array<i32>} : memref<16x128xf32, #tpu.memory_space<vmem>>, vector<16xf32>,
      %parallel_loop3A_133 = arith.index_cast %parallel_loop3A_116 : i32 to index
      %parallel_loop3A_134 = arith.constant 16 : index
      %parallel_loop3A_135 = tpu.vector_load %arg11[%parallel_loop3A_133, %parallel_loop3A_134] {strides = array<i32>} : memref<16x256xf32, #tpu.memory_space<vmem>>, vector<16xf32>,
      %parallel_loop3A_136 = arith.addf %parallel_loop3A_135, %parallel_loop3A_121 : vector<16xf32>
      %parallel_loop3A_137 = arith.mulf %parallel_loop3A_132, %parallel_loop3A_136 : vector<16xf32>
      %parallel_loop3A_138 = arith.index_cast %parallel_loop3A_116 : i32 to index
      %parallel_loop3A_139 = arith.constant 32 : index
      %parallel_loop3A_140 = tpu.vector_load %arg12[%parallel_loop3A_138, %parallel_loop3A_139] {strides = array<i32>} : memref<16x128xbf16, #tpu.memory_space<vmem>>, vector<32xbf16>,
      %parallel_loop3A_141 = tpu.unpack_subelements %parallel_loop3A_140, 0 {pack_format = #tpu.pack_format<interleaved>} : vector<32xbf16> -> vector<16xf32>
      %parallel_loop3A_142 = tpu.unpack_subelements %parallel_loop3A_140, 1 {pack_format = #tpu.pack_format<interleaved>} : vector<32xbf16> -> vector<16xf32>
      %parallel_loop3A_143 = arith.index_cast %parallel_loop3A_116 : i32 to index
      %parallel_loop3A_144 = arith.constant 32 : index
      %parallel_loop3A_145 = tpu.vector_load %arg10[%parallel_loop3A_143, %parallel_loop3A_144] {strides = array<i32>} : memref<16x128xf32, #tpu.memory_space<vmem>>, vector<16xf32>,
      %parallel_loop3A_146 = arith.index_cast %parallel_loop3A_116 : i32 to index
      %parallel_loop3A_147 = arith.constant 32 : index
      %parallel_loop3A_148 = tpu.vector_load %arg11[%parallel_loop3A_146, %parallel_loop3A_147] {strides = array<i32>} : memref<16x256xf32, #tpu.memory_space<vmem>>, vector<16xf32>,
      %parallel_loop3A_149 = arith.addf %parallel_loop3A_148, %parallel_loop3A_141 : vector<16xf32>
      %parallel_loop3A_150 = arith.mulf %parallel_loop3A_145, %parallel_loop3A_149 : vector<16xf32>
      %parallel_loop3A_151 = arith.index_cast %parallel_loop3A_116 : i32 to index
      %parallel_loop3A_152 = arith.constant 48 : index
      %parallel_loop3A_153 = tpu.vector_load %arg10[%parallel_loop3A_151, %parallel_loop3A_152] {strides = array<i32>} : memref<16x128xf32, #tpu.memory_space<vmem>>, vector<16xf32>,
      %parallel_loop3A_154 = arith.index_cast %parallel_loop3A_116 : i32 to index
      %parallel_loop3A_155 = arith.constant 48 : index
      %parallel_loop3A_156 = tpu.vector_load %arg11[%parallel_loop3A_154, %parallel_loop3A_155] {strides = array<i32>} : memref<16x256xf32, #tpu.memory_space<vmem>>, vector<16xf32>,
      %parallel_loop3A_157 = arith.addf %parallel_loop3A_156, %parallel_loop3A_142 : vector<16xf32>
      %parallel_loop3A_158 = arith.mulf %parallel_loop3A_153, %parallel_loop3A_157 : vector<16xf32>
      %parallel_loop3A_159 = arith.index_cast %parallel_loop3A_116 : i32 to index
      %parallel_loop3A_160 = arith.constant 64 : index
      %parallel_loop3A_161 = tpu.vector_load %arg12[%parallel_loop3A_159, %parallel_loop3A_160] {strides = array<i32>} : memref<16x128xbf16, #tpu.memory_space<vmem>>, vector<32xbf16>,
      %parallel_loop3A_162 = tpu.unpack_subelements %parallel_loop3A_161, 0 {pack_format = #tpu.pack_format<interleaved>} : vector<32xbf16> -> vector<16xf32>
      %parallel_loop3A_163 = tpu.unpack_subelements %parallel_loop3A_161, 1 {pack_format = #tpu.pack_format<interleaved>} : vector<32xbf16> -> vector<16xf32>
      %parallel_loop3A_164 = arith.index_cast %parallel_loop3A_116 : i32 to index
      %parallel_loop3A_165 = arith.constant 64 : index
      %parallel_loop3A_166 = tpu.vector_load %arg10[%parallel_loop3A_164, %parallel_loop3A_165] {strides = array<i32>} : memref<16x128xf32, #tpu.memory_space<vmem>>, vector<16xf32>,
      %parallel_loop3A_167 = arith.index_cast %parallel_loop3A_116 : i32 to index
      %parallel_loop3A_168 = arith.constant 64 : index
      %parallel_loop3A_169 = tpu.vector_load %arg11[%parallel_loop3A_167, %parallel_loop3A_168] {strides = array<i32>} : memref<16x256xf32, #tpu.memory_space<vmem>>, vector<16xf32>,
      %parallel_loop3A_170 = arith.addf %parallel_loop3A_169, %parallel_loop3A_162 : vector<16xf32>
      %parallel_loop3A_171 = arith.mulf %parallel_loop3A_166, %parallel_loop3A_170 : vector<16xf32>
      %parallel_loop3A_172 = arith.index_cast %parallel_loop3A_116 : i32 to index
      %parallel_loop3A_173 = arith.constant 80 : index
      %parallel_loop3A_174 = tpu.vector_load %arg10[%parallel_loop3A_172, %parallel_loop3A_173] {strides = array<i32>} : memref<16x128xf32, #tpu.memory_space<vmem>>, vector<16xf32>,
      %parallel_loop3A_175 = arith.index_cast %parallel_loop3A_116 : i32 to index
      %parallel_loop3A_176 = arith.constant 80 : index
      %parallel_loop3A_177 = tpu.vector_load %arg11[%parallel_loop3A_175, %parallel_loop3A_176] {strides = array<i32>} : memref<16x256xf32, #tpu.memory_space<vmem>>, vector<16xf32>,
      %parallel_loop3A_178 = arith.addf %parallel_loop3A_177, %parallel_loop3A_163 : vector<16xf32>
      %parallel_loop3A_179 = arith.mulf %parallel_loop3A_174, %parallel_loop3A_178 : vector<16xf32>
      %parallel_loop3A_180 = arith.index_cast %parallel_loop3A_116 : i32 to index
      %parallel_loop3A_181 = arith.constant 96 : index
      %parallel_loop3A_182 = tpu.vector_load %arg12[%parallel_loop3A_180, %parallel_loop3A_181] {strides = array<i32>} : memref<16x128xbf16, #tpu.memory_space<vmem>>, vector<32xbf16>,
      %parallel_loop3A_183 = tpu.unpack_subelements %parallel_loop3A_182, 0 {pack_format = #tpu.pack_format<interleaved>} : vector<32xbf16> -> vector<16xf32>
      %parallel_loop3A_184 = tpu.unpack_subelements %parallel_loop3A_182, 1 {pack_format = #tpu.pack_format<interleaved>} : vector<32xbf16> -> vector<16xf32>
      %parallel_loop3A_185 = arith.index_cast %parallel_loop3A_116 : i32 to index
      %parallel_loop3A_186 = arith.constant 96 : index
      %parallel_loop3A_187 = tpu.vector_load %arg10[%parallel_loop3A_185, %parallel_loop3A_186] {strides = array<i32>} : memref<16x128xf32, #tpu.memory_space<vmem>>, vector<16xf32>,
      %parallel_loop3A_188 = arith.index_cast %parallel_loop3A_116 : i32 to index
      %parallel_loop3A_189 = arith.constant 96 : index
      %parallel_loop3A_190 = tpu.vector_load %arg11[%parallel_loop3A_188, %parallel_loop3A_189] {strides = array<i32>} : memref<16x256xf32, #tpu.memory_space<vmem>>, vector<16xf32>,
      %parallel_loop3A_191 = arith.addf %parallel_loop3A_190, %parallel_loop3A_183 : vector<16xf32>
      %parallel_loop3A_192 = arith.mulf %parallel_loop3A_187, %parallel_loop3A_191 : vector<16xf32>
      %parallel_loop3A_193 = arith.index_cast %parallel_loop3A_116 : i32 to index
      %parallel_loop3A_194 = arith.constant 112 : index
      %parallel_loop3A_195 = tpu.vector_load %arg10[%parallel_loop3A_193, %parallel_loop3A_194] {strides = array<i32>} : memref<16x128xf32, #tpu.memory_space<vmem>>, vector<16xf32>,
      %parallel_loop3A_196 = arith.index_cast %parallel_loop3A_116 : i32 to index
      %parallel_loop3A_197 = arith.constant 112 : index
      %parallel_loop3A_198 = tpu.vector_load %arg11[%parallel_loop3A_196, %parallel_loop3A_197] {strides = array<i32>} : memref<16x256xf32, #tpu.memory_space<vmem>>, vector<16xf32>,
      %parallel_loop3A_199 = arith.addf %parallel_loop3A_198, %parallel_loop3A_184 : vector<16xf32>
      %parallel_loop3A_200 = arith.mulf %parallel_loop3A_195, %parallel_loop3A_199 : vector<16xf32>
      %parallel_loop3A_201 = arith.addf %parallel_loop3A_129, %parallel_loop3A_137 : vector<16xf32>
      %parallel_loop3A_202 = arith.addf %parallel_loop3A_150, %parallel_loop3A_158 : vector<16xf32>
      %parallel_loop3A_203 = arith.addf %parallel_loop3A_171, %parallel_loop3A_179 : vector<16xf32>
      %parallel_loop3A_204 = arith.addf %parallel_loop3A_192, %parallel_loop3A_200 : vector<16xf32>
      %parallel_loop3A_205 = arith.addf %parallel_loop3A_201, %parallel_loop3A_202 : vector<16xf32>
      %parallel_loop3A_206 = arith.addf %parallel_loop3A_203, %parallel_loop3A_204 : vector<16xf32>
      %parallel_loop3A_207 = arith.addf %parallel_loop3A_205, %parallel_loop3A_206 : vector<16xf32>
      %parallel_loop3A_208 = vector.broadcast %parallel_loop3A_116 : i32 to vector<16xi32>
      %parallel_loop3A_209 = arith.index_cast %parallel_loop3A_116 : i32 to index
      %parallel_loop3A_210 = arith.constant 0 : index
      %parallel_loop3A_211 = tpu.vector_load %arg23[%parallel_loop3A_209, %parallel_loop3A_210] {strides = array<i32>} : memref<16x16xf32, #tpu.memory_space<vmem>>, vector<16xf32>,
      tpu.vector_store %arg23[%parallel_loop3A_209, %parallel_loop3A_210], %parallel_loop3A_207 {strides = array<i32>} : memref<16x16xf32, #tpu.memory_space<vmem>>, vector<16xf32>,
      %parallel_loop3A_212 = arith.constant 1 : i32
      %parallel_loop3A_213 = vector.broadcast %parallel_loop3A_212 : i32 to vector<16xi32>
      %parallel_loop3A_214 = arith.xori %iota3A, %parallel_loop3A_213 : vector<16xi32>
      %parallel_loop3A_215 = tpu.vector_load_idx %arg23[%parallel_loop3A_208, %parallel_loop3A_214] : memref<16x16xf32, #tpu.memory_space<vmem>>[vector<16xi32>, vector<16xi32>], vector<16xf32>,
      %parallel_loop3A_216 = arith.addf %parallel_loop3A_207, %parallel_loop3A_215 : vector<16xf32>
      %parallel_loop3A_217 = arith.index_cast %parallel_loop3A_116 : i32 to index
      %parallel_loop3A_218 = arith.constant 0 : index
      %parallel_loop3A_219 = tpu.vector_load %arg23[%parallel_loop3A_217, %parallel_loop3A_218] {strides = array<i32>} : memref<16x16xf32, #tpu.memory_space<vmem>>, vector<16xf32>,
      tpu.vector_store %arg23[%parallel_loop3A_217, %parallel_loop3A_218], %parallel_loop3A_216 {strides = array<i32>} : memref<16x16xf32, #tpu.memory_space<vmem>>, vector<16xf32>,
      %parallel_loop3A_220 = arith.constant 2 : i32
      %parallel_loop3A_221 = vector.broadcast %parallel_loop3A_220 : i32 to vector<16xi32>
      %parallel_loop3A_222 = arith.xori %iota3A, %parallel_loop3A_221 : vector<16xi32>
      %parallel_loop3A_223 = tpu.vector_load_idx %arg23[%parallel_loop3A_208, %parallel_loop3A_222] : memref<16x16xf32, #tpu.memory_space<vmem>>[vector<16xi32>, vector<16xi32>], vector<16xf32>,
      %parallel_loop3A_224 = arith.addf %parallel_loop3A_216, %parallel_loop3A_223 : vector<16xf32>
      %parallel_loop3A_225 = arith.index_cast %parallel_loop3A_116 : i32 to index
      %parallel_loop3A_226 = arith.constant 0 : index
      %parallel_loop3A_227 = tpu.vector_load %arg23[%parallel_loop3A_225, %parallel_loop3A_226] {strides = array<i32>} : memref<16x16xf32, #tpu.memory_space<vmem>>, vector<16xf32>,
      tpu.vector_store %arg23[%parallel_loop3A_225, %parallel_loop3A_226], %parallel_loop3A_224 {strides = array<i32>} : memref<16x16xf32, #tpu.memory_space<vmem>>, vector<16xf32>,
      %parallel_loop3A_228 = arith.constant 4 : i32
      %parallel_loop3A_229 = vector.broadcast %parallel_loop3A_228 : i32 to vector<16xi32>
      %parallel_loop3A_230 = arith.xori %iota3A, %parallel_loop3A_229 : vector<16xi32>
      %parallel_loop3A_231 = tpu.vector_load_idx %arg23[%parallel_loop3A_208, %parallel_loop3A_230] : memref<16x16xf32, #tpu.memory_space<vmem>>[vector<16xi32>, vector<16xi32>], vector<16xf32>,
      %parallel_loop3A_232 = arith.addf %parallel_loop3A_224, %parallel_loop3A_231 : vector<16xf32>
      %parallel_loop3A_233 = arith.index_cast %parallel_loop3A_116 : i32 to index
      %parallel_loop3A_234 = arith.constant 0 : index
      %parallel_loop3A_235 = tpu.vector_load %arg23[%parallel_loop3A_233, %parallel_loop3A_234] {strides = array<i32>} : memref<16x16xf32, #tpu.memory_space<vmem>>, vector<16xf32>,
      tpu.vector_store %arg23[%parallel_loop3A_233, %parallel_loop3A_234], %parallel_loop3A_232 {strides = array<i32>} : memref<16x16xf32, #tpu.memory_space<vmem>>, vector<16xf32>,
      %parallel_loop3A_236 = arith.constant 8 : i32
      %parallel_loop3A_237 = vector.broadcast %parallel_loop3A_236 : i32 to vector<16xi32>
      %parallel_loop3A_238 = arith.xori %iota3A, %parallel_loop3A_237 : vector<16xi32>
      %parallel_loop3A_239 = tpu.vector_load_idx %arg23[%parallel_loop3A_208, %parallel_loop3A_238] : memref<16x16xf32, #tpu.memory_space<vmem>>[vector<16xi32>, vector<16xi32>], vector<16xf32>,
      %parallel_loop3A_240 = arith.addf %parallel_loop3A_232, %parallel_loop3A_239 : vector<16xf32>
      %parallel_loop3A_241 = arith.constant 0.0883883461 : f32
      %parallel_loop3A_242 = vector.broadcast %parallel_loop3A_241 : f32 to vector<16xf32>
      %parallel_loop3A_243 = arith.mulf %parallel_loop3A_240, %parallel_loop3A_242 : vector<16xf32>
      %parallel_loop3A_244 = math.exp %parallel_loop3A_243 : vector<16xf32>
      %parallel_loop3A_245 = arith.index_cast %parallel_loop3A_116 : i32 to index
      %parallel_loop3A_246 = arith.constant 0 : index
      %parallel_loop3A_247 = tpu.vector_load %arg12[%parallel_loop3A_245, %parallel_loop3A_246] {strides = array<i32>} : memref<16x128xbf16, #tpu.memory_space<vmem>>, vector<32xbf16>,
      %parallel_loop3A_248 = tpu.unpack_subelements %parallel_loop3A_247, 0 {pack_format = #tpu.pack_format<interleaved>} : vector<32xbf16> -> vector<16xf32>
      %parallel_loop3A_249 = tpu.unpack_subelements %parallel_loop3A_247, 1 {pack_format = #tpu.pack_format<interleaved>} : vector<32xbf16> -> vector<16xf32>
      %parallel_loop3A_250 = arith.index_cast %parallel_loop3A_116 : i32 to index
      %parallel_loop3A_251 = arith.constant 128 : index
      %parallel_loop3A_252 = tpu.vector_load %arg11[%parallel_loop3A_250, %parallel_loop3A_251] {strides = array<i32>} : memref<16x256xf32, #tpu.memory_space<vmem>>, vector<16xf32>,
      %parallel_loop3A_253 = arith.addf %parallel_loop3A_252, %parallel_loop3A_248 : vector<16xf32>
      %parallel_loop3A_254 = arith.mulf %parallel_loop3A_244, %parallel_loop3A_253 : vector<16xf32>
      %parallel_loop3A_255 = arith.index_cast %parallel_loop3A_116 : i32 to index
      %parallel_loop3A_256 = arith.constant 0 : index
      %parallel_loop3A_257 = tpu.vector_load %arg19[%parallel_loop3A_255, %parallel_loop3A_256] {strides = array<i32>} : memref<16x144xf32, #tpu.memory_space<vmem>>, vector<16xf32>,
      tpu.vector_store %arg19[%parallel_loop3A_255, %parallel_loop3A_256], %parallel_loop3A_254 {strides = array<i32>} : memref<16x144xf32, #tpu.memory_space<vmem>>, vector<16xf32>,
      %parallel_loop3A_258 = arith.index_cast %parallel_loop3A_116 : i32 to index
      %parallel_loop3A_259 = arith.constant 144 : index
      %parallel_loop3A_260 = tpu.vector_load %arg11[%parallel_loop3A_258, %parallel_loop3A_259] {strides = array<i32>} : memref<16x256xf32, #tpu.memory_space<vmem>>, vector<16xf32>,
      %parallel_loop3A_261 = arith.addf %parallel_loop3A_260, %parallel_loop3A_249 : vector<16xf32>
      %parallel_loop3A_262 = arith.mulf %parallel_loop3A_244, %parallel_loop3A_261 : vector<16xf32>
      %parallel_loop3A_263 = arith.index_cast %parallel_loop3A_116 : i32 to index
      %parallel_loop3A_264 = arith.constant 16 : index
      %parallel_loop3A_265 = tpu.vector_load %arg19[%parallel_loop3A_263, %parallel_loop3A_264] {strides = array<i32>} : memref<16x144xf32, #tpu.memory_space<vmem>>, vector<16xf32>,
      tpu.vector_store %arg19[%parallel_loop3A_263, %parallel_loop3A_264], %parallel_loop3A_262 {strides = array<i32>} : memref<16x144xf32, #tpu.memory_space<vmem>>, vector<16xf32>,
      %parallel_loop3A_266 = arith.index_cast %parallel_loop3A_116 : i32 to index
      %parallel_loop3A_267 = arith.constant 32 : index
      %parallel_loop3A_268 = tpu.vector_load %arg12[%parallel_loop3A_266, %parallel_loop3A_267] {strides = array<i32>} : memref<16x128xbf16, #tpu.memory_space<vmem>>, vector<32xbf16>,
      %parallel_loop3A_269 = tpu.unpack_subelements %parallel_loop3A_268, 0 {pack_format = #tpu.pack_format<interleaved>} : vector<32xbf16> -> vector<16xf32>
      %parallel_loop3A_270 = tpu.unpack_subelements %parallel_loop3A_268, 1 {pack_format = #tpu.pack_format<interleaved>} : vector<32xbf16> -> vector<16xf32>
      %parallel_loop3A_271 = arith.index_cast %parallel_loop3A_116 : i32 to index
      %parallel_loop3A_272 = arith.constant 160 : index
      %parallel_loop3A_273 = tpu.vector_load %arg11[%parallel_loop3A_271, %parallel_loop3A_272] {strides = array<i32>} : memref<16x256xf32, #tpu.memory_space<vmem>>, vector<16xf32>,
      %parallel_loop3A_274 = arith.addf %parallel_loop3A_273, %parallel_loop3A_269 : vector<16xf32>
      %parallel_loop3A_275 = arith.mulf %parallel_loop3A_244, %parallel_loop3A_274 : vector<16xf32>
      %parallel_loop3A_276 = arith.index_cast %parallel_loop3A_116 : i32 to index
      %parallel_loop3A_277 = arith.constant 32 : index
      %parallel_loop3A_278 = tpu.vector_load %arg19[%parallel_loop3A_276, %parallel_loop3A_277] {strides = array<i32>} : memref<16x144xf32, #tpu.memory_space<vmem>>, vector<16xf32>,
      tpu.vector_store %arg19[%parallel_loop3A_276, %parallel_loop3A_277], %parallel_loop3A_275 {strides = array<i32>} : memref<16x144xf32, #tpu.memory_space<vmem>>, vector<16xf32>,
      %parallel_loop3A_279 = arith.index_cast %parallel_loop3A_116 : i32 to index
      %parallel_loop3A_280 = arith.constant 176 : index
      %parallel_loop3A_281 = tpu.vector_load %arg11[%parallel_loop3A_279, %parallel_loop3A_280] {strides = array<i32>} : memref<16x256xf32, #tpu.memory_space<vmem>>, vector<16xf32>,
      %parallel_loop3A_282 = arith.addf %parallel_loop3A_281, %parallel_loop3A_270 : vector<16xf32>
      %parallel_loop3A_283 = arith.mulf %parallel_loop3A_244, %parallel_loop3A_282 : vector<16xf32>
      %parallel_loop3A_284 = arith.index_cast %parallel_loop3A_116 : i32 to index
      %parallel_loop3A_285 = arith.constant 48 : index
      %parallel_loop3A_286 = tpu.vector_load %arg19[%parallel_loop3A_284, %parallel_loop3A_285] {strides = array<i32>} : memref<16x144xf32, #tpu.memory_space<vmem>>, vector<16xf32>,
      tpu.vector_store %arg19[%parallel_loop3A_284, %parallel_loop3A_285], %parallel_loop3A_283 {strides = array<i32>} : memref<16x144xf32, #tpu.memory_space<vmem>>, vector<16xf32>,
      %parallel_loop3A_287 = arith.index_cast %parallel_loop3A_116 : i32 to index
      %parallel_loop3A_288 = arith.constant 64 : index
      %parallel_loop3A_289 = tpu.vector_load %arg12[%parallel_loop3A_287, %parallel_loop3A_288] {strides = array<i32>} : memref<16x128xbf16, #tpu.memory_space<vmem>>, vector<32xbf16>,
      %parallel_loop3A_290 = tpu.unpack_subelements %parallel_loop3A_289, 0 {pack_format = #tpu.pack_format<interleaved>} : vector<32xbf16> -> vector<16xf32>
      %parallel_loop3A_291 = tpu.unpack_subelements %parallel_loop3A_289, 1 {pack_format = #tpu.pack_format<interleaved>} : vector<32xbf16> -> vector<16xf32>
      %parallel_loop3A_292 = arith.index_cast %parallel_loop3A_116 : i32 to index
      %parallel_loop3A_293 = arith.constant 192 : index
      %parallel_loop3A_294 = tpu.vector_load %arg11[%parallel_loop3A_292, %parallel_loop3A_293] {strides = array<i32>} : memref<16x256xf32, #tpu.memory_space<vmem>>, vector<16xf32>,
      %parallel_loop3A_295 = arith.addf %parallel_loop3A_294, %parallel_loop3A_290 : vector<16xf32>
      %parallel_loop3A_296 = arith.mulf %parallel_loop3A_244, %parallel_loop3A_295 : vector<16xf32>
      %parallel_loop3A_297 = arith.index_cast %parallel_loop3A_116 : i32 to index
      %parallel_loop3A_298 = arith.constant 64 : index
      %parallel_loop3A_299 = tpu.vector_load %arg19[%parallel_loop3A_297, %parallel_loop3A_298] {strides = array<i32>} : memref<16x144xf32, #tpu.memory_space<vmem>>, vector<16xf32>,
      tpu.vector_store %arg19[%parallel_loop3A_297, %parallel_loop3A_298], %parallel_loop3A_296 {strides = array<i32>} : memref<16x144xf32, #tpu.memory_space<vmem>>, vector<16xf32>,
      %parallel_loop3A_300 = arith.index_cast %parallel_loop3A_116 : i32 to index
      %parallel_loop3A_301 = arith.constant 208 : index
      %parallel_loop3A_302 = tpu.vector_load %arg11[%parallel_loop3A_300, %parallel_loop3A_301] {strides = array<i32>} : memref<16x256xf32, #tpu.memory_space<vmem>>, vector<16xf32>,
      %parallel_loop3A_303 = arith.addf %parallel_loop3A_302, %parallel_loop3A_291 : vector<16xf32>
      %parallel_loop3A_304 = arith.mulf %parallel_loop3A_244, %parallel_loop3A_303 : vector<16xf32>
      %parallel_loop3A_305 = arith.index_cast %parallel_loop3A_116 : i32 to index
      %parallel_loop3A_306 = arith.constant 80 : index
      %parallel_loop3A_307 = tpu.vector_load %arg19[%parallel_loop3A_305, %parallel_loop3A_306] {strides = array<i32>} : memref<16x144xf32, #tpu.memory_space<vmem>>, vector<16xf32>,
      tpu.vector_store %arg19[%parallel_loop3A_305, %parallel_loop3A_306], %parallel_loop3A_304 {strides = array<i32>} : memref<16x144xf32, #tpu.memory_space<vmem>>, vector<16xf32>,
      %parallel_loop3A_308 = arith.index_cast %parallel_loop3A_116 : i32 to index
      %parallel_loop3A_309 = arith.constant 96 : index
      %parallel_loop3A_310 = tpu.vector_load %arg12[%parallel_loop3A_308, %parallel_loop3A_309] {strides = array<i32>} : memref<16x128xbf16, #tpu.memory_space<vmem>>, vector<32xbf16>,
      %parallel_loop3A_311 = tpu.unpack_subelements %parallel_loop3A_310, 0 {pack_format = #tpu.pack_format<interleaved>} : vector<32xbf16> -> vector<16xf32>
      %parallel_loop3A_312 = tpu.unpack_subelements %parallel_loop3A_310, 1 {pack_format = #tpu.pack_format<interleaved>} : vector<32xbf16> -> vector<16xf32>
      %parallel_loop3A_313 = arith.index_cast %parallel_loop3A_116 : i32 to index
      %parallel_loop3A_314 = arith.constant 224 : index
      %parallel_loop3A_315 = tpu.vector_load %arg11[%parallel_loop3A_313, %parallel_loop3A_314] {strides = array<i32>} : memref<16x256xf32, #tpu.memory_space<vmem>>, vector<16xf32>,
      %parallel_loop3A_316 = arith.addf %parallel_loop3A_315, %parallel_loop3A_311 : vector<16xf32>
      %parallel_loop3A_317 = arith.mulf %parallel_loop3A_244, %parallel_loop3A_316 : vector<16xf32>
      %parallel_loop3A_318 = arith.index_cast %parallel_loop3A_116 : i32 to index
      %parallel_loop3A_319 = arith.constant 96 : index
      %parallel_loop3A_320 = tpu.vector_load %arg19[%parallel_loop3A_318, %parallel_loop3A_319] {strides = array<i32>} : memref<16x144xf32, #tpu.memory_space<vmem>>, vector<16xf32>,
      tpu.vector_store %arg19[%parallel_loop3A_318, %parallel_loop3A_319], %parallel_loop3A_317 {strides = array<i32>} : memref<16x144xf32, #tpu.memory_space<vmem>>, vector<16xf32>,
      %parallel_loop3A_321 = arith.index_cast %parallel_loop3A_116 : i32 to index
      %parallel_loop3A_322 = arith.constant 240 : index
      %parallel_loop3A_323 = tpu.vector_load %arg11[%parallel_loop3A_321, %parallel_loop3A_322] {strides = array<i32>} : memref<16x256xf32, #tpu.memory_space<vmem>>, vector<16xf32>,
      %parallel_loop3A_324 = arith.addf %parallel_loop3A_323, %parallel_loop3A_312 : vector<16xf32>
      %parallel_loop3A_325 = arith.mulf %parallel_loop3A_244, %parallel_loop3A_324 : vector<16xf32>
      %parallel_loop3A_326 = arith.index_cast %parallel_loop3A_116 : i32 to index
      %parallel_loop3A_327 = arith.constant 112 : index
      %parallel_loop3A_328 = tpu.vector_load %arg19[%parallel_loop3A_326, %parallel_loop3A_327] {strides = array<i32>} : memref<16x144xf32, #tpu.memory_space<vmem>>, vector<16xf32>,
      tpu.vector_store %arg19[%parallel_loop3A_326, %parallel_loop3A_327], %parallel_loop3A_325 {strides = array<i32>} : memref<16x144xf32, #tpu.memory_space<vmem>>, vector<16xf32>,
      %parallel_loop3A_329 = arith.mulf %parallel_loop3A_244, %convert_element_type3A_19 : vector<16xf32>
      %parallel_loop3A_330 = arith.index_cast %parallel_loop3A_116 : i32 to index
      %parallel_loop3A_331 = arith.constant 128 : index
      %parallel_loop3A_332 = tpu.vector_load %arg19[%parallel_loop3A_330, %parallel_loop3A_331] {strides = array<i32>} : memref<16x144xf32, #tpu.memory_space<vmem>>, vector<16xf32>,
      tpu.vector_store %arg19[%parallel_loop3A_330, %parallel_loop3A_331], %parallel_loop3A_329 {strides = array<i32>} : memref<16x144xf32, #tpu.memory_space<vmem>>, vector<16xf32>,
    } {sc.loop_unroll_factor = 4 : i64, sc.parallel_access}
    %dma_start3A = arith.constant 0 : i32
    %dma_start3A_98 = arith.constant 0 : i32
    %dma_start3A_99 = tpu.memref_slice %arg24[%dma_start3A, %dma_start3A_98] : memref<10240x144xf32, #tpu.memory_space<vmem_shared>> -> memref<10240x144xf32, #tpu.memory_space<vmem_shared>>
    tpu.enqueue_indirect_dma source(%arg19 : memref<16x144xf32, #tpu.memory_space<vmem>>) target(%dma_start3A_99 : memref<10240x144xf32, #tpu.memory_space<vmem_shared>>) offsets(%scan3A_79#0 : vector<16xi32>) semaphore(%arg28 : memref<!tpu.dma_semaphore, #tpu.memory_space<semaphore_mem>>) {add = true}
    %dma_wait3A_100 = arith.constant 0 : i32
    %dma_wait3A_101 = arith.constant 0 : i32
    %dma_wait3A_102 = tpu.memref_slice %arg24[%dma_wait3A_100, %dma_wait3A_101] : memref<10240x144xf32, #tpu.memory_space<vmem_shared>> -> memref<10240x144xf32, #tpu.memory_space<vmem_shared>>
    tpu.wait_indirect_dma semaphore(%arg28 : memref<!tpu.dma_semaphore, #tpu.memory_space<semaphore_mem>>) src(%arg19 : memref<16x144xf32, #tpu.memory_space<vmem>>) dst(%dma_wait3A_102 : memref<10240x144xf32, #tpu.memory_space<vmem_shared>>)
    %dma_wait3A_103 = arith.constant 0 : i32
    %dma_wait3A_104 = arith.constant 0 : i32
    %dma_wait3A_105 = tpu.memref_slice %arg24[%dma_wait3A_103, %dma_wait3A_104] : memref<10240x144xf32, #tpu.memory_space<vmem_shared>> -> memref<10240x144xf32, #tpu.memory_space<vmem_shared>>
    tpu.wait_indirect_dma semaphore(%arg29 : memref<!tpu.dma_semaphore, #tpu.memory_space<semaphore_mem>>) src(%arg20 : memref<16x144xf32, #tpu.memory_space<vmem>>) dst(%dma_wait3A_105 : memref<10240x144xf32, #tpu.memory_space<vmem_shared>>)
    %dma_wait3A_106 = arith.constant 0 : i32
    %dma_wait3A_107 = arith.constant 0 : i32
    %dma_wait3A_108 = tpu.memref_slice %arg24[%dma_wait3A_106, %dma_wait3A_107] : memref<10240x144xf32, #tpu.memory_space<vmem_shared>> -> memref<10240x144xf32, #tpu.memory_space<vmem_shared>>
    tpu.wait_indirect_dma semaphore(%arg30 : memref<!tpu.dma_semaphore, #tpu.memory_space<semaphore_mem>>) src(%arg21 : memref<16x144xf32, #tpu.memory_space<vmem>>) dst(%dma_wait3A_108 : memref<10240x144xf32, #tpu.memory_space<vmem_shared>>)
    %barrier3A_109 = arith.constant 0 : index
    tpu.barrier barrier_id(%barrier3A_109)
    %scan3A_110 = arith.constant 0 : i32
    %scan3A_111 = arith.constant 0 : i32
    %scan3A_112 = arith.constant 80 : i32
    %scan3A_113 = arith.addi %scan3A_111, %scan3A_112 : i32
    %scan3A_114 = arith.constant 1 : i32
    scf.for %scan3A_116 = %scan3A_111 to %scan3A_113 step %scan3A_114  : i32 {
      %mul3A_117 = arith.constant 8 : i32
      %mul3A_118 = arith.muli %scan3A_116, %mul3A_117 : i32
      %add3A_119 = arith.addi %mul3A_6, %mul3A_118 : i32
      "tpu.region"() ({
        %run_scoped3A = tpu.sem_alloc : memref<!tpu.dma_semaphore, #tpu.memory_space<semaphore_mem>>
        %dma_start3A_120 = arith.constant 0 : i32
        %dma_start3A_121 = tpu.memref_slice %arg24[%add3A_119, %dma_start3A_120] : memref<10240x144xf32, #tpu.memory_space<vmem_shared>> -> memref<8x144xf32, #tpu.memory_space<vmem_shared>>
        %dma_start3A_122 = arith.constant 0 : i32
        %dma_start3A_123 = tpu.memref_slice %arg24[%add3A_119, %dma_start3A_122] : memref<10240x144xf32, #tpu.memory_space<vmem_shared>> -> memref<8x144xf32, #tpu.memory_space<vmem_shared>>
        tpu.enqueue_dma source(%dma_start3A_123 : memref<8x144xf32, #tpu.memory_space<vmem_shared>>) target(%arg22 : memref<8x144xf32, #tpu.memory_space<vmem>>) target_semaphore(%run_scoped3A : memref<!tpu.dma_semaphore, #tpu.memory_space<semaphore_mem>>)
        %dma_wait3A_124 = arith.constant 0 : i32
        %dma_wait3A_125 = tpu.memref_slice %arg24[%add3A_119, %dma_wait3A_124] : memref<10240x144xf32, #tpu.memory_space<vmem_shared>> -> memref<8x144xf32, #tpu.memory_space<vmem_shared>>
        %dma_wait3A_126 = arith.constant 0 : i32
        %dma_wait3A_127 = tpu.memref_slice %arg24[%add3A_119, %dma_wait3A_126] : memref<10240x144xf32, #tpu.memory_space<vmem_shared>> -> memref<8x144xf32, #tpu.memory_space<vmem_shared>>
        tpu.wait_dma2 semaphore(%run_scoped3A : memref<!tpu.dma_semaphore, #tpu.memory_space<semaphore_mem>>) src(%dma_wait3A_127 : memref<8x144xf32, #tpu.memory_space<vmem_shared>>) dst(%arg22 : memref<8x144xf32, #tpu.memory_space<vmem>>)
        tpu.yield
      }) : () -> ()
      "tpu.region"() ({
        %run_scoped3A = tpu.sem_alloc : memref<!tpu.dma_semaphore, #tpu.memory_space<semaphore_mem>>
        %dma_start3A_120 = arith.constant 0 : i32
        %dma_start3A_121 = tpu.memref_slice %arg7[%arg0, %add3A_119, %dma_start3A_120] : memref<2x10240x144xf32, #tpu.memory_space<hbm>> -> memref<1x8x144xf32, #tpu.memory_space<hbm>>
        %dma_start3A_122 = tpu.memref_squeeze %dma_start3A_121 : memref<1x8x144xf32, #tpu.memory_space<hbm>> -> memref<8x144xf32, #tpu.memory_space<hbm>>
        %dma_start3A_123 = arith.constant 0 : i32
        %dma_start3A_124 = tpu.memref_slice %arg7[%arg0, %add3A_119, %dma_start3A_123] : memref<2x10240x144xf32, #tpu.memory_space<hbm>> -> memref<1x8x144xf32, #tpu.memory_space<hbm>>
        %dma_start3A_125 = tpu.memref_squeeze %dma_start3A_124 : memref<1x8x144xf32, #tpu.memory_space<hbm>> -> memref<8x144xf32, #tpu.memory_space<hbm>>
        tpu.enqueue_dma source(%arg22 : memref<8x144xf32, #tpu.memory_space<vmem>>) target(%dma_start3A_125 : memref<8x144xf32, #tpu.memory_space<hbm>>) target_semaphore(%run_scoped3A : memref<!tpu.dma_semaphore, #tpu.memory_space<semaphore_mem>>)
        %dma_wait3A_126 = arith.constant 0 : i32
        %dma_wait3A_127 = tpu.memref_slice %arg7[%arg0, %add3A_119, %dma_wait3A_126] : memref<2x10240x144xf32, #tpu.memory_space<hbm>> -> memref<1x8x144xf32, #tpu.memory_space<hbm>>
        %dma_wait3A_128 = tpu.memref_squeeze %dma_wait3A_127 : memref<1x8x144xf32, #tpu.memory_space<hbm>> -> memref<8x144xf32, #tpu.memory_space<hbm>>
        %dma_wait3A_129 = arith.constant 0 : i32
        %dma_wait3A_130 = tpu.memref_slice %arg7[%arg0, %add3A_119, %dma_wait3A_129] : memref<2x10240x144xf32, #tpu.memory_space<hbm>> -> memref<1x8x144xf32, #tpu.memory_space<hbm>>
        %dma_wait3A_131 = tpu.memref_squeeze %dma_wait3A_130 : memref<1x8x144xf32, #tpu.memory_space<hbm>> -> memref<8x144xf32, #tpu.memory_space<hbm>>
        tpu.wait_dma2 semaphore(%run_scoped3A : memref<!tpu.dma_semaphore, #tpu.memory_space<semaphore_mem>>) src(%arg22 : memref<8x144xf32, #tpu.memory_space<vmem>>) dst(%dma_wait3A_131 : memref<8x144xf32, #tpu.memory_space<hbm>>)
        tpu.yield
      }) : () -> ()
    }
    %scan3A_115 = arith.constant 80 : i32
    return
  }
}

module attributes {stable_mosaic.version = 14 : i64} {
  func.func @_eproj_body(%arg0: i32, %arg1: memref<20000x44xf32, #tpu.memory_space<vmem>>, %arg2: memref<44x128xf32, #tpu.memory_space<vmem>>, %arg3: memref<20000x128xbf16, #tpu.memory_space<vmem>>) attributes {dimension_semantics = [#tpu.dimension_semantics<arbitrary>], iteration_bounds = array<i64: 16>, scalar_prefetch = 0 : i64, scratch_operands = 0 : i64, tpu.core_type = #tpu.core_type<tc>, window_params = [{transform_indices = @transform_0, window_bounds = array<i64: 20000, 44>}, {pipeline_mode = #tpu.pipeline_mode<synchronous>, transform_indices = @transform_1, window_bounds = array<i64: 44, 128>}, {transform_indices = @transform_2, window_bounds = array<i64: 20000, 128>}]} {
    %get3A = arith.constant 0 : index
    %get3A_0 = arith.constant 0 : index
    %get3A_1 = vector.load %arg1[%get3A, %get3A_0] : memref<20000x44xf32, #tpu.memory_space<vmem>>, vector<20000x44xf32>
    %get3A_2 = arith.constant 0 : index
    %get3A_3 = arith.constant 0 : index
    %get3A_4 = vector.load %arg2[%get3A_2, %get3A_3] : memref<44x128xf32, #tpu.memory_space<vmem>>, vector<44x128xf32>
    %dot_general3A = arith.constant dense<0.000000e+00> : vector<20000x128xf32>
    %dot_general3A_5 = tpu.matmul %get3A_1, %get3A_4, %dot_general3A {dimension_numbers = #tpu.dot_dimension_numbers<[1], [0], [0], [1], [0, 0, 1, 1], [], []>, transpose_lhs_hint = false} : vector<20000x44xf32>, vector<44x128xf32>, vector<20000x128xf32> -> vector<20000x128xf32>
    %convert_element_type3A = arith.truncf %dot_general3A_5 : vector<20000x128xf32> to vector<20000x128xbf16>
    %swap3A = arith.constant 0 : index
    %swap3A_6 = arith.constant 0 : index
    %swap3A_7 = vector.load %arg3[%swap3A, %swap3A_6] : memref<20000x128xbf16, #tpu.memory_space<vmem>>, vector<20000x128xbf16>
    tpu.vector_store %arg3[%swap3A, %swap3A_6], %convert_element_type3A {strides = array<i32>} : memref<20000x128xbf16, #tpu.memory_space<vmem>>, vector<20000x128xbf16>,
    return
  }
  func.func @transform_0(%arg0: i32) -> (i32, i32) {
    %c0_i32 = arith.constant 0 : i32
    %c0_i32_0 = arith.constant 0 : i32
    return %arg0, %c0_i32 : i32, i32
  }
  func.func @transform_1(%arg0: i32) -> (i32, i32) {
    %c0_i32 = arith.constant 0 : i32
    %c0_i32_0 = arith.constant 0 : i32
    %c0_i32_1 = arith.constant 0 : i32
    return %c0_i32, %c0_i32_0 : i32, i32
  }
  func.func @transform_2(%arg0: i32) -> (i32, i32) {
    %c0_i32 = arith.constant 0 : i32
    %c0_i32_0 = arith.constant 0 : i32
    return %arg0, %c0_i32 : i32, i32
  }
}

module attributes {stable_mosaic.version = 14 : i64} {
  func.func @_proj_body(%arg0: i32, %arg1: memref<1000x128xf32, #tpu.memory_space<vmem>>, %arg2: memref<128x128xf32, #tpu.memory_space<vmem>>, %arg3: memref<1x128xf32, #tpu.memory_space<vmem>>, %arg4: memref<128x256xf32, #tpu.memory_space<vmem>>, %arg5: memref<1x256xf32, #tpu.memory_space<vmem>>, %arg6: memref<128x128xf32, #tpu.memory_space<vmem>>, %arg7: memref<1x128xf32, #tpu.memory_space<vmem>>, %arg8: memref<1000x128xf32, #tpu.memory_space<vmem>>, %arg9: memref<1000x256xf32, #tpu.memory_space<vmem>>, %arg10: memref<1000x128xf32, #tpu.memory_space<vmem>>) attributes {dimension_semantics = [#tpu.dimension_semantics<arbitrary>], iteration_bounds = array<i64: 10>, scalar_prefetch = 0 : i64, scratch_operands = 0 : i64, tpu.core_type = #tpu.core_type<tc>, window_params = [{transform_indices = @transform_0, window_bounds = array<i64: 1000, 128>}, {pipeline_mode = #tpu.pipeline_mode<synchronous>, transform_indices = @transform_1, window_bounds = array<i64: 128, 128>}, {pipeline_mode = #tpu.pipeline_mode<synchronous>, transform_indices = @transform_2, window_bounds = array<i64: 1, 128>}, {pipeline_mode = #tpu.pipeline_mode<synchronous>, transform_indices = @transform_3, window_bounds = array<i64: 128, 256>}, {pipeline_mode = #tpu.pipeline_mode<synchronous>, transform_indices = @transform_4, window_bounds = array<i64: 1, 256>}, {pipeline_mode = #tpu.pipeline_mode<synchronous>, transform_indices = @transform_5, window_bounds = array<i64: 128, 128>}, {pipeline_mode = #tpu.pipeline_mode<synchronous>, transform_indices = @transform_6, window_bounds = array<i64: 1, 128>}, {transform_indices = @transform_7, window_bounds = array<i64: 1000, 128>}, {transform_indices = @transform_8, window_bounds = array<i64: 1000, 256>}, {transform_indices = @transform_9, window_bounds = array<i64: 1000, 128>}]} {
    %get3A = arith.constant 0 : index
    %get3A_0 = arith.constant 0 : index
    %get3A_1 = vector.load %arg1[%get3A, %get3A_0] : memref<1000x128xf32, #tpu.memory_space<vmem>>, vector<1000x128xf32>
    %get3A_2 = arith.constant 0 : index
    %get3A_3 = arith.constant 0 : index
    %get3A_4 = vector.load %arg2[%get3A_2, %get3A_3] : memref<128x128xf32, #tpu.memory_space<vmem>>, vector<128x128xf32>
    %dot_general3A = arith.constant dense<0.000000e+00> : vector<1000x128xf32>
    %dot_general3A_5 = tpu.matmul %get3A_1, %get3A_4, %dot_general3A {dimension_numbers = #tpu.dot_dimension_numbers<[1], [0], [0], [1], [0, 0, 1, 1], [], []>, transpose_lhs_hint = false} : vector<1000x128xf32>, vector<128x128xf32>, vector<1000x128xf32> -> vector<1000x128xf32>
    %get3A_6 = arith.constant 0 : index
    %get3A_7 = arith.constant 0 : index
    %get3A_8 = vector.load %arg3[%get3A_6, %get3A_7] : memref<1x128xf32, #tpu.memory_space<vmem>>, vector<1x128xf32>
    %add3A = vector.broadcast %get3A_8 : vector<1x128xf32> to vector<1000x128xf32>
    %add3A_9 = arith.addf %dot_general3A_5, %add3A : vector<1000x128xf32>
    %swap3A = arith.constant 0 : index
    %swap3A_10 = arith.constant 0 : index
    %swap3A_11 = vector.load %arg8[%swap3A, %swap3A_10] : memref<1000x128xf32, #tpu.memory_space<vmem>>, vector<1000x128xf32>
    tpu.vector_store %arg8[%swap3A, %swap3A_10], %add3A_9 {strides = array<i32>} : memref<1000x128xf32, #tpu.memory_space<vmem>>, vector<1000x128xf32>,
    %get3A_12 = arith.constant 0 : index
    %get3A_13 = arith.constant 0 : index
    %get3A_14 = vector.load %arg4[%get3A_12, %get3A_13] : memref<128x256xf32, #tpu.memory_space<vmem>>, vector<128x256xf32>
    %dot_general3A_15 = arith.constant dense<0.000000e+00> : vector<1000x256xf32>
    %dot_general3A_16 = tpu.matmul %get3A_1, %get3A_14, %dot_general3A_15 {dimension_numbers = #tpu.dot_dimension_numbers<[1], [0], [0], [1], [0, 0, 1, 1], [], []>, transpose_lhs_hint = false} : vector<1000x128xf32>, vector<128x256xf32>, vector<1000x256xf32> -> vector<1000x256xf32>
    %get3A_17 = arith.constant 0 : index
    %get3A_18 = arith.constant 0 : index
    %get3A_19 = vector.load %arg5[%get3A_17, %get3A_18] : memref<1x256xf32, #tpu.memory_space<vmem>>, vector<1x256xf32>
    %add3A_20 = vector.broadcast %get3A_19 : vector<1x256xf32> to vector<1000x256xf32>
    %add3A_21 = arith.addf %dot_general3A_16, %add3A_20 : vector<1000x256xf32>
    %swap3A_22 = arith.constant 0 : index
    %swap3A_23 = arith.constant 0 : index
    %swap3A_24 = vector.load %arg9[%swap3A_22, %swap3A_23] : memref<1000x256xf32, #tpu.memory_space<vmem>>, vector<1000x256xf32>
    tpu.vector_store %arg9[%swap3A_22, %swap3A_23], %add3A_21 {strides = array<i32>} : memref<1000x256xf32, #tpu.memory_space<vmem>>, vector<1000x256xf32>,
    %get3A_25 = arith.constant 0 : index
    %get3A_26 = arith.constant 0 : index
    %get3A_27 = vector.load %arg6[%get3A_25, %get3A_26] : memref<128x128xf32, #tpu.memory_space<vmem>>, vector<128x128xf32>
    %dot_general3A_28 = arith.constant dense<0.000000e+00> : vector<1000x128xf32>
    %dot_general3A_29 = tpu.matmul %get3A_1, %get3A_27, %dot_general3A_28 {dimension_numbers = #tpu.dot_dimension_numbers<[1], [0], [0], [1], [0, 0, 1, 1], [], []>, transpose_lhs_hint = false} : vector<1000x128xf32>, vector<128x128xf32>, vector<1000x128xf32> -> vector<1000x128xf32>
    %get3A_30 = arith.constant 0 : index
    %get3A_31 = arith.constant 0 : index
    %get3A_32 = vector.load %arg7[%get3A_30, %get3A_31] : memref<1x128xf32, #tpu.memory_space<vmem>>, vector<1x128xf32>
    %add3A_33 = vector.broadcast %get3A_32 : vector<1x128xf32> to vector<1000x128xf32>
    %add3A_34 = arith.addf %dot_general3A_29, %add3A_33 : vector<1000x128xf32>
    %swap3A_35 = arith.constant 0 : index
    %swap3A_36 = arith.constant 0 : index
    %swap3A_37 = vector.load %arg10[%swap3A_35, %swap3A_36] : memref<1000x128xf32, #tpu.memory_space<vmem>>, vector<1000x128xf32>
    tpu.vector_store %arg10[%swap3A_35, %swap3A_36], %add3A_34 {strides = array<i32>} : memref<1000x128xf32, #tpu.memory_space<vmem>>, vector<1000x128xf32>,
    return
  }
  func.func @transform_0(%arg0: i32) -> (i32, i32) {
    %c0_i32 = arith.constant 0 : i32
    %c0_i32_0 = arith.constant 0 : i32
    return %arg0, %c0_i32 : i32, i32
  }
  func.func @transform_1(%arg0: i32) -> (i32, i32) {
    %c0_i32 = arith.constant 0 : i32
    %c0_i32_0 = arith.constant 0 : i32
    %c0_i32_1 = arith.constant 0 : i32
    return %c0_i32, %c0_i32_0 : i32, i32
  }
  func.func @transform_2(%arg0: i32) -> (i32, i32) {
    %c0_i32 = arith.constant 0 : i32
    %c0_i32_0 = arith.constant 0 : i32
    %c0_i32_1 = arith.constant 0 : i32
    return %c0_i32, %c0_i32_0 : i32, i32
  }
  func.func @transform_3(%arg0: i32) -> (i32, i32) {
    %c0_i32 = arith.constant 0 : i32
    %c0_i32_0 = arith.constant 0 : i32
    %c0_i32_1 = arith.constant 0 : i32
    return %c0_i32, %c0_i32_0 : i32, i32
  }
  func.func @transform_4(%arg0: i32) -> (i32, i32) {
    %c0_i32 = arith.constant 0 : i32
    %c0_i32_0 = arith.constant 0 : i32
    %c0_i32_1 = arith.constant 0 : i32
    return %c0_i32, %c0_i32_0 : i32, i32
  }
  func.func @transform_5(%arg0: i32) -> (i32, i32) {
    %c0_i32 = arith.constant 0 : i32
    %c0_i32_0 = arith.constant 0 : i32
    %c0_i32_1 = arith.constant 0 : i32
    return %c0_i32, %c0_i32_0 : i32, i32
  }
  func.func @transform_6(%arg0: i32) -> (i32, i32) {
    %c0_i32 = arith.constant 0 : i32
    %c0_i32_0 = arith.constant 0 : i32
    %c0_i32_1 = arith.constant 0 : i32
    return %c0_i32, %c0_i32_0 : i32, i32
  }
  func.func @transform_7(%arg0: i32) -> (i32, i32) {
    %c0_i32 = arith.constant 0 : i32
    %c0_i32_0 = arith.constant 0 : i32
    return %arg0, %c0_i32 : i32, i32
  }
  func.func @transform_8(%arg0: i32) -> (i32, i32) {
    %c0_i32 = arith.constant 0 : i32
    %c0_i32_0 = arith.constant 0 : i32
    return %arg0, %c0_i32 : i32, i32
  }
  func.func @transform_9(%arg0: i32) -> (i32, i32) {
    %c0_i32 = arith.constant 0 : i32
    %c0_i32_0 = arith.constant 0 : i32
    return %arg0, %c0_i32 : i32, i32
  }
}

module attributes {stable_mosaic.version = 14 : i64} {
  func.func @_combine_body(%arg0: i32, %arg1: memref<2x1000x144xf32, #tpu.memory_space<vmem>>, %arg2: memref<1000x128xf32, #tpu.memory_space<vmem>>, %arg3: memref<1000x128xf32, #tpu.memory_space<vmem>>) attributes {dimension_semantics = [#tpu.dimension_semantics<arbitrary>], iteration_bounds = array<i64: 10>, scalar_prefetch = 0 : i64, scratch_operands = 0 : i64, tpu.core_type = #tpu.core_type<tc>, window_params = [{transform_indices = @transform_0, window_bounds = array<i64: 2, 1000, 144>}, {transform_indices = @transform_1, window_bounds = array<i64: 1000, 128>}, {transform_indices = @transform_2, window_bounds = array<i64: 1000, 128>}]} {
    %get3A = arith.constant 0 : index
    %get3A_0 = arith.constant 0 : index
    %get3A_1 = arith.constant 0 : index
    %get3A_2 = vector.load %arg1[%get3A, %get3A_0, %get3A_1] : memref<2x1000x144xf32, #tpu.memory_space<vmem>>, vector<1x1000x144xf32>
    %get3A_3 = vector.shape_cast %get3A_2 : vector<1x1000x144xf32> to vector<1000x144xf32>
    %get3A_4 = arith.constant 1 : index
    %get3A_5 = arith.constant 0 : index
    %get3A_6 = arith.constant 0 : index
    %get3A_7 = vector.load %arg1[%get3A_4, %get3A_5, %get3A_6] : memref<2x1000x144xf32, #tpu.memory_space<vmem>>, vector<1x1000x144xf32>
    %get3A_8 = vector.shape_cast %get3A_7 : vector<1x1000x144xf32> to vector<1000x144xf32>
    %add3A = arith.addf %get3A_3, %get3A_8 : vector<1000x144xf32>
    %slice3A = vector.extract_strided_slice %add3A {offsets = [0, 0], sizes = [1000, 128], strides = [1, 1]} : vector<1000x144xf32> to vector<1000x128xf32>
    %slice3A_9 = vector.extract_strided_slice %add3A {offsets = [0, 128], sizes = [1000, 1], strides = [1, 1]} : vector<1000x144xf32> to vector<1000x1xf32>
    %gt3A = arith.constant 0.000000e+00 : f32
    %gt3A_10 = vector.broadcast %gt3A : f32 to vector<1000x1xf32>
    %gt3A_11 = arith.cmpf ogt, %slice3A_9, %gt3A_10 : vector<1000x1xf32>
    %jit3A = arith.constant 1.000000e+00 : f32
    %broadcast_in_dim3A = vector.broadcast %jit3A : f32 to vector<1000x1xf32>
    %select_n3A = arith.select %gt3A_11, %slice3A_9, %broadcast_in_dim3A : vector<1000x1xi1>, vector<1000x1xf32>
    %div3A = vector.broadcast %select_n3A : vector<1000x1xf32> to vector<1000x128xf32>
    %div3A_12 = arith.divf %slice3A, %div3A : vector<1000x128xf32>
    %get3A_13 = arith.constant 0 : index
    %get3A_14 = arith.constant 0 : index
    %get3A_15 = vector.load %arg2[%get3A_13, %get3A_14] : memref<1000x128xf32, #tpu.memory_space<vmem>>, vector<1000x128xf32>
    %add3A_16 = arith.addf %div3A_12, %get3A_15 : vector<1000x128xf32>
    %swap3A = arith.constant 0 : index
    %swap3A_17 = arith.constant 0 : index
    %swap3A_18 = vector.load %arg3[%swap3A, %swap3A_17] : memref<1000x128xf32, #tpu.memory_space<vmem>>, vector<1000x128xf32>
    tpu.vector_store %arg3[%swap3A, %swap3A_17], %add3A_16 {strides = array<i32>} : memref<1000x128xf32, #tpu.memory_space<vmem>>, vector<1000x128xf32>,
    return
  }
  func.func @transform_0(%arg0: i32) -> (i32, i32, i32) {
    %c0_i32 = arith.constant 0 : i32
    %c0_i32_0 = arith.constant 0 : i32
    %c0_i32_1 = arith.constant 0 : i32
    return %c0_i32, %arg0, %c0_i32_0 : i32, i32, i32
  }
  func.func @transform_1(%arg0: i32) -> (i32, i32) {
    %c0_i32 = arith.constant 0 : i32
    %c0_i32_0 = arith.constant 0 : i32
    return %arg0, %c0_i32 : i32, i32
  }
  func.func @transform_2(%arg0: i32) -> (i32, i32) {
    %c0_i32 = arith.constant 0 : i32
    %c0_i32_0 = arith.constant 0 : i32
    return %arg0, %c0_i32 : i32, i32
  }
}

</mosaic_0001>

<sc_bundles>
// kernel: kernel.6.cloned.1.call-start
scs
__scs_entry_jumppad:
0x0: {  	(pc) =	sbr.rel $0x88, $3  }
0x1: {  	(tag) =	ssettag $0x0;
	lr =	simm.s32 $0x1  }
0x2: {  	[smem:$0x3F95] =	sst lr;
	_ =	strace $0xD0000000  }
0x3: {  	_ = 	snop  }
0x4: {  	_ = 	snop  }
0x5: {  	_ = 	snop  }
0x6: {  	_ = 	snop  }
0x7: {  	_ = 	snop  }
__scs_overlays_trampoline_lowered:
0x8: {  	[smem:$0x3FA4] =	sst s0  }
0x9: {  	[smem:$0x3FA5] =	sst s1  }
0xa: {  	[smem:$0x3FA6] =	sst s2  }
0xb: {  	[smem:$0x3FA7] =	sst s3  }
0xc: {  	[smem:$0x3FA8] =	sst s4  }
0xd: {  	[smem:$0x3FA9] =	sst s5  }
0xe: {  	[smem:$0x3FAA] =	sst s6  }
0xf: {  	[smem:$0x3FAB] =	sst s7  }
0x10: {  	[smem:$0x3FAC] =	sst s8  }
0x11: {  	[smem:$0x3FAD] =	sst s9;
	s0 =	simm.s32 @!p0 $0x0  }
0x12: {  	s1 =	sld [smem:$0x3F93];
	s0 =	simm.s32 @p0 $0x1  }
0x13: {  	[smem:$0x3FAE] =	sst s0;
	s0 =	simm.s32 @!p1 $0x0  }
0x14: {  	s2 =	sld [smem:$0x3F92];
	s0 =	simm.s32 @p1 $0x1  }
0x15: {  	[smem:$0x3FAF] =	sst s0;
	s0 =	simm.s32 @!p2 $0x0  }
0x16: {  	s3 =	sld [smem:$0x3FDB];
	s0 =	simm.s32 @p2 $0x1  }
0x17: {  	s4 =	simm.s32 $0x1BF5;
	[smem:$0x3FB1] =	sst s0  }
0x18: {  	s0 =	sld [smem:$0x3F94];
	_ =	swait.ge [sflag:s4], $0x0  }
0x19: {  	s7 =	sld [smem:$0x3F95]  }
0x1a: {  	s8 =	sadd.s32 $0xFFFFE003, lr  }
0x1b: {  	s9 =	sadd.s32 $0xFFFFFEF7, lr;
	s5 =	simm.s32 $0xFFFFFFFF;
	p2 =	slt.u32 s8, $0xFFFFF086  }
0x1c: {  	p1 =	slt.u32 s9, $0xF7A;
	s5 =	simm.s32 @!p2 $0x0  }
0x1d: {  	s5 =	simm.s32 @p1 $0x1;
	p0 =	seq.s32 s7, s2  }
0x1e: {  	s7 =	smul.u32 @!p0 $0xF7A, s2;
	p2 =	seq.s32 @!p0 s5, $0x0  }
0x1f: {  	s9 =	smul.u32 $0xF7A, s1;
	s8 =	simm.s32 @!p0 $0x1BF5;
	p2 =	por !p2, p0  }
0x20: {  	[sflag:s8] =	ssyncset.s32 @!p0 $0xFFFFF086;
	s6 =	sadd.s32 @!p0 s3, s7;
	s7 =	simm.s32 @!p0 $0x108  }
0x21: {  	s3 =	sadd.s32 s3, s9;
	s6 =	sadd.s32 @!p0 $0x88, s6;
	s7 =	simm.s32 @p2 $0x1082  }
0x22: {  	[simem:s7], [sflag:s8] =	dma.local @!p0 [hbm:s6], $0xF7A  }
0x23: {  	s9 =	sor.u32 $0xD0000000, s2;
	s6 =	simm.s32 $0x108;
	_ =	swait.ge @!p0 [sflag:s8], $0x0  }
0x24: {  	s3 =	sadd.s32 $0x88, s3;
	s6 =	simm.s32 @!p1 $0x1082;
	[sflag:s4] =	ssyncset.s32 $0xFFFFF086  }
0x25: {  	[simem:s6], [sflag:s4] =	dma.local [hbm:s3], $0xF7A  }
0x26: {  	[smem:$0x3F95] =	sst s1;
	(tag) =	ssettag s2;
	_ =	strace s9  }
0x27: {  	s1 =	sld [smem:$0x3FA5]  }
0x28: {  	s2 =	sld [smem:$0x3FA6]  }
0x29: {  	s4 =	sld [smem:$0x3FA8]  }
0x2a: {  	p0 =	seq.s32 s5, $0x0;
	s5 =	sld [smem:$0x3FA9]  }
0x2b: {  	s6 =	sld [smem:$0x3FAA]  }
0x2c: {  	s7 =	sld [smem:$0x3FAB]  }
0x2d: {  	s3 =	simm.s32 $0x108;
	s8 =	sld [smem:$0x3FAC]  }
0x2e: {  	s3 =	simm.s32 @!p0 $0x1082;
	s9 =	sld [smem:$0x3FAD]  }
0x2f: {  	lr =	sadd.s32 s0, s3;
	s0 =	sld [smem:$0x3FA4]  }
0x30: {  	s3 =	sld [smem:$0x3FA7]  }
0x31: {  	[smem:$0x3FB0] =	sst s10  }
0x32: {  	s10 =	sld [smem:$0x3FAE];
	_ =	sdelay $0x3  }
0x33: {  	p0 =	seq.s32 s10, $0x1;
	s10 =	sld [smem:$0x3FB0];
	_ =	sdelay $0x3  }
0x34: {  	[smem:$0x3FB0] =	sst s10  }
0x35: {  	s10 =	sld [smem:$0x3FAF];
	_ =	sdelay $0x3  }
0x36: {  	p1 =	seq.s32 s10, $0x1;
	s10 =	sld [smem:$0x3FB0];
	_ =	sdelay $0x3  }
0x37: {  	[smem:$0x3FB0] =	sst s10  }
0x38: {  	s10 =	sld [smem:$0x3FB1]  }
0x39: {  	_ = 	snop;
	(pc) =	sbr.ind lr, $3  }
0x3a: {  	_ = 	snop  }
0x3b: {  	_ = 	snop  }
0x3c: {  	p2 =	seq.s32 s10, $0x1;
	s10 =	sld [smem:$0x3FB0]  }
0x3d: {  	_ =	shalt  }
0x3e: {  	_ =	shalt  }
0x3f: {  	_ =	shalt  }
0x40: {  	_ =	shalt  }
0x41: {  	_ =	shalt  }
0x42: {  	_ =	shalt  }
0x43: {  	_ =	shalt  }
0x44: {  	_ =	shalt  }
0x45: {  	_ =	shalt  }
0x46: {  	_ =	shalt  }
0x47: {  	_ =	shalt  }
0x48: {  	_ =	shalt  }
0x49: {  	_ =	shalt  }
0x4a: {  	_ =	shalt  }
0x4b: {  	_ =	shalt  }
0x4c: {  	_ =	shalt  }
0x4d: {  	_ =	shalt  }
0x4e: {  	_ =	shalt  }
0x4f: {  	_ =	shalt  }
0x50: {  	_ =	shalt  }
0x51: {  	_ =	shalt  }
0x52: {  	_ =	shalt  }
0x53: {  	_ =	shalt  }
0x54: {  	_ =	shalt  }
0x55: {  	_ =	shalt  }
0x56: {  	_ =	shalt  }
0x57: {  	_ =	shalt  }
0x58: {  	_ =	shalt  }
0x59: {  	_ =	shalt  }
0x5a: {  	_ =	shalt  }
0x5b: {  	_ =	shalt  }
0x5c: {  	_ =	shalt  }
0x5d: {  	_ =	shalt  }
0x5e: {  	_ =	shalt  }
0x5f: {  	_ =	shalt  }
0x60: {  	_ =	shalt  }
0x61: {  	_ =	shalt  }
0x62: {  	_ =	shalt  }
0x63: {  	_ =	shalt  }
0x64: {  	_ =	shalt  }
0x65: {  	_ =	shalt  }
0x66: {  	_ =	shalt  }
0x67: {  	_ =	shalt  }
0x68: {  	_ =	shalt  }
0x69: {  	_ =	shalt  }
0x6a: {  	_ =	shalt  }
0x6b: {  	_ =	shalt  }
0x6c: {  	_ =	shalt  }
0x6d: {  	_ =	shalt  }
0x6e: {  	_ =	shalt  }
0x6f: {  	_ =	shalt  }
0x70: {  	_ =	shalt  }
0x71: {  	_ =	shalt  }
0x72: {  	_ =	shalt  }
0x73: {  	_ =	shalt  }
0x74: {  	_ =	shalt  }
0x75: {  	_ =	shalt  }
0x76: {  	_ =	shalt  }
0x77: {  	_ =	shalt  }
0x78: {  	_ =	shalt  }
0x79: {  	_ =	shalt  }
0x7a: {  	_ =	shalt  }
0x7b: {  	_ =	shalt  }
0x7c: {  	_ =	shalt  }
0x7d: {  	_ =	shalt  }
0x7e: {  	_ =	shalt  }
0x7f: {  	_ =	shalt  }
0x80: {  	_ =	shalt  }
0x81: {  	_ =	shalt  }
0x82: {  	_ =	shalt  }
0x83: {  	_ =	shalt  }
0x84: {  	_ =	shalt  }
0x85: {  	_ =	shalt  }
0x86: {  	_ =	shalt  }
0x87: {  	_ =	shalt  }
.Lfunc_end0:
.L_simem_size_0:
called_computation.1_lowered:
.L_overlay_start_0:
0x88: {  	s2 =	sld [smem:$0x3FD9]  }
0x89: {  	s3 =	sld [smem:$0x3FFE];
	_ =	sdelay $0x1  }
0x8a: {  	s1 =	srdreg.scid  }
0x8b: {  	s0 =	sand.u32 $0x1, s1  }
0x8c: {  	s17 =	sshll.u32 s0, $0xA;
	s2 =	sadd.s32 s3, s2  }
0x8d: {  	s2 =	sadd.s32 s2, s17  }
0x8e: {  	[smem:$0x3FBC] =	sst s2  }
0x8f: {  	_ = 	snop  }
0x90: {  	s2 =	sld [smem:$0x3FD0];
	(tm) =	ssettm $0x1  }
0x91: {  	s18 =	sld [smem:$0x3FFB];
	_ =	sdelay $0x3  }
0x92: {  	_ =	strace s18  }
0x93: {  	s3 =	sld [smem:$0x3FFC];
	_ =	sdelay $0x3  }
0x94: {  	_ =	strace s3  }
0x95: {  	s3 =	sld [smem:$0x3FFD];
	_ =	sdelay $0x3  }
0x96: {  	_ =	strace s3  }
0x97: {  	_ =	strace $0x8FFFFFFF  }
0x98: {  	s19 =	sld [smem:$0x3FDB];
	_ =	sdelay $0x1  }
0x99: {  	s4 =	simm.s32 $_scs_section_size  }
0x9a: {  	s5 =	simm.s32 $_size__tile_overlayer_lowered;
	s6 =	simm.s32 $_tile_overlayer_lowered  }
0x9b: {  	s22 =	simm.s32 $0x1BFF;
	s21 =	sshll.u32 s6, $0x1;
	s3 =	sadd.s32 s4, s19  }
0x9c: {  	s7 =	simm.s32 $0x0;
	s20 =	sshll.u32 s5, $0x1;
	s5 =	sadd.s32 s21, s3  }
0x9d: {  	[timem:s7], [sflag:s22] =	dma.local [hbm:s5], s20  }
0x9e: {  	_ =	swait.ge [sflag:s22], s20  }
0x9f: {  	s4 =	ssub.s32 $0x0, s20;
	[sflag:s22] =	ssyncset.done $0x0  }
0xa0: {  	[sflag:s22] =	ssyncadd.s32 s4;
	_ =	sdelay $0x1  }
0xa1: {  	s23 =	simm.s32 $0x1B8B  }
0xa2: {  	_ =	swait.ge [sflag:s23], $0x1  }
0xa3: {  	[sflag:s23] =	ssyncset.done $0x0  }
0xa4: {  	s25 =	simm.s32 $0x1B8E;
	s24 =	sld [smem:$0x3FFE];
	[sflag:s23] =	ssyncadd.s32 $0xFFFFFFFF  }
0xa5: {  	s26 =	simm.s32 $execute0_lowered;
	[smem:$0x3FD2] =	sst s25  }
0xa6: {  	s5 =	sshll.u32 s26, $0x1;
	_ =	strace $0x80000049;
	[dreg:$0x1] =	wrdreg $0xFFFFFFFF  }
0xa7: {  	s28 =	simm.s32 $_size_execute0_lowered;
	s3 =	sadd.s32 s3, s5;
	[dreg:$0x0] =	wrdreg $0x0  }
0xa8: {  	s5 =	sshll.u32 s28, $0x1;
	[dreg:$0x2] =	wrdreg s3  }
0xa9: {  	[dreg:$0x3] =	wrdreg s5  }
0xaa: {  	[dreg:$0x4] =	wrdreg $0xC0  }
0xab: {  	_ =	task [dreg:s7], $0x5FFFF  }
0xac: {  	[dreg:$0x1] =	wrdreg $0xFFFFFFFF  }
0xad: {  	[dreg:$0x0] =	wrdreg $0x60  }
0xae: {  	[dreg:$0x2] =	wrdreg s2  }
0xaf: {  	[dreg:$0x3] =	wrdreg s24  }
0xb0: {  	[dreg:$0x4] =	wrdreg $0x84200  }
0xb1: {  	[dreg:$0x5] =	wrdreg $0x9  }
0xb2: {  	_ =	task.clear_ibuf [dreg:s7], $0x6FFFF;
	_ =	strace $0x90000049  }
0xb3: {  	s29 =	simm.s32 $0x9;
	_ =	strace $0x8000004B  }
0xb4: {  	_ =	swait.ge [sflag:s29], $0x1  }
0xb5: {  	[sflag:s29] =	ssyncadd.s32 $0xFFFFFFFF  }
0xb6: {  	_ =	strace $0x9000004B  }
0xb7: {  	_ =	sfence  }
0xb8: {  	s30 =	sld [smem:$0x0];
	_ =	sdelay $0x2  }
0xb9: {  	s31 =	sshll.u32 s1, $0xD;
	s1 =	sshrl.u32 s1, $0x2  }
0xba: {  	s3 =	sand.u32 $0x4000, s31;
	s1 =	sadd.s32 s1, s30  }
0xbb: {  	s0 =	sor.u32 s3, s0;
	s1 =	sshll.u32 s1, $0x11  }
0xbc: {  	s0 =	sor.u32 s1, s0  }
0xbd: {  	s0 =	sadd.s32 $0x8F2B, s0  }
0xbe: {  	[sflag:s0] =	ssyncadd.remote.s32 $0x1  }
0xbf: {  	_ =	sfence.sel $0xFFFF  }
0xc0: {  	[dreg:$0x0] =	wrdreg $0xFFFFFFFF;
	(pc) =	sbr.abs _section_cstart, $3  }
0xc1: {  	[dreg:$0x1] =	wrdreg $0xFFFFFFFF  }
0xc2: {  	_ =	task.clear_ibuf [dreg:s7], $0x2FFFF;
	_ =	strace $0x9FFFFFFF  }
0xc3: {  	(tm) =	ssettm $0x7FFFFFFF  }
tec
execute0_lowered:
.L_overlay_start_1:
0x0: {  	(tag) =	ssettag $0x1  }
0x1: {  	s0 =	rddreg [dreg:$0x1]  }
0x2: {  	s12 =	rddreg [dreg:$0x2];
	s3 =	simm.s32 $0x0;
	s1 =	srdreg.scid  }
0x3: {  	s11 =	stileid.u32;
	v0 =	vimm.s32 $0xEFCDAB89;
	v1 =	vimm.s32 $0x67452301;
	s18 =	simm.s32 $0x7EA0;
	s19 =	simm.s32 $0x7  }
0x4: {  	v2 =	vimm.s32 $0xDCFE98BA;
	v3 =	vimm.s32 $0x54761032;
	s31 =	simm.s32 $0x1;
	[smem:$0x7FF] =	sst s3;
	s1 =	sand.u32 $0x1, s1  }
0x5: {  	v4 =	vimm.s32 $0xBA98FEDC;
	s5 =	sadd.s32 $0x531E00, s0;
	s4 =	smul.u32 $0x16800, s11;
	s6 =	sadd.s32 $0x1C00, s0  }
0x6: {  	v5 =	vimm.s32 $0x32107654;
	s7 =	sadd.s32 $0x4EDA00, s0;
	s2 =	smul.u32 $0x168000, s1;
	s8 =	sshll.u32 s1, $0x4  }
0x7: {  	v6 =	vimm.s32 $0xFEDCBA98;
	_ =	strace $0x8000004A;
	s10 =	sor.u32 s11, s8;
	s11 =	smul.u32 $0x5A000, s11  }
0x8: {  	v7 =	vimm.s32 $0x76543210;
	vm0 =	vmmov $0xffff;
	s1 =	ssub.s32 $0x2, s1;
	s8 =	sadd.s32 $0x4E3C00, s0;
	s9 =	smul.u32 $0x2710, s10  }
0x9: {  	v0 =	vunpack.c.l.s4.s8 v0;
	v1 =	vunpack.c.l.s4.s8 v1;
	v2 =	vunpack.c.l.s4.s8 v2;
	s26 =	sshrl.u32 s1, $0x1;
	s2 =	sadd.s32 s4, s2;
	s25 =	smul.u32 $0x13880, s10  }
0xa: {  	v3 =	vunpack.c.l.s4.s8 v3;
	v4 =	vunpack.c.l.s4.s8 v4;
	v5 =	vunpack.c.l.s4.s8 v5;
	s10 =	smul.u32 $0x138800, s10;
	s1 =	ssub.s32 s1, s26;
	s2 =	sshrl.u32 s2, $0x3  }
0xb: {  	v6 =	vunpack.c.l.s4.s8 v6;
	v7 =	vunpack.c.l.s4.s8 v7;
	v0 =	vunpack.c.0.s8.s32 v0;
	s30 =	sshrl.u32 s11, $0x2;
	s1 =	smax.u32 s1, $0x1;
	s11 =	simm.s32 $0x2  }
0xc: {  	v1 =	vunpack.c.0.s8.s32 v1;
	v2 =	vunpack.c.0.s8.s32 v2;
	v3 =	vunpack.c.0.s8.s32 v3;
	s0 =	sadd.s32 s2, s0;
	s28 =	sshrl.u32 s9, $0x3;
	s29 =	sshrl.u32 s10, $0x4  }
0xd: {  	v4 =	vunpack.c.0.s8.s32 v4;
	v5 =	vunpack.c.0.s8.s32 v5;
	v6 =	vunpack.c.0.s8.s32 v6;
	s4 =	sadd.s32 s6, s25;
	[dreg:$0x8] =	wrdreg s1;
	s16 =	sadd.s32 s30, s12  }
0xe: {  	v1 =	vcombine.low v1, v0;
	v3 =	vcombine.low v3, v2;
	v2 =	vunpack.c.0.s8.s32 v7;
	s13 =	sadd.s32 s7, s28;
	s2 =	sadd.s32 s8, s28;
	[dreg:$0x6] =	wrdreg s4  }
0xf: {  	vm1 =	vcmask $0x300;
	v4 =	vcombine.low v5, v4;
	v5 =	vand.u32 $0xF, v6;
	s17 =	sadd.s32 $0x272C00, s0;
	[dreg:$0x5] =	wrdreg s2;
	s2 =	sadd.s32 s6, s29  }
0x10: {  	v0 =	vimm.f32 $0.0e+00;
	s0 =	simm.s32 $0x8320;
	v1 =	vand.u32 $0xF, v1;
	v2 =	vcombine.low v5, v2;
	[dreg:$0x4] =	wrdreg s13;
	s2 =	sadd.s32 $0x80, s2  }
0x11: {  	v3 =	vand.u32 $0xF, v3;
	v4 =	vand.u32 $0xF, v4;
	v5 =	vsel vm1, $0x3F800000, v0;
	s13 =	simm.s32 $0x3;
	[dreg:$0x7] =	wrdreg s2;
	s2 =	simm.s32 $0x0  }
.LBB2_1:
0x12: {  	s1 =	smul.u32 $0x39, s3;
	_ =	sdelay $0x1  }
0x13: {  	s1 =	sshrl.u32 s1, $0x9  }
0x14: {  	s30 =	sand.u32 $0x7F, s1  }
0x15: {  	s1 =	simm.s32 $0x1;
	s4 =	smul.u32 $0x9, s30  }
0x16: {  	s12 =	smul.u32 $0x39, s1  }
0x17: {  	s15 =	smul.u32 $0x240, s30;
	s4 =	ssub.s32 $0x0, s4  }
0x18: {  	[dreg:$0x9] =	wrdreg s2;
	s2 =	simm.s32 $0x2;
	s20 =	sand.u32 $0xFF, s4  }
0x19: {  	s14 =	sshrl.u32 s12, $0x9;
	s4 =	sshrl.u32 s15, $0x2;
	s12 =	sshll.u32 s20, $0x4  }
.LBB2_2:
0x1a: {  	s15 =	smul.u32 $0x39, s2;
	s14 =	sand.u32 $0x7F, s14  }
0x1b: {  	s4 =	sadd.s32 s12, s4;
	p0 =	sne.s32 s2, $0x47;
	s12 =	smul.u32 $0x9, s14  }
.Ltmp0:
0x1c: {  	[tilespmem:s4+$0x7EA0] =	vst v0;
	(pc) =	sbr.rel @p0 .LBB2_2-.Ltmp0, $4  }
0x1d: {  	s4 =	smul.u32 $0x240, s14;
	s14 =	smov.u32 s2  }
0x1e: {  	s2 =	sadd.s32 $0x1, s2;
	s1 =	ssub.s32 s1, s12  }
0x1f: {  	s12 =	sand.u32 $0xFF, s1;
	s1 =	smov.u32 s14  }
0x20: {  	s4 =	sshrl.u32 s4, $0x2;
	s14 =	sshrl.u32 s15, $0x9;
	s12 =	sshll.u32 s12, $0x4  }
0x21: {  	s2 =	sand.u32 $0x7F, s14  }
0x22: {  	s14 =	smul.u32 $0x9, s2;
	_ =	sdelay $0x1  }
0x23: {  	s2 =	smul.u32 $0x240, s2;
	s1 =	ssub.s32 s1, s14  }
0x24: {  	s1 =	sand.u32 $0xFF, s1  }
0x25: {  	s4 =	sadd.s32 s12, s4;
	s2 =	sshrl.u32 s2, $0x2;
	s1 =	sshll.u32 s1, $0x4  }
0x26: {  	[tilespmem:s4+$0x7EA0] =	vst v0;
	s1 =	sadd.s32 s1, s2  }
0x27: {  	s30 =	sadd.s32 $0x0, s16;
	[tilespmem:s1+$0x7EA0] =	vst v0  }
0x28: {  	[spmem:s30] =	stream.linear.scatter [tilespmem:s18], [sflag:$0x7], $0x480, $0x38;
	[tilespmem:$0x1EC20] =	vst v63  }
0x29: {  	s1 =	simm.s32 $0x1200;
	_ =	swait.ge [sflag:s19], $0x480  }
.LBB2_4:
0x2a: {  	s2 =	sshra.s32 s1, $0x2;
	[sflag:s19] =	ssyncset.done $0x0;
	p0 =	sne.s32 s1, $0x58E00  }
.Ltmp1:
0x2b: {  	s2 =	sadd.s32 s2, s16;
	[sflag:s19] =	ssyncadd.s32 $0xFFFFFB80;
	(pc) =	sbr.rel @p0 .LBB2_4-.Ltmp1, $3  }
0x2c: {  	[spmem:s2] =	stream.linear.scatter [tilespmem:s18], [sflag:$0x7], $0x480, $0x38;
	[tilespmem:$0x1EC20] =	vst v63  }
0x2d: {  	s1 =	sadd.s32 $0x1200, s1;
	_ =	sdelay $0x1  }
0x2e: {  	_ =	swait.ge [sflag:s19], $0x480  }
0x2f: {  	[sflag:s19] =	ssyncset.done $0x0  }
0x30: {  	[sflag:s19] =	ssyncadd.s32 $0xFFFFFB80  }
0x31: {  	[bflag:$0x0] =	sbarrier.arrive $0xFFFF  }
0x32: {  	s15 =	simm.s32 $0x0;
	s1 =	rddreg [dreg:$0x4]  }
0x33: {  	[tilespmem:s15], [sflag:$0x7] =	stream.linear.gather [hbm4b:s1+s15], $0x7D0, $0x38;
	[tilespmem:$0x1EC20] =	vst v63  }
0x34: {  	_ =	swait.ge [sflag:s19], $0x7D0  }
0x35: {  	[sflag:s19] =	ssyncset.done $0x0  }
0x36: {  	s2 =	simm.s32 $0x7D0;
	s21 =	rddreg [dreg:$0x5];
	[sflag:s19] =	ssyncadd.s32 $0xFFFFF830  }
0x37: {  	[tilespmem:s2], [sflag:$0x7] =	stream.linear.gather [hbm4b:s21+s15], $0x7D0, $0x38;
	[tilespmem:$0x1EC20] =	vst v63  }
0x38: {  	_ =	swait.ge [sflag:s19], $0x7D0  }
0x39: {  	[sflag:s19] =	ssyncset.done $0x0  }
0x3a: {  	[sflag:s19] =	ssyncadd.s32 $0xFFFFF830  }
0x3b: {  	v7 =	vld [tilespmem:$0x0];
	_ =	sdelay $0x1  }
0x3c: {  	v6 =	vld [tilespmem:$0x7D0];
	_ =	sdelay $0x2  }
0x3d: {  	s23 =	simm.s32 $0x27A0;
	s22 =	rddreg [dreg:$0x6]  }
0x3e: {  	[tilespmem:s23], [sflag:$0x1] =	stream.linear.gather [hbm4b:s22+s15], $0x400, $0x38;
	[tilespmem:$0x1EC20] =	vst v63  }
0x3f: {  	s24 =	simm.s32 $0x17A0  }
0x40: {  	[tilespmem:s24], [sflag:$0x1] =	stream.indirect_vreg.gather [hbm4b:s5+s15], $0x100, v7, vm0, $0xb8;
	[tilespmem:$0x1EC20] =	vst v63  }
0x41: {  	s26 =	simm.s32 $0xFA0;
	s25 =	rddreg [dreg:$0x0]  }
0x42: {  	[tilespmem:s26], [sflag:$0x1] =	stream.indirect_vreg.gather [hbm4b:s25+s15], $0x80, v6, vm0, $0xb8;
	[tilespmem:$0x1EC20] =	vst v63  }
0x43: {  	v8 =	vld [tilespmem:$0x10];
	_ =	sdelay $0x1  }
0x44: {  	v7 =	vld [tilespmem:$0x7E0];
	_ =	sdelay $0x2  }
0x45: {  	s4 =	simm.s32 $0x43A0;
	s28 =	rddreg [dreg:$0x7]  }
0x46: {  	[tilespmem:s4], [sflag:$0x2] =	stream.linear.gather [hbm4b:s28+s15], $0x400, $0x38;
	[tilespmem:$0x1EC20] =	vst v63  }
0x47: {  	s29 =	simm.s32 $0x33A0  }
0x48: {  	[tilespmem:s29], [sflag:$0x2] =	stream.indirect_vreg.gather [hbm4b:s5+s15], $0x100, v8, vm0, $0xb8;
	[tilespmem:$0x1EC20] =	vst v63  }
0x49: {  	s30 =	simm.s32 $0x2BA0;
	[tilespmem:$0x1FFF0] =	vst v6  }
0x4a: {  	[tilespmem:s30], [sflag:$0x2] =	stream.indirect_vreg.gather [hbm4b:s25+s15], $0x80, v7, vm0, $0xb8;
	[tilespmem:$0x1EC20] =	vst v63  }
.LBB2_6:
0x4b: {  	s20 =	smul.u32 $0x3, s15;
	_ =	sdelay $0x1  }
0x4c: {  	s1 =	sadd.s32 $0x2, s20  }
0x4d: {  	s2 =	smul.u32 $0x625, s1;
	_ =	sdelay $0x1  }
0x4e: {  	s2 =	sshrl.u32 s2, $0x10  }
0x4f: {  	s4 =	ssub.s32 s1, s2  }
0x50: {  	s4 =	sand.u32 $0xFFFE, s4  }
0x51: {  	s4 =	sshrl.u32 s4, $0x1  }
0x52: {  	s2 =	sadd.s32 s2, s4  }
0x53: {  	s2 =	sand.u32 $0xFFC0, s2  }
0x54: {  	s2 =	sshrl.u32 s2, $0x6  }
0x55: {  	s2 =	smul.u32 $0x7D, s2;
	_ =	sdelay $0x1  }
0x56: {  	s2 =	ssub.s32 s1, s2  }
0x57: {  	s22 =	sand.u32 $0xFFFF, s2  }
0x58: {  	p0 =	sne.s32 s22, $0x0  }
0x59: {  	s4 =	smul.u32 @!p0 $0x625, s1;
	_ =	sdelay $0x1  }
0x5a: {  	s4 =	sshrl.u32 @!p0 s4, $0x10  }
0x5b: {  	s12 =	ssub.s32 @!p0 s1, s4  }
0x5c: {  	s12 =	sand.u32 @!p0 $0xFFFE, s12  }
0x5d: {  	s12 =	sshrl.u32 @!p0 s12, $0x1  }
0x5e: {  	s4 =	sadd.s32 @!p0 s4, s12  }
0x5f: {  	s4 =	sand.u32 @!p0 $0xFFC0, s4  }
0x60: {  	s4 =	sshrl.u32 @!p0 s4, $0x6  }
0x61: {  	s4 =	smul.u32 @!p0 $0x7D0, s4;
	_ =	sdelay $0x1  }
0x62: {  	s4 =	sand.u32 @!p0 $0xFFF0, s4  }
0x63: {  	s4 =	sadd.s32 @!p0 s4, s9  }
0x64: {  	s4 =	sshrl.u32 @!p0 s4, $0x3  }
0x65: {  	s14 =	simm.s32 @!p0 $0x0;
	s12 =	sadd.s32 @!p0 s7, s4  }
0x66: {  	[tilespmem:s14], [sflag:$0x7] =	stream.linear.gather @!p0 [hbm4b:s12+s14], $0x7D0, $0x38;
	[tilespmem:$0x1EC20] =	vst v63  }
0x67: {  	s12 =	simm.s32 @!p0 $0x7  }
0x68: {  	_ =	swait.ge @!p0 [sflag:s12], $0x7D0  }
0x69: {  	[sflag:s12] =	ssyncset.done @!p0 $0x0  }
0x6a: {  	s21 =	simm.s32 @!p0 $0x7D0;
	s4 =	sadd.s32 @!p0 s8, s4;
	[sflag:s12] =	ssyncadd.s32 @!p0 $0xFFFFF830  }
0x6b: {  	[tilespmem:s21], [sflag:$0x7] =	stream.linear.gather @!p0 [hbm4b:s4+s14], $0x7D0, $0x38;
	[tilespmem:$0x1EC20] =	vst v63  }
0x6c: {  	_ =	swait.ge @!p0 [sflag:s12], $0x7D0  }
0x6d: {  	s2 =	sshll.u32 s2, $0x4;
	[sflag:s12] =	ssyncset.done @!p0 $0x0  }
0x6e: {  	s2 =	sand.u32 $0xFFF0, s2;
	[sflag:s12] =	ssyncadd.s32 @!p0 $0xFFFFF830  }
0x6f: {  	v9 =	vld [tilespmem:s2+$0x0];
	_ =	sdelay $0x1  }
0x70: {  	s1 =	sshll.u32 s1, $0xB;
	v8 =	vld [tilespmem:s2+$0x7D0]  }
0x71: {  	s1 =	sadd.s32 s10, s1  }
0x72: {  	s1 =	sshrl.u32 s1, $0x4  }
0x73: {  	s23 =	simm.s32 $0x5FA0;
	s1 =	sadd.s32 s6, s1  }
0x74: {  	[tilespmem:s23], [sflag:$0x3] =	stream.linear.gather [hbm4b:s1+s3], $0x400, $0x38;
	[tilespmem:$0x1EC20] =	vst v63  }
0x75: {  	s24 =	simm.s32 $0x4FA0  }
0x76: {  	[tilespmem:s24], [sflag:$0x3] =	stream.indirect_vreg.gather [hbm4b:s5+s3], $0x100, v9, vm0, $0xb8;
	[tilespmem:$0x1EC20] =	vst v63  }
0x77: {  	s26 =	simm.s32 $0x47A0;
	s25 =	rddreg [dreg:$0x0]  }
0x78: {  	[tilespmem:s26], [sflag:$0x3] =	stream.indirect_vreg.gather [hbm4b:s25+s3], $0x80, v8, vm0, $0xb8;
	[tilespmem:$0x1EC20] =	vst v63  }
0x79: {  	_ =	swait.ge [sflag:s31], $0x400  }
0x7a: {  	[sflag:s31] =	ssyncset.done $0x0  }
0x7b: {  	[sflag:s31] =	ssyncadd.s32 $0xFFFFFC00  }
0x7c: {  	_ =	swait.ge [sflag:s31], $0x1000  }
0x7d: {  	[sflag:s31] =	ssyncset.done $0x0  }
0x7e: {  	[sflag:s31] =	ssyncadd.s32 $0xFFFFF000  }
0x7f: {  	_ =	swait.ge [sflag:s31], $0x800  }
0x80: {  	p0 =	seq.s32 s15, $0x0;
	[sflag:s31] =	ssyncset.done $0x0  }
0x81: {  	s1 =	simm.s32 @!p0 $0x4;
	[sflag:s31] =	ssyncadd.s32 $0xFFFFF800  }
0x82: {  	_ =	swait.ge @!p0 [sflag:s1], $0x900  }
0x83: {  	[sflag:s1] =	ssyncset.done @!p0 $0x0  }
0x84: {  	s4 =	simm.s32 $0x10A0;
	[sflag:s1] =	ssyncadd.s32 @!p0 $0xFFFFF700  }
0x85: {  	v9 =	vld [tilespmem:s4+$0x80]  }
0x86: {  	v10 =	vld [tilespmem:s4+$0x90]  }
0x87: {  	v11 =	vld [tilespmem:s4+$0xA0]  }
0x88: {  	v12 =	vld [tilespmem:s4+$0xB0]  }
0x89: {  	v13 =	vld [tilespmem:s4+$0xC0]  }
0x8a: {  	s24 =	simm.s32 $0x19A0;
	v14 =	vld [tilespmem:s4+$0xD0]  }
0x8b: {  	v15 =	vld [tilespmem:s24+$0x100]  }
0x8c: {  	v16 =	vld [tilespmem:s24+$0x110]  }
0x8d: {  	v17 =	vld [tilespmem:s24+$0x120]  }
0x8e: {  	s25 =	simm.s32 $0x2820;
	v18 =	vld [tilespmem:s24+$0x130]  }
0x8f: {  	v19 =	vld [tilespmem:s25+$0x40]  }
0x90: {  	v20 =	vld [tilespmem:s25+$0x50]  }
0x91: {  	v21 =	vld [tilespmem:s25+$0x60]  }
0x92: {  	v22 =	vld [tilespmem:s24+$0x140]  }
0x93: {  	v23 =	vld [tilespmem:s25+$0x70]  }
0x94: {  	v24 =	vld [tilespmem:s24+$0x150]  }
0x95: {  	v26 =	vld [tilespmem:s24+$0x160]  }
0x96: {  	v29 =	vld [tilespmem:s24+$0x170]  }
0x97: {  	v30 =	vld [tilespmem:s24+$0xFFFFFE60];
	v25 =	vunpack.i.u.bf16.f32 v19;
	v19 =	vunpack.i.l.bf16.f32 v19  }
0x98: {  	v31 =	vld [tilespmem:s24+$0xFFFFFF00];
	v27 =	vunpack.i.u.bf16.f32 v20;
	v20 =	vunpack.i.l.bf16.f32 v20;
	v28 =	vunpack.i.u.bf16.f32 v21  }
0x99: {  	v15 =	vadd.f32 v15, v19;
	v16 =	vadd.f32 v16, v25;
	v19 =	vunpack.i.l.bf16.f32 v21;
	v21 =	vld [tilespmem:s4+$0xE0]  }
0x9a: {  	v17 =	vadd.f32 v17, v20;
	v18 =	vadd.f32 v18, v27;
	v20 =	vunpack.i.u.bf16.f32 v23;
	v25 =	vld [tilespmem:s4+$0xF0]  }
0x9b: {  	v32 =	vld [tilespmem:s24+$0xFFFFFF10];
	v23 =	vunpack.i.l.bf16.f32 v23;
	v19 =	vadd.f32 v22, v19;
	v22 =	vadd.f32 v24, v28  }
0x9c: {  	v33 =	vld [tilespmem:s24+$0xFFFFFF20];
	v9 =	vmul.f32 v15, v9;
	v10 =	vmul.f32 v16, v10;
	v15 =	vadd.f32 v26, v23  }
0x9d: {  	v34 =	vld [tilespmem:s24+$0xFFFFFF30];
	v11 =	vmul.f32 v17, v11;
	v12 =	vmul.f32 v18, v12;
	v17 =	vadd.f32 v29, v20  }
0x9e: {  	v35 =	vld [tilespmem:s24+$0xFFFFFF40];
	v13 =	vmul.f32 v19, v13;
	v14 =	vmul.f32 v22, v14  }
0x9f: {  	v37 =	vld [tilespmem:s24+$0xFFFFFF50];
	v15 =	vmul.f32 v15, v21;
	v17 =	vmul.f32 v17, v25  }
0xa0: {  	v38 =	vld [tilespmem:s24+$0xFFFFFF60];
	v9 =	vadd.f32 v10, v9;
	v10 =	vadd.f32 v12, v11  }
0xa1: {  	v39 =	vld [tilespmem:s24+$0x0];
	v12 =	vadd.f32 v14, v13;
	v13 =	vadd.f32 v17, v15  }
0xa2: {  	s21 =	simm.s32 $0x30;
	v40 =	vld [tilespmem:s24+$0x10]  }
0xa3: {  	v41 =	vld [tilespmem:s24+$0x20];
	v9 =	vadd.f32 v10, v9;
	v10 =	vadd.f32 v13, v12;
	v12 =	vor.u32 s21, v1  }
0xa4: {  	v42 =	vld [tilespmem:s24+$0x30]  }
0xa5: {  	v44 =	vld [tilespmem:s24+$0x40];
	v9 =	vadd.f32 v10, v9  }
0xa6: {  	s29 =	simm.s32 $0x8340;
	v45 =	vld [tilespmem:s24+$0x50]  }
0xa7: {  	v47 =	vld [tilespmem:s24+$0x70];
	[tilespmem:s29+$0x10] =	vst v9  }
0xa8: {  	v12 =	vld.idx.msk [tilespmem:v12+s0+$0x0], $0xffff  }
0xa9: {  	v52 =	vld [tilespmem:s4+$0xFFFFFF00]  }
0xaa: {  	v59 =	vld [tilespmem:s4+$0xFFFFFF70]  }
0xab: {  	v60 =	vld [tilespmem:s4+$0xFFFFFF80];
	v28 =	vor.u32 s21, v3  }
0xac: {  	v62 =	vld [tilespmem:s4+$0xFFFFFF90]  }
0xad: {  	v63 =	vld [tilespmem:s4+$0xFFFFFFA0];
	v9 =	vadd.f32 v9, v12  }
0xae: {  	v53 =	vld [tilespmem:s4+$0xFFFFFFB0]  }
0xaf: {  	v27 =	vld [tilespmem:s25+$0xFFFFFF90];
	[tilespmem:s29+$0x10] =	vst v9  }
0xb0: {  	v28 =	vld.idx.msk [tilespmem:v28+s0+$0x0], $0xffff  }
0xb1: {  	v24 =	vld [tilespmem:s25+$0xFFFFFFA0]  }
0xb2: {  	v16 =	vld [tilespmem:s25+$0xFFFFFFB0]  }
0xb3: {  	v36 =	vor.u32 s21, v4;
	v18 =	vld [tilespmem:s25+$0xFFFFFFC0]  }
0xb4: {  	v20 =	vld [tilespmem:s25+$0xFFFFFFE0]  }
0xb5: {  	v23 =	vld [tilespmem:s24+$0xFFFFFE20];
	v9 =	vadd.f32 v9, v28  }
0xb6: {  	v26 =	vld [tilespmem:s24+$0xFFFFFE40]  }
0xb7: {  	v29 =	vld [tilespmem:s24+$0xFFFFFE50];
	[tilespmem:s29+$0x10] =	vst v9  }
0xb8: {  	v36 =	vld.idx.msk [tilespmem:v36+s0+$0x0], $0xffff  }
0xb9: {  	v19 =	vld [tilespmem:s25+$0xFFFFFFD0]  }
0xba: {  	v22 =	vld [tilespmem:s24+$0xFFFFFE10]  }
0xbb: {  	v43 =	vor.u32 s21, v2;
	v11 =	vld [tilespmem:s25+$0xFFFFFFF0]  }
0xbc: {  	v14 =	vld [tilespmem:s25+$0x0]  }
0xbd: {  	v21 =	vld [tilespmem:s24+$0xFFFFFE00];
	v9 =	vadd.f32 v9, v36  }
0xbe: {  	v25 =	vld [tilespmem:s24+$0xFFFFFE30]  }
0xbf: {  	v46 =	vunpack.i.u.bf16.f32 v27;
	v27 =	vunpack.i.l.bf16.f32 v27;
	v48 =	vunpack.i.u.bf16.f32 v24;
	v15 =	vld [tilespmem:s25+$0x10];
	[tilespmem:s29+$0x10] =	vst v9  }
0xc0: {  	v24 =	vunpack.i.l.bf16.f32 v24;
	v49 =	vunpack.i.u.bf16.f32 v16;
	v16 =	vunpack.i.l.bf16.f32 v16;
	v43 =	vld.idx.msk [tilespmem:v43+s0+$0x0], $0xffff  }
0xc1: {  	v17 =	vld [tilespmem:s25+$0x30];
	v50 =	vunpack.i.u.bf16.f32 v18;
	v18 =	vunpack.i.l.bf16.f32 v18;
	v23 =	vadd.f32 v23, v27  }
0xc2: {  	v27 =	vld [tilespmem:s4+$0xFFFFFF20];
	v24 =	vadd.f32 v26, v24;
	v57 =	vunpack.i.u.bf16.f32 v20;
	v29 =	vadd.f32 v29, v48  }
0xc3: {  	v20 =	vunpack.i.l.bf16.f32 v20;
	v16 =	vadd.f32 v30, v16;
	v18 =	vadd.f32 v31, v18;
	v10 =	vld [tilespmem:s25+$0xFFFFFF80]  }
0xc4: {  	v26 =	vld [tilespmem:s4+$0xFFFFFF30];
	v32 =	vadd.f32 v32, v50;
	v20 =	vadd.f32 v35, v20  }
0xc5: {  	v37 =	vadd.f32 v37, v57;
	v12 =	vld [tilespmem:s24+$0xFFFFFE70];
	v9 =	vadd.f32 v43, v9  }
0xc6: {  	v30 =	vld [tilespmem:s4+$0xFFFFFF50];
	v58 =	vunpack.i.u.bf16.f32 v11;
	v11 =	vunpack.i.l.bf16.f32 v11;
	v25 =	vadd.f32 v25, v46  }
0xc7: {  	v57 =	vld [tilespmem:s4+$0xFFFFFFC0];
	v31 =	vunpack.i.u.bf16.f32 v14;
	v14 =	vunpack.i.l.bf16.f32 v14;
	v9 =	vmul.f32 $8.838834610e-02, v9  }
0xc8: {  	v13 =	vld [tilespmem:s25+$0x20];
	v11 =	vadd.f32 v38, v11;
	v18 =	vmul.f32 v18, v60;
	v51 =	vunpack.i.l.bf16.f32 v10  }
0xc9: {  	v14 =	vadd.f32 v39, v14;
	v21 =	vadd.f32 v21, v51;
	v51 =	vld [tilespmem:s4+$0xFFFFFF10];
	v9 =	vmul.f32 $1.442695020e+00, v9  }
0xca: {  	v31 =	vadd.f32 v40, v31;
	v61 =	vunpack.i.u.bf16.f32 v15;
	v12 =	vadd.f32 v12, v49;
	v49 =	vld [tilespmem:s4+$0xFFFFFF60]  }
0xcb: {  	v15 =	vunpack.i.l.bf16.f32 v15;
	v55 =	vunpack.i.u.bf16.f32 v17;
	v28 =	vld [tilespmem:s24+$0xFFFFFF70];
	(erf) = vpow2.f32 v9  }
0xcc: {  	v17 =	vunpack.i.l.bf16.f32 v17;
	v23 =	vmul.f32 v23, v27;
	v25 =	vmul.f32 v25, v26;
	v54 =	vld [tilespmem:s25+$0x40]  }
0xcd: {  	v15 =	vadd.f32 v41, v15;
	v40 =	vadd.f32 v47, v55;
	v10 =	vunpack.i.u.bf16.f32 v10;
	v43 =	vld [tilespmem:s4+$0xFFFFFF40]  }
0xce: {  	v10 =	vadd.f32 v22, v10;
	v22 =	vunpack.i.u.bf16.f32 v19;
	v19 =	vunpack.i.l.bf16.f32 v19;
	v56 =	vld [tilespmem:s24+$0x180]  }
0xcf: {  	v60 =	vld [tilespmem:s4+$0x20];
	v29 =	vmul.f32 v29, v30;
	v19 =	vadd.f32 v33, v19;
	v22 =	vadd.f32 v34, v22  }
0xd0: {  	v26 =	vld [tilespmem:s4+$0xFFFFFFE0];
	v23 =	vadd.f32 v25, v23;
	v21 =	vmul.f32 v21, v52;
	v10 =	vmul.f32 v10, v51  }
0xd1: {  	v19 =	vmul.f32 v19, v63;
	v22 =	vmul.f32 v22, v53;
	v28 =	vadd.f32 v28, v58;
	v58 =	vld [tilespmem:s4+$0xFFFFFFD0]  }
0xd2: {  	v10 =	vadd.f32 v10, v21;
	v27 =	vunpack.i.l.bf16.f32 v54;
	v21 =	vmul.f32 v24, v43;
	v24 =	vld [tilespmem:s4+$0xFFFFFFF0]  }
0xd3: {  	v30 =	vld [tilespmem:s4+$0x0];
	v25 =	vmul.f32 v12, v59;
	v16 =	vmul.f32 v16, v49;
	v27 =	vadd.f32 v56, v27  }
0xd4: {  	v20 =	vmul.f32 v20, v57;
	v34 =	vadd.f32 v42, v61;
	v61 =	vld [tilespmem:s4+$0x40];
	v19 =	vadd.f32 v22, v19;
	v12 =	vpop (erf)  }
0xd5: {  	v22 =	vld [tilespmem:s4+$0x50];
	v16 =	vadd.f32 v25, v16;
	v21 =	vadd.f32 v29, v21;
	v27 =	vmul.f32 v27, v12  }
0xd6: {  	s12 =	simm.s32 $0x64C0;
	v11 =	vmul.f32 v11, v26;
	v59 =	vld [tilespmem:s4+$0x10];
	v10 =	vadd.f32 v23, v10;
	v29 =	vmul.f32 v32, v62  }
0xd7: {  	s22 =	simm.s32 $0x10;
	v25 =	vld [tilespmem:s4+$0x30];
	v23 =	vmul.f32 v37, v58;
	v16 =	vadd.f32 v16, v21;
	v21 =	vmul.f32 v28, v24;
	[tilespmem:s12+$0x90] =	vst v27  }
0xd8: {  	v15 =	vmul.f32 v15, v60;
	v26 =	vor.u32 s22, v1;
	v18 =	vadd.f32 v29, v18;
	v24 =	vld [tilespmem:s24+$0x190]  }
0xd9: {  	v36 =	vld [tilespmem:s24+$0x60];
	v20 =	vadd.f32 v23, v20;
	v9 =	vunpack.i.u.bf16.f32 v13;
	v11 =	vadd.f32 v21, v11  }
0xda: {  	v13 =	vunpack.i.l.bf16.f32 v13;
	v10 =	vadd.f32 v16, v10;
	v16 =	vadd.f32 v19, v18;
	v18 =	vld [tilespmem:s4+$0x70]  }
0xdb: {  	s23 =	simm.s32 $0x0;
	v14 =	vmul.f32 v14, v30;
	v13 =	vadd.f32 v44, v13;
	v21 =	vld [tilespmem:s4+$0x60];
	v11 =	vadd.f32 v11, v20  }
0xdc: {  	v23 =	vor.u32 s23, v1;
	v9 =	vadd.f32 v45, v9;
	v19 =	vunpack.i.u.bf16.f32 v54  }
0xdd: {  	v13 =	vmul.f32 v13, v61;
	v11 =	vadd.f32 v11, v16;
	v19 =	vadd.f32 v24, v19  }
0xde: {  	v17 =	vadd.f32 v36, v17;
	v9 =	vmul.f32 v9, v22;
	[tilespmem:s29+$0xFFFFFFE0] =	vst v10;
	v20 =	vmul.f32 v31, v59  }
0xdf: {  	v18 =	vmul.f32 v40, v18;
	[tilespmem:s29+$0xFFFFFFF0] =	vst v11;
	v16 =	vmul.f32 v19, v12  }
0xe0: {  	v14 =	vadd.f32 v20, v14;
	v17 =	vmul.f32 v17, v21;
	v20 =	vld.idx.msk [tilespmem:v26+s0+$0x0], $0xffff;
	v24 =	vmul.f32 v34, v25  }
0xe1: {  	v9 =	vadd.f32 v9, v13;
	v19 =	vld.idx.msk [tilespmem:v23+s0+$0x0], $0xffff;
	[tilespmem:s12+$0xA0] =	vst v16  }
0xe2: {  	v13 =	vadd.f32 v18, v17;
	v15 =	vadd.f32 v24, v15;
	v16 =	vld [tilespmem:s25+$0x50]  }
0xe3: {  	s26 =	simm.s32 $0x20;
	v17 =	vld [tilespmem:s24+$0x1A0]  }
0xe4: {  	v18 =	vor.u32 s26, v1;
	v9 =	vadd.f32 v13, v9;
	v14 =	vadd.f32 v15, v14  }
0xe5: {  	v13 =	vor.u32 s23, v3  }
0xe6: {  	v15 =	vor.u32 s22, v3;
	v9 =	vadd.f32 v9, v14  }
0xe7: {  	v10 =	vadd.f32 v10, v19;
	v14 =	vunpack.i.l.bf16.f32 v16  }
0xe8: {  	v11 =	vadd.f32 v11, v20;
	[tilespmem:s29+$0x0] =	vst v9;
	v14 =	vadd.f32 v17, v14  }
0xe9: {  	[tilespmem:s29+$0xFFFFFFE0] =	vst v10;
	v17 =	vld.idx.msk [tilespmem:v18+s0+$0x0], $0xffff  }
0xea: {  	[tilespmem:s29+$0xFFFFFFF0] =	vst v11;
	v13 =	vld.idx.msk [tilespmem:v13+s0+$0x0], $0xffff;
	v14 =	vmul.f32 v14, v12  }
0xeb: {  	v15 =	vld.idx.msk [tilespmem:v15+s0+$0x0], $0xffff  }
0xec: {  	v18 =	vor.u32 s26, v3;
	[tilespmem:s12+$0xB0] =	vst v14  }
0xed: {  	v14 =	vor.u32 s23, v4;
	v19 =	vld [tilespmem:s24+$0x1B0]  }
0xee: {  	v20 =	vor.u32 s22, v4;
	v9 =	vadd.f32 v9, v17  }
0xef: {  	v10 =	vadd.f32 v10, v13  }
0xf0: {  	v11 =	vadd.f32 v11, v15;
	[tilespmem:s29+$0x0] =	vst v9  }
0xf1: {  	v15 =	vunpack.i.u.bf16.f32 v16;
	[tilespmem:s29+$0xFFFFFFE0] =	vst v10;
	v13 =	vld.idx.msk [tilespmem:v18+s0+$0x0], $0xffff  }
0xf2: {  	[tilespmem:s29+$0xFFFFFFF0] =	vst v11;
	v14 =	vld.idx.msk [tilespmem:v14+s0+$0x0], $0xffff;
	v15 =	vadd.f32 v19, v15  }
0xf3: {  	v16 =	vld.idx.msk [tilespmem:v20+s0+$0x0], $0xffff  }
0xf4: {  	v17 =	vor.u32 s26, v4;
	v15 =	vmul.f32 v15, v12  }
0xf5: {  	v18 =	vor.u32 s23, v2  }
0xf6: {  	v19 =	vor.u32 s22, v2;
	v9 =	vadd.f32 v9, v13;
	[tilespmem:s12+$0xC0] =	vst v15  }
0xf7: {  	v10 =	vadd.f32 v10, v14;
	v13 =	vld [tilespmem:s25+$0x60]  }
0xf8: {  	v11 =	vadd.f32 v11, v16;
	[tilespmem:s29+$0x0] =	vst v9;
	v14 =	vld [tilespmem:s24+$0x1C0]  }
0xf9: {  	[tilespmem:s29+$0xFFFFFFE0] =	vst v10;
	v15 =	vld.idx.msk [tilespmem:v17+s0+$0x0], $0xffff  }
0xfa: {  	[tilespmem:s29+$0xFFFFFFF0] =	vst v11;
	v16 =	vld.idx.msk [tilespmem:v18+s0+$0x0], $0xffff  }
0xfb: {  	v17 =	vld.idx.msk [tilespmem:v19+s0+$0x0], $0xffff;
	_ =	sdelay $0x1  }
0xfc: {  	v18 =	vor.u32 s26, v2;
	_ =	sdelay $0x1  }
0xfd: {  	v19 =	vunpack.i.l.bf16.f32 v13;
	v9 =	vadd.f32 v9, v15;
	v10 =	vadd.f32 v16, v10  }
0xfe: {  	v14 =	vadd.f32 v14, v19;
	v11 =	vadd.f32 v17, v11  }
0xff: {  	[tilespmem:s29+$0x0] =	vst v9;
	v10 =	vmul.f32 $8.838834610e-02, v10  }
0x100: {  	v14 =	vmul.f32 v14, v12;
	v11 =	vmul.f32 $8.838834610e-02, v11;
	v15 =	vld.idx.msk [tilespmem:v18+s0+$0x0], $0xffff  }
0x101: {  	v10 =	vmul.f32 $1.442695020e+00, v10  }
0x102: {  	[tilespmem:s12+$0xD0] =	vst v14;
	v11 =	vmul.f32 $1.442695020e+00, v11  }
0x103: {  	v14 =	vld [tilespmem:s24+$0x1D0];
	(erf) = vpow2.f32 v10  }
0x104: {  	v16 =	vld [tilespmem:s25+$0xFFFFFFC0];
	(erf) = vpow2.f32 v11  }
0x105: {  	v10 =	vld [tilespmem:s25+$0xFFFFFF80];
	v9 =	vadd.f32 v15, v9  }
0x106: {  	v11 =	vld [tilespmem:s24+$0xFFFFFE80]  }
0x107: {  	v13 =	vunpack.i.u.bf16.f32 v13;
	v15 =	vld [tilespmem:s24+$0xFFFFFF80];
	v9 =	vmul.f32 $8.838834610e-02, v9  }
0x108: {  	s30 =	simm.s32 $0x2920;
	v13 =	vadd.f32 v14, v13  }
0x109: {  	v33 =	vld [tilespmem:s30+$0x50];
	v9 =	vmul.f32 $1.442695020e+00, v9  }
0x10a: {  	v30 =	vld [tilespmem:s30+$0x60];
	v14 =	vunpack.i.l.bf16.f32 v10;
	v13 =	vmul.f32 v13, v12  }
0x10b: {  	v62 =	vld [tilespmem:s30+$0x40];
	v17 =	vunpack.i.l.bf16.f32 v16;
	v14 =	vadd.f32 v11, v14  }
0x10c: {  	v15 =	vadd.f32 v15, v17;
	v17 =	vld [tilespmem:s25+$0x0];
	[tilespmem:s12+$0xE0] =	vst v13;
	v11 =	vpop (erf);
	(erf) = vpow2.f32 v9  }
0x10d: {  	v13 =	vld [tilespmem:s25+$0x70];
	v14 =	vmul.f32 v14, v11;
	v9 =	vpop (erf)  }
0x10e: {  	v18 =	vld [tilespmem:s24+$0x1E0];
	v15 =	vmul.f32 v15, v9  }
0x10f: {  	v19 =	vld [tilespmem:s24+$0x80];
	[tilespmem:s12+$0xFFFFFEE0] =	vst v14  }
0x110: {  	v14 =	vld [tilespmem:s24+$0xFFFFFE90];
	[tilespmem:s12+$0xFFFFFF70] =	vst v15  }
0x111: {  	s14 =	simm.s32 $0x12A0;
	v15 =	vld [tilespmem:s24+$0xFFFFFF90]  }
0x112: {  	v22 =	vld [tilespmem:s14+$0xB0];
	v10 =	vunpack.i.u.bf16.f32 v10;
	v20 =	vunpack.i.l.bf16.f32 v13  }
0x113: {  	v23 =	vld [tilespmem:s14+$0xD0];
	s26 =	simm.s32 $0x1DA0;
	v21 =	vunpack.i.l.bf16.f32 v17;
	v18 =	vadd.f32 v18, v20  }
0x114: {  	v25 =	vld [tilespmem:s26+$0x100];
	v19 =	vadd.f32 v19, v21  }
0x115: {  	v27 =	vld [tilespmem:s26+$0x110];
	v16 =	vunpack.i.u.bf16.f32 v16;
	v18 =	vmul.f32 v18, v12;
	v14 =	vadd.f32 v14, v10;
	v10 =	vpop (erf)  }
0x116: {  	v24 =	vld [tilespmem:s26+$0x120];
	v15 =	vadd.f32 v15, v16;
	v16 =	vmul.f32 v19, v10  }
0x117: {  	v26 =	vld [tilespmem:s26+$0x130];
	[tilespmem:s12+$0xF0] =	vst v18;
	v14 =	vmul.f32 v14, v11  }
0x118: {  	v28 =	vld [tilespmem:s24+$0x1F0];
	[tilespmem:s12+$0x0] =	vst v16  }
0x119: {  	v15 =	vmul.f32 v15, v9;
	[tilespmem:s12+$0xFFFFFEF0] =	vst v14;
	v14 =	vld [tilespmem:s24+$0x90]  }
0x11a: {  	v16 =	vld [tilespmem:s25+$0xFFFFFF90]  }
0x11b: {  	[tilespmem:s12+$0xFFFFFF80] =	vst v15;
	v15 =	vld [tilespmem:s24+$0xFFFFFEA0]  }
0x11c: {  	v29 =	vld [tilespmem:s26+$0x140]  }
0x11d: {  	v32 =	vld [tilespmem:s26+$0x150];
	v13 =	vunpack.i.u.bf16.f32 v13  }
0x11e: {  	v17 =	vunpack.i.u.bf16.f32 v17;
	v21 =	vld [tilespmem:s14+$0xC0];
	v13 =	vadd.f32 v28, v13  }
0x11f: {  	v31 =	vld [tilespmem:s25+$0xFFFFFFD0];
	v28 =	vmul.f32 v5, v12;
	v17 =	vadd.f32 v14, v17;
	v14 =	vunpack.i.l.bf16.f32 v16  }
0x120: {  	v20 =	vld [tilespmem:s14+$0x90];
	v12 =	vmul.f32 v13, v12;
	v15 =	vadd.f32 v15, v14  }
0x121: {  	v18 =	vld [tilespmem:s14+$0x80];
	[tilespmem:s12+$0x110] =	vst v28;
	v17 =	vmul.f32 v17, v10  }
0x122: {  	v35 =	vunpack.i.l.bf16.f32 v62;
	v34 =	vunpack.i.u.bf16.f32 v62;
	v28 =	vld [tilespmem:s30+$0x70];
	[tilespmem:s12+$0x100] =	vst v12;
	v63 =	vmul.f32 v15, v11  }
0x123: {  	v19 =	vld [tilespmem:s14+$0xA0];
	v13 =	vmul.f32 v5, v9;
	v12 =	vmul.f32 v5, v10;
	v16 =	vunpack.i.u.bf16.f32 v16;
	[tilespmem:s12+$0x10] =	vst v17  }
0x124: {  	s28 =	simm.s32 $0x64C0;
	s21 =	simm.s32 $0x4;
	s22 =	simm.s32 $0x8;
	v14 =	vmul.f32 v5, v11;
	v15 =	vunpack.i.u.bf16.f32 v31;
	v17 =	vunpack.i.l.bf16.f32 v31;
	v31 =	vld [tilespmem:s26+$0x160];
	[tilespmem:s12+$0xFFFFFF00] =	vst v63  }
.LBB2_7:
0x125: {  	p1 =	slt.u32 s22, $0xC;
	v36 =	vunpack.i.u.bf16.f32 v33;
	v33 =	vunpack.i.l.bf16.f32 v33;
	v37 =	vunpack.i.u.bf16.f32 v30;
	v38 =	vld [tilespmem:s26+$0x170]  }
0x126: {  	v25 =	vadd.f32 v25, v35;
	v27 =	vadd.f32 v27, v34;
	v30 =	vunpack.i.l.bf16.f32 v30;
	v34 =	vld [tilespmem:s14+$0xE0]  }
0x127: {  	v24 =	vadd.f32 v24, v33;
	v26 =	vadd.f32 v26, v36;
	v33 =	vunpack.i.u.bf16.f32 v28;
	v35 =	vld [tilespmem:s14+$0xF0]  }
0x128: {  	v29 =	vadd.f32 v29, v30;
	v28 =	vunpack.i.l.bf16.f32 v28;
	v36 =	vld [tilespmem:s30+$0xFFFFFF90];
	v30 =	vadd.f32 v32, v37  }
0x129: {  	v18 =	vmul.f32 v25, v18;
	v20 =	vmul.f32 v27, v20;
	v32 =	vld [tilespmem:s30+$0xFFFFFFA0];
	v25 =	vadd.f32 v31, v28  }
0x12a: {  	v19 =	vmul.f32 v24, v19;
	v22 =	vmul.f32 v26, v22;
	v27 =	vld [tilespmem:s30+$0xFFFFFFB0];
	v24 =	vadd.f32 v38, v33  }
0x12b: {  	v21 =	vmul.f32 v29, v21;
	v23 =	vmul.f32 v30, v23;
	v26 =	vld [tilespmem:s30+$0xFFFFFFC0]  }
0x12c: {  	v25 =	vmul.f32 v25, v34;
	v28 =	vld [tilespmem:s30+$0xFFFFFFD0];
	v24 =	vmul.f32 v24, v35  }
0x12d: {  	v18 =	vadd.f32 v20, v18;
	v19 =	vadd.f32 v22, v19;
	v33 =	vunpack.i.u.bf16.f32 v36;
	v29 =	vld [tilespmem:s30+$0xFFFFFFE0]  }
0x12e: {  	s4 =	sshll.u32 s21, $0x4;
	s21 =	smov.u32 s22;
	v21 =	vadd.f32 v23, v21;
	v20 =	vunpack.i.l.bf16.f32 v36;
	v22 =	vld [tilespmem:s30+$0xFFFFFFF0];
	v23 =	vadd.f32 v24, v25  }
0x12f: {  	s1 =	sadd.s32 $0x10, s4;
	s2 =	sadd.s32 $0x20, s4;
	s23 =	sadd.s32 $0x30, s4;
	v34 =	vunpack.i.u.bf16.f32 v32;
	v32 =	vunpack.i.l.bf16.f32 v32;
	v35 =	vunpack.i.u.bf16.f32 v27;
	v24 =	vld [tilespmem:s30+$0x0]  }
0x130: {  	v18 =	vadd.f32 v19, v18;
	v25 =	vld [tilespmem:s30+$0x10];
	v19 =	vadd.f32 v23, v21;
	v21 =	vor.u32 s23, v1  }
0x131: {  	v36 =	vunpack.i.l.bf16.f32 v27;
	v37 =	vunpack.i.u.bf16.f32 v26;
	v38 =	vunpack.i.l.bf16.f32 v26;
	v23 =	vld [tilespmem:s30+$0x20]  }
0x132: {  	v39 =	vunpack.i.u.bf16.f32 v28;
	v40 =	vunpack.i.l.bf16.f32 v28;
	v26 =	vld [tilespmem:s30+$0x30];
	v18 =	vadd.f32 v19, v18  }
0x133: {  	s29 =	sadd.s32 $0x40, s29;
	v41 =	vunpack.i.u.bf16.f32 v29;
	v42 =	vunpack.i.l.bf16.f32 v29;
	v19 =	vld [tilespmem:s30+$0xFFFFFF80];
	v43 =	vunpack.i.u.bf16.f32 v22  }
0x134: {  	v44 =	vunpack.i.l.bf16.f32 v22;
	v30 =	vld [tilespmem:s26+$0xFFFFFE00];
	v45 =	vunpack.i.u.bf16.f32 v24;
	v46 =	vunpack.i.l.bf16.f32 v24;
	[tilespmem:s29+$0x10] =	vst v18  }
0x135: {  	v29 =	vor.u32 s1, v1;
	v47 =	vunpack.i.u.bf16.f32 v25;
	v48 =	vunpack.i.l.bf16.f32 v25;
	v22 =	vld.idx.msk [tilespmem:v21+s0+$0x0], $0xffff  }
0x136: {  	v27 =	vor.u32 s2, v1;
	v49 =	vld [tilespmem:s26+$0xFFFFFE10];
	v50 =	vunpack.i.u.bf16.f32 v23;
	v51 =	vunpack.i.l.bf16.f32 v23  }
0x137: {  	v31 =	vor.u32 s4, v1;
	v23 =	vld [tilespmem:s26+$0xFFFFFE20];
	v52 =	vunpack.i.u.bf16.f32 v26;
	v53 =	vunpack.i.l.bf16.f32 v26  }
0x138: {  	v28 =	vor.u32 s1, v3;
	v26 =	vunpack.i.u.bf16.f32 v19;
	v19 =	vunpack.i.l.bf16.f32 v19;
	v54 =	vld [tilespmem:s26+$0xFFFFFE30]  }
0x139: {  	v56 =	vor.u32 s23, v3;
	v24 =	vor.u32 s2, v3;
	v19 =	vadd.f32 v30, v19;
	v55 =	vld [tilespmem:s26+$0xFFFFFE40]  }
0x13a: {  	v25 =	vor.u32 s1, v4;
	v21 =	vor.u32 s2, v4;
	v30 =	vor.u32 s4, v3;
	v57 =	vld [tilespmem:s26+$0xFFFFFE50]  }
0x13b: {  	v59 =	vadd.f32 v18, v22;
	v49 =	vadd.f32 v49, v26;
	v58 =	vld [tilespmem:s26+$0xFFFFFE60];
	v26 =	vor.u32 s4, v4  }
0x13c: {  	v22 =	vor.u32 s1, v2;
	v18 =	vor.u32 s2, v2;
	v20 =	vadd.f32 v23, v20;
	v60 =	vld [tilespmem:s26+$0xFFFFFE70]  }
0x13d: {  	v23 =	vor.u32 s4, v2;
	v33 =	vadd.f32 v54, v33;
	v54 =	vld [tilespmem:s26+$0xFFFFFF00];
	[tilespmem:s29+$0x10] =	vst v59  }
0x13e: {  	v32 =	vadd.f32 v55, v32;
	v55 =	vld.idx.msk [tilespmem:v56+s0+$0x0], $0xffff  }
0x13f: {  	v34 =	vadd.f32 v57, v34;
	v56 =	vld [tilespmem:s26+$0xFFFFFF10]  }
0x140: {  	v36 =	vadd.f32 v58, v36;
	v57 =	vld [tilespmem:s26+$0xFFFFFF20]  }
0x141: {  	v35 =	vadd.f32 v60, v35;
	v58 =	vld [tilespmem:s26+$0xFFFFFF30]  }
0x142: {  	v60 =	vor.u32 s23, v4;
	v38 =	vadd.f32 v54, v38;
	v54 =	vld [tilespmem:s26+$0xFFFFFF40]  }
0x143: {  	v61 =	vld [tilespmem:s26+$0xFFFFFF50]  }
0x144: {  	v55 =	vadd.f32 v59, v55;
	v37 =	vadd.f32 v56, v37;
	v56 =	vld [tilespmem:s26+$0xFFFFFF60]  }
0x145: {  	v40 =	vadd.f32 v57, v40;
	v57 =	vld [tilespmem:s26+$0xFFFFFF70]  }
0x146: {  	v39 =	vadd.f32 v58, v39;
	v58 =	vld [tilespmem:s26+$0x0];
	[tilespmem:s29+$0x10] =	vst v55  }
0x147: {  	v42 =	vadd.f32 v54, v42;
	v54 =	vld.idx.msk [tilespmem:v60+s0+$0x0], $0xffff  }
0x148: {  	v41 =	vadd.f32 v61, v41;
	v59 =	vld [tilespmem:s26+$0x10]  }
0x149: {  	v44 =	vadd.f32 v56, v44;
	v56 =	vld [tilespmem:s26+$0x20]  }
0x14a: {  	v43 =	vadd.f32 v57, v43;
	v57 =	vld [tilespmem:s26+$0x30]  }
0x14b: {  	v60 =	vor.u32 s23, v2;
	v46 =	vadd.f32 v58, v46;
	v58 =	vld [tilespmem:s26+$0x40]  }
0x14c: {  	v61 =	vld [tilespmem:s26+$0x50]  }
0x14d: {  	v54 =	vadd.f32 v55, v54;
	v45 =	vadd.f32 v59, v45;
	v59 =	vld [tilespmem:s26+$0x60]  }
0x14e: {  	v48 =	vadd.f32 v56, v48;
	v55 =	vld [tilespmem:s26+$0x70]  }
0x14f: {  	v56 =	vld [tilespmem:s14+$0xFFFFFF00];
	v47 =	vadd.f32 v57, v47;
	[tilespmem:s29+$0x10] =	vst v54  }
0x150: {  	v51 =	vadd.f32 v58, v51;
	v57 =	vld.idx.msk [tilespmem:v60+s0+$0x0], $0xffff  }
0x151: {  	v58 =	vld [tilespmem:s14+$0xFFFFFF10];
	v50 =	vadd.f32 v61, v50  }
0x152: {  	v60 =	vld [tilespmem:s14+$0xFFFFFF20];
	v53 =	vadd.f32 v59, v53  }
0x153: {  	v59 =	vld [tilespmem:s14+$0xFFFFFF30];
	v52 =	vadd.f32 v55, v52  }
0x154: {  	v19 =	vmul.f32 v19, v56;
	v55 =	vld [tilespmem:s14+$0xFFFFFF40]  }
0x155: {  	v56 =	vld [tilespmem:s14+$0xFFFFFF50]  }
0x156: {  	v54 =	vadd.f32 v57, v54;
	v49 =	vmul.f32 v49, v58;
	v58 =	vld [tilespmem:s14+$0xFFFFFF60]  }
0x157: {  	v20 =	vmul.f32 v20, v60;
	v57 =	vld [tilespmem:s14+$0xFFFFFF70]  }
0x158: {  	v54 =	vmul.f32 $8.838834610e-02, v54;
	v33 =	vmul.f32 v33, v59;
	v19 =	vadd.f32 v49, v19;
	v49 =	vld [tilespmem:s14+$0xFFFFFF80]  }
0x159: {  	v32 =	vmul.f32 v32, v55;
	v55 =	vld [tilespmem:s14+$0xFFFFFF90]  }
0x15a: {  	v54 =	vmul.f32 $1.442695020e+00, v54;
	v34 =	vmul.f32 v34, v56;
	v20 =	vadd.f32 v33, v20;
	v33 =	vld [tilespmem:s14+$0xFFFFFFA0]  }
0x15b: {  	v36 =	vmul.f32 v36, v58;
	v56 =	vld [tilespmem:s14+$0xFFFFFFB0]  }
0x15c: {  	v35 =	vmul.f32 v35, v57;
	v32 =	vadd.f32 v34, v32;
	v34 =	vld [tilespmem:s14+$0xFFFFFFC0];
	(erf) = vpow2.f32 v54  }
0x15d: {  	v19 =	vadd.f32 v20, v19;
	v20 =	vmul.f32 v38, v49;
	v38 =	vld [tilespmem:s14+$0xFFFFFFD0]  }
0x15e: {  	v35 =	vadd.f32 v35, v36;
	v36 =	vmul.f32 v37, v55;
	v37 =	vld [tilespmem:s30+$0x40]  }
0x15f: {  	v33 =	vmul.f32 v40, v33;
	v40 =	vld [tilespmem:s26+$0x180]  }
0x160: {  	v32 =	vadd.f32 v35, v32;
	v35 =	vmul.f32 v39, v56;
	v39 =	vld [tilespmem:s14+$0xFFFFFFE0];
	v20 =	vadd.f32 v36, v20  }
0x161: {  	v34 =	vmul.f32 v42, v34;
	v36 =	vld [tilespmem:s14+$0xFFFFFFF0]  }
0x162: {  	v32 =	vadd.f32 v32, v19;
	v6 =	vmul.f32 v41, v38;
	v33 =	vadd.f32 v35, v33;
	v35 =	vld [tilespmem:s14+$0x0]  }
0x163: {  	v38 =	vld [tilespmem:s14+$0x10];
	v41 =	vunpack.i.l.bf16.f32 v37  }
0x164: {  	[tilespmem:s29+$0xFFFFFFE0] =	vst v32;
	v34 =	vadd.f32 v6, v34;
	v42 =	vld [tilespmem:s14+$0x20];
	v40 =	vadd.f32 v40, v41  }
0x165: {  	v33 =	vadd.f32 v33, v20;
	v39 =	vmul.f32 v44, v39;
	v41 =	vld [tilespmem:s14+$0x30];
	v19 =	vpop (erf)  }
0x166: {  	v36 =	vmul.f32 v43, v36;
	v43 =	vld [tilespmem:s14+$0x40];
	v40 =	vmul.f32 v40, v19  }
0x167: {  	s12 =	sadd.s32 $0x240, s12;
	v20 =	vmul.f32 v5, v19;
	v35 =	vmul.f32 v46, v35;
	v44 =	vld [tilespmem:s14+$0x50]  }
0x168: {  	v36 =	vadd.f32 v36, v39;
	v38 =	vmul.f32 v45, v38;
	v39 =	vld [tilespmem:s14+$0x60];
	[tilespmem:s12+$0x90] =	vst v40  }
0x169: {  	v40 =	vmul.f32 v48, v42;
	v42 =	vld [tilespmem:s26+$0x190]  }
0x16a: {  	v34 =	vadd.f32 v36, v34;
	v36 =	vmul.f32 v47, v41;
	v41 =	vld [tilespmem:s14+$0x70];
	v35 =	vadd.f32 v38, v35  }
0x16b: {  	v31 =	vld.idx.msk [tilespmem:v31+s0+$0x0], $0xffff;
	v38 =	vmul.f32 v51, v43  }
0x16c: {  	v33 =	vadd.f32 v34, v33;
	v34 =	vmul.f32 v50, v44;
	v36 =	vadd.f32 v36, v40;
	v40 =	vld [tilespmem:s25+$0x10]  }
0x16d: {  	v37 =	vunpack.i.u.bf16.f32 v37;
	v39 =	vmul.f32 v53, v39;
	v43 =	vld [tilespmem:s24+$0xFFFFFFA0]  }
0x16e: {  	[tilespmem:s29+$0xFFFFFFF0] =	vst v33;
	v34 =	vadd.f32 v34, v38;
	v37 =	vadd.f32 v42, v37;
	v38 =	vld [tilespmem:s24+$0xA0]  }
0x16f: {  	v35 =	vadd.f32 v36, v35;
	v29 =	vld.idx.msk [tilespmem:v29+s0+$0x0], $0xffff;
	v41 =	vmul.f32 v52, v41  }
0x170: {  	v36 =	vmul.f32 v37, v19;
	v37 =	vld [tilespmem:s24+$0xFFFFFEB0]  }
0x171: {  	v31 =	vadd.f32 v32, v31;
	v32 =	vadd.f32 v41, v39;
	v39 =	vunpack.i.l.bf16.f32 v40  }
0x172: {  	[tilespmem:s12+$0xA0] =	vst v36;
	v17 =	vadd.f32 v43, v17;
	v36 =	vunpack.i.u.bf16.f32 v40  }
0x173: {  	[tilespmem:s29+$0xFFFFFFE0] =	vst v31;
	v32 =	vadd.f32 v32, v34;
	v34 =	vld [tilespmem:s30+$0x50];
	v38 =	vadd.f32 v38, v39  }
0x174: {  	v39 =	vld [tilespmem:s26+$0x1A0];
	v17 =	vmul.f32 v17, v9  }
0x175: {  	v29 =	vadd.f32 v33, v29;
	v30 =	vld.idx.msk [tilespmem:v30+s0+$0x0], $0xffff;
	v32 =	vadd.f32 v32, v35;
	v33 =	vmul.f32 v38, v10  }
0x176: {  	v16 =	vadd.f32 v37, v16;
	[tilespmem:s28+$0xFFFFFF90] =	vst v17  }
0x177: {  	[tilespmem:s29+$0x0] =	vst v32;
	v17 =	vld [tilespmem:s24+$0xFFFFFFB0]  }
0x178: {  	v16 =	vmul.f32 v16, v11;
	[tilespmem:s29+$0xFFFFFFF0] =	vst v29;
	v27 =	vld.idx.msk [tilespmem:v27+s0+$0x0], $0xffff;
	v35 =	vunpack.i.l.bf16.f32 v34  }
0x179: {  	v28 =	vld.idx.msk [tilespmem:v28+s0+$0x0], $0xffff;
	v35 =	vadd.f32 v39, v35;
	[tilespmem:s28+$0x20] =	vst v33  }
0x17a: {  	[tilespmem:s28+$0xFFFFFF10] =	vst v16;
	v16 =	vld [tilespmem:s24+$0xB0]  }
0x17b: {  	v30 =	vadd.f32 v31, v30;
	v31 =	vmul.f32 v35, v19;
	v33 =	vld [tilespmem:s25+$0xFFFFFFA0]  }
0x17c: {  	v35 =	vld [tilespmem:s24+$0xFFFFFEC0];
	v15 =	vadd.f32 v17, v15  }
0x17d: {  	[tilespmem:s12+$0xB0] =	vst v31  }
0x17e: {  	v17 =	vadd.f32 v32, v27;
	[tilespmem:s29+$0xFFFFFFE0] =	vst v30;
	v27 =	vld [tilespmem:s26+$0x1B0];
	v15 =	vmul.f32 v15, v9  }
0x17f: {  	v28 =	vadd.f32 v29, v28;
	v26 =	vld.idx.msk [tilespmem:v26+s0+$0x0], $0xffff;
	v16 =	vadd.f32 v16, v36  }
0x180: {  	[tilespmem:s29+$0x0] =	vst v17;
	v29 =	vunpack.i.u.bf16.f32 v33;
	v31 =	vunpack.i.l.bf16.f32 v33  }
0x181: {  	[tilespmem:s29+$0xFFFFFFF0] =	vst v28;
	v24 =	vld.idx.msk [tilespmem:v24+s0+$0x0], $0xffff;
	v31 =	vadd.f32 v35, v31;
	v16 =	vmul.f32 v16, v10  }
0x182: {  	v32 =	vunpack.i.u.bf16.f32 v34;
	v25 =	vld.idx.msk [tilespmem:v25+s0+$0x0], $0xffff;
	[tilespmem:s28+$0xFFFFFFA0] =	vst v15  }
0x183: {  	v15 =	vadd.f32 v27, v32;
	v27 =	vmul.f32 v31, v11;
	v31 =	vld [tilespmem:s25+$0xFFFFFFE0];
	[tilespmem:s28+$0x30] =	vst v16  }
0x184: {  	v16 =	vld [tilespmem:s25+$0x20]  }
0x185: {  	v26 =	vadd.f32 v30, v26;
	v15 =	vmul.f32 v15, v19;
	[tilespmem:s28+$0xFFFFFF20] =	vst v27;
	v27 =	vld [tilespmem:s24+$0xFFFFFFC0]  }
0x186: {  	v30 =	vld [tilespmem:s24+$0xC0]  }
0x187: {  	v17 =	vadd.f32 v17, v24;
	[tilespmem:s12+$0xC0] =	vst v15;
	v15 =	vld [tilespmem:s24+$0xFFFFFED0]  }
0x188: {  	v24 =	vadd.f32 v28, v25;
	[tilespmem:s29+$0xFFFFFFE0] =	vst v26;
	v25 =	vld [tilespmem:s30+$0x60];
	v28 =	vunpack.i.u.bf16.f32 v31;
	v31 =	vunpack.i.l.bf16.f32 v31  }
0x189: {  	[tilespmem:s29+$0x0] =	vst v17;
	v32 =	vld [tilespmem:s26+$0x1C0];
	v33 =	vunpack.i.u.bf16.f32 v16;
	v16 =	vunpack.i.l.bf16.f32 v16  }
0x18a: {  	[tilespmem:s29+$0xFFFFFFF0] =	vst v24;
	v21 =	vld.idx.msk [tilespmem:v21+s0+$0x0], $0xffff;
	v27 =	vadd.f32 v27, v31  }
0x18b: {  	v23 =	vld.idx.msk [tilespmem:v23+s0+$0x0], $0xffff;
	v16 =	vadd.f32 v30, v16  }
0x18c: {  	v22 =	vld.idx.msk [tilespmem:v22+s0+$0x0], $0xffff;
	v15 =	vadd.f32 v15, v29;
	v27 =	vmul.f32 v27, v9  }
0x18d: {  	v29 =	vld [tilespmem:s30+$0xFFFFFF80];
	v30 =	vunpack.i.l.bf16.f32 v25;
	v16 =	vmul.f32 v16, v10  }
0x18e: {  	v31 =	vld [tilespmem:s30+$0xFFFFFFC0];
	v30 =	vadd.f32 v32, v30;
	v15 =	vmul.f32 v15, v11;
	[tilespmem:s28+$0xFFFFFFB0] =	vst v27  }
0x18f: {  	v27 =	vld [tilespmem:s26+$0xFFFFFE80];
	[tilespmem:s28+$0x40] =	vst v16  }
0x190: {  	v17 =	vadd.f32 v17, v21;
	v16 =	vld [tilespmem:s26+$0xFFFFFF80];
	v21 =	vmul.f32 v30, v19;
	[tilespmem:s28+$0xFFFFFF30] =	vst v15  }
0x191: {  	v15 =	vadd.f32 v23, v26;
	v23 =	vld [tilespmem:s24+$0xFFFFFFD0]  }
0x192: {  	v22 =	vadd.f32 v22, v24;
	v26 =	vunpack.i.u.bf16.f32 v29;
	v29 =	vunpack.i.l.bf16.f32 v29;
	[tilespmem:s12+$0xD0] =	vst v21;
	v21 =	vld [tilespmem:s24+$0xD0]  }
0x193: {  	v15 =	vmul.f32 $8.838834610e-02, v15;
	v24 =	vunpack.i.u.bf16.f32 v31;
	v30 =	vunpack.i.l.bf16.f32 v31;
	[tilespmem:s29+$0x0] =	vst v17;
	v31 =	vld [tilespmem:s26+$0x1D0]  }
0x194: {  	v22 =	vmul.f32 $8.838834610e-02, v22;
	v27 =	vadd.f32 v27, v29;
	v18 =	vld.idx.msk [tilespmem:v18+s0+$0x0], $0xffff  }
0x195: {  	v15 =	vmul.f32 $1.442695020e+00, v15;
	v16 =	vadd.f32 v16, v30;
	v29 =	vld [tilespmem:s30+$0x0]  }
0x196: {  	v22 =	vmul.f32 $1.442695020e+00, v22;
	v30 =	vld [tilespmem:s26+$0x80];
	v23 =	vadd.f32 v23, v28  }
0x197: {  	v25 =	vunpack.i.u.bf16.f32 v25;
	(erf) = vpow2.f32 v15;
	v15 =	vld [tilespmem:s25+$0xFFFFFFB0];
	v21 =	vadd.f32 v21, v33  }
0x198: {  	v25 =	vadd.f32 v31, v25;
	(erf) = vpow2.f32 v22;
	v22 =	vld [tilespmem:s24+$0xFFFFFEE0];
	v23 =	vmul.f32 v23, v9  }
0x199: {  	v21 =	vmul.f32 v21, v10  }
0x19a: {  	v17 =	vadd.f32 v18, v17;
	v18 =	vunpack.i.l.bf16.f32 v29;
	v25 =	vmul.f32 v25, v19;
	[tilespmem:s28+$0xFFFFFFC0] =	vst v23  }
0x19b: {  	v23 =	vunpack.i.u.bf16.f32 v29;
	v18 =	vadd.f32 v30, v18;
	v28 =	vld [tilespmem:s25+$0xFFFFFFF0];
	[tilespmem:s28+$0x50] =	vst v21  }
0x19c: {  	v17 =	vmul.f32 $8.838834610e-02, v17;
	[tilespmem:s12+$0xE0] =	vst v25;
	v21 =	vunpack.i.u.bf16.f32 v15;
	v15 =	vunpack.i.l.bf16.f32 v15;
	v25 =	vld [tilespmem:s25+$0x30];
	s25 =	smov.u32 s30  }
0x19d: {  	v29 =	vld [tilespmem:s30+$0x70];
	v15 =	vadd.f32 v22, v15  }
0x19e: {  	v17 =	vmul.f32 $1.442695020e+00, v17;
	v22 =	vld [tilespmem:s26+$0x1E0]  }
0x19f: {  	v15 =	vmul.f32 v15, v11;
	v30 =	vld [tilespmem:s24+$0xFFFFFFE0]  }
0x1a0: {  	v31 =	vpop (erf);
	(erf) = vpow2.f32 v17;
	v17 =	vunpack.i.u.bf16.f32 v28;
	v28 =	vunpack.i.l.bf16.f32 v28;
	v32 =	vld [tilespmem:s24+$0xE0]  }
0x1a1: {  	v27 =	vmul.f32 v27, v31;
	v33 =	vpop (erf);
	[tilespmem:s28+$0xFFFFFF40] =	vst v15;
	v15 =	vunpack.i.u.bf16.f32 v25;
	v25 =	vunpack.i.l.bf16.f32 v25  }
0x1a2: {  	v16 =	vmul.f32 v16, v33;
	v34 =	vunpack.i.l.bf16.f32 v29;
	v35 =	vld [tilespmem:s24+$0xFFFFFEF0];
	[tilespmem:s28+$0xFFFFFF60] =	vst v14;
	v14 =	vmul.f32 v5, v31  }
0x1a3: {  	[tilespmem:s12+$0xFFFFFEE0] =	vst v27;
	v27 =	vmul.f32 v5, v33;
	v22 =	vadd.f32 v22, v34  }
0x1a4: {  	v34 =	vld [tilespmem:s26+$0xFFFFFE90];
	[tilespmem:s12+$0xFFFFFF70] =	vst v16;
	v16 =	vadd.f32 v30, v28  }
0x1a5: {  	v28 =	vld [tilespmem:s26+$0xFFFFFF90];
	v22 =	vmul.f32 v22, v19;
	v25 =	vadd.f32 v32, v25  }
0x1a6: {  	v16 =	vmul.f32 v16, v9  }
0x1a7: {  	[tilespmem:s12+$0xF0] =	vst v22;
	v21 =	vadd.f32 v35, v21;
	v22 =	vmul.f32 v25, v10  }
0x1a8: {  	v25 =	vld [tilespmem:s26+$0x1F0];
	[tilespmem:s28+$0xFFFFFFD0] =	vst v16  }
0x1a9: {  	v16 =	vadd.f32 v34, v26;
	v26 =	vpop (erf);
	v21 =	vmul.f32 v21, v11;
	v30 =	vld [tilespmem:s24+$0xFFFFFFF0];
	[tilespmem:s28+$0x60] =	vst v22;
	v11 =	vmov v31  }
0x1aa: {  	v22 =	vadd.f32 v28, v24;
	v18 =	vmul.f32 v18, v26;
	v24 =	vmul.f32 v5, v26;
	[tilespmem:s28+$0xFFFFFFF0] =	vst v13;
	v28 =	vld [tilespmem:s24+$0xF0];
	s24 =	smov.u32 s26  }
0x1ab: {  	v13 =	vmov v27;
	v16 =	vmul.f32 v16, v11;
	[tilespmem:s28+$0xFFFFFF50] =	vst v21  }
0x1ac: {  	v21 =	vmul.f32 v22, v33;
	[tilespmem:s12+$0x0] =	vst v18;
	v18 =	vunpack.i.u.bf16.f32 v29  }
0x1ad: {  	[tilespmem:s12+$0xFFFFFEF0] =	vst v16;
	v16 =	vld [tilespmem:s26+$0x90];
	v18 =	vadd.f32 v25, v18  }
0x1ae: {  	v22 =	vld [tilespmem:s30+$0xFFFFFF90];
	[tilespmem:s12+$0xFFFFFF80] =	vst v21;
	v17 =	vadd.f32 v30, v17  }
0x1af: {  	v21 =	vld [tilespmem:s30+$0xFFFFFFD0];
	v19 =	vmul.f32 v18, v19;
	v15 =	vadd.f32 v28, v15;
	[tilespmem:s28+$0x80] =	vst v12;
	v12 =	vmov v24  }
0x1b0: {  	s14 =	sadd.s32 $0x200, s14;
	v24 =	vld [tilespmem:s26+$0xFFFFFEA0];
	[tilespmem:s12+$0x110] =	vst v20;
	v17 =	vmul.f32 v17, v9;
	v9 =	vmov v33  }
0x1b1: {  	v18 =	vld [tilespmem:s14+$0x80];
	[tilespmem:s12+$0x100] =	vst v19;
	v15 =	vmul.f32 v15, v10;
	v10 =	vmov v26  }
0x1b2: {  	v20 =	vld [tilespmem:s14+$0x90];
	v23 =	vadd.f32 v16, v23;
	[tilespmem:s28+$0xFFFFFFE0] =	vst v17  }
0x1b3: {  	v19 =	vld [tilespmem:s14+$0xA0];
	v16 =	vunpack.i.u.bf16.f32 v22;
	v25 =	vunpack.i.l.bf16.f32 v22;
	[tilespmem:s28+$0x70] =	vst v15;
	s28 =	smov.u32 s12  }
0x1b4: {  	v22 =	vld [tilespmem:s14+$0xB0];
	v15 =	vunpack.i.u.bf16.f32 v21;
	v17 =	vunpack.i.l.bf16.f32 v21;
	v26 =	vmul.f32 v23, v10  }
0x1b5: {  	v21 =	vld [tilespmem:s14+$0xC0];
	v24 =	vadd.f32 v24, v25  }
0x1b6: {  	s26 =	sadd.s32 $0x400, s26;
	v23 =	vld [tilespmem:s14+$0xD0];
	[tilespmem:s12+$0x10] =	vst v26  }
0x1b7: {  	v25 =	vld [tilespmem:s26+$0x100];
	v26 =	vmul.f32 v24, v11  }
0x1b8: {  	v27 =	vld [tilespmem:s26+$0x110]  }
0x1b9: {  	v24 =	vld [tilespmem:s26+$0x120];
	[tilespmem:s12+$0xFFFFFF00] =	vst v26  }
0x1ba: {  	s30 =	sadd.s32 $0x100, s30;
	v26 =	vld [tilespmem:s26+$0x130]  }
0x1bb: {  	v31 =	vld [tilespmem:s30+$0x40]  }
0x1bc: {  	v33 =	vld [tilespmem:s30+$0x50]  }
.Ltmp2:
0x1bd: {  	v30 =	vld [tilespmem:s30+$0x60];
	(pc) =	sbr.rel @p1 .LBB2_7-.Ltmp2, $4  }
0x1be: {  	v29 =	vld [tilespmem:s26+$0x140]  }
0x1bf: {  	v28 =	vld [tilespmem:s30+$0x70]  }
0x1c0: {  	v32 =	vld [tilespmem:s26+$0x150]  }
0x1c1: {  	s22 =	sadd.s32 $0x4, s22;
	v34 =	vunpack.i.u.bf16.f32 v31;
	v35 =	vunpack.i.l.bf16.f32 v31;
	v31 =	vld [tilespmem:s26+$0x160]  }
0x1c2: {  	v36 =	vld [tilespmem:s26+$0x170]  }
0x1c3: {  	v37 =	vld [tilespmem:s14+$0xE0]  }
0x1c4: {  	v38 =	vld [tilespmem:s14+$0xF0]  }
0x1c5: {  	v39 =	vld [tilespmem:s30+$0xFFFFFF90]  }
0x1c6: {  	v40 =	vld [tilespmem:s30+$0xFFFFFFA0]  }
0x1c7: {  	v41 =	vld [tilespmem:s30+$0xFFFFFFB0]  }
0x1c8: {  	v42 =	vld [tilespmem:s30+$0xFFFFFFC0]  }
0x1c9: {  	v43 =	vld [tilespmem:s30+$0xFFFFFFD0]  }
0x1ca: {  	v44 =	vld [tilespmem:s30+$0xFFFFFFE0]  }
0x1cb: {  	v45 =	vld [tilespmem:s30+$0xFFFFFFF0]  }
0x1cc: {  	v46 =	vld [tilespmem:s30+$0x0]  }
0x1cd: {  	v47 =	vld [tilespmem:s30+$0x10]  }
0x1ce: {  	v48 =	vld [tilespmem:s30+$0x20]  }
0x1cf: {  	v49 =	vld [tilespmem:s30+$0x30]  }
0x1d0: {  	v50 =	vld [tilespmem:s30+$0xFFFFFF80]  }
0x1d1: {  	v51 =	vld [tilespmem:s26+$0xFFFFFE00]  }
0x1d2: {  	v52 =	vld [tilespmem:s26+$0xFFFFFE10]  }
0x1d3: {  	v53 =	vld [tilespmem:s26+$0xFFFFFE20]  }
0x1d4: {  	v54 =	vld [tilespmem:s26+$0xFFFFFE30]  }
0x1d5: {  	v55 =	vld [tilespmem:s26+$0xFFFFFE40]  }
0x1d6: {  	v56 =	vld [tilespmem:s26+$0xFFFFFE50]  }
0x1d7: {  	v57 =	vld [tilespmem:s26+$0xFFFFFE60]  }
0x1d8: {  	v58 =	vld [tilespmem:s26+$0xFFFFFE70]  }
0x1d9: {  	v59 =	vld [tilespmem:s26+$0xFFFFFF00]  }
0x1da: {  	v60 =	vld [tilespmem:s26+$0xFFFFFF10]  }
0x1db: {  	v61 =	vld [tilespmem:s26+$0xFFFFFF20]  }
0x1dc: {  	v62 =	vld [tilespmem:s26+$0xFFFFFF30]  }
0x1dd: {  	v63 =	vld [tilespmem:s26+$0xFFFFFF40]  }
0x1de: {  	v6 =	vunpack.i.u.bf16.f32 v33;
	v33 =	vunpack.i.l.bf16.f32 v33;
	v25 =	vadd.f32 v25, v35;
	v35 =	vld [tilespmem:s26+$0xFFFFFF50]  }
0x1df: {  	v27 =	vadd.f32 v27, v34;
	v24 =	vadd.f32 v24, v33;
	v33 =	vld [tilespmem:s26+$0xFFFFFF60]  }
0x1e0: {  	v34 =	vunpack.i.l.bf16.f32 v30;
	v6 =	vadd.f32 v26, v6;
	v26 =	vunpack.i.u.bf16.f32 v30;
	v30 =	vld [tilespmem:s26+$0xFFFFFF70]  }
0x1e1: {  	v29 =	vadd.f32 v29, v34;
	v18 =	vmul.f32 v25, v18;
	v25 =	vld [tilespmem:s26+$0x0]  }
0x1e2: {  	v20 =	vmul.f32 v27, v20;
	v19 =	vmul.f32 v24, v19;
	v24 =	vld [tilespmem:s26+$0x20]  }
0x1e3: {  	v26 =	vadd.f32 v32, v26;
	v32 =	vunpack.i.l.bf16.f32 v28;
	v21 =	vmul.f32 v29, v21;
	v29 =	vld [tilespmem:s26+$0x70]  }
0x1e4: {  	v27 =	vunpack.i.u.bf16.f32 v28;
	v6 =	vmul.f32 v6, v22;
	v28 =	vadd.f32 v31, v32;
	v31 =	vld [tilespmem:s26+$0x10]  }
0x1e5: {  	v18 =	vadd.f32 v20, v18;
	v23 =	vmul.f32 v26, v23;
	v26 =	vld [tilespmem:s26+$0x30]  }
0x1e6: {  	v22 =	vadd.f32 v36, v27;
	v6 =	vadd.f32 v6, v19;
	v19 =	vld [tilespmem:s26+$0x50];
	v32 =	vunpack.i.u.bf16.f32 v40  }
0x1e7: {  	v34 =	vunpack.i.u.bf16.f32 v41;
	v36 =	vunpack.i.l.bf16.f32 v41;
	v41 =	vld [tilespmem:s14+$0xFFFFFF30];
	v32 =	vadd.f32 v56, v32  }
0x1e8: {  	v27 =	vmul.f32 v28, v37;
	v28 =	vld [tilespmem:s26+$0x40];
	v36 =	vadd.f32 v57, v36;
	v34 =	vadd.f32 v58, v34  }
0x1e9: {  	v37 =	vld [tilespmem:s14+$0xFFFFFF10];
	v56 =	vunpack.i.u.bf16.f32 v45;
	v45 =	vunpack.i.l.bf16.f32 v45;
	v58 =	vunpack.i.u.bf16.f32 v46  }
0x1ea: {  	v57 =	vld [tilespmem:s14+$0xFFFFFF80];
	v46 =	vunpack.i.l.bf16.f32 v46;
	v22 =	vmul.f32 v22, v38;
	v20 =	vadd.f32 v23, v21  }
0x1eb: {  	v23 =	vunpack.i.u.bf16.f32 v39;
	v6 =	vadd.f32 v6, v18;
	v33 =	vadd.f32 v33, v45;
	v45 =	vld [tilespmem:s14+$0xFFFFFFB0]  }
0x1ec: {  	v30 =	vadd.f32 v30, v56;
	v56 =	vunpack.i.u.bf16.f32 v48;
	v25 =	vadd.f32 v25, v46;
	v46 =	vld [tilespmem:s14+$0xFFFFFFC0]  }
0x1ed: {  	v48 =	vunpack.i.l.bf16.f32 v48;
	v23 =	vadd.f32 v54, v23;
	v54 =	vld [tilespmem:s14+$0xFFFFFF60];
	v21 =	vadd.f32 v22, v27  }
0x1ee: {  	v22 =	vld [tilespmem:s26+$0x60];
	v27 =	vunpack.i.l.bf16.f32 v39;
	v31 =	vadd.f32 v31, v58;
	v58 =	vunpack.i.u.bf16.f32 v49  }
0x1ef: {  	v39 =	vld [tilespmem:s14+$0xFFFFFF20];
	v49 =	vunpack.i.l.bf16.f32 v49;
	v27 =	vadd.f32 v53, v27;
	v53 =	vunpack.i.u.bf16.f32 v44  }
0x1f0: {  	v44 =	vunpack.i.l.bf16.f32 v44;
	v19 =	vadd.f32 v19, v56;
	v18 =	vadd.f32 v21, v20;
	v20 =	vld [tilespmem:s14+$0xFFFFFF00]  }
0x1f1: {  	v23 =	vmul.f32 v23, v41;
	v29 =	vadd.f32 v29, v58;
	v35 =	vadd.f32 v35, v53;
	v53 =	vld [tilespmem:s14+$0xFFFFFFA0]  }
0x1f2: {  	v21 =	vunpack.i.l.bf16.f32 v40;
	v40 =	vunpack.i.u.bf16.f32 v42;
	v44 =	vadd.f32 v63, v44;
	v63 =	vld [tilespmem:s14+$0x10]  }
0x1f3: {  	v42 =	vunpack.i.l.bf16.f32 v42;
	v28 =	vadd.f32 v28, v48;
	v48 =	vld [tilespmem:s14+$0x20];
	v21 =	vadd.f32 v55, v21  }
0x1f4: {  	v42 =	vadd.f32 v59, v42;
	v55 =	vld [tilespmem:s14+$0xFFFFFF70];
	v40 =	vadd.f32 v60, v40;
	v60 =	vunpack.i.u.bf16.f32 v47  }
0x1f5: {  	v59 =	vld [tilespmem:s14+$0xFFFFFF90];
	v47 =	vunpack.i.l.bf16.f32 v47;
	v6 =	vadd.f32 v18, v6;
	v18 =	vunpack.i.u.bf16.f32 v50  }
0x1f6: {  	v50 =	vunpack.i.l.bf16.f32 v50;
	v24 =	vadd.f32 v24, v47;
	v47 =	vld [tilespmem:s14+$0xFFFFFFD0];
	v26 =	vadd.f32 v26, v60  }
0x1f7: {  	v60 =	vld [tilespmem:s14+$0xFFFFFFE0];
	v36 =	vmul.f32 v36, v54;
	v58 =	vmul.f32 v44, v46;
	v38 =	vadd.f32 v51, v50  }
0x1f8: {  	v18 =	vadd.f32 v52, v18;
	v50 =	vld [tilespmem:s14+$0xFFFFFF40];
	v51 =	vunpack.i.u.bf16.f32 v43;
	v43 =	vunpack.i.l.bf16.f32 v43  }
0x1f9: {  	v52 =	vld [tilespmem:s14+$0xFFFFFF50];
	v27 =	vmul.f32 v27, v39;
	v43 =	vadd.f32 v61, v43;
	v20 =	vmul.f32 v38, v20  }
0x1fa: {  	v54 =	vld [tilespmem:s14+$0x50];
	v51 =	vadd.f32 v62, v51;
	v18 =	vmul.f32 v18, v37;
	v31 =	vmul.f32 v31, v63  }
0x1fb: {  	v22 =	vadd.f32 v22, v49;
	v61 =	vld [tilespmem:s14+$0xFFFFFFF0];
	v24 =	vmul.f32 v24, v48;
	v34 =	vmul.f32 v34, v55  }
0x1fc: {  	s21 =	sshll.u32 s21, $0x4;
	v62 =	vld [tilespmem:s14+$0x0];
	v55 =	vmul.f32 v43, v53;
	v56 =	vmul.f32 v51, v45;
	v18 =	vadd.f32 v18, v20  }
0x1fd: {  	s22 =	sadd.s32 $0x30, s21;
	v20 =	vadd.f32 v23, v27;
	v23 =	vld [tilespmem:s14+$0x30];
	v35 =	vmul.f32 v35, v47;
	v33 =	vmul.f32 v33, v60  }
0x1fe: {  	v27 =	vor.u32 s22, v1;
	v21 =	vmul.f32 v21, v50;
	v32 =	vmul.f32 v32, v52;
	v50 =	vld [tilespmem:s14+$0x40]  }
0x1ff: {  	v49 =	vadd.f32 v34, v36;
	v52 =	vmul.f32 v40, v59;
	v59 =	vld [tilespmem:s14+$0x70];
	v18 =	vadd.f32 v20, v18  }
0x200: {  	v20 =	vmul.f32 v42, v57;
	v57 =	vld [tilespmem:s14+$0x60];
	v30 =	vmul.f32 v30, v61;
	v35 =	vadd.f32 v35, v58  }
0x201: {  	v25 =	vmul.f32 v25, v62;
	v21 =	vadd.f32 v32, v21;
	v32 =	vadd.f32 v56, v55  }
0x202: {  	v19 =	vmul.f32 v19, v54;
	v20 =	vadd.f32 v52, v20;
	v30 =	vadd.f32 v30, v33  }
0x203: {  	v25 =	vadd.f32 v31, v25;
	v21 =	vadd.f32 v49, v21;
	v23 =	vmul.f32 v26, v23  }
0x204: {  	v20 =	vadd.f32 v32, v20;
	v26 =	vmul.f32 v28, v50;
	v28 =	vadd.f32 v30, v35  }
0x205: {  	s1 =	sadd.s32 $0x40, s29;
	s2 =	sadd.s32 $0x10, s21;
	v29 =	vmul.f32 v29, v59;
	v30 =	vor.u32 s21, v1;
	v22 =	vmul.f32 v22, v57  }
0x206: {  	[tilespmem:s1+$0x10] =	vst v6;
	v23 =	vadd.f32 v23, v24;
	v24 =	vor.u32 s2, v1;
	v18 =	vadd.f32 v21, v18  }
0x207: {  	v19 =	vadd.f32 v19, v26;
	v26 =	vld.idx.msk [tilespmem:v27+s0+$0x0], $0xffff;
	v22 =	vadd.f32 v29, v22  }
0x208: {  	s4 =	sadd.s32 $0x20, s21;
	v20 =	vadd.f32 v28, v20  }
0x209: {  	v21 =	vor.u32 s4, v1;
	v23 =	vadd.f32 v23, v25;
	[tilespmem:s1+$0xFFFFFFE0] =	vst v18;
	v19 =	vadd.f32 v22, v19  }
0x20a: {  	[tilespmem:s1+$0xFFFFFFF0] =	vst v20;
	v22 =	vor.u32 s22, v3;
	v25 =	vld.idx.msk [tilespmem:v30+s0+$0x0], $0xffff  }
0x20b: {  	v19 =	vadd.f32 v19, v23;
	v23 =	vld.idx.msk [tilespmem:v24+s0+$0x0], $0xffff  }
0x20c: {  	v6 =	vadd.f32 v6, v26  }
0x20d: {  	v24 =	vor.u32 s21, v3;
	[tilespmem:s1+$0x0] =	vst v19  }
0x20e: {  	v26 =	vor.u32 s2, v3;
	[tilespmem:s1+$0x10] =	vst v6;
	v21 =	vld.idx.msk [tilespmem:v21+s0+$0x0], $0xffff  }
0x20f: {  	v22 =	vld.idx.msk [tilespmem:v22+s0+$0x0], $0xffff;
	v18 =	vadd.f32 v18, v25  }
0x210: {  	v20 =	vadd.f32 v20, v23  }
0x211: {  	v25 =	vor.u32 s4, v3;
	[tilespmem:s1+$0xFFFFFFE0] =	vst v18  }
0x212: {  	v23 =	vor.u32 s22, v4;
	v24 =	vld.idx.msk [tilespmem:v24+s0+$0x0], $0xffff;
	[tilespmem:s1+$0xFFFFFFF0] =	vst v20  }
0x213: {  	v19 =	vadd.f32 v19, v21;
	v21 =	vld.idx.msk [tilespmem:v26+s0+$0x0], $0xffff  }
0x214: {  	v6 =	vadd.f32 v6, v22  }
0x215: {  	v22 =	vor.u32 s21, v4;
	[tilespmem:s1+$0x0] =	vst v19  }
0x216: {  	v26 =	vor.u32 s2, v4;
	[tilespmem:s1+$0x10] =	vst v6;
	v25 =	vld.idx.msk [tilespmem:v25+s0+$0x0], $0xffff  }
0x217: {  	v23 =	vld.idx.msk [tilespmem:v23+s0+$0x0], $0xffff;
	v18 =	vadd.f32 v18, v24  }
0x218: {  	v20 =	vadd.f32 v20, v21  }
0x219: {  	v24 =	vor.u32 s4, v4;
	[tilespmem:s1+$0xFFFFFFE0] =	vst v18  }
0x21a: {  	v21 =	vor.u32 s22, v2;
	v22 =	vld.idx.msk [tilespmem:v22+s0+$0x0], $0xffff;
	[tilespmem:s1+$0xFFFFFFF0] =	vst v20  }
0x21b: {  	v19 =	vadd.f32 v19, v25;
	v25 =	vld.idx.msk [tilespmem:v26+s0+$0x0], $0xffff  }
0x21c: {  	v6 =	vadd.f32 v6, v23  }
0x21d: {  	v23 =	vor.u32 s21, v2;
	[tilespmem:s1+$0x0] =	vst v19  }
0x21e: {  	v26 =	vor.u32 s2, v2;
	[tilespmem:s1+$0x10] =	vst v6;
	v24 =	vld.idx.msk [tilespmem:v24+s0+$0x0], $0xffff  }
0x21f: {  	v21 =	vld.idx.msk [tilespmem:v21+s0+$0x0], $0xffff;
	v18 =	vadd.f32 v18, v22  }
0x220: {  	v20 =	vadd.f32 v20, v25  }
0x221: {  	v22 =	vor.u32 s4, v2;
	[tilespmem:s1+$0xFFFFFFE0] =	vst v18  }
0x222: {  	v23 =	vld.idx.msk [tilespmem:v23+s0+$0x0], $0xffff;
	[tilespmem:s1+$0xFFFFFFF0] =	vst v20  }
0x223: {  	v19 =	vadd.f32 v19, v24;
	v24 =	vld.idx.msk [tilespmem:v26+s0+$0x0], $0xffff  }
0x224: {  	v6 =	vadd.f32 v21, v6  }
0x225: {  	[tilespmem:s1+$0x0] =	vst v19  }
0x226: {  	v6 =	vmul.f32 $8.838834610e-02, v6;
	v21 =	vld.idx.msk [tilespmem:v22+s0+$0x0], $0xffff  }
0x227: {  	v18 =	vadd.f32 v23, v18  }
0x228: {  	v6 =	vmul.f32 $1.442695020e+00, v6;
	v20 =	vadd.f32 v24, v20  }
0x229: {  	v18 =	vmul.f32 $8.838834610e-02, v18  }
0x22a: {  	(erf) = vpow2.f32 v6;
	v6 =	vmul.f32 $8.838834610e-02, v20  }
0x22b: {  	v18 =	vmul.f32 $1.442695020e+00, v18;
	v19 =	vadd.f32 v21, v19  }
0x22c: {  	v22 =	vld [tilespmem:s30+$0x40];
	v6 =	vmul.f32 $1.442695020e+00, v6  }
0x22d: {  	v20 =	vld [tilespmem:s26+$0x180];
	(erf) = vpow2.f32 v18;
	v19 =	vmul.f32 $8.838834610e-02, v19  }
0x22e: {  	v23 =	vld [tilespmem:s30+$0xFFFFFF80]  }
0x22f: {  	v18 =	vld [tilespmem:s26+$0xFFFFFE80];
	(erf) = vpow2.f32 v6;
	v6 =	vmul.f32 $1.442695020e+00, v19;
	_ =	sdelay $0x1  }
0x230: {  	v24 =	vld [tilespmem:s30+$0xFFFFFFC0];
	(erf) = vpow2.f32 v6;
	v6 =	vunpack.i.l.bf16.f32 v22  }
0x231: {  	v25 =	vld [tilespmem:s26+$0xFFFFFF80];
	v6 =	vadd.f32 v20, v6  }
0x232: {  	v26 =	vld [tilespmem:s30+$0x0];
	v19 =	vunpack.i.l.bf16.f32 v23;
	v21 =	vpop (erf)  }
0x233: {  	v18 =	vadd.f32 v18, v19;
	v20 =	vld [tilespmem:s26+$0x80];
	v6 =	vmul.f32 v6, v21  }
0x234: {  	s12 =	sadd.s32 $0x240, s12  }
0x235: {  	v27 =	vunpack.i.l.bf16.f32 v24;
	v19 =	vpop (erf);
	[tilespmem:s12+$0x90] =	vst v6  }
0x236: {  	v6 =	vadd.f32 v25, v27;
	v28 =	vmul.f32 v18, v19;
	v25 =	vld [tilespmem:s26+$0x190]  }
0x237: {  	v29 =	vld [tilespmem:s24+$0xFFFFFFA0];
	v27 =	vunpack.i.l.bf16.f32 v26;
	v18 =	vpop (erf)  }
0x238: {  	v27 =	vadd.f32 v20, v27;
	v6 =	vmul.f32 v6, v18;
	[tilespmem:s12+$0xFFFFFEE0] =	vst v28  }
0x239: {  	v28 =	vld [tilespmem:s26+$0xFFFFFE90];
	v20 =	vpop (erf)  }
0x23a: {  	v22 =	vunpack.i.u.bf16.f32 v22;
	[tilespmem:s12+$0xFFFFFF70] =	vst v6;
	v6 =	vmul.f32 v27, v20  }
0x23b: {  	v27 =	vld [tilespmem:s26+$0xFFFFFF90];
	v22 =	vadd.f32 v25, v22  }
0x23c: {  	v17 =	vadd.f32 v29, v17;
	v29 =	vld [tilespmem:s24+$0xA0];
	[tilespmem:s12+$0x0] =	vst v6  }
0x23d: {  	v23 =	vunpack.i.u.bf16.f32 v23;
	v6 =	vld [tilespmem:s26+$0x90];
	v22 =	vmul.f32 v22, v21  }
0x23e: {  	v25 =	vld [tilespmem:s25+$0x10];
	v23 =	vadd.f32 v28, v23  }
0x23f: {  	v17 =	vmul.f32 v17, v9;
	v24 =	vunpack.i.u.bf16.f32 v24;
	v28 =	vld [tilespmem:s24+$0xFFFFFEB0];
	[tilespmem:s12+$0xA0] =	vst v22  }
0x240: {  	v22 =	vadd.f32 v27, v24;
	v23 =	vmul.f32 v23, v19;
	v24 =	vld [tilespmem:s30+$0x50]  }
0x241: {  	[tilespmem:s28+$0xFFFFFF90] =	vst v17;
	v26 =	vunpack.i.u.bf16.f32 v26;
	v27 =	vld [tilespmem:s26+$0x1A0]  }
0x242: {  	v17 =	vmul.f32 v22, v18;
	v22 =	vld [tilespmem:s24+$0xFFFFFFB0];
	[tilespmem:s12+$0xFFFFFEF0] =	vst v23;
	v6 =	vadd.f32 v6, v26  }
0x243: {  	v23 =	vunpack.i.l.bf16.f32 v25;
	v26 =	vld [tilespmem:s30+$0xFFFFFF90]  }
0x244: {  	[tilespmem:s12+$0xFFFFFF80] =	vst v17;
	v17 =	vadd.f32 v29, v23;
	v29 =	vld [tilespmem:s26+$0xFFFFFEA0];
	v6 =	vmul.f32 v6, v20  }
0x245: {  	v16 =	vadd.f32 v28, v16;
	v23 =	vld [tilespmem:s30+$0xFFFFFFD0];
	v28 =	vunpack.i.l.bf16.f32 v24  }
0x246: {  	[tilespmem:s12+$0x10] =	vst v6;
	v6 =	vmul.f32 v17, v10;
	v17 =	vadd.f32 v27, v28;
	v28 =	vld [tilespmem:s26+$0xFFFFFFA0]  }
0x247: {  	v16 =	vmul.f32 v16, v11;
	v27 =	vld [tilespmem:s30+$0x10]  }
0x248: {  	v15 =	vadd.f32 v22, v15;
	[tilespmem:s28+$0x20] =	vst v6;
	v6 =	vmul.f32 v17, v21;
	v17 =	vld [tilespmem:s26+$0xA0]  }
0x249: {  	[tilespmem:s28+$0xFFFFFF10] =	vst v16;
	v22 =	vunpack.i.l.bf16.f32 v26;
	v16 =	vld [tilespmem:s24+$0xB0]  }
0x24a: {  	v30 =	vld [tilespmem:s25+$0xFFFFFFA0];
	[tilespmem:s12+$0xB0] =	vst v6;
	v6 =	vmul.f32 v15, v9;
	v15 =	vadd.f32 v29, v22  }
0x24b: {  	v29 =	vunpack.i.l.bf16.f32 v23;
	v22 =	vld [tilespmem:s26+$0x1B0]  }
0x24c: {  	v31 =	vld [tilespmem:s24+$0xFFFFFEC0];
	v28 =	vadd.f32 v28, v29;
	[tilespmem:s28+$0xFFFFFFA0] =	vst v6;
	v6 =	vmul.f32 v15, v19;
	v15 =	vunpack.i.l.bf16.f32 v27  }
0x24d: {  	v25 =	vunpack.i.u.bf16.f32 v25;
	v29 =	vld [tilespmem:s25+$0xFFFFFFE0];
	v15 =	vadd.f32 v17, v15  }
0x24e: {  	v17 =	vld [tilespmem:s24+$0xFFFFFFC0];
	v16 =	vadd.f32 v16, v25;
	[tilespmem:s12+$0xFFFFFF00] =	vst v6;
	v6 =	vmul.f32 v28, v18  }
0x24f: {  	v24 =	vunpack.i.u.bf16.f32 v24;
	v25 =	vld [tilespmem:s26+$0xFFFFFEB0];
	v15 =	vmul.f32 v15, v20  }
0x250: {  	v16 =	vmul.f32 v16, v10;
	v22 =	vadd.f32 v22, v24;
	[tilespmem:s12+$0xFFFFFF90] =	vst v6  }
0x251: {  	v6 =	vunpack.i.l.bf16.f32 v30;
	v24 =	vld [tilespmem:s26+$0xFFFFFFB0];
	[tilespmem:s12+$0x20] =	vst v15  }
0x252: {  	v6 =	vadd.f32 v31, v6;
	[tilespmem:s28+$0x30] =	vst v16;
	v15 =	vmul.f32 v22, v21;
	v16 =	vunpack.i.l.bf16.f32 v29;
	v22 =	vld [tilespmem:s26+$0xB0]  }
0x253: {  	v28 =	vld [tilespmem:s25+$0x20];
	v16 =	vadd.f32 v17, v16;
	v17 =	vunpack.i.u.bf16.f32 v26  }
0x254: {  	v6 =	vmul.f32 v6, v11;
	v26 =	vld [tilespmem:s24+$0xC0];
	[tilespmem:s12+$0xC0] =	vst v15;
	v15 =	vadd.f32 v25, v17  }
0x255: {  	v23 =	vunpack.i.u.bf16.f32 v23;
	v17 =	vld [tilespmem:s30+$0x60];
	v16 =	vmul.f32 v16, v9  }
0x256: {  	[tilespmem:s28+$0xFFFFFF20] =	vst v6;
	v6 =	vld [tilespmem:s26+$0x1C0];
	v15 =	vmul.f32 v15, v19;
	v23 =	vadd.f32 v24, v23  }
0x257: {  	v25 =	vunpack.i.u.bf16.f32 v27;
	v24 =	vld [tilespmem:s24+$0xFFFFFED0];
	[tilespmem:s28+$0xFFFFFFB0] =	vst v16  }
0x258: {  	v16 =	vadd.f32 v22, v25;
	v22 =	vld [tilespmem:s24+$0xFFFFFFD0];
	[tilespmem:s12+$0xFFFFFF10] =	vst v15;
	v15 =	vmul.f32 v23, v18  }
0x259: {  	v23 =	vunpack.i.l.bf16.f32 v28;
	v25 =	vld [tilespmem:s30+$0xFFFFFFA0]  }
0x25a: {  	v16 =	vmul.f32 v16, v20;
	v23 =	vadd.f32 v26, v23;
	v27 =	vld [tilespmem:s26+$0xFFFFFEC0];
	v26 =	vunpack.i.l.bf16.f32 v17;
	[tilespmem:s12+$0xFFFFFFA0] =	vst v15  }
0x25b: {  	v6 =	vadd.f32 v6, v26;
	v15 =	vld [tilespmem:s30+$0xFFFFFFE0]  }
0x25c: {  	[tilespmem:s12+$0x30] =	vst v16;
	v16 =	vmul.f32 v23, v10;
	v26 =	vunpack.i.u.bf16.f32 v30;
	v30 =	vld [tilespmem:s26+$0xFFFFFFC0]  }
0x25d: {  	v23 =	vld [tilespmem:s30+$0x20];
	v6 =	vmul.f32 v6, v21  }
0x25e: {  	v24 =	vadd.f32 v24, v26;
	[tilespmem:s28+$0x40] =	vst v16;
	v16 =	vld [tilespmem:s26+$0xC0]  }
0x25f: {  	v26 =	vunpack.i.l.bf16.f32 v25;
	[tilespmem:s12+$0xD0] =	vst v6;
	v6 =	vld [tilespmem:s24+$0xD0]  }
0x260: {  	v29 =	vunpack.i.u.bf16.f32 v29;
	v24 =	vmul.f32 v24, v11;
	v26 =	vadd.f32 v27, v26  }
0x261: {  	v22 =	vadd.f32 v22, v29;
	v31 =	vld [tilespmem:s26+$0x1D0];
	v27 =	vunpack.i.l.bf16.f32 v15  }
0x262: {  	[tilespmem:s28+$0xFFFFFF30] =	vst v24;
	v24 =	vmul.f32 v26, v19;
	v26 =	vunpack.i.l.bf16.f32 v23;
	v27 =	vadd.f32 v30, v27  }
0x263: {  	v28 =	vunpack.i.u.bf16.f32 v28;
	v22 =	vmul.f32 v22, v9;
	v29 =	vld [tilespmem:s25+$0xFFFFFFB0];
	v16 =	vadd.f32 v16, v26  }
0x264: {  	v26 =	vld [tilespmem:s24+$0xFFFFFEE0];
	[tilespmem:s12+$0xFFFFFF20] =	vst v24;
	v24 =	vmul.f32 v27, v18;
	v6 =	vadd.f32 v6, v28  }
0x265: {  	v17 =	vunpack.i.u.bf16.f32 v17;
	[tilespmem:s28+$0xFFFFFFC0] =	vst v22;
	v22 =	vld [tilespmem:s26+$0xFFFFFED0];
	v16 =	vmul.f32 v16, v20  }
0x266: {  	v27 =	vld [tilespmem:s25+$0xFFFFFFF0];
	v17 =	vadd.f32 v31, v17;
	[tilespmem:s12+$0xFFFFFFB0] =	vst v24;
	v6 =	vmul.f32 v6, v10  }
0x267: {  	[tilespmem:s12+$0x40] =	vst v16;
	v16 =	vld [tilespmem:s26+$0xFFFFFFD0]  }
0x268: {  	v17 =	vmul.f32 v17, v21;
	v24 =	vld [tilespmem:s26+$0xD0];
	[tilespmem:s28+$0x50] =	vst v6;
	v6 =	vunpack.i.l.bf16.f32 v29  }
0x269: {  	v25 =	vunpack.i.u.bf16.f32 v25;
	v28 =	vld [tilespmem:s24+$0xFFFFFFE0];
	v6 =	vadd.f32 v26, v6  }
0x26a: {  	[tilespmem:s12+$0xE0] =	vst v17;
	v17 =	vld [tilespmem:s25+$0x30];
	v22 =	vadd.f32 v22, v25  }
0x26b: {  	v15 =	vunpack.i.u.bf16.f32 v15;
	v26 =	vld [tilespmem:s30+$0x70];
	v6 =	vmul.f32 v6, v11  }
0x26c: {  	v23 =	vunpack.i.u.bf16.f32 v23;
	v25 =	vld [tilespmem:s26+$0x1E0];
	v22 =	vmul.f32 v22, v19;
	v15 =	vadd.f32 v16, v15  }
0x26d: {  	v16 =	vld [tilespmem:s24+$0xE0];
	[tilespmem:s28+$0xFFFFFF40] =	vst v6;
	v6 =	vadd.f32 v24, v23  }
0x26e: {  	[tilespmem:s12+$0xFFFFFF30] =	vst v22;
	v15 =	vmul.f32 v15, v18;
	v23 =	vld [tilespmem:s24+$0xFFFFFEF0]  }
0x26f: {  	v22 =	vld [tilespmem:s30+$0xFFFFFFB0];
	v6 =	vmul.f32 v6, v20  }
0x270: {  	v30 =	vld [tilespmem:s26+$0xFFFFFEE0];
	v24 =	vunpack.i.l.bf16.f32 v26;
	[tilespmem:s12+$0xFFFFFFC0] =	vst v15  }
0x271: {  	v15 =	vunpack.i.l.bf16.f32 v27;
	v24 =	vadd.f32 v25, v24;
	v25 =	vld [tilespmem:s30+$0xFFFFFFF0];
	[tilespmem:s12+$0x50] =	vst v6  }
0x272: {  	v15 =	vadd.f32 v28, v15;
	v6 =	vunpack.i.l.bf16.f32 v17;
	v28 =	vld [tilespmem:s30+$0x30]  }
0x273: {  	v24 =	vmul.f32 v24, v21;
	v6 =	vadd.f32 v16, v6;
	v16 =	vld [tilespmem:s26+$0xFFFFFFE0]  }
0x274: {  	v29 =	vunpack.i.u.bf16.f32 v29;
	[tilespmem:s28+$0xFFFFFF60] =	vst v14;
	v14 =	vmul.f32 v15, v9;
	v15 =	vld [tilespmem:s26+$0xE0]  }
0x275: {  	v23 =	vadd.f32 v23, v29;
	[tilespmem:s12+$0xF0] =	vst v24;
	v6 =	vmul.f32 v6, v10  }
0x276: {  	v24 =	vunpack.i.l.bf16.f32 v22;
	[tilespmem:s28+$0xFFFFFFD0] =	vst v14;
	v29 =	vld [tilespmem:s26+$0x1F0]  }
0x277: {  	v14 =	vadd.f32 v30, v24;
	v11 =	vmul.f32 v23, v11;
	v23 =	vld [tilespmem:s24+$0xFFFFFFF0];
	[tilespmem:s28+$0x60] =	vst v6;
	v6 =	vunpack.i.l.bf16.f32 v25  }
0x278: {  	[tilespmem:s28+$0xFFFFFFF0] =	vst v13;
	v13 =	vld [tilespmem:s24+$0xF0];
	v24 =	vunpack.i.l.bf16.f32 v28;
	v6 =	vadd.f32 v16, v6  }
0x279: {  	v14 =	vmul.f32 v14, v19;
	[tilespmem:s28+$0xFFFFFF50] =	vst v11;
	v11 =	vadd.f32 v15, v24  }
0x27a: {  	[tilespmem:s28+$0x80] =	vst v12;
	v15 =	vunpack.i.u.bf16.f32 v26;
	v6 =	vmul.f32 v6, v18  }
0x27b: {  	[tilespmem:s12+$0xFFFFFF40] =	vst v14;
	v14 =	vunpack.i.u.bf16.f32 v27;
	v15 =	vadd.f32 v29, v15;
	v11 =	vmul.f32 v11, v20  }
0x27c: {  	v17 =	vunpack.i.u.bf16.f32 v17;
	v16 =	vmul.f32 v5, v21;
	v12 =	vld [tilespmem:s26+$0xFFFFFEF0];
	v14 =	vadd.f32 v23, v14;
	[tilespmem:s12+$0xFFFFFFD0] =	vst v6  }
0x27d: {  	v6 =	vmul.f32 v15, v21;
	v13 =	vadd.f32 v13, v17;
	v15 =	vld [tilespmem:s26+$0xFFFFFFF0];
	[tilespmem:s12+$0x60] =	vst v11  }
0x27e: {  	[tilespmem:s12+$0x110] =	vst v16;
	v9 =	vmul.f32 v14, v9;
	v11 =	vld [tilespmem:s26+$0xF0]  }
0x27f: {  	[tilespmem:s12+$0x100] =	vst v6;
	v6 =	vmul.f32 v13, v10  }
0x280: {  	v10 =	vunpack.i.u.bf16.f32 v22;
	v13 =	vmul.f32 v5, v19;
	[tilespmem:s28+$0xFFFFFFE0] =	vst v9  }
0x281: {  	s1 =	sadd.s32 $0x3, s20;
	v9 =	vadd.f32 v12, v10;
	v10 =	vmul.f32 v5, v18;
	[tilespmem:s28+$0x70] =	vst v6;
	v6 =	vunpack.i.u.bf16.f32 v25  }
0x282: {  	s14 =	smulhi.u32 $0x10624DD3, s1;
	v12 =	vunpack.i.u.bf16.f32 v28;
	[tilespmem:s12+$0xFFFFFF60] =	vst v13;
	v13 =	vmul.f32 v5, v20;
	v6 =	vadd.f32 v15, v6  }
0x283: {  	v9 =	vmul.f32 v9, v19;
	[tilespmem:s12+$0xFFFFFFF0] =	vst v10;
	v10 =	vadd.f32 v11, v12  }
0x284: {  	s2 =	sshrl.u32 s14, $0x3;
	[tilespmem:s12+$0x80] =	vst v13;
	v6 =	vmul.f32 v6, v18  }
0x285: {  	s2 =	smul.u32 $0x7D, s2;
	[tilespmem:s12+$0xFFFFFF50] =	vst v9;
	v9 =	vmul.f32 v10, v20  }
0x286: {  	[tilespmem:s12+$0xFFFFFFE0] =	vst v6  }
0x287: {  	s2 =	ssub.s32 s1, s2;
	[tilespmem:s12+$0x70] =	vst v9  }
0x288: {  	p1 =	sne.s32 s2, $0x0;
	v6 =	vld [tilespmem:$0x1FFF0]  }
0x289: {  	s4 =	smulhi.u32 @!p1 $0x10624DD3, s1;
	_ =	sdelay $0x1  }
0x28a: {  	s4 =	sshrl.u32 @!p1 s4, $0x3  }
0x28b: {  	s4 =	smul.u32 @!p1 $0x7D0, s4;
	_ =	sdelay $0x1  }
0x28c: {  	s4 =	sadd.s32 @!p1 s9, s4  }
0x28d: {  	s22 =	simm.s32 $0x63A0;
	s21 =	rddreg [dreg:$0x2];
	s4 =	sshrl.u32 @!p1 s4, $0x3  }
0x28e: {  	[spmem:s21] =	stream.indirect_vreg.scatter.add.f32 [tilespmem:s22], [sflag:$0x4], $0x90, v6, vm0, $0xb8;
	[tilespmem:$0x1EC20] =	vst v63  }
0x28f: {  	s14 =	simm.s32 @!p1 $0x0;
	s12 =	sadd.s32 @!p1 s7, s4  }
0x290: {  	[tilespmem:s14], [sflag:$0x7] =	stream.linear.gather @!p1 [hbm4b:s12+s14], $0x7D0, $0x38;
	[tilespmem:$0x1EC20] =	vst v63  }
0x291: {  	s12 =	simm.s32 @!p1 $0x7  }
0x292: {  	_ =	swait.ge @!p1 [sflag:s12], $0x7D0  }
0x293: {  	[sflag:s12] =	ssyncset.done @!p1 $0x0  }
0x294: {  	s4 =	sadd.s32 @!p1 s8, s4;
	s21 =	simm.s32 @!p1 $0x7D0;
	[sflag:s12] =	ssyncadd.s32 @!p1 $0xFFFFF830  }
0x295: {  	[tilespmem:s21], [sflag:$0x7] =	stream.linear.gather @!p1 [hbm4b:s4+s14], $0x7D0, $0x38;
	[tilespmem:$0x1EC20] =	vst v63  }
0x296: {  	_ =	swait.ge @!p1 [sflag:s12], $0x7D0  }
0x297: {  	[sflag:s12] =	ssyncset.done @!p1 $0x0  }
0x298: {  	s2 =	sshll.u32 s2, $0x4;
	[sflag:s12] =	ssyncadd.s32 @!p1 $0xFFFFF830  }
0x299: {  	v6 =	vld [tilespmem:s2+$0x0];
	_ =	sdelay $0x1  }
0x29a: {  	s1 =	sshll.u32 s1, $0xB;
	v9 =	vld [tilespmem:s2+$0x7D0]  }
0x29b: {  	s1 =	sadd.s32 s10, s1  }
0x29c: {  	s1 =	sshrl.u32 s1, $0x4  }
0x29d: {  	s23 =	simm.s32 $0x27A0;
	s1 =	sadd.s32 s6, s1  }
0x29e: {  	[tilespmem:s23], [sflag:$0x1] =	stream.linear.gather [hbm4b:s1+s3], $0x400, $0x38;
	[tilespmem:$0x1EC20] =	vst v63  }
0x29f: {  	s24 =	simm.s32 $0x17A0  }
0x2a0: {  	[tilespmem:s24], [sflag:$0x1] =	stream.indirect_vreg.gather [hbm4b:s5+s3], $0x100, v6, vm0, $0xb8;
	[tilespmem:$0x1EC20] =	vst v63  }
0x2a1: {  	s26 =	simm.s32 $0xFA0;
	s25 =	rddreg [dreg:$0x0];
	[tilespmem:$0x1FFF0] =	vst v9  }
0x2a2: {  	[tilespmem:s26], [sflag:$0x1] =	stream.indirect_vreg.gather [hbm4b:s25+s3], $0x80, v9, vm0, $0xb8;
	[tilespmem:$0x1EC20] =	vst v63  }
0x2a3: {  	_ =	swait.ge [sflag:s11], $0x400  }
0x2a4: {  	[sflag:s11] =	ssyncset.done $0x0  }
0x2a5: {  	[sflag:s11] =	ssyncadd.s32 $0xFFFFFC00  }
0x2a6: {  	_ =	swait.ge [sflag:s11], $0x1000  }
0x2a7: {  	[sflag:s11] =	ssyncset.done $0x0  }
0x2a8: {  	[sflag:s11] =	ssyncadd.s32 $0xFFFFF000  }
0x2a9: {  	_ =	swait.ge [sflag:s11], $0x800  }
0x2aa: {  	[sflag:s11] =	ssyncset.done $0x0  }
0x2ab: {  	s1 =	simm.s32 @!p0 $0x5;
	[sflag:s11] =	ssyncadd.s32 $0xFFFFF800  }
0x2ac: {  	_ =	swait.ge @!p0 [sflag:s1], $0x900  }
0x2ad: {  	[sflag:s1] =	ssyncset.done @!p0 $0x0  }
0x2ae: {  	s4 =	simm.s32 $0x2CA0;
	[sflag:s1] =	ssyncadd.s32 @!p0 $0xFFFFF700  }
0x2af: {  	v6 =	vld [tilespmem:s4+$0x80]  }
0x2b0: {  	v9 =	vld [tilespmem:s4+$0x90]  }
0x2b1: {  	v10 =	vld [tilespmem:s4+$0xA0]  }
0x2b2: {  	v11 =	vld [tilespmem:s4+$0xB0]  }
0x2b3: {  	v12 =	vld [tilespmem:s4+$0xC0]  }
0x2b4: {  	s24 =	simm.s32 $0x35A0;
	v13 =	vld [tilespmem:s4+$0xD0]  }
0x2b5: {  	v14 =	vld [tilespmem:s24+$0x100]  }
0x2b6: {  	v15 =	vld [tilespmem:s24+$0x110]  }
0x2b7: {  	v16 =	vld [tilespmem:s24+$0x120]  }
0x2b8: {  	s25 =	simm.s32 $0x4420;
	v17 =	vld [tilespmem:s24+$0x130]  }
0x2b9: {  	v18 =	vld [tilespmem:s25+$0x40]  }
0x2ba: {  	v19 =	vld [tilespmem:s25+$0x50]  }
0x2bb: {  	v20 =	vld [tilespmem:s25+$0x60]  }
0x2bc: {  	v21 =	vld [tilespmem:s24+$0x140]  }
0x2bd: {  	v22 =	vld [tilespmem:s25+$0x70]  }
0x2be: {  	v23 =	vld [tilespmem:s24+$0x150]  }
0x2bf: {  	v25 =	vld [tilespmem:s24+$0x160]  }
0x2c0: {  	v28 =	vld [tilespmem:s24+$0x170]  }
0x2c1: {  	v29 =	vld [tilespmem:s24+$0xFFFFFE60];
	v24 =	vunpack.i.u.bf16.f32 v18;
	v18 =	vunpack.i.l.bf16.f32 v18  }
0x2c2: {  	v30 =	vld [tilespmem:s24+$0xFFFFFF00];
	v26 =	vunpack.i.u.bf16.f32 v19;
	v19 =	vunpack.i.l.bf16.f32 v19;
	v27 =	vunpack.i.u.bf16.f32 v20  }
0x2c3: {  	v14 =	vadd.f32 v14, v18;
	v15 =	vadd.f32 v15, v24;
	v18 =	vunpack.i.l.bf16.f32 v20;
	v20 =	vld [tilespmem:s4+$0xE0]  }
0x2c4: {  	v16 =	vadd.f32 v16, v19;
	v17 =	vadd.f32 v17, v26;
	v19 =	vunpack.i.u.bf16.f32 v22;
	v24 =	vld [tilespmem:s4+$0xF0]  }
0x2c5: {  	v31 =	vld [tilespmem:s24+$0xFFFFFF10];
	v22 =	vunpack.i.l.bf16.f32 v22;
	v18 =	vadd.f32 v21, v18;
	v21 =	vadd.f32 v23, v27  }
0x2c6: {  	v32 =	vld [tilespmem:s24+$0xFFFFFF20];
	v6 =	vmul.f32 v14, v6;
	v9 =	vmul.f32 v15, v9;
	v14 =	vadd.f32 v25, v22  }
0x2c7: {  	v33 =	vld [tilespmem:s24+$0xFFFFFF30];
	v10 =	vmul.f32 v16, v10;
	v11 =	vmul.f32 v17, v11;
	v16 =	vadd.f32 v28, v19  }
0x2c8: {  	v34 =	vld [tilespmem:s24+$0xFFFFFF40];
	v12 =	vmul.f32 v18, v12;
	v13 =	vmul.f32 v21, v13  }
0x2c9: {  	v36 =	vld [tilespmem:s24+$0xFFFFFF50];
	v14 =	vmul.f32 v14, v20;
	v16 =	vmul.f32 v16, v24  }
0x2ca: {  	v37 =	vld [tilespmem:s24+$0xFFFFFF60];
	v6 =	vadd.f32 v9, v6;
	v9 =	vadd.f32 v11, v10  }
0x2cb: {  	v38 =	vld [tilespmem:s24+$0x0];
	v11 =	vadd.f32 v13, v12;
	v12 =	vadd.f32 v16, v14  }
0x2cc: {  	s21 =	simm.s32 $0x30;
	v39 =	vld [tilespmem:s24+$0x10]  }
0x2cd: {  	v40 =	vld [tilespmem:s24+$0x20];
	v6 =	vadd.f32 v9, v6;
	v9 =	vadd.f32 v12, v11;
	v11 =	vor.u32 s21, v1  }
0x2ce: {  	v41 =	vld [tilespmem:s24+$0x30]  }
0x2cf: {  	v43 =	vld [tilespmem:s24+$0x40];
	v6 =	vadd.f32 v9, v6  }
0x2d0: {  	s29 =	simm.s32 $0x8340;
	v44 =	vld [tilespmem:s24+$0x50]  }
0x2d1: {  	v46 =	vld [tilespmem:s24+$0x70];
	[tilespmem:s29+$0x10] =	vst v6  }
0x2d2: {  	v11 =	vld.idx.msk [tilespmem:v11+s0+$0x0], $0xffff  }
0x2d3: {  	v50 =	vld [tilespmem:s4+$0xFFFFFF00]  }
0x2d4: {  	v53 =	vld [tilespmem:s4+$0xFFFFFF10]  }
0x2d5: {  	v56 =	vld [tilespmem:s4+$0xFFFFFF20];
	v27 =	vor.u32 s21, v3  }
0x2d6: {  	v55 =	vld [tilespmem:s4+$0xFFFFFF30]  }
0x2d7: {  	v26 =	vld [tilespmem:s25+$0xFFFFFF90];
	v6 =	vadd.f32 v6, v11  }
0x2d8: {  	v23 =	vld [tilespmem:s25+$0xFFFFFFA0]  }
0x2d9: {  	v15 =	vld [tilespmem:s25+$0xFFFFFFB0];
	[tilespmem:s29+$0x10] =	vst v6  }
0x2da: {  	v27 =	vld.idx.msk [tilespmem:v27+s0+$0x0], $0xffff  }
0x2db: {  	v17 =	vld [tilespmem:s25+$0xFFFFFFC0]  }
0x2dc: {  	v19 =	vld [tilespmem:s25+$0xFFFFFFE0]  }
0x2dd: {  	v60 =	vor.u32 s21, v4;
	v22 =	vld [tilespmem:s24+$0xFFFFFE20]  }
0x2de: {  	v25 =	vld [tilespmem:s24+$0xFFFFFE40]  }
0x2df: {  	v28 =	vld [tilespmem:s24+$0xFFFFFE50];
	v6 =	vadd.f32 v6, v27  }
0x2e0: {  	v18 =	vld [tilespmem:s25+$0xFFFFFFD0]  }
0x2e1: {  	v21 =	vld [tilespmem:s24+$0xFFFFFE10];
	[tilespmem:s29+$0x10] =	vst v6  }
0x2e2: {  	v35 =	vld.idx.msk [tilespmem:v60+s0+$0x0], $0xffff  }
0x2e3: {  	v10 =	vld [tilespmem:s25+$0xFFFFFFF0]  }
0x2e4: {  	v13 =	vld [tilespmem:s25+$0x0]  }
0x2e5: {  	v61 =	vor.u32 s21, v2;
	v20 =	vld [tilespmem:s24+$0xFFFFFE00]  }
0x2e6: {  	v24 =	vld [tilespmem:s24+$0xFFFFFE30]  }
0x2e7: {  	v14 =	vld [tilespmem:s25+$0x10];
	v6 =	vadd.f32 v6, v35  }
0x2e8: {  	v45 =	vunpack.i.u.bf16.f32 v26;
	v26 =	vunpack.i.l.bf16.f32 v26;
	v16 =	vld [tilespmem:s25+$0x30]  }
0x2e9: {  	v22 =	vadd.f32 v22, v26;
	v26 =	vld [tilespmem:s4+$0xFFFFFF50];
	[tilespmem:s29+$0x10] =	vst v6  }
0x2ea: {  	v62 =	vunpack.i.u.bf16.f32 v23;
	v23 =	vunpack.i.l.bf16.f32 v23;
	v48 =	vunpack.i.u.bf16.f32 v15;
	v42 =	vld.idx.msk [tilespmem:v61+s0+$0x0], $0xffff  }
0x2eb: {  	v15 =	vunpack.i.l.bf16.f32 v15;
	v23 =	vadd.f32 v25, v23;
	v25 =	vadd.f32 v28, v62;
	v28 =	vld [tilespmem:s4+$0xFFFFFF60]  }
0x2ec: {  	v49 =	vunpack.i.u.bf16.f32 v17;
	v17 =	vunpack.i.l.bf16.f32 v17;
	v15 =	vadd.f32 v29, v15;
	v29 =	vld [tilespmem:s4+$0xFFFFFF70]  }
0x2ed: {  	v17 =	vadd.f32 v30, v17;
	v30 =	vadd.f32 v31, v49;
	v31 =	vld [tilespmem:s4+$0xFFFFFF80]  }
0x2ee: {  	v63 =	vunpack.i.u.bf16.f32 v19;
	v19 =	vunpack.i.l.bf16.f32 v19;
	v49 =	vld [tilespmem:s4+$0xFFFFFFB0]  }
0x2ef: {  	v51 =	vunpack.i.u.bf16.f32 v18;
	v18 =	vunpack.i.l.bf16.f32 v18;
	v11 =	vld [tilespmem:s24+$0xFFFFFE70];
	v6 =	vadd.f32 v42, v6  }
0x2f0: {  	v19 =	vadd.f32 v34, v19;
	v63 =	vadd.f32 v36, v63;
	v12 =	vld [tilespmem:s25+$0x20];
	v54 =	vunpack.i.u.bf16.f32 v10  }
0x2f1: {  	v10 =	vunpack.i.l.bf16.f32 v10;
	v18 =	vadd.f32 v32, v18;
	v9 =	vld [tilespmem:s25+$0xFFFFFF80];
	v6 =	vmul.f32 $8.838834610e-02, v6  }
0x2f2: {  	v32 =	vadd.f32 v33, v51;
	v33 =	vld [tilespmem:s4+$0xFFFFFF90];
	v24 =	vadd.f32 v24, v45;
	v62 =	vunpack.i.u.bf16.f32 v14  }
0x2f3: {  	v22 =	vmul.f32 v22, v56;
	v57 =	vadd.f32 v41, v62;
	v62 =	vld [tilespmem:s4+$0xFFFFFFE0];
	v6 =	vmul.f32 $1.442695020e+00, v6  }
0x2f4: {  	v10 =	vadd.f32 v37, v10;
	v24 =	vmul.f32 v24, v55;
	v11 =	vadd.f32 v11, v48;
	v48 =	vld [tilespmem:s4+$0xFFFFFFA0]  }
0x2f5: {  	v14 =	vunpack.i.l.bf16.f32 v14;
	v25 =	vmul.f32 v25, v26;
	v27 =	vld [tilespmem:s24+$0xFFFFFF70];
	(erf) = vpow2.f32 v6  }
0x2f6: {  	v22 =	vadd.f32 v24, v22;
	v60 =	vunpack.i.l.bf16.f32 v9;
	v9 =	vunpack.i.u.bf16.f32 v9;
	v52 =	vld [tilespmem:s25+$0x40]  }
0x2f7: {  	v15 =	vmul.f32 v15, v28;
	v20 =	vadd.f32 v20, v60;
	v9 =	vadd.f32 v21, v9;
	v21 =	vld [tilespmem:s4+$0xFFFFFF40]  }
0x2f8: {  	v11 =	vmul.f32 v11, v29;
	v58 =	vld [tilespmem:s24+$0x180];
	v6 =	vunpack.i.u.bf16.f32 v12;
	v12 =	vunpack.i.l.bf16.f32 v12  }
0x2f9: {  	v26 =	vld [tilespmem:s4+$0x0];
	v9 =	vmul.f32 v9, v53;
	v59 =	vadd.f32 v43, v12;
	v12 =	vmul.f32 v20, v50  }
0x2fa: {  	v24 =	vld [tilespmem:s4+$0x10];
	v11 =	vadd.f32 v11, v15;
	v15 =	vmul.f32 v18, v48;
	v18 =	vmul.f32 v32, v49  }
0x2fb: {  	v14 =	vadd.f32 v40, v14;
	v60 =	vld [tilespmem:s4+$0xFFFFFFC0];
	v9 =	vadd.f32 v9, v12;
	v12 =	vunpack.i.l.bf16.f32 v52  }
0x2fc: {  	v17 =	vmul.f32 v17, v31;
	v15 =	vadd.f32 v18, v15;
	v21 =	vmul.f32 v23, v21;
	v23 =	vld [tilespmem:s4+$0xFFFFFFF0]  }
0x2fd: {  	v10 =	vmul.f32 v10, v62;
	v27 =	vadd.f32 v27, v54;
	v35 =	vld [tilespmem:s24+$0x60];
	v28 =	vadd.f32 v58, v12  }
0x2fe: {  	v54 =	vunpack.i.u.bf16.f32 v16;
	v16 =	vunpack.i.l.bf16.f32 v16;
	v61 =	vunpack.i.u.bf16.f32 v13;
	v20 =	vld [tilespmem:s4+$0xFFFFFFD0];
	v12 =	vpop (erf)  }
0x2ff: {  	v29 =	vld [tilespmem:s4+$0x20];
	v13 =	vunpack.i.l.bf16.f32 v13;
	v21 =	vadd.f32 v25, v21;
	v28 =	vmul.f32 v28, v12  }
0x300: {  	s12 =	simm.s32 $0x6DC0;
	v18 =	vld [tilespmem:s4+$0x50];
	v25 =	vmul.f32 v30, v33;
	v13 =	vadd.f32 v38, v13;
	v51 =	vadd.f32 v39, v61  }
0x301: {  	v30 =	vld [tilespmem:s4+$0x30];
	v61 =	vadd.f32 v46, v54;
	v11 =	vadd.f32 v11, v21;
	v21 =	vmul.f32 v27, v23;
	[tilespmem:s12+$0x90] =	vst v28  }
0x302: {  	v19 =	vmul.f32 v19, v60;
	v17 =	vadd.f32 v25, v17;
	v9 =	vadd.f32 v22, v9;
	v23 =	vld [tilespmem:s24+$0x190]  }
0x303: {  	v16 =	vadd.f32 v35, v16;
	v10 =	vadd.f32 v21, v10;
	v22 =	vld [tilespmem:s4+$0x40];
	v20 =	vmul.f32 v63, v20  }
0x304: {  	v9 =	vadd.f32 v11, v9;
	v11 =	vadd.f32 v15, v17;
	v15 =	vld [tilespmem:s4+$0x70]  }
0x305: {  	s23 =	simm.s32 $0x0;
	v14 =	vmul.f32 v14, v29;
	v6 =	vadd.f32 v44, v6;
	v19 =	vadd.f32 v20, v19;
	v20 =	vld [tilespmem:s4+$0x60]  }
0x306: {  	v13 =	vmul.f32 v13, v26;
	v21 =	vor.u32 s23, v1;
	v17 =	vunpack.i.u.bf16.f32 v52  }
0x307: {  	s22 =	simm.s32 $0x10;
	v6 =	vmul.f32 v6, v18;
	v10 =	vadd.f32 v10, v19;
	v17 =	vadd.f32 v23, v17  }
0x308: {  	v25 =	vor.u32 s22, v1;
	v19 =	vmul.f32 v51, v24;
	v22 =	vmul.f32 v59, v22  }
0x309: {  	v10 =	vadd.f32 v10, v11;
	v15 =	vmul.f32 v61, v15;
	v11 =	vmul.f32 v17, v12  }
0x30a: {  	[tilespmem:s29+$0xFFFFFFE0] =	vst v9;
	v16 =	vmul.f32 v16, v20;
	v23 =	vmul.f32 v57, v30  }
0x30b: {  	v13 =	vadd.f32 v19, v13;
	v6 =	vadd.f32 v6, v22;
	v17 =	vld.idx.msk [tilespmem:v21+s0+$0x0], $0xffff;
	[tilespmem:s12+$0xA0] =	vst v11  }
0x30c: {  	v14 =	vadd.f32 v23, v14;
	v11 =	vadd.f32 v15, v16;
	v15 =	vld [tilespmem:s25+$0x50]  }
0x30d: {  	s26 =	simm.s32 $0x20;
	[tilespmem:s29+$0xFFFFFFF0] =	vst v10;
	v16 =	vld [tilespmem:s24+$0x1A0]  }
0x30e: {  	v19 =	vor.u32 s26, v1;
	v18 =	vld.idx.msk [tilespmem:v25+s0+$0x0], $0xffff;
	v13 =	vadd.f32 v14, v13;
	v6 =	vadd.f32 v11, v6  }
0x30f: {  	v11 =	vor.u32 s23, v3  }
0x310: {  	v6 =	vadd.f32 v6, v13  }
0x311: {  	v14 =	vor.u32 s22, v3;
	v9 =	vadd.f32 v9, v17;
	v13 =	vunpack.i.l.bf16.f32 v15  }
0x312: {  	[tilespmem:s29+$0x0] =	vst v6;
	v13 =	vadd.f32 v16, v13  }
0x313: {  	v10 =	vadd.f32 v10, v18;
	[tilespmem:s29+$0xFFFFFFE0] =	vst v9;
	v16 =	vld.idx.msk [tilespmem:v19+s0+$0x0], $0xffff  }
0x314: {  	v11 =	vld.idx.msk [tilespmem:v11+s0+$0x0], $0xffff;
	v13 =	vmul.f32 v13, v12  }
0x315: {  	[tilespmem:s29+$0xFFFFFFF0] =	vst v10  }
0x316: {  	v17 =	vor.u32 s26, v3;
	v14 =	vld.idx.msk [tilespmem:v14+s0+$0x0], $0xffff;
	[tilespmem:s12+$0xB0] =	vst v13  }
0x317: {  	v13 =	vor.u32 s23, v4;
	v18 =	vld [tilespmem:s24+$0x1B0]  }
0x318: {  	v6 =	vadd.f32 v6, v16  }
0x319: {  	v19 =	vor.u32 s22, v4;
	v9 =	vadd.f32 v9, v11  }
0x31a: {  	[tilespmem:s29+$0x0] =	vst v6  }
0x31b: {  	v10 =	vadd.f32 v10, v14;
	v14 =	vunpack.i.u.bf16.f32 v15;
	[tilespmem:s29+$0xFFFFFFE0] =	vst v9;
	v11 =	vld.idx.msk [tilespmem:v17+s0+$0x0], $0xffff  }
0x31c: {  	v13 =	vld.idx.msk [tilespmem:v13+s0+$0x0], $0xffff;
	v14 =	vadd.f32 v18, v14  }
0x31d: {  	[tilespmem:s29+$0xFFFFFFF0] =	vst v10  }
0x31e: {  	v16 =	vor.u32 s26, v4;
	v15 =	vld.idx.msk [tilespmem:v19+s0+$0x0], $0xffff;
	v14 =	vmul.f32 v14, v12  }
0x31f: {  	v17 =	vor.u32 s23, v2  }
0x320: {  	v6 =	vadd.f32 v6, v11;
	[tilespmem:s12+$0xC0] =	vst v14  }
0x321: {  	v18 =	vor.u32 s22, v2;
	v9 =	vadd.f32 v9, v13;
	v11 =	vld [tilespmem:s25+$0x60]  }
0x322: {  	[tilespmem:s29+$0x0] =	vst v6;
	v13 =	vld [tilespmem:s24+$0x1C0]  }
0x323: {  	v10 =	vadd.f32 v10, v15;
	[tilespmem:s29+$0xFFFFFFE0] =	vst v9;
	v14 =	vld.idx.msk [tilespmem:v16+s0+$0x0], $0xffff  }
0x324: {  	v15 =	vld.idx.msk [tilespmem:v17+s0+$0x0], $0xffff  }
0x325: {  	[tilespmem:s29+$0xFFFFFFF0] =	vst v10  }
0x326: {  	v16 =	vld.idx.msk [tilespmem:v18+s0+$0x0], $0xffff  }
0x327: {  	v17 =	vor.u32 s26, v2;
	v18 =	vunpack.i.l.bf16.f32 v11  }
0x328: {  	v13 =	vadd.f32 v13, v18  }
0x329: {  	v6 =	vadd.f32 v6, v14;
	v9 =	vadd.f32 v15, v9  }
0x32a: {  	v13 =	vmul.f32 v13, v12  }
0x32b: {  	v10 =	vadd.f32 v16, v10;
	[tilespmem:s29+$0x0] =	vst v6;
	v9 =	vmul.f32 $8.838834610e-02, v9  }
0x32c: {  	v14 =	vld.idx.msk [tilespmem:v17+s0+$0x0], $0xffff;
	[tilespmem:s12+$0xD0] =	vst v13  }
0x32d: {  	v10 =	vmul.f32 $8.838834610e-02, v10;
	v9 =	vmul.f32 $1.442695020e+00, v9;
	v13 =	vld [tilespmem:s24+$0x1D0];
	_ =	sdelay $0x1  }
0x32e: {  	v10 =	vmul.f32 $1.442695020e+00, v10;
	(erf) = vpow2.f32 v9  }
0x32f: {  	v15 =	vld [tilespmem:s25+$0xFFFFFF80]  }
0x330: {  	v11 =	vunpack.i.u.bf16.f32 v11;
	v9 =	vld [tilespmem:s24+$0xFFFFFE80];
	(erf) = vpow2.f32 v10  }
0x331: {  	v10 =	vld [tilespmem:s25+$0xFFFFFFC0];
	v6 =	vadd.f32 v14, v6;
	v11 =	vadd.f32 v13, v11  }
0x332: {  	v14 =	vld [tilespmem:s24+$0xFFFFFF80]  }
0x333: {  	s30 =	simm.s32 $0x4520;
	v6 =	vmul.f32 $8.838834610e-02, v6;
	v11 =	vmul.f32 v11, v12  }
0x334: {  	v33 =	vld [tilespmem:s30+$0x50];
	v13 =	vunpack.i.l.bf16.f32 v15  }
0x335: {  	s14 =	simm.s32 $0x2EA0;
	v63 =	vld [tilespmem:s30+$0x40];
	v6 =	vmul.f32 $1.442695020e+00, v6;
	v9 =	vadd.f32 v9, v13  }
0x336: {  	v22 =	vld [tilespmem:s14+$0xB0];
	v16 =	vunpack.i.l.bf16.f32 v10  }
0x337: {  	v13 =	vadd.f32 v14, v16;
	v14 =	vld [tilespmem:s25+$0x0];
	[tilespmem:s12+$0xE0] =	vst v11;
	v11 =	vpop (erf);
	(erf) = vpow2.f32 v6  }
0x338: {  	v6 =	vld [tilespmem:s25+$0x70];
	v16 =	vmul.f32 v9, v11  }
0x339: {  	v17 =	vld [tilespmem:s24+$0x1E0];
	v9 =	vpop (erf)  }
0x33a: {  	v18 =	vld [tilespmem:s24+$0x80];
	v13 =	vmul.f32 v13, v9;
	[tilespmem:s12+$0xFFFFFEE0] =	vst v16  }
0x33b: {  	v16 =	vld [tilespmem:s24+$0xFFFFFE90]  }
0x33c: {  	v28 =	vld [tilespmem:s30+$0x70];
	[tilespmem:s12+$0xFFFFFF70] =	vst v13  }
0x33d: {  	v13 =	vld [tilespmem:s24+$0xFFFFFF90];
	v19 =	vunpack.i.l.bf16.f32 v6  }
0x33e: {  	v30 =	vld [tilespmem:s30+$0x60];
	v20 =	vunpack.i.l.bf16.f32 v14;
	v17 =	vadd.f32 v17, v19  }
0x33f: {  	v21 =	vld [tilespmem:s14+$0xC0];
	v15 =	vunpack.i.u.bf16.f32 v15;
	v18 =	vadd.f32 v18, v20  }
0x340: {  	v23 =	vld [tilespmem:s14+$0xD0];
	s26 =	simm.s32 $0x39A0;
	v19 =	vunpack.i.u.bf16.f32 v10;
	v17 =	vmul.f32 v17, v12;
	v15 =	vadd.f32 v16, v15;
	v10 =	vpop (erf)  }
0x341: {  	v25 =	vld [tilespmem:s26+$0x100];
	v16 =	vmul.f32 v18, v10  }
0x342: {  	v27 =	vld [tilespmem:s26+$0x110];
	v13 =	vadd.f32 v13, v19;
	[tilespmem:s12+$0xF0] =	vst v17;
	v15 =	vmul.f32 v15, v11  }
0x343: {  	v17 =	vld [tilespmem:s24+$0x1F0];
	[tilespmem:s12+$0x0] =	vst v16  }
0x344: {  	v13 =	vmul.f32 v13, v9;
	[tilespmem:s12+$0xFFFFFEF0] =	vst v15;
	v15 =	vld [tilespmem:s24+$0x90]  }
0x345: {  	v16 =	vld [tilespmem:s25+$0xFFFFFF90]  }
0x346: {  	[tilespmem:s12+$0xFFFFFF80] =	vst v13;
	v13 =	vld [tilespmem:s24+$0xFFFFFEA0]  }
0x347: {  	v24 =	vld [tilespmem:s26+$0x120]  }
0x348: {  	v26 =	vld [tilespmem:s26+$0x130];
	v6 =	vunpack.i.u.bf16.f32 v6  }
0x349: {  	v29 =	vld [tilespmem:s26+$0x140];
	v14 =	vunpack.i.u.bf16.f32 v14;
	v6 =	vadd.f32 v17, v6  }
0x34a: {  	v31 =	vld [tilespmem:s25+$0xFFFFFFD0];
	v17 =	vmul.f32 v5, v12;
	v15 =	vadd.f32 v15, v14;
	v14 =	vunpack.i.l.bf16.f32 v16  }
0x34b: {  	v32 =	vld [tilespmem:s26+$0x150];
	v6 =	vmul.f32 v6, v12;
	v12 =	vadd.f32 v13, v14  }
0x34c: {  	v20 =	vld [tilespmem:s14+$0x90];
	[tilespmem:s12+$0x110] =	vst v17;
	v17 =	vmul.f32 v15, v10  }
0x34d: {  	v34 =	vunpack.i.u.bf16.f32 v63;
	v35 =	vunpack.i.l.bf16.f32 v63;
	v18 =	vld [tilespmem:s14+$0x80];
	[tilespmem:s12+$0x100] =	vst v6;
	v6 =	vmul.f32 v12, v11  }
0x34e: {  	v19 =	vld [tilespmem:s14+$0xA0];
	v16 =	vunpack.i.u.bf16.f32 v16;
	v14 =	vmul.f32 v5, v11;
	v13 =	vmul.f32 v5, v9;
	[tilespmem:s12+$0x10] =	vst v17  }
0x34f: {  	s28 =	simm.s32 $0x6DC0;
	s21 =	simm.s32 $0x4;
	s22 =	simm.s32 $0x8;
	v15 =	vunpack.i.u.bf16.f32 v31;
	v12 =	vmul.f32 v5, v10;
	v17 =	vunpack.i.l.bf16.f32 v31;
	v31 =	vld [tilespmem:s26+$0x160];
	[tilespmem:s12+$0xFFFFFF00] =	vst v6  }
.LBB2_9:
0x350: {  	p1 =	slt.u32 s22, $0xC;
	v6 =	vunpack.i.u.bf16.f32 v33;
	v33 =	vunpack.i.l.bf16.f32 v33;
	v36 =	vunpack.i.u.bf16.f32 v30;
	v37 =	vld [tilespmem:s26+$0x170]  }
0x351: {  	v25 =	vadd.f32 v25, v35;
	v27 =	vadd.f32 v27, v34;
	v30 =	vunpack.i.l.bf16.f32 v30;
	v34 =	vld [tilespmem:s14+$0xE0]  }
0x352: {  	v24 =	vadd.f32 v24, v33;
	v6 =	vadd.f32 v26, v6;
	v26 =	vunpack.i.u.bf16.f32 v28;
	v33 =	vld [tilespmem:s14+$0xF0]  }
0x353: {  	v29 =	vadd.f32 v29, v30;
	v28 =	vunpack.i.l.bf16.f32 v28;
	v35 =	vld [tilespmem:s30+$0xFFFFFF90];
	v30 =	vadd.f32 v32, v36  }
0x354: {  	v18 =	vmul.f32 v25, v18;
	v20 =	vmul.f32 v27, v20;
	v32 =	vld [tilespmem:s30+$0xFFFFFFA0];
	v25 =	vadd.f32 v31, v28  }
0x355: {  	v19 =	vmul.f32 v24, v19;
	v6 =	vmul.f32 v6, v22;
	v27 =	vld [tilespmem:s30+$0xFFFFFFB0];
	v22 =	vadd.f32 v37, v26  }
0x356: {  	v21 =	vmul.f32 v29, v21;
	v23 =	vmul.f32 v30, v23;
	v24 =	vld [tilespmem:s30+$0xFFFFFFC0]  }
0x357: {  	v25 =	vmul.f32 v25, v34;
	v26 =	vld [tilespmem:s30+$0xFFFFFFD0];
	v22 =	vmul.f32 v22, v33  }
0x358: {  	v18 =	vadd.f32 v20, v18;
	v6 =	vadd.f32 v6, v19;
	v33 =	vunpack.i.u.bf16.f32 v35;
	v28 =	vld [tilespmem:s30+$0xFFFFFFE0]  }
0x359: {  	s4 =	sshll.u32 s21, $0x4;
	s21 =	smov.u32 s22;
	v21 =	vadd.f32 v23, v21;
	v19 =	vunpack.i.l.bf16.f32 v35;
	v20 =	vld [tilespmem:s30+$0xFFFFFFF0];
	v22 =	vadd.f32 v22, v25  }
0x35a: {  	s1 =	sadd.s32 $0x10, s4;
	s2 =	sadd.s32 $0x20, s4;
	s23 =	sadd.s32 $0x30, s4;
	v34 =	vunpack.i.u.bf16.f32 v32;
	v32 =	vunpack.i.l.bf16.f32 v32;
	v35 =	vunpack.i.u.bf16.f32 v27;
	v23 =	vld [tilespmem:s30+$0x0]  }
0x35b: {  	v6 =	vadd.f32 v6, v18;
	v25 =	vld [tilespmem:s30+$0x10];
	v18 =	vadd.f32 v22, v21;
	v21 =	vor.u32 s23, v1  }
0x35c: {  	v36 =	vunpack.i.l.bf16.f32 v27;
	v37 =	vunpack.i.u.bf16.f32 v24;
	v38 =	vunpack.i.l.bf16.f32 v24;
	v22 =	vld [tilespmem:s30+$0x20]  }
0x35d: {  	v39 =	vunpack.i.u.bf16.f32 v26;
	v40 =	vunpack.i.l.bf16.f32 v26;
	v24 =	vld [tilespmem:s30+$0x30];
	v6 =	vadd.f32 v18, v6  }
0x35e: {  	s29 =	sadd.s32 $0x40, s29;
	v41 =	vunpack.i.u.bf16.f32 v28;
	v42 =	vunpack.i.l.bf16.f32 v28;
	v18 =	vld [tilespmem:s30+$0xFFFFFF80];
	v43 =	vunpack.i.u.bf16.f32 v20  }
0x35f: {  	v20 =	vunpack.i.l.bf16.f32 v20;
	v26 =	vld [tilespmem:s26+$0xFFFFFE00];
	v44 =	vunpack.i.u.bf16.f32 v23;
	v45 =	vunpack.i.l.bf16.f32 v23;
	[tilespmem:s29+$0x10] =	vst v6  }
0x360: {  	v29 =	vor.u32 s1, v1;
	v46 =	vunpack.i.u.bf16.f32 v25;
	v47 =	vunpack.i.l.bf16.f32 v25;
	v23 =	vld.idx.msk [tilespmem:v21+s0+$0x0], $0xffff  }
0x361: {  	v27 =	vor.u32 s2, v1;
	v48 =	vld [tilespmem:s26+$0xFFFFFE10];
	v49 =	vunpack.i.u.bf16.f32 v22;
	v50 =	vunpack.i.l.bf16.f32 v22  }
0x362: {  	v31 =	vor.u32 s4, v1;
	v22 =	vld [tilespmem:s26+$0xFFFFFE20];
	v51 =	vunpack.i.u.bf16.f32 v24;
	v52 =	vunpack.i.l.bf16.f32 v24  }
0x363: {  	v28 =	vor.u32 s1, v3;
	v53 =	vunpack.i.u.bf16.f32 v18;
	v18 =	vunpack.i.l.bf16.f32 v18;
	v54 =	vld [tilespmem:s26+$0xFFFFFE30]  }
0x364: {  	v57 =	vor.u32 s23, v3;
	v24 =	vor.u32 s2, v3;
	v55 =	vadd.f32 v26, v18;
	v56 =	vld [tilespmem:s26+$0xFFFFFE40]  }
0x365: {  	v30 =	vor.u32 s4, v3;
	v25 =	vor.u32 s1, v4;
	v21 =	vor.u32 s2, v4;
	v58 =	vld [tilespmem:s26+$0xFFFFFE50]  }
0x366: {  	v26 =	vor.u32 s4, v4;
	v6 =	vadd.f32 v6, v23;
	v48 =	vadd.f32 v48, v53;
	v53 =	vld [tilespmem:s26+$0xFFFFFE60]  }
0x367: {  	v18 =	vor.u32 s2, v2;
	v19 =	vadd.f32 v22, v19;
	v59 =	vld [tilespmem:s26+$0xFFFFFE70];
	v22 =	vor.u32 s1, v2  }
0x368: {  	v23 =	vor.u32 s4, v2;
	v33 =	vadd.f32 v54, v33;
	v54 =	vld [tilespmem:s26+$0xFFFFFF00];
	[tilespmem:s29+$0x10] =	vst v6  }
0x369: {  	v32 =	vadd.f32 v56, v32;
	v56 =	vld.idx.msk [tilespmem:v57+s0+$0x0], $0xffff  }
0x36a: {  	v34 =	vadd.f32 v58, v34;
	v57 =	vld [tilespmem:s26+$0xFFFFFF10]  }
0x36b: {  	v36 =	vadd.f32 v53, v36;
	v53 =	vld [tilespmem:s26+$0xFFFFFF20]  }
0x36c: {  	v35 =	vadd.f32 v59, v35;
	v58 =	vld [tilespmem:s26+$0xFFFFFF30]  }
0x36d: {  	v59 =	vor.u32 s23, v4;
	v38 =	vadd.f32 v54, v38;
	v54 =	vld [tilespmem:s26+$0xFFFFFF40]  }
0x36e: {  	v60 =	vld [tilespmem:s26+$0xFFFFFF50]  }
0x36f: {  	v6 =	vadd.f32 v6, v56;
	v37 =	vadd.f32 v57, v37;
	v57 =	vld [tilespmem:s26+$0xFFFFFF60]  }
0x370: {  	v40 =	vadd.f32 v53, v40;
	v53 =	vld [tilespmem:s26+$0xFFFFFF70]  }
0x371: {  	v39 =	vadd.f32 v58, v39;
	v56 =	vld [tilespmem:s26+$0x0];
	[tilespmem:s29+$0x10] =	vst v6  }
0x372: {  	v42 =	vadd.f32 v54, v42;
	v54 =	vld.idx.msk [tilespmem:v59+s0+$0x0], $0xffff  }
0x373: {  	v41 =	vadd.f32 v60, v41;
	v58 =	vld [tilespmem:s26+$0x10]  }
0x374: {  	v20 =	vadd.f32 v57, v20;
	v57 =	vld [tilespmem:s26+$0x20]  }
0x375: {  	v43 =	vadd.f32 v53, v43;
	v53 =	vld [tilespmem:s26+$0x30]  }
0x376: {  	v59 =	vor.u32 s23, v2;
	v45 =	vadd.f32 v56, v45;
	v56 =	vld [tilespmem:s26+$0x40]  }
0x377: {  	v60 =	vld [tilespmem:s26+$0x50]  }
0x378: {  	v6 =	vadd.f32 v6, v54;
	v44 =	vadd.f32 v58, v44;
	v58 =	vld [tilespmem:s26+$0x60]  }
0x379: {  	v47 =	vadd.f32 v57, v47;
	v54 =	vld [tilespmem:s26+$0x70]  }
0x37a: {  	v57 =	vld [tilespmem:s14+$0xFFFFFF00];
	v46 =	vadd.f32 v53, v46;
	[tilespmem:s29+$0x10] =	vst v6  }
0x37b: {  	v50 =	vadd.f32 v56, v50;
	v53 =	vld.idx.msk [tilespmem:v59+s0+$0x0], $0xffff  }
0x37c: {  	v56 =	vld [tilespmem:s14+$0xFFFFFF10];
	v49 =	vadd.f32 v60, v49  }
0x37d: {  	v59 =	vld [tilespmem:s14+$0xFFFFFF20];
	v52 =	vadd.f32 v58, v52  }
0x37e: {  	v58 =	vld [tilespmem:s14+$0xFFFFFF30];
	v51 =	vadd.f32 v54, v51  }
0x37f: {  	v54 =	vmul.f32 v55, v57;
	v55 =	vld [tilespmem:s14+$0xFFFFFF40]  }
0x380: {  	v57 =	vld [tilespmem:s14+$0xFFFFFF50]  }
0x381: {  	v6 =	vadd.f32 v53, v6;
	v48 =	vmul.f32 v48, v56;
	v56 =	vld [tilespmem:s14+$0xFFFFFF60]  }
0x382: {  	v19 =	vmul.f32 v19, v59;
	v53 =	vld [tilespmem:s14+$0xFFFFFF70]  }
0x383: {  	v6 =	vmul.f32 $8.838834610e-02, v6;
	v33 =	vmul.f32 v33, v58;
	v48 =	vadd.f32 v48, v54;
	v54 =	vld [tilespmem:s14+$0xFFFFFF80]  }
0x384: {  	v32 =	vmul.f32 v32, v55;
	v55 =	vld [tilespmem:s14+$0xFFFFFF90]  }
0x385: {  	v6 =	vmul.f32 $1.442695020e+00, v6;
	v34 =	vmul.f32 v34, v57;
	v19 =	vadd.f32 v33, v19;
	v33 =	vld [tilespmem:s14+$0xFFFFFFA0]  }
0x386: {  	v36 =	vmul.f32 v36, v56;
	v56 =	vld [tilespmem:s14+$0xFFFFFFB0]  }
0x387: {  	v35 =	vmul.f32 v35, v53;
	v32 =	vadd.f32 v34, v32;
	v34 =	vld [tilespmem:s14+$0xFFFFFFC0];
	(erf) = vpow2.f32 v6  }
0x388: {  	v6 =	vadd.f32 v19, v48;
	v19 =	vmul.f32 v38, v54;
	v38 =	vld [tilespmem:s14+$0xFFFFFFD0]  }
0x389: {  	v35 =	vadd.f32 v35, v36;
	v36 =	vmul.f32 v37, v55;
	v37 =	vld [tilespmem:s30+$0x40]  }
0x38a: {  	v33 =	vmul.f32 v40, v33;
	v40 =	vld [tilespmem:s26+$0x180]  }
0x38b: {  	v32 =	vadd.f32 v35, v32;
	v35 =	vmul.f32 v39, v56;
	v39 =	vld [tilespmem:s14+$0xFFFFFFE0];
	v19 =	vadd.f32 v36, v19  }
0x38c: {  	v34 =	vmul.f32 v42, v34;
	v36 =	vld [tilespmem:s14+$0xFFFFFFF0]  }
0x38d: {  	v6 =	vadd.f32 v32, v6;
	v32 =	vmul.f32 v41, v38;
	v33 =	vadd.f32 v35, v33;
	v35 =	vld [tilespmem:s14+$0x0]  }
0x38e: {  	v38 =	vld [tilespmem:s14+$0x10];
	v41 =	vunpack.i.l.bf16.f32 v37  }
0x38f: {  	[tilespmem:s29+$0xFFFFFFE0] =	vst v6;
	v32 =	vadd.f32 v32, v34;
	v34 =	vld [tilespmem:s14+$0x20];
	v40 =	vadd.f32 v40, v41  }
0x390: {  	v33 =	vadd.f32 v33, v19;
	v39 =	vmul.f32 v20, v39;
	v41 =	vld [tilespmem:s14+$0x30];
	v19 =	vpop (erf)  }
0x391: {  	v36 =	vmul.f32 v43, v36;
	v42 =	vld [tilespmem:s14+$0x40];
	v40 =	vmul.f32 v40, v19  }
0x392: {  	s12 =	sadd.s32 $0x240, s12;
	v20 =	vmul.f32 v5, v19;
	v35 =	vmul.f32 v45, v35;
	v43 =	vld [tilespmem:s14+$0x50]  }
0x393: {  	v36 =	vadd.f32 v36, v39;
	v38 =	vmul.f32 v44, v38;
	v39 =	vld [tilespmem:s14+$0x60];
	[tilespmem:s12+$0x90] =	vst v40  }
0x394: {  	v34 =	vmul.f32 v47, v34;
	v40 =	vld [tilespmem:s26+$0x190]  }
0x395: {  	v32 =	vadd.f32 v36, v32;
	v36 =	vmul.f32 v46, v41;
	v41 =	vld [tilespmem:s14+$0x70];
	v35 =	vadd.f32 v38, v35  }
0x396: {  	v31 =	vld.idx.msk [tilespmem:v31+s0+$0x0], $0xffff;
	v38 =	vmul.f32 v50, v42  }
0x397: {  	v32 =	vadd.f32 v32, v33;
	v33 =	vmul.f32 v49, v43;
	v34 =	vadd.f32 v36, v34;
	v36 =	vld [tilespmem:s25+$0x10]  }
0x398: {  	v37 =	vunpack.i.u.bf16.f32 v37;
	v39 =	vmul.f32 v52, v39;
	v42 =	vld [tilespmem:s24+$0xFFFFFFA0]  }
0x399: {  	[tilespmem:s29+$0xFFFFFFF0] =	vst v32;
	v33 =	vadd.f32 v33, v38;
	v37 =	vadd.f32 v40, v37;
	v38 =	vld [tilespmem:s24+$0xA0]  }
0x39a: {  	v34 =	vadd.f32 v34, v35;
	v29 =	vld.idx.msk [tilespmem:v29+s0+$0x0], $0xffff;
	v40 =	vmul.f32 v51, v41  }
0x39b: {  	v35 =	vmul.f32 v37, v19;
	v37 =	vld [tilespmem:s24+$0xFFFFFEB0]  }
0x39c: {  	v6 =	vadd.f32 v6, v31;
	v31 =	vadd.f32 v40, v39;
	v39 =	vunpack.i.l.bf16.f32 v36  }
0x39d: {  	[tilespmem:s12+$0xA0] =	vst v35;
	v17 =	vadd.f32 v42, v17;
	v35 =	vunpack.i.u.bf16.f32 v36  }
0x39e: {  	[tilespmem:s29+$0xFFFFFFE0] =	vst v6;
	v31 =	vadd.f32 v31, v33;
	v33 =	vld [tilespmem:s30+$0x50];
	v36 =	vadd.f32 v38, v39  }
0x39f: {  	v38 =	vld [tilespmem:s26+$0x1A0];
	v17 =	vmul.f32 v17, v9  }
0x3a0: {  	v29 =	vadd.f32 v32, v29;
	v30 =	vld.idx.msk [tilespmem:v30+s0+$0x0], $0xffff;
	v31 =	vadd.f32 v31, v34;
	v32 =	vmul.f32 v36, v10  }
0x3a1: {  	v16 =	vadd.f32 v37, v16;
	[tilespmem:s28+$0xFFFFFF90] =	vst v17  }
0x3a2: {  	[tilespmem:s29+$0x0] =	vst v31;
	v17 =	vld [tilespmem:s24+$0xFFFFFFB0]  }
0x3a3: {  	v16 =	vmul.f32 v16, v11;
	[tilespmem:s29+$0xFFFFFFF0] =	vst v29;
	v27 =	vld.idx.msk [tilespmem:v27+s0+$0x0], $0xffff;
	v34 =	vunpack.i.l.bf16.f32 v33  }
0x3a4: {  	v28 =	vld.idx.msk [tilespmem:v28+s0+$0x0], $0xffff;
	v34 =	vadd.f32 v38, v34;
	[tilespmem:s28+$0x20] =	vst v32  }
0x3a5: {  	[tilespmem:s28+$0xFFFFFF10] =	vst v16;
	v16 =	vld [tilespmem:s24+$0xB0]  }
0x3a6: {  	v6 =	vadd.f32 v6, v30;
	v30 =	vmul.f32 v34, v19;
	v32 =	vld [tilespmem:s25+$0xFFFFFFA0]  }
0x3a7: {  	v34 =	vld [tilespmem:s24+$0xFFFFFEC0];
	v15 =	vadd.f32 v17, v15  }
0x3a8: {  	[tilespmem:s12+$0xB0] =	vst v30  }
0x3a9: {  	v17 =	vadd.f32 v31, v27;
	[tilespmem:s29+$0xFFFFFFE0] =	vst v6;
	v27 =	vld [tilespmem:s26+$0x1B0];
	v15 =	vmul.f32 v15, v9  }
0x3aa: {  	v28 =	vadd.f32 v29, v28;
	v26 =	vld.idx.msk [tilespmem:v26+s0+$0x0], $0xffff;
	v16 =	vadd.f32 v16, v35  }
0x3ab: {  	[tilespmem:s29+$0x0] =	vst v17;
	v29 =	vunpack.i.u.bf16.f32 v32;
	v30 =	vunpack.i.l.bf16.f32 v32  }
0x3ac: {  	[tilespmem:s29+$0xFFFFFFF0] =	vst v28;
	v24 =	vld.idx.msk [tilespmem:v24+s0+$0x0], $0xffff;
	v30 =	vadd.f32 v34, v30;
	v16 =	vmul.f32 v16, v10  }
0x3ad: {  	v31 =	vunpack.i.u.bf16.f32 v33;
	v25 =	vld.idx.msk [tilespmem:v25+s0+$0x0], $0xffff;
	[tilespmem:s28+$0xFFFFFFA0] =	vst v15  }
0x3ae: {  	v15 =	vadd.f32 v27, v31;
	v27 =	vmul.f32 v30, v11;
	v30 =	vld [tilespmem:s25+$0xFFFFFFE0];
	[tilespmem:s28+$0x30] =	vst v16  }
0x3af: {  	v16 =	vld [tilespmem:s25+$0x20]  }
0x3b0: {  	v6 =	vadd.f32 v6, v26;
	v15 =	vmul.f32 v15, v19;
	[tilespmem:s28+$0xFFFFFF20] =	vst v27;
	v26 =	vld [tilespmem:s24+$0xFFFFFFC0]  }
0x3b1: {  	v27 =	vld [tilespmem:s24+$0xC0]  }
0x3b2: {  	v17 =	vadd.f32 v17, v24;
	[tilespmem:s12+$0xC0] =	vst v15;
	v15 =	vld [tilespmem:s24+$0xFFFFFED0]  }
0x3b3: {  	v24 =	vadd.f32 v28, v25;
	[tilespmem:s29+$0xFFFFFFE0] =	vst v6;
	v25 =	vld [tilespmem:s30+$0x60];
	v28 =	vunpack.i.u.bf16.f32 v30;
	v30 =	vunpack.i.l.bf16.f32 v30  }
0x3b4: {  	[tilespmem:s29+$0x0] =	vst v17;
	v31 =	vld [tilespmem:s26+$0x1C0];
	v32 =	vunpack.i.u.bf16.f32 v16;
	v16 =	vunpack.i.l.bf16.f32 v16  }
0x3b5: {  	[tilespmem:s29+$0xFFFFFFF0] =	vst v24;
	v21 =	vld.idx.msk [tilespmem:v21+s0+$0x0], $0xffff;
	v26 =	vadd.f32 v26, v30  }
0x3b6: {  	v23 =	vld.idx.msk [tilespmem:v23+s0+$0x0], $0xffff;
	v16 =	vadd.f32 v27, v16  }
0x3b7: {  	v22 =	vld.idx.msk [tilespmem:v22+s0+$0x0], $0xffff;
	v15 =	vadd.f32 v15, v29;
	v26 =	vmul.f32 v26, v9  }
0x3b8: {  	v27 =	vld [tilespmem:s30+$0xFFFFFF80];
	v29 =	vunpack.i.l.bf16.f32 v25;
	v16 =	vmul.f32 v16, v10  }
0x3b9: {  	v30 =	vld [tilespmem:s30+$0xFFFFFFC0];
	v29 =	vadd.f32 v31, v29;
	v15 =	vmul.f32 v15, v11;
	[tilespmem:s28+$0xFFFFFFB0] =	vst v26  }
0x3ba: {  	v26 =	vld [tilespmem:s26+$0xFFFFFE80];
	[tilespmem:s28+$0x40] =	vst v16  }
0x3bb: {  	v17 =	vadd.f32 v17, v21;
	v16 =	vld [tilespmem:s26+$0xFFFFFF80];
	v21 =	vmul.f32 v29, v19;
	[tilespmem:s28+$0xFFFFFF30] =	vst v15  }
0x3bc: {  	v6 =	vadd.f32 v23, v6;
	v15 =	vld [tilespmem:s24+$0xFFFFFFD0]  }
0x3bd: {  	v22 =	vadd.f32 v22, v24;
	v23 =	vunpack.i.u.bf16.f32 v27;
	v27 =	vunpack.i.l.bf16.f32 v27;
	[tilespmem:s12+$0xD0] =	vst v21;
	v21 =	vld [tilespmem:s24+$0xD0]  }
0x3be: {  	v6 =	vmul.f32 $8.838834610e-02, v6;
	v24 =	vunpack.i.u.bf16.f32 v30;
	v29 =	vunpack.i.l.bf16.f32 v30;
	[tilespmem:s29+$0x0] =	vst v17;
	v30 =	vld [tilespmem:s26+$0x1D0]  }
0x3bf: {  	v22 =	vmul.f32 $8.838834610e-02, v22;
	v26 =	vadd.f32 v26, v27;
	v18 =	vld.idx.msk [tilespmem:v18+s0+$0x0], $0xffff  }
0x3c0: {  	v6 =	vmul.f32 $1.442695020e+00, v6;
	v16 =	vadd.f32 v16, v29;
	v27 =	vld [tilespmem:s30+$0x0]  }
0x3c1: {  	v22 =	vmul.f32 $1.442695020e+00, v22;
	v29 =	vld [tilespmem:s26+$0x80];
	v15 =	vadd.f32 v15, v28  }
0x3c2: {  	v25 =	vunpack.i.u.bf16.f32 v25;
	(erf) = vpow2.f32 v6;
	v6 =	vld [tilespmem:s25+$0xFFFFFFB0];
	v21 =	vadd.f32 v21, v32  }
0x3c3: {  	v25 =	vadd.f32 v30, v25;
	(erf) = vpow2.f32 v22;
	v22 =	vld [tilespmem:s24+$0xFFFFFEE0];
	v15 =	vmul.f32 v15, v9  }
0x3c4: {  	v21 =	vmul.f32 v21, v10  }
0x3c5: {  	v17 =	vadd.f32 v18, v17;
	v18 =	vunpack.i.l.bf16.f32 v27;
	v25 =	vmul.f32 v25, v19;
	[tilespmem:s28+$0xFFFFFFC0] =	vst v15  }
0x3c6: {  	v15 =	vunpack.i.u.bf16.f32 v27;
	v18 =	vadd.f32 v29, v18;
	v27 =	vld [tilespmem:s25+$0xFFFFFFF0];
	[tilespmem:s28+$0x50] =	vst v21  }
0x3c7: {  	v17 =	vmul.f32 $8.838834610e-02, v17;
	[tilespmem:s12+$0xE0] =	vst v25;
	v21 =	vunpack.i.u.bf16.f32 v6;
	v6 =	vunpack.i.l.bf16.f32 v6;
	v25 =	vld [tilespmem:s25+$0x30];
	s25 =	smov.u32 s30  }
0x3c8: {  	v28 =	vld [tilespmem:s30+$0x70];
	v6 =	vadd.f32 v22, v6  }
0x3c9: {  	v17 =	vmul.f32 $1.442695020e+00, v17;
	v22 =	vld [tilespmem:s26+$0x1E0]  }
0x3ca: {  	v6 =	vmul.f32 v6, v11;
	v29 =	vld [tilespmem:s24+$0xFFFFFFE0]  }
0x3cb: {  	v30 =	vpop (erf);
	(erf) = vpow2.f32 v17;
	v17 =	vunpack.i.u.bf16.f32 v27;
	v27 =	vunpack.i.l.bf16.f32 v27;
	v31 =	vld [tilespmem:s24+$0xE0]  }
0x3cc: {  	v26 =	vmul.f32 v26, v30;
	v32 =	vpop (erf);
	[tilespmem:s28+$0xFFFFFF40] =	vst v6;
	v6 =	vunpack.i.u.bf16.f32 v25;
	v25 =	vunpack.i.l.bf16.f32 v25  }
0x3cd: {  	v16 =	vmul.f32 v16, v32;
	v33 =	vunpack.i.l.bf16.f32 v28;
	v34 =	vld [tilespmem:s24+$0xFFFFFEF0];
	[tilespmem:s28+$0xFFFFFF60] =	vst v14;
	v14 =	vmul.f32 v5, v30  }
0x3ce: {  	[tilespmem:s12+$0xFFFFFEE0] =	vst v26;
	v26 =	vmul.f32 v5, v32;
	v22 =	vadd.f32 v22, v33  }
0x3cf: {  	v33 =	vld [tilespmem:s26+$0xFFFFFE90];
	[tilespmem:s12+$0xFFFFFF70] =	vst v16;
	v16 =	vadd.f32 v29, v27  }
0x3d0: {  	v27 =	vld [tilespmem:s26+$0xFFFFFF90];
	v22 =	vmul.f32 v22, v19;
	v25 =	vadd.f32 v31, v25  }
0x3d1: {  	v16 =	vmul.f32 v16, v9  }
0x3d2: {  	[tilespmem:s12+$0xF0] =	vst v22;
	v21 =	vadd.f32 v34, v21;
	v22 =	vmul.f32 v25, v10  }
0x3d3: {  	v25 =	vld [tilespmem:s26+$0x1F0];
	[tilespmem:s28+$0xFFFFFFD0] =	vst v16  }
0x3d4: {  	v16 =	vadd.f32 v33, v23;
	v23 =	vpop (erf);
	v21 =	vmul.f32 v21, v11;
	v29 =	vld [tilespmem:s24+$0xFFFFFFF0];
	[tilespmem:s28+$0x60] =	vst v22;
	v11 =	vmov v30  }
0x3d5: {  	v22 =	vadd.f32 v27, v24;
	v18 =	vmul.f32 v18, v23;
	v24 =	vmul.f32 v5, v23;
	[tilespmem:s28+$0xFFFFFFF0] =	vst v13;
	v27 =	vld [tilespmem:s24+$0xF0];
	s24 =	smov.u32 s26  }
0x3d6: {  	v13 =	vmov v26;
	v16 =	vmul.f32 v16, v11;
	[tilespmem:s28+$0xFFFFFF50] =	vst v21  }
0x3d7: {  	v21 =	vmul.f32 v22, v32;
	[tilespmem:s12+$0x0] =	vst v18;
	v18 =	vunpack.i.u.bf16.f32 v28  }
0x3d8: {  	[tilespmem:s12+$0xFFFFFEF0] =	vst v16;
	v16 =	vld [tilespmem:s26+$0x90];
	v18 =	vadd.f32 v25, v18  }
0x3d9: {  	v22 =	vld [tilespmem:s30+$0xFFFFFF90];
	[tilespmem:s12+$0xFFFFFF80] =	vst v21;
	v17 =	vadd.f32 v29, v17  }
0x3da: {  	v21 =	vld [tilespmem:s30+$0xFFFFFFD0];
	v19 =	vmul.f32 v18, v19;
	v6 =	vadd.f32 v27, v6;
	[tilespmem:s28+$0x80] =	vst v12;
	v12 =	vmov v24  }
0x3db: {  	s14 =	sadd.s32 $0x200, s14;
	v24 =	vld [tilespmem:s26+$0xFFFFFEA0];
	[tilespmem:s12+$0x110] =	vst v20;
	v17 =	vmul.f32 v17, v9;
	v9 =	vmov v32  }
0x3dc: {  	v18 =	vld [tilespmem:s14+$0x80];
	[tilespmem:s12+$0x100] =	vst v19;
	v6 =	vmul.f32 v6, v10;
	v10 =	vmov v23  }
0x3dd: {  	v20 =	vld [tilespmem:s14+$0x90];
	v23 =	vadd.f32 v16, v15;
	[tilespmem:s28+$0xFFFFFFE0] =	vst v17  }
0x3de: {  	v19 =	vld [tilespmem:s14+$0xA0];
	v16 =	vunpack.i.u.bf16.f32 v22;
	v25 =	vunpack.i.l.bf16.f32 v22;
	[tilespmem:s28+$0x70] =	vst v6;
	s28 =	smov.u32 s12  }
0x3df: {  	v22 =	vld [tilespmem:s14+$0xB0];
	v15 =	vunpack.i.u.bf16.f32 v21;
	v17 =	vunpack.i.l.bf16.f32 v21;
	v6 =	vmul.f32 v23, v10  }
0x3e0: {  	v21 =	vld [tilespmem:s14+$0xC0];
	v24 =	vadd.f32 v24, v25  }
0x3e1: {  	s26 =	sadd.s32 $0x400, s26;
	v23 =	vld [tilespmem:s14+$0xD0];
	[tilespmem:s12+$0x10] =	vst v6  }
0x3e2: {  	v25 =	vld [tilespmem:s26+$0x100];
	v6 =	vmul.f32 v24, v11  }
0x3e3: {  	v27 =	vld [tilespmem:s26+$0x110]  }
0x3e4: {  	v24 =	vld [tilespmem:s26+$0x120];
	[tilespmem:s12+$0xFFFFFF00] =	vst v6  }
0x3e5: {  	s30 =	sadd.s32 $0x100, s30;
	v26 =	vld [tilespmem:s26+$0x130]  }
0x3e6: {  	v6 =	vld [tilespmem:s30+$0x40]  }
0x3e7: {  	v33 =	vld [tilespmem:s30+$0x50]  }
.Ltmp3:
0x3e8: {  	v30 =	vld [tilespmem:s30+$0x60];
	(pc) =	sbr.rel @p1 .LBB2_9-.Ltmp3, $4  }
0x3e9: {  	v29 =	vld [tilespmem:s26+$0x140]  }
0x3ea: {  	v28 =	vld [tilespmem:s30+$0x70]  }
0x3eb: {  	v32 =	vld [tilespmem:s26+$0x150]  }
0x3ec: {  	s22 =	sadd.s32 $0x4, s22;
	v34 =	vunpack.i.u.bf16.f32 v6;
	v35 =	vunpack.i.l.bf16.f32 v6;
	v31 =	vld [tilespmem:s26+$0x160]  }
0x3ed: {  	v6 =	vld [tilespmem:s26+$0x170]  }
0x3ee: {  	v36 =	vld [tilespmem:s14+$0xE0]  }
0x3ef: {  	v37 =	vld [tilespmem:s14+$0xF0]  }
0x3f0: {  	v38 =	vld [tilespmem:s30+$0xFFFFFF90]  }
0x3f1: {  	v39 =	vld [tilespmem:s30+$0xFFFFFFA0]  }
0x3f2: {  	v40 =	vld [tilespmem:s30+$0xFFFFFFB0]  }
0x3f3: {  	v41 =	vld [tilespmem:s30+$0xFFFFFFC0]  }
0x3f4: {  	v42 =	vld [tilespmem:s30+$0xFFFFFFD0]  }
0x3f5: {  	v43 =	vld [tilespmem:s30+$0xFFFFFFE0]  }
0x3f6: {  	v44 =	vld [tilespmem:s30+$0xFFFFFFF0]  }
0x3f7: {  	v45 =	vld [tilespmem:s30+$0x0]  }
0x3f8: {  	v46 =	vld [tilespmem:s30+$0x10]  }
0x3f9: {  	v47 =	vld [tilespmem:s30+$0x20]  }
0x3fa: {  	v48 =	vld [tilespmem:s30+$0x30]  }
0x3fb: {  	v49 =	vld [tilespmem:s30+$0xFFFFFF80]  }
0x3fc: {  	v50 =	vld [tilespmem:s26+$0xFFFFFE00]  }
0x3fd: {  	v51 =	vld [tilespmem:s26+$0xFFFFFE10]  }
0x3fe: {  	v52 =	vld [tilespmem:s26+$0xFFFFFE20]  }
0x3ff: {  	v53 =	vld [tilespmem:s26+$0xFFFFFE30]  }
0x400: {  	v54 =	vld [tilespmem:s26+$0xFFFFFE40]  }
0x401: {  	v55 =	vld [tilespmem:s26+$0xFFFFFE50]  }
0x402: {  	v56 =	vld [tilespmem:s26+$0xFFFFFE60]  }
0x403: {  	v57 =	vld [tilespmem:s26+$0xFFFFFE70]  }
0x404: {  	v58 =	vld [tilespmem:s26+$0xFFFFFF00]  }
0x405: {  	v59 =	vld [tilespmem:s26+$0xFFFFFF10]  }
0x406: {  	v60 =	vld [tilespmem:s26+$0xFFFFFF20]  }
0x407: {  	v61 =	vld [tilespmem:s26+$0xFFFFFF30]  }
0x408: {  	v62 =	vld [tilespmem:s26+$0xFFFFFF40]  }
0x409: {  	v63 =	vunpack.i.u.bf16.f32 v33;
	v33 =	vunpack.i.l.bf16.f32 v33;
	v25 =	vadd.f32 v25, v35;
	v35 =	vld [tilespmem:s26+$0xFFFFFF50]  }
0x40a: {  	v27 =	vadd.f32 v27, v34;
	v34 =	vunpack.i.l.bf16.f32 v30;
	v24 =	vadd.f32 v24, v33;
	v33 =	vld [tilespmem:s26+$0xFFFFFF60]  }
0x40b: {  	v29 =	vadd.f32 v29, v34;
	v34 =	vld [tilespmem:s26+$0xFFFFFF70]  }
0x40c: {  	v26 =	vadd.f32 v26, v63;
	v18 =	vmul.f32 v25, v18;
	v25 =	vld [tilespmem:s26+$0x0]  }
0x40d: {  	v19 =	vmul.f32 v24, v19;
	v24 =	vld [tilespmem:s26+$0x20]  }
0x40e: {  	v63 =	vunpack.i.u.bf16.f32 v30;
	v20 =	vmul.f32 v27, v20;
	v22 =	vmul.f32 v26, v22;
	v26 =	vld [tilespmem:s26+$0x30]  }
0x40f: {  	v27 =	vunpack.i.u.bf16.f32 v28;
	v30 =	vadd.f32 v32, v63;
	v63 =	vunpack.i.l.bf16.f32 v28;
	v28 =	vld [tilespmem:s26+$0x40]  }
0x410: {  	v21 =	vmul.f32 v29, v21;
	v29 =	vld [tilespmem:s26+$0x70];
	v63 =	vadd.f32 v31, v63  }
0x411: {  	v31 =	vld [tilespmem:s26+$0x10];
	v18 =	vadd.f32 v20, v18;
	v6 =	vadd.f32 v6, v27;
	v23 =	vmul.f32 v30, v23  }
0x412: {  	v20 =	vld [tilespmem:s26+$0x50];
	v19 =	vadd.f32 v22, v19;
	v27 =	vunpack.i.l.bf16.f32 v38;
	v30 =	vunpack.i.u.bf16.f32 v39  }
0x413: {  	v22 =	vld [tilespmem:s26+$0x60];
	v32 =	vunpack.i.u.bf16.f32 v40;
	v36 =	vmul.f32 v63, v36;
	v63 =	vunpack.i.u.bf16.f32 v49  }
0x414: {  	v49 =	vunpack.i.l.bf16.f32 v49;
	v27 =	vadd.f32 v52, v27;
	v52 =	vld [tilespmem:s14+$0xFFFFFF50];
	v30 =	vadd.f32 v55, v30  }
0x415: {  	v32 =	vadd.f32 v57, v32;
	v55 =	vld [tilespmem:s14+$0xFFFFFF70];
	v6 =	vmul.f32 v6, v37;
	v21 =	vadd.f32 v23, v21  }
0x416: {  	v57 =	vld [tilespmem:s14+$0xFFFFFF80];
	v23 =	vunpack.i.u.bf16.f32 v38;
	v18 =	vadd.f32 v19, v18;
	v38 =	vadd.f32 v50, v49  }
0x417: {  	v19 =	vld [tilespmem:s14+$0xFFFFFF00];
	v23 =	vadd.f32 v53, v23;
	v6 =	vadd.f32 v6, v36  }
0x418: {  	v37 =	vld [tilespmem:s14+$0xFFFFFF10];
	v36 =	vunpack.i.l.bf16.f32 v40;
	v40 =	vunpack.i.u.bf16.f32 v41;
	v41 =	vunpack.i.l.bf16.f32 v41  }
0x419: {  	v49 =	vld [tilespmem:s14+$0xFFFFFF30];
	v36 =	vadd.f32 v56, v36;
	v41 =	vadd.f32 v58, v41;
	v56 =	vunpack.i.u.bf16.f32 v44  }
0x41a: {  	v50 =	vld [tilespmem:s14+$0xFFFFFF40];
	v44 =	vunpack.i.l.bf16.f32 v44;
	v40 =	vadd.f32 v59, v40;
	v58 =	vunpack.i.u.bf16.f32 v45  }
0x41b: {  	v53 =	vld [tilespmem:s14+$0xFFFFFFA0];
	v45 =	vunpack.i.l.bf16.f32 v45;
	v6 =	vadd.f32 v6, v21;
	v21 =	vunpack.i.l.bf16.f32 v39  }
0x41c: {  	v59 =	vld [tilespmem:s14+$0xFFFFFF90];
	v33 =	vadd.f32 v33, v44;
	v34 =	vadd.f32 v34, v56;
	v56 =	vunpack.i.u.bf16.f32 v47  }
0x41d: {  	v39 =	vld [tilespmem:s14+$0xFFFFFF20];
	v25 =	vadd.f32 v25, v45;
	v47 =	vunpack.i.l.bf16.f32 v47;
	v31 =	vadd.f32 v31, v58  }
0x41e: {  	v44 =	vld [tilespmem:s14+$0xFFFFFFB0];
	v58 =	vunpack.i.u.bf16.f32 v48;
	v48 =	vunpack.i.l.bf16.f32 v48;
	v30 =	vmul.f32 v30, v52  }
0x41f: {  	s21 =	sshll.u32 s21, $0x4;
	v45 =	vld [tilespmem:s14+$0xFFFFFFC0];
	v32 =	vmul.f32 v32, v55;
	v21 =	vadd.f32 v54, v21;
	v28 =	vadd.f32 v28, v47  }
0x420: {  	s22 =	sadd.s32 $0x30, s21;
	v55 =	vld [tilespmem:s14+$0x50];
	v19 =	vmul.f32 v38, v19;
	v20 =	vadd.f32 v20, v56;
	v23 =	vmul.f32 v23, v49  }
0x421: {  	v54 =	vld [tilespmem:s14+$0xFFFFFF60];
	v22 =	vadd.f32 v22, v48;
	v29 =	vadd.f32 v29, v58;
	v48 =	vor.u32 s22, v1  }
0x422: {  	v38 =	vld [tilespmem:s14+$0x0];
	v52 =	vmul.f32 v41, v57;
	v6 =	vadd.f32 v6, v18;
	v18 =	vadd.f32 v51, v63  }
0x423: {  	v47 =	vld [tilespmem:s14+$0x20];
	v51 =	vunpack.i.u.bf16.f32 v42;
	v42 =	vunpack.i.l.bf16.f32 v42;
	v63 =	vunpack.i.u.bf16.f32 v43  }
0x424: {  	v58 =	vld [tilespmem:s14+$0x60];
	v43 =	vunpack.i.l.bf16.f32 v43;
	v42 =	vadd.f32 v60, v42;
	v51 =	vadd.f32 v61, v51  }
0x425: {  	v35 =	vadd.f32 v35, v63;
	v60 =	vunpack.i.u.bf16.f32 v46;
	v46 =	vunpack.i.l.bf16.f32 v46;
	v63 =	vld [tilespmem:s14+$0x30]  }
0x426: {  	v21 =	vmul.f32 v21, v50;
	v24 =	vadd.f32 v24, v46;
	v46 =	vld [tilespmem:s14+$0xFFFFFFD0];
	v18 =	vmul.f32 v18, v37  }
0x427: {  	v26 =	vadd.f32 v26, v60;
	v60 =	vld [tilespmem:s14+$0xFFFFFFE0];
	v27 =	vmul.f32 v27, v39;
	v56 =	vmul.f32 v42, v53  }
0x428: {  	v43 =	vadd.f32 v62, v43;
	v37 =	vld [tilespmem:s14+$0xFFFFFFF0];
	v57 =	vmul.f32 v51, v44;
	v20 =	vmul.f32 v20, v55  }
0x429: {  	v61 =	vld [tilespmem:s14+$0x70];
	v21 =	vadd.f32 v30, v21;
	v36 =	vmul.f32 v36, v54;
	v54 =	vmul.f32 v40, v59  }
0x42a: {  	v50 =	vld [tilespmem:s14+$0x40];
	v18 =	vadd.f32 v18, v19;
	v59 =	vmul.f32 v43, v45;
	v25 =	vmul.f32 v25, v38  }
0x42b: {  	v39 =	vld [tilespmem:s14+$0x10];
	v24 =	vmul.f32 v24, v47;
	v22 =	vmul.f32 v22, v58;
	v62 =	vadd.f32 v23, v27  }
0x42c: {  	v30 =	vadd.f32 v57, v56;
	v49 =	vadd.f32 v32, v36;
	v35 =	vmul.f32 v35, v46  }
0x42d: {  	v19 =	vadd.f32 v54, v52;
	v33 =	vmul.f32 v33, v60;
	v34 =	vmul.f32 v34, v37  }
0x42e: {  	v23 =	vmul.f32 v26, v63;
	v29 =	vmul.f32 v29, v61;
	v18 =	vadd.f32 v62, v18  }
0x42f: {  	v62 =	vmul.f32 v28, v50;
	v35 =	vadd.f32 v35, v59;
	v33 =	vadd.f32 v34, v33  }
0x430: {  	v21 =	vadd.f32 v49, v21;
	v31 =	vmul.f32 v31, v39;
	v23 =	vadd.f32 v23, v24  }
0x431: {  	s1 =	sadd.s32 $0x40, s29;
	v22 =	vadd.f32 v29, v22;
	v63 =	vadd.f32 v33, v35;
	v33 =	vor.u32 s21, v1  }
0x432: {  	s2 =	sadd.s32 $0x10, s21;
	[tilespmem:s1+$0x10] =	vst v6;
	v20 =	vadd.f32 v20, v62;
	v25 =	vadd.f32 v31, v25  }
0x433: {  	s4 =	sadd.s32 $0x20, s21;
	v19 =	vadd.f32 v30, v19;
	v34 =	vor.u32 s2, v1;
	v18 =	vadd.f32 v21, v18;
	v35 =	vld.idx.msk [tilespmem:v48+s0+$0x0], $0xffff  }
0x434: {  	v36 =	vor.u32 s4, v1;
	v20 =	vadd.f32 v22, v20;
	v23 =	vadd.f32 v23, v25  }
0x435: {  	[tilespmem:s1+$0xFFFFFFE0] =	vst v18;
	v19 =	vadd.f32 v63, v19  }
0x436: {  	v37 =	vor.u32 s22, v3;
	v20 =	vadd.f32 v20, v23;
	v38 =	vld.idx.msk [tilespmem:v33+s0+$0x0], $0xffff  }
0x437: {  	[tilespmem:s1+$0xFFFFFFF0] =	vst v19  }
0x438: {  	v39 =	vld.idx.msk [tilespmem:v34+s0+$0x0], $0xffff;
	v6 =	vadd.f32 v6, v35;
	[tilespmem:s1+$0x0] =	vst v20  }
0x439: {  	v40 =	vor.u32 s21, v3;
	v21 =	vld.idx.msk [tilespmem:v36+s0+$0x0], $0xffff  }
0x43a: {  	[tilespmem:s1+$0x10] =	vst v6  }
0x43b: {  	v41 =	vor.u32 s2, v3;
	v22 =	vld.idx.msk [tilespmem:v37+s0+$0x0], $0xffff;
	v18 =	vadd.f32 v18, v38  }
0x43c: {  	v42 =	vor.u32 s4, v3  }
0x43d: {  	v19 =	vadd.f32 v19, v39;
	[tilespmem:s1+$0xFFFFFFE0] =	vst v18  }
0x43e: {  	v43 =	vor.u32 s22, v4;
	v20 =	vadd.f32 v20, v21;
	v24 =	vld.idx.msk [tilespmem:v40+s0+$0x0], $0xffff  }
0x43f: {  	[tilespmem:s1+$0xFFFFFFF0] =	vst v19  }
0x440: {  	v44 =	vld.idx.msk [tilespmem:v41+s0+$0x0], $0xffff;
	v6 =	vadd.f32 v6, v22;
	[tilespmem:s1+$0x0] =	vst v20  }
0x441: {  	v45 =	vor.u32 s21, v4;
	v25 =	vld.idx.msk [tilespmem:v42+s0+$0x0], $0xffff  }
0x442: {  	[tilespmem:s1+$0x10] =	vst v6  }
0x443: {  	v46 =	vor.u32 s2, v4;
	v23 =	vld.idx.msk [tilespmem:v43+s0+$0x0], $0xffff;
	v18 =	vadd.f32 v18, v24  }
0x444: {  	v47 =	vor.u32 s4, v4  }
0x445: {  	v19 =	vadd.f32 v19, v44;
	[tilespmem:s1+$0xFFFFFFE0] =	vst v18  }
0x446: {  	v48 =	vor.u32 s22, v2;
	v20 =	vadd.f32 v20, v25;
	v22 =	vld.idx.msk [tilespmem:v45+s0+$0x0], $0xffff  }
0x447: {  	[tilespmem:s1+$0xFFFFFFF0] =	vst v19  }
0x448: {  	v49 =	vld.idx.msk [tilespmem:v46+s0+$0x0], $0xffff;
	v6 =	vadd.f32 v6, v23;
	[tilespmem:s1+$0x0] =	vst v20  }
0x449: {  	v50 =	vor.u32 s21, v2;
	v24 =	vld.idx.msk [tilespmem:v47+s0+$0x0], $0xffff  }
0x44a: {  	[tilespmem:s1+$0x10] =	vst v6  }
0x44b: {  	v51 =	vor.u32 s2, v2;
	v21 =	vld.idx.msk [tilespmem:v48+s0+$0x0], $0xffff;
	v18 =	vadd.f32 v18, v22  }
0x44c: {  	v52 =	vor.u32 s4, v2  }
0x44d: {  	v19 =	vadd.f32 v19, v49;
	[tilespmem:s1+$0xFFFFFFE0] =	vst v18  }
0x44e: {  	v20 =	vadd.f32 v20, v24;
	v23 =	vld.idx.msk [tilespmem:v50+s0+$0x0], $0xffff  }
0x44f: {  	[tilespmem:s1+$0xFFFFFFF0] =	vst v19  }
0x450: {  	v53 =	vld.idx.msk [tilespmem:v51+s0+$0x0], $0xffff;
	v6 =	vadd.f32 v21, v6;
	[tilespmem:s1+$0x0] =	vst v20  }
0x451: {  	v54 =	vld.idx.msk [tilespmem:v52+s0+$0x0], $0xffff  }
0x452: {  	v6 =	vmul.f32 $8.838834610e-02, v6  }
0x453: {  	v18 =	vadd.f32 v23, v18  }
0x454: {  	v6 =	vmul.f32 $1.442695020e+00, v6  }
0x455: {  	v19 =	vadd.f32 v53, v19;
	v18 =	vmul.f32 $8.838834610e-02, v18  }
0x456: {  	(erf) = vpow2.f32 v6;
	v55 =	vadd.f32 v54, v20  }
0x457: {  	v6 =	vmul.f32 $8.838834610e-02, v19;
	v18 =	vmul.f32 $1.442695020e+00, v18  }
0x458: {  	v56 =	vld [tilespmem:s30+$0x40];
	v19 =	vmul.f32 $8.838834610e-02, v55  }
0x459: {  	v57 =	vld [tilespmem:s26+$0x180];
	v6 =	vmul.f32 $1.442695020e+00, v6;
	(erf) = vpow2.f32 v18  }
0x45a: {  	v58 =	vld [tilespmem:s30+$0xFFFFFF80]  }
0x45b: {  	v60 =	vld [tilespmem:s26+$0xFFFFFE80];
	(erf) = vpow2.f32 v6;
	v6 =	vmul.f32 $1.442695020e+00, v19;
	_ =	sdelay $0x1  }
0x45c: {  	v59 =	vld [tilespmem:s30+$0xFFFFFFC0];
	(erf) = vpow2.f32 v6;
	v6 =	vunpack.i.l.bf16.f32 v56  }
0x45d: {  	v61 =	vld [tilespmem:s26+$0xFFFFFF80];
	v6 =	vadd.f32 v57, v6  }
0x45e: {  	v62 =	vld [tilespmem:s30+$0x0];
	v30 =	vunpack.i.l.bf16.f32 v58;
	v21 =	vpop (erf)  }
0x45f: {  	v63 =	vld [tilespmem:s26+$0x80];
	v18 =	vadd.f32 v60, v30;
	v6 =	vmul.f32 v6, v21  }
0x460: {  	s12 =	sadd.s32 $0x240, s12  }
0x461: {  	v31 =	vunpack.i.l.bf16.f32 v59;
	[tilespmem:s12+$0x90] =	vst v6;
	v19 =	vpop (erf)  }
0x462: {  	v6 =	vadd.f32 v61, v31;
	v32 =	vld [tilespmem:s26+$0x190];
	v34 =	vmul.f32 v18, v19  }
0x463: {  	v33 =	vunpack.i.l.bf16.f32 v62;
	v18 =	vpop (erf)  }
0x464: {  	v35 =	vld [tilespmem:s24+$0xFFFFFFA0];
	v27 =	vadd.f32 v63, v33;
	v6 =	vmul.f32 v6, v18;
	[tilespmem:s12+$0xFFFFFEE0] =	vst v34  }
0x465: {  	v20 =	vpop (erf);
	v28 =	vld [tilespmem:s26+$0xFFFFFE90]  }
0x466: {  	v22 =	vunpack.i.u.bf16.f32 v56;
	[tilespmem:s12+$0xFFFFFF70] =	vst v6;
	v6 =	vmul.f32 v27, v20  }
0x467: {  	v36 =	vld [tilespmem:s26+$0xFFFFFF90];
	v22 =	vadd.f32 v32, v22  }
0x468: {  	v37 =	vld [tilespmem:s25+$0x10];
	[tilespmem:s12+$0x0] =	vst v6  }
0x469: {  	v17 =	vadd.f32 v35, v17;
	v23 =	vunpack.i.u.bf16.f32 v58;
	v6 =	vld [tilespmem:s26+$0x90];
	v22 =	vmul.f32 v22, v21  }
0x46a: {  	v38 =	vld [tilespmem:s24+$0xA0];
	v23 =	vadd.f32 v28, v23  }
0x46b: {  	v39 =	vld [tilespmem:s24+$0xFFFFFEB0];
	v17 =	vmul.f32 v17, v9;
	v24 =	vunpack.i.u.bf16.f32 v59;
	[tilespmem:s12+$0xA0] =	vst v22  }
0x46c: {  	v40 =	vadd.f32 v36, v24;
	v41 =	vld [tilespmem:s30+$0x50];
	v23 =	vmul.f32 v23, v19  }
0x46d: {  	[tilespmem:s28+$0xFFFFFF90] =	vst v17;
	v26 =	vunpack.i.u.bf16.f32 v62;
	v42 =	vld [tilespmem:s26+$0x1A0]  }
0x46e: {  	v44 =	vld [tilespmem:s24+$0xFFFFFFB0];
	v43 =	vmul.f32 v40, v18;
	v6 =	vadd.f32 v6, v26;
	[tilespmem:s12+$0xFFFFFEF0] =	vst v23  }
0x46f: {  	v45 =	vunpack.i.l.bf16.f32 v37;
	v46 =	vld [tilespmem:s30+$0xFFFFFF90]  }
0x470: {  	v47 =	vadd.f32 v38, v45;
	[tilespmem:s12+$0xFFFFFF80] =	vst v43;
	v6 =	vmul.f32 v6, v20;
	v50 =	vld [tilespmem:s26+$0xFFFFFEA0]  }
0x471: {  	v16 =	vadd.f32 v39, v16;
	v48 =	vld [tilespmem:s30+$0xFFFFFFD0];
	v49 =	vunpack.i.l.bf16.f32 v41  }
0x472: {  	v53 =	vld [tilespmem:s26+$0xFFFFFFA0];
	[tilespmem:s12+$0x10] =	vst v6;
	v6 =	vmul.f32 v47, v10;
	v51 =	vadd.f32 v42, v49  }
0x473: {  	v16 =	vmul.f32 v16, v11;
	v52 =	vld [tilespmem:s30+$0x10]  }
0x474: {  	v15 =	vadd.f32 v44, v15;
	v54 =	vld [tilespmem:s26+$0xA0];
	[tilespmem:s28+$0x20] =	vst v6;
	v6 =	vmul.f32 v51, v21  }
0x475: {  	[tilespmem:s28+$0xFFFFFF10] =	vst v16;
	v55 =	vld [tilespmem:s24+$0xB0];
	v56 =	vunpack.i.l.bf16.f32 v46  }
0x476: {  	v57 =	vld [tilespmem:s25+$0xFFFFFFA0];
	[tilespmem:s12+$0xB0] =	vst v6;
	v6 =	vmul.f32 v15, v9;
	v58 =	vadd.f32 v50, v56  }
0x477: {  	v60 =	vunpack.i.l.bf16.f32 v48;
	v59 =	vld [tilespmem:s26+$0x1B0]  }
0x478: {  	v61 =	vld [tilespmem:s24+$0xFFFFFEC0];
	v28 =	vadd.f32 v53, v60;
	[tilespmem:s28+$0xFFFFFFA0] =	vst v6;
	v6 =	vmul.f32 v58, v19;
	v62 =	vunpack.i.l.bf16.f32 v52  }
0x479: {  	v25 =	vunpack.i.u.bf16.f32 v37;
	v63 =	vld [tilespmem:s25+$0xFFFFFFE0];
	v15 =	vadd.f32 v54, v62  }
0x47a: {  	v32 =	vld [tilespmem:s24+$0xFFFFFFC0];
	v16 =	vadd.f32 v55, v25;
	[tilespmem:s12+$0xFFFFFF00] =	vst v6;
	v6 =	vmul.f32 v28, v18  }
0x47b: {  	v24 =	vunpack.i.u.bf16.f32 v41;
	v33 =	vld [tilespmem:s26+$0xFFFFFEB0];
	v15 =	vmul.f32 v15, v20  }
0x47c: {  	v16 =	vmul.f32 v16, v10;
	v22 =	vadd.f32 v59, v24;
	[tilespmem:s12+$0xFFFFFF90] =	vst v6  }
0x47d: {  	v6 =	vunpack.i.l.bf16.f32 v57;
	v34 =	vld [tilespmem:s26+$0xFFFFFFB0];
	[tilespmem:s12+$0x20] =	vst v15  }
0x47e: {  	v6 =	vadd.f32 v61, v6;
	[tilespmem:s28+$0x30] =	vst v16;
	v35 =	vmul.f32 v22, v21;
	v36 =	vunpack.i.l.bf16.f32 v63;
	v37 =	vld [tilespmem:s26+$0xB0]  }
0x47f: {  	v39 =	vunpack.i.u.bf16.f32 v46;
	v38 =	vld [tilespmem:s25+$0x20];
	v16 =	vadd.f32 v32, v36  }
0x480: {  	v6 =	vmul.f32 v6, v11;
	v40 =	vld [tilespmem:s24+$0xC0];
	[tilespmem:s12+$0xC0] =	vst v35;
	v41 =	vadd.f32 v33, v39  }
0x481: {  	v23 =	vunpack.i.u.bf16.f32 v48;
	v42 =	vld [tilespmem:s30+$0x60];
	v16 =	vmul.f32 v16, v9  }
0x482: {  	[tilespmem:s28+$0xFFFFFF20] =	vst v6;
	v6 =	vld [tilespmem:s26+$0x1C0];
	v15 =	vmul.f32 v41, v19;
	v23 =	vadd.f32 v34, v23  }
0x483: {  	v43 =	vunpack.i.u.bf16.f32 v52;
	v44 =	vld [tilespmem:s24+$0xFFFFFED0];
	[tilespmem:s28+$0xFFFFFFB0] =	vst v16  }
0x484: {  	v45 =	vadd.f32 v37, v43;
	v46 =	vld [tilespmem:s24+$0xFFFFFFD0];
	[tilespmem:s12+$0xFFFFFF10] =	vst v15;
	v47 =	vmul.f32 v23, v18  }
0x485: {  	v48 =	vunpack.i.l.bf16.f32 v38;
	v49 =	vld [tilespmem:s30+$0xFFFFFFA0]  }
0x486: {  	v16 =	vmul.f32 v45, v20;
	v23 =	vadd.f32 v40, v48;
	v51 =	vld [tilespmem:s26+$0xFFFFFEC0];
	v50 =	vunpack.i.l.bf16.f32 v42;
	[tilespmem:s12+$0xFFFFFFA0] =	vst v47  }
0x487: {  	v6 =	vadd.f32 v6, v50;
	v15 =	vld [tilespmem:s30+$0xFFFFFFE0]  }
0x488: {  	[tilespmem:s12+$0x30] =	vst v16;
	v52 =	vmul.f32 v23, v10;
	v55 =	vld [tilespmem:s26+$0xFFFFFFC0]  }
0x489: {  	v54 =	vunpack.i.u.bf16.f32 v57;
	v53 =	vld [tilespmem:s30+$0x20];
	v6 =	vmul.f32 v6, v21  }
0x48a: {  	v24 =	vadd.f32 v44, v54;
	v56 =	vld [tilespmem:s26+$0xC0];
	[tilespmem:s28+$0x40] =	vst v52  }
0x48b: {  	v57 =	vunpack.i.l.bf16.f32 v49;
	[tilespmem:s12+$0xD0] =	vst v6;
	v6 =	vld [tilespmem:s24+$0xD0]  }
0x48c: {  	v29 =	vunpack.i.u.bf16.f32 v63;
	v24 =	vmul.f32 v24, v11;
	v26 =	vadd.f32 v51, v57  }
0x48d: {  	v22 =	vadd.f32 v46, v29;
	v58 =	vld [tilespmem:s26+$0x1D0];
	v59 =	vunpack.i.l.bf16.f32 v15  }
0x48e: {  	[tilespmem:s28+$0xFFFFFF30] =	vst v24;
	v60 =	vmul.f32 v26, v19;
	v61 =	vunpack.i.l.bf16.f32 v53;
	v27 =	vadd.f32 v55, v59  }
0x48f: {  	v28 =	vunpack.i.u.bf16.f32 v38;
	v22 =	vmul.f32 v22, v9;
	v62 =	vld [tilespmem:s25+$0xFFFFFFB0];
	v16 =	vadd.f32 v56, v61  }
0x490: {  	v63 =	vld [tilespmem:s24+$0xFFFFFEE0];
	[tilespmem:s12+$0xFFFFFF20] =	vst v60;
	v30 =	vmul.f32 v27, v18;
	v6 =	vadd.f32 v6, v28  }
0x491: {  	v17 =	vunpack.i.u.bf16.f32 v42;
	[tilespmem:s28+$0xFFFFFFC0] =	vst v22;
	v32 =	vld [tilespmem:s26+$0xFFFFFED0];
	v16 =	vmul.f32 v16, v20  }
0x492: {  	v33 =	vld [tilespmem:s25+$0xFFFFFFF0];
	v17 =	vadd.f32 v58, v17;
	[tilespmem:s12+$0xFFFFFFB0] =	vst v30;
	v6 =	vmul.f32 v6, v10  }
0x493: {  	[tilespmem:s12+$0x40] =	vst v16;
	v34 =	vld [tilespmem:s26+$0xFFFFFFD0]  }
0x494: {  	v39 =	vld [tilespmem:s24+$0xFFFFFFE0];
	v17 =	vmul.f32 v17, v21;
	[tilespmem:s28+$0x50] =	vst v6;
	v6 =	vunpack.i.l.bf16.f32 v62  }
0x495: {  	v25 =	vunpack.i.u.bf16.f32 v49;
	v35 =	vld [tilespmem:s26+$0xD0];
	v6 =	vadd.f32 v63, v6  }
0x496: {  	[tilespmem:s12+$0xE0] =	vst v17;
	v36 =	vld [tilespmem:s25+$0x30];
	v22 =	vadd.f32 v32, v25  }
0x497: {  	v15 =	vunpack.i.u.bf16.f32 v15;
	v37 =	vld [tilespmem:s30+$0x70];
	v6 =	vmul.f32 v6, v11  }
0x498: {  	v38 =	vld [tilespmem:s26+$0x1E0];
	v22 =	vmul.f32 v22, v19;
	v15 =	vadd.f32 v34, v15  }
0x499: {  	v23 =	vunpack.i.u.bf16.f32 v53;
	v40 =	vld [tilespmem:s24+$0xE0];
	[tilespmem:s28+$0xFFFFFF40] =	vst v6  }
0x49a: {  	v6 =	vadd.f32 v35, v23;
	[tilespmem:s12+$0xFFFFFF30] =	vst v22;
	v15 =	vmul.f32 v15, v18;
	v41 =	vld [tilespmem:s24+$0xFFFFFEF0]  }
0x49b: {  	v22 =	vld [tilespmem:s30+$0xFFFFFFB0]  }
0x49c: {  	v43 =	vld [tilespmem:s26+$0xFFFFFEE0];
	v6 =	vmul.f32 v6, v20;
	v42 =	vunpack.i.l.bf16.f32 v37;
	[tilespmem:s12+$0xFFFFFFC0] =	vst v15  }
0x49d: {  	v44 =	vunpack.i.l.bf16.f32 v33;
	v24 =	vadd.f32 v38, v42;
	v45 =	vld [tilespmem:s30+$0xFFFFFFF0]  }
0x49e: {  	v15 =	vadd.f32 v39, v44;
	v47 =	vld [tilespmem:s26+$0xFFFFFFE0];
	[tilespmem:s12+$0x50] =	vst v6;
	v6 =	vunpack.i.l.bf16.f32 v36  }
0x49f: {  	v46 =	vld [tilespmem:s30+$0x30];
	v24 =	vmul.f32 v24, v21;
	v6 =	vadd.f32 v40, v6  }
0x4a0: {  	v29 =	vunpack.i.u.bf16.f32 v62;
	v48 =	vmul.f32 v15, v9;
	v49 =	vld [tilespmem:s26+$0xE0]  }
0x4a1: {  	v23 =	vadd.f32 v41, v29;
	[tilespmem:s12+$0xF0] =	vst v24;
	v6 =	vmul.f32 v6, v10  }
0x4a2: {  	v50 =	vunpack.i.l.bf16.f32 v22;
	[tilespmem:s28+$0xFFFFFFD0] =	vst v48;
	v51 =	vld [tilespmem:s26+$0x1F0]  }
0x4a3: {  	v52 =	vadd.f32 v43, v50;
	v53 =	vld [tilespmem:s24+$0xFFFFFFF0];
	v11 =	vmul.f32 v23, v11;
	[tilespmem:s28+$0x60] =	vst v6;
	v6 =	vunpack.i.l.bf16.f32 v45  }
0x4a4: {  	[tilespmem:s28+$0xFFFFFF60] =	vst v14;
	v54 =	vld [tilespmem:s24+$0xF0];
	v55 =	vunpack.i.l.bf16.f32 v46;
	v6 =	vadd.f32 v47, v6  }
0x4a5: {  	v14 =	vmul.f32 v52, v19;
	[tilespmem:s28+$0xFFFFFF50] =	vst v11;
	v11 =	vadd.f32 v49, v55  }
0x4a6: {  	v56 =	vunpack.i.u.bf16.f32 v37;
	[tilespmem:s28+$0xFFFFFFF0] =	vst v13;
	v6 =	vmul.f32 v6, v18  }
0x4a7: {  	v57 =	vunpack.i.u.bf16.f32 v33;
	[tilespmem:s12+$0xFFFFFF40] =	vst v14;
	v15 =	vadd.f32 v51, v56;
	v11 =	vmul.f32 v11, v20  }
0x4a8: {  	v17 =	vunpack.i.u.bf16.f32 v36;
	v58 =	vld [tilespmem:s26+$0xFFFFFEF0];
	v14 =	vadd.f32 v53, v57;
	[tilespmem:s12+$0xFFFFFFD0] =	vst v6  }
0x4a9: {  	s1 =	sadd.s32 $0x4, s20;
	v6 =	vmul.f32 v15, v21;
	v13 =	vadd.f32 v54, v17;
	v60 =	vld [tilespmem:s26+$0xFFFFFFF0];
	[tilespmem:s12+$0x60] =	vst v11  }
0x4aa: {  	[tilespmem:s28+$0x80] =	vst v12;
	v9 =	vmul.f32 v14, v9;
	v11 =	vld [tilespmem:s26+$0xF0];
	s26 =	smulhi.u32 $0x10624DD3, s1  }
0x4ab: {  	[tilespmem:s12+$0x100] =	vst v6;
	v6 =	vmul.f32 v13, v10  }
0x4ac: {  	[tilespmem:s28+$0xFFFFFFE0] =	vst v9;
	s2 =	sshrl.u32 s26, $0x3  }
0x4ad: {  	v59 =	vmul.f32 v5, v21;
	[tilespmem:s28+$0x70] =	vst v6;
	s28 =	smul.u32 $0x7D, s2  }
0x4ae: {  	v61 =	vmul.f32 v5, v19;
	v10 =	vunpack.i.u.bf16.f32 v22  }
0x4af: {  	p1 =	seq.s32 s15, $0xCF;
	[tilespmem:s12+$0x110] =	vst v59;
	v9 =	vadd.f32 v58, v10;
	v10 =	vmul.f32 v5, v18;
	v6 =	vunpack.i.u.bf16.f32 v45;
	s4 =	ssub.s32 s1, s28  }
0x4b0: {  	v63 =	vmul.f32 v5, v20;
	v62 =	vunpack.i.u.bf16.f32 v46;
	[tilespmem:s12+$0xFFFFFF60] =	vst v61;
	v6 =	vadd.f32 v60, v6;
	p2 =	sne.s32 @!p1 s4, $0x0  }
0x4b1: {  	v9 =	vmul.f32 v9, v19;
	[tilespmem:s12+$0xFFFFFFF0] =	vst v10;
	v10 =	vadd.f32 v11, v62;
	p2 =	por p1, p2  }
.Ltmp4:
0x4b2: {  	[tilespmem:s12+$0x80] =	vst v63;
	v6 =	vmul.f32 v6, v18;
	(pc) =	sbr.rel @p2 .LBB2_12-.Ltmp4, $4  }
0x4b3: {  	[tilespmem:s12+$0xFFFFFF50] =	vst v9;
	v9 =	vmul.f32 v10, v20  }
0x4b4: {  	[tilespmem:s12+$0xFFFFFFE0] =	vst v6  }
0x4b5: {  	s29 =	rddreg [dreg:$0x2];
	s30 =	simm.s32 $0x6CA0;
	[tilespmem:s12+$0x70] =	vst v9  }
0x4b6: {  	[spmem:s29] =	stream.indirect_vreg.scatter.add.f32 [tilespmem:s30], [sflag:$0x5], $0x90, v7, vm0, $0xb8;
	[tilespmem:$0x1EC20] =	vst v63  }
0x4b7: {  	s2 =	smul.u32 $0x7D0, s2;
	_ =	sdelay $0x1  }
0x4b8: {  	s2 =	sadd.s32 s9, s2  }
0x4b9: {  	s4 =	sshrl.u32 s2, $0x3  }
0x4ba: {  	s2 =	simm.s32 $0x0;
	s12 =	sadd.s32 s7, s4  }
0x4bb: {  	[tilespmem:s2], [sflag:$0x7] =	stream.linear.gather [hbm4b:s12+s2], $0x7D0, $0x38;
	[tilespmem:$0x1EC20] =	vst v63  }
0x4bc: {  	_ =	swait.ge [sflag:s19], $0x7D0  }
0x4bd: {  	[sflag:s19] =	ssyncset.done $0x0  }
0x4be: {  	s30 =	simm.s32 $0x7D0;
	s4 =	sadd.s32 s8, s4;
	[sflag:s19] =	ssyncadd.s32 $0xFFFFF830  }
0x4bf: {  	[tilespmem:s30], [sflag:$0x7] =	stream.linear.gather [hbm4b:s4+s2], $0x7D0, $0x38;
	[tilespmem:$0x1EC20] =	vst v63  }
0x4c0: {  	_ =	swait.ge [sflag:s19], $0x7D0  }
0x4c1: {  	[sflag:s19] =	ssyncset.done $0x0  }
0x4c2: {  	[sflag:s19] =	ssyncadd.s32 $0xFFFFF830  }
0x4c3: {  	v7 =	vld [tilespmem:$0x7D0]  }
.LBB2_13:
0x4c4: {  	v6 =	vld [tilespmem:s2+$0x0];
	_ =	sdelay $0x1  }
0x4c5: {  	s1 =	sshll.u32 s1, $0xB  }
0x4c6: {  	s1 =	sadd.s32 s10, s1  }
0x4c7: {  	s1 =	sshrl.u32 s1, $0x4  }
0x4c8: {  	s26 =	simm.s32 $0x43A0;
	s1 =	sadd.s32 s6, s1  }
0x4c9: {  	[tilespmem:s26], [sflag:$0x2] =	stream.linear.gather [hbm4b:s1+s3], $0x400, $0x38;
	[tilespmem:$0x1EC20] =	vst v63  }
0x4ca: {  	s28 =	simm.s32 $0x33A0  }
0x4cb: {  	[tilespmem:s28], [sflag:$0x2] =	stream.indirect_vreg.gather [hbm4b:s5+s3], $0x100, v6, vm0, $0xb8;
	[tilespmem:$0x1EC20] =	vst v63  }
0x4cc: {  	s29 =	rddreg [dreg:$0x0];
	s30 =	simm.s32 $0x2BA0  }
0x4cd: {  	[tilespmem:s30], [sflag:$0x2] =	stream.indirect_vreg.gather [hbm4b:s29+s3], $0x80, v7, vm0, $0xb8;
	[tilespmem:$0x1EC20] =	vst v63  }
.LBB2_14:
0x4ce: {  	_ =	swait.ge [sflag:s13], $0x400  }
0x4cf: {  	[sflag:s13] =	ssyncset.done $0x0  }
0x4d0: {  	[sflag:s13] =	ssyncadd.s32 $0xFFFFFC00  }
0x4d1: {  	_ =	swait.ge [sflag:s13], $0x1000  }
0x4d2: {  	[sflag:s13] =	ssyncset.done $0x0  }
0x4d3: {  	[sflag:s13] =	ssyncadd.s32 $0xFFFFF000  }
0x4d4: {  	_ =	swait.ge [sflag:s13], $0x800  }
0x4d5: {  	[sflag:s13] =	ssyncset.done $0x0  }
0x4d6: {  	s1 =	simm.s32 @!p0 $0x6;
	[sflag:s13] =	ssyncadd.s32 $0xFFFFF800  }
0x4d7: {  	_ =	swait.ge @!p0 [sflag:s1], $0x900  }
0x4d8: {  	[sflag:s1] =	ssyncset.done @!p0 $0x0  }
0x4d9: {  	s14 =	simm.s32 $0x48A0;
	[sflag:s1] =	ssyncadd.s32 @!p0 $0xFFFFF700  }
0x4da: {  	v6 =	vld [tilespmem:s14+$0x80]  }
0x4db: {  	v9 =	vld [tilespmem:s14+$0x90]  }
0x4dc: {  	v10 =	vld [tilespmem:s14+$0xA0]  }
0x4dd: {  	v11 =	vld [tilespmem:s14+$0xB0]  }
0x4de: {  	v12 =	vld [tilespmem:s14+$0xC0]  }
0x4df: {  	s20 =	simm.s32 $0x51A0;
	v13 =	vld [tilespmem:s14+$0xD0]  }
0x4e0: {  	v14 =	vld [tilespmem:s20+$0x100]  }
0x4e1: {  	v15 =	vld [tilespmem:s20+$0x110]  }
0x4e2: {  	v16 =	vld [tilespmem:s20+$0x120]  }
0x4e3: {  	s24 =	simm.s32 $0x6020;
	v17 =	vld [tilespmem:s20+$0x130]  }
0x4e4: {  	v18 =	vld [tilespmem:s24+$0x40]  }
0x4e5: {  	v19 =	vld [tilespmem:s24+$0x50]  }
0x4e6: {  	v20 =	vld [tilespmem:s24+$0x60]  }
0x4e7: {  	v21 =	vld [tilespmem:s20+$0x140]  }
0x4e8: {  	v22 =	vld [tilespmem:s24+$0x70]  }
0x4e9: {  	v23 =	vld [tilespmem:s20+$0x150]  }
0x4ea: {  	v25 =	vld [tilespmem:s20+$0x160]  }
0x4eb: {  	v28 =	vld [tilespmem:s20+$0x170]  }
0x4ec: {  	v29 =	vld [tilespmem:s20+$0xFFFFFE60];
	v24 =	vunpack.i.u.bf16.f32 v18;
	v18 =	vunpack.i.l.bf16.f32 v18  }
0x4ed: {  	v30 =	vld [tilespmem:s20+$0xFFFFFF00];
	v26 =	vunpack.i.u.bf16.f32 v19;
	v19 =	vunpack.i.l.bf16.f32 v19;
	v27 =	vunpack.i.u.bf16.f32 v20  }
0x4ee: {  	v14 =	vadd.f32 v14, v18;
	v15 =	vadd.f32 v15, v24;
	v18 =	vunpack.i.l.bf16.f32 v20;
	v20 =	vld [tilespmem:s14+$0xE0]  }
0x4ef: {  	v16 =	vadd.f32 v16, v19;
	v17 =	vadd.f32 v17, v26;
	v19 =	vunpack.i.u.bf16.f32 v22;
	v24 =	vld [tilespmem:s14+$0xF0]  }
0x4f0: {  	v31 =	vld [tilespmem:s20+$0xFFFFFF10];
	v22 =	vunpack.i.l.bf16.f32 v22;
	v18 =	vadd.f32 v21, v18;
	v21 =	vadd.f32 v23, v27  }
0x4f1: {  	v32 =	vld [tilespmem:s20+$0xFFFFFF20];
	v6 =	vmul.f32 v14, v6;
	v9 =	vmul.f32 v15, v9;
	v14 =	vadd.f32 v25, v22  }
0x4f2: {  	v33 =	vld [tilespmem:s20+$0xFFFFFF30];
	v10 =	vmul.f32 v16, v10;
	v11 =	vmul.f32 v17, v11;
	v16 =	vadd.f32 v28, v19  }
0x4f3: {  	v34 =	vld [tilespmem:s20+$0xFFFFFF40];
	v12 =	vmul.f32 v18, v12;
	v13 =	vmul.f32 v21, v13  }
0x4f4: {  	v36 =	vld [tilespmem:s20+$0xFFFFFF50];
	v14 =	vmul.f32 v14, v20;
	v16 =	vmul.f32 v16, v24  }
0x4f5: {  	v37 =	vld [tilespmem:s20+$0xFFFFFF60];
	v6 =	vadd.f32 v9, v6;
	v9 =	vadd.f32 v11, v10  }
0x4f6: {  	v38 =	vld [tilespmem:s20+$0x0];
	v11 =	vadd.f32 v13, v12;
	v12 =	vadd.f32 v16, v14  }
0x4f7: {  	s26 =	simm.s32 $0x30;
	v39 =	vld [tilespmem:s20+$0x10]  }
0x4f8: {  	v40 =	vld [tilespmem:s20+$0x20];
	v6 =	vadd.f32 v9, v6;
	v9 =	vadd.f32 v12, v11;
	v11 =	vor.u32 s26, v1  }
0x4f9: {  	v41 =	vld [tilespmem:s20+$0x30]  }
0x4fa: {  	v43 =	vld [tilespmem:s20+$0x40];
	v6 =	vadd.f32 v9, v6  }
0x4fb: {  	s28 =	simm.s32 $0x8340;
	v44 =	vld [tilespmem:s20+$0x50]  }
0x4fc: {  	v46 =	vld [tilespmem:s20+$0x70];
	[tilespmem:s28+$0x10] =	vst v6  }
0x4fd: {  	v11 =	vld.idx.msk [tilespmem:v11+s0+$0x0], $0xffff  }
0x4fe: {  	v51 =	vld [tilespmem:s14+$0xFFFFFF00]  }
0x4ff: {  	v61 =	vld [tilespmem:s14+$0xFFFFFF60]  }
0x500: {  	v62 =	vld [tilespmem:s14+$0xFFFFFF80];
	v27 =	vor.u32 s26, v3  }
0x501: {  	v52 =	vld [tilespmem:s14+$0xFFFFFF90]  }
0x502: {  	v53 =	vld [tilespmem:s14+$0xFFFFFFA0];
	v6 =	vadd.f32 v6, v11  }
0x503: {  	v54 =	vld [tilespmem:s14+$0xFFFFFFB0]  }
0x504: {  	v26 =	vld [tilespmem:s24+$0xFFFFFF90];
	[tilespmem:s28+$0x10] =	vst v6  }
0x505: {  	v27 =	vld.idx.msk [tilespmem:v27+s0+$0x0], $0xffff  }
0x506: {  	v23 =	vld [tilespmem:s24+$0xFFFFFFA0]  }
0x507: {  	v15 =	vld [tilespmem:s24+$0xFFFFFFB0]  }
0x508: {  	v35 =	vor.u32 s26, v4;
	v17 =	vld [tilespmem:s24+$0xFFFFFFC0]  }
0x509: {  	v19 =	vld [tilespmem:s24+$0xFFFFFFE0]  }
0x50a: {  	v22 =	vld [tilespmem:s20+$0xFFFFFE20];
	v6 =	vadd.f32 v6, v27  }
0x50b: {  	v25 =	vld [tilespmem:s20+$0xFFFFFE40]  }
0x50c: {  	v28 =	vld [tilespmem:s20+$0xFFFFFE50];
	[tilespmem:s28+$0x10] =	vst v6  }
0x50d: {  	v35 =	vld.idx.msk [tilespmem:v35+s0+$0x0], $0xffff  }
0x50e: {  	v18 =	vld [tilespmem:s24+$0xFFFFFFD0]  }
0x50f: {  	v21 =	vld [tilespmem:s20+$0xFFFFFE10]  }
0x510: {  	v42 =	vor.u32 s26, v2;
	v10 =	vld [tilespmem:s24+$0xFFFFFFF0]  }
0x511: {  	v13 =	vld [tilespmem:s24+$0x0]  }
0x512: {  	v20 =	vld [tilespmem:s20+$0xFFFFFE00];
	v6 =	vadd.f32 v6, v35  }
0x513: {  	v24 =	vld [tilespmem:s20+$0xFFFFFE30]  }
0x514: {  	v45 =	vunpack.i.u.bf16.f32 v26;
	v14 =	vld [tilespmem:s24+$0x10];
	[tilespmem:s28+$0x10] =	vst v6  }
0x515: {  	v26 =	vunpack.i.l.bf16.f32 v26;
	v47 =	vunpack.i.u.bf16.f32 v23;
	v23 =	vunpack.i.l.bf16.f32 v23;
	v42 =	vld.idx.msk [tilespmem:v42+s0+$0x0], $0xffff  }
0x516: {  	v16 =	vld [tilespmem:s24+$0x30];
	v48 =	vunpack.i.u.bf16.f32 v15;
	v15 =	vunpack.i.l.bf16.f32 v15;
	v49 =	vunpack.i.u.bf16.f32 v17  }
0x517: {  	v17 =	vunpack.i.l.bf16.f32 v17;
	v22 =	vadd.f32 v22, v26;
	v26 =	vld [tilespmem:s14+$0xFFFFFF20];
	v23 =	vadd.f32 v25, v23  }
0x518: {  	v25 =	vld [tilespmem:s14+$0xFFFFFF30];
	v59 =	vunpack.i.u.bf16.f32 v19;
	v28 =	vadd.f32 v28, v47;
	v15 =	vadd.f32 v29, v15  }
0x519: {  	v19 =	vunpack.i.l.bf16.f32 v19;
	v17 =	vadd.f32 v30, v17;
	v31 =	vadd.f32 v31, v49;
	v9 =	vld [tilespmem:s24+$0xFFFFFF80]  }
0x51a: {  	v29 =	vld [tilespmem:s14+$0xFFFFFF50];
	v19 =	vadd.f32 v34, v19;
	v6 =	vadd.f32 v42, v6  }
0x51b: {  	v49 =	vld [tilespmem:s14+$0xFFFFFF70];
	v36 =	vadd.f32 v36, v59;
	v60 =	vunpack.i.u.bf16.f32 v10;
	v10 =	vunpack.i.l.bf16.f32 v10  }
0x51c: {  	v59 =	vld [tilespmem:s14+$0xFFFFFFC0];
	v24 =	vadd.f32 v24, v45;
	v30 =	vunpack.i.u.bf16.f32 v13;
	v6 =	vmul.f32 $8.838834610e-02, v6  }
0x51d: {  	v12 =	vld [tilespmem:s24+$0x20];
	v13 =	vunpack.i.l.bf16.f32 v13;
	v10 =	vadd.f32 v37, v10;
	v15 =	vmul.f32 v15, v61  }
0x51e: {  	v13 =	vadd.f32 v38, v13;
	v50 =	vunpack.i.l.bf16.f32 v9;
	v11 =	vld [tilespmem:s20+$0xFFFFFE70];
	v6 =	vmul.f32 $1.442695020e+00, v6  }
0x51f: {  	v17 =	vmul.f32 v17, v62;
	v30 =	vadd.f32 v39, v30;
	v20 =	vadd.f32 v20, v50;
	v50 =	vld [tilespmem:s14+$0xFFFFFF10]  }
0x520: {  	v63 =	vunpack.i.u.bf16.f32 v14;
	v24 =	vmul.f32 v24, v25;
	v25 =	vld [tilespmem:s14+$0xFFFFFFE0];
	(erf) = vpow2.f32 v6  }
0x521: {  	v14 =	vunpack.i.l.bf16.f32 v14;
	v22 =	vmul.f32 v22, v26;
	v9 =	vunpack.i.u.bf16.f32 v9;
	v55 =	vld [tilespmem:s24+$0x40]  }
0x522: {  	v9 =	vadd.f32 v21, v9;
	v21 =	vunpack.i.u.bf16.f32 v18;
	v18 =	vunpack.i.l.bf16.f32 v18;
	v57 =	vld [tilespmem:s20+$0x180]  }
0x523: {  	v11 =	vadd.f32 v11, v48;
	v42 =	vld [tilespmem:s14+$0xFFFFFF40];
	v6 =	vunpack.i.u.bf16.f32 v12;
	v12 =	vunpack.i.l.bf16.f32 v12  }
0x524: {  	v26 =	vld [tilespmem:s14+$0xFFFFFFF0];
	v9 =	vmul.f32 v9, v50;
	v58 =	vadd.f32 v43, v12;
	v12 =	vmul.f32 v20, v51  }
0x525: {  	v28 =	vmul.f32 v28, v29;
	v29 =	vld [tilespmem:s14+$0x0];
	v18 =	vadd.f32 v32, v18;
	v11 =	vmul.f32 v11, v49  }
0x526: {  	v21 =	vadd.f32 v33, v21;
	v27 =	vld [tilespmem:s20+$0xFFFFFF70];
	v9 =	vadd.f32 v9, v12;
	v12 =	vunpack.i.l.bf16.f32 v55  }
0x527: {  	v22 =	vadd.f32 v24, v22;
	v24 =	vld [tilespmem:s14+$0x10];
	v11 =	vadd.f32 v11, v15;
	v15 =	vmul.f32 v18, v53  }
0x528: {  	v18 =	vmul.f32 v21, v54;
	v21 =	vld [tilespmem:s14+$0x30];
	v23 =	vmul.f32 v23, v42;
	v61 =	vadd.f32 v57, v12  }
0x529: {  	v56 =	vunpack.i.u.bf16.f32 v16;
	v16 =	vunpack.i.l.bf16.f32 v16;
	v14 =	vadd.f32 v40, v14;
	v20 =	vld [tilespmem:s14+$0xFFFFFFD0];
	v12 =	vpop (erf)  }
0x52a: {  	v15 =	vadd.f32 v18, v15;
	v18 =	vld [tilespmem:s14+$0x50];
	v23 =	vadd.f32 v28, v23;
	v62 =	vmul.f32 v61, v12  }
0x52b: {  	s12 =	simm.s32 $0x76C0;
	v33 =	vadd.f32 v41, v63;
	v27 =	vadd.f32 v27, v60;
	v35 =	vld [tilespmem:s20+$0x60];
	v28 =	vmul.f32 v31, v52  }
0x52c: {  	v19 =	vmul.f32 v19, v59;
	v60 =	vadd.f32 v46, v56;
	v31 =	vld [tilespmem:s14+$0x20];
	v11 =	vadd.f32 v11, v23;
	[tilespmem:s12+$0x90] =	vst v62  }
0x52d: {  	v10 =	vmul.f32 v10, v25;
	v17 =	vadd.f32 v28, v17;
	v9 =	vadd.f32 v22, v9;
	v25 =	vld [tilespmem:s20+$0x190]  }
0x52e: {  	v6 =	vadd.f32 v44, v6;
	v23 =	vmul.f32 v27, v26;
	v22 =	vld [tilespmem:s14+$0x40];
	v20 =	vmul.f32 v36, v20  }
0x52f: {  	v13 =	vmul.f32 v13, v29;
	v9 =	vadd.f32 v11, v9;
	v11 =	vadd.f32 v15, v17;
	v15 =	vld [tilespmem:s14+$0x70]  }
0x530: {  	s30 =	simm.s32 $0x0;
	v21 =	vmul.f32 v33, v21;
	v10 =	vadd.f32 v23, v10;
	v19 =	vadd.f32 v20, v19;
	v20 =	vld [tilespmem:s14+$0x60]  }
0x531: {  	v16 =	vadd.f32 v35, v16;
	v23 =	vor.u32 s30, v1;
	v17 =	vunpack.i.u.bf16.f32 v55  }
0x532: {  	s4 =	simm.s32 $0x10;
	v6 =	vmul.f32 v6, v18;
	v10 =	vadd.f32 v10, v19;
	v17 =	vadd.f32 v25, v17  }
0x533: {  	v26 =	vor.u32 s4, v1;
	v14 =	vmul.f32 v14, v31;
	v19 =	vmul.f32 v30, v24  }
0x534: {  	v22 =	vmul.f32 v58, v22;
	v10 =	vadd.f32 v10, v11;
	v11 =	vmul.f32 v17, v12  }
0x535: {  	[tilespmem:s28+$0xFFFFFFE0] =	vst v9;
	v15 =	vmul.f32 v60, v15;
	v16 =	vmul.f32 v16, v20  }
0x536: {  	v14 =	vadd.f32 v21, v14;
	v13 =	vadd.f32 v19, v13;
	v17 =	vld.idx.msk [tilespmem:v23+s0+$0x0], $0xffff;
	[tilespmem:s12+$0xA0] =	vst v11  }
0x537: {  	v6 =	vadd.f32 v6, v22;
	v11 =	vadd.f32 v15, v16;
	v15 =	vld [tilespmem:s24+$0x50]  }
0x538: {  	s2 =	simm.s32 $0x20;
	[tilespmem:s28+$0xFFFFFFF0] =	vst v10;
	v16 =	vld [tilespmem:s20+$0x1A0]  }
0x539: {  	v19 =	vor.u32 s2, v1;
	v13 =	vadd.f32 v14, v13;
	v18 =	vld.idx.msk [tilespmem:v26+s0+$0x0], $0xffff;
	v6 =	vadd.f32 v11, v6  }
0x53a: {  	v11 =	vor.u32 s30, v3  }
0x53b: {  	v6 =	vadd.f32 v6, v13  }
0x53c: {  	v14 =	vor.u32 s4, v3;
	v9 =	vadd.f32 v9, v17;
	v13 =	vunpack.i.l.bf16.f32 v15  }
0x53d: {  	[tilespmem:s28+$0x0] =	vst v6;
	v13 =	vadd.f32 v16, v13  }
0x53e: {  	v10 =	vadd.f32 v10, v18;
	[tilespmem:s28+$0xFFFFFFE0] =	vst v9;
	v16 =	vld.idx.msk [tilespmem:v19+s0+$0x0], $0xffff  }
0x53f: {  	v11 =	vld.idx.msk [tilespmem:v11+s0+$0x0], $0xffff;
	v13 =	vmul.f32 v13, v12  }
0x540: {  	[tilespmem:s28+$0xFFFFFFF0] =	vst v10  }
0x541: {  	v14 =	vld.idx.msk [tilespmem:v14+s0+$0x0], $0xffff;
	v17 =	vor.u32 s2, v3;
	[tilespmem:s12+$0xB0] =	vst v13  }
0x542: {  	v13 =	vor.u32 s30, v4;
	v18 =	vld [tilespmem:s20+$0x1B0]  }
0x543: {  	v6 =	vadd.f32 v6, v16  }
0x544: {  	v19 =	vor.u32 s4, v4;
	v9 =	vadd.f32 v9, v11  }
0x545: {  	[tilespmem:s28+$0x0] =	vst v6  }
0x546: {  	v10 =	vadd.f32 v10, v14;
	v14 =	vunpack.i.u.bf16.f32 v15;
	[tilespmem:s28+$0xFFFFFFE0] =	vst v9;
	v11 =	vld.idx.msk [tilespmem:v17+s0+$0x0], $0xffff  }
0x547: {  	v13 =	vld.idx.msk [tilespmem:v13+s0+$0x0], $0xffff;
	v14 =	vadd.f32 v18, v14  }
0x548: {  	[tilespmem:s28+$0xFFFFFFF0] =	vst v10  }
0x549: {  	v15 =	vld.idx.msk [tilespmem:v19+s0+$0x0], $0xffff;
	v16 =	vor.u32 s2, v4;
	v14 =	vmul.f32 v14, v12  }
0x54a: {  	v17 =	vor.u32 s30, v2  }
0x54b: {  	v6 =	vadd.f32 v6, v11;
	[tilespmem:s12+$0xC0] =	vst v14  }
0x54c: {  	v18 =	vor.u32 s4, v2;
	v9 =	vadd.f32 v9, v13;
	v11 =	vld [tilespmem:s24+$0x60]  }
0x54d: {  	[tilespmem:s28+$0x0] =	vst v6;
	v13 =	vld [tilespmem:s20+$0x1C0]  }
0x54e: {  	v10 =	vadd.f32 v10, v15;
	[tilespmem:s28+$0xFFFFFFE0] =	vst v9;
	v14 =	vld.idx.msk [tilespmem:v16+s0+$0x0], $0xffff  }
0x54f: {  	v15 =	vld.idx.msk [tilespmem:v17+s0+$0x0], $0xffff  }
0x550: {  	[tilespmem:s28+$0xFFFFFFF0] =	vst v10  }
0x551: {  	v16 =	vld.idx.msk [tilespmem:v18+s0+$0x0], $0xffff  }
0x552: {  	v17 =	vor.u32 s2, v2;
	v18 =	vunpack.i.l.bf16.f32 v11  }
0x553: {  	v13 =	vadd.f32 v13, v18  }
0x554: {  	v6 =	vadd.f32 v6, v14;
	v9 =	vadd.f32 v15, v9  }
0x555: {  	v13 =	vmul.f32 v13, v12  }
0x556: {  	v10 =	vadd.f32 v16, v10;
	[tilespmem:s28+$0x0] =	vst v6;
	v9 =	vmul.f32 $8.838834610e-02, v9  }
0x557: {  	v14 =	vld.idx.msk [tilespmem:v17+s0+$0x0], $0xffff;
	[tilespmem:s12+$0xD0] =	vst v13  }
0x558: {  	v10 =	vmul.f32 $8.838834610e-02, v10;
	v9 =	vmul.f32 $1.442695020e+00, v9;
	v13 =	vld [tilespmem:s20+$0x1D0];
	_ =	sdelay $0x1  }
0x559: {  	v10 =	vmul.f32 $1.442695020e+00, v10;
	(erf) = vpow2.f32 v9  }
0x55a: {  	v15 =	vld [tilespmem:s24+$0xFFFFFF80]  }
0x55b: {  	v11 =	vunpack.i.u.bf16.f32 v11;
	v9 =	vld [tilespmem:s20+$0xFFFFFE80];
	(erf) = vpow2.f32 v10  }
0x55c: {  	v10 =	vld [tilespmem:s24+$0xFFFFFFC0];
	v6 =	vadd.f32 v14, v6;
	v11 =	vadd.f32 v13, v11  }
0x55d: {  	v14 =	vld [tilespmem:s20+$0xFFFFFF80]  }
0x55e: {  	s29 =	simm.s32 $0x6120;
	v6 =	vmul.f32 $8.838834610e-02, v6;
	v11 =	vmul.f32 v11, v12  }
0x55f: {  	s25 =	simm.s32 $0x55A0;
	v63 =	vld [tilespmem:s29+$0x40];
	v13 =	vunpack.i.l.bf16.f32 v15  }
0x560: {  	v29 =	vld [tilespmem:s25+$0x140];
	v6 =	vmul.f32 $1.442695020e+00, v6;
	v9 =	vadd.f32 v9, v13  }
0x561: {  	v32 =	vld [tilespmem:s25+$0x150];
	v16 =	vunpack.i.l.bf16.f32 v10  }
0x562: {  	v13 =	vadd.f32 v14, v16;
	v14 =	vld [tilespmem:s24+$0x0];
	[tilespmem:s12+$0xE0] =	vst v11;
	v11 =	vpop (erf);
	(erf) = vpow2.f32 v6  }
0x563: {  	v6 =	vld [tilespmem:s24+$0x70];
	v16 =	vmul.f32 v9, v11  }
0x564: {  	v17 =	vld [tilespmem:s20+$0x1E0];
	v9 =	vpop (erf)  }
0x565: {  	v18 =	vld [tilespmem:s20+$0x80];
	v13 =	vmul.f32 v13, v9;
	[tilespmem:s12+$0xFFFFFEE0] =	vst v16  }
0x566: {  	v16 =	vld [tilespmem:s20+$0xFFFFFE90]  }
0x567: {  	v33 =	vld [tilespmem:s29+$0x50];
	[tilespmem:s12+$0xFFFFFF70] =	vst v13  }
0x568: {  	v13 =	vld [tilespmem:s20+$0xFFFFFF90];
	v19 =	vunpack.i.l.bf16.f32 v6  }
0x569: {  	v27 =	vld [tilespmem:s25+$0x110];
	v20 =	vunpack.i.l.bf16.f32 v14;
	v17 =	vadd.f32 v17, v19  }
0x56a: {  	v28 =	vld [tilespmem:s29+$0x70];
	s14 =	simm.s32 $0x4AA0;
	v15 =	vunpack.i.u.bf16.f32 v15;
	v18 =	vadd.f32 v18, v20  }
0x56b: {  	v21 =	vld [tilespmem:s14+$0xC0];
	v19 =	vunpack.i.u.bf16.f32 v10;
	v17 =	vmul.f32 v17, v12;
	v15 =	vadd.f32 v16, v15;
	v10 =	vpop (erf)  }
0x56c: {  	v24 =	vld [tilespmem:s25+$0x120];
	v16 =	vmul.f32 v18, v10  }
0x56d: {  	v30 =	vld [tilespmem:s29+$0x60];
	v13 =	vadd.f32 v13, v19;
	[tilespmem:s12+$0xF0] =	vst v17;
	v15 =	vmul.f32 v15, v11  }
0x56e: {  	v17 =	vld [tilespmem:s20+$0x1F0];
	[tilespmem:s12+$0x0] =	vst v16  }
0x56f: {  	v13 =	vmul.f32 v13, v9;
	[tilespmem:s12+$0xFFFFFEF0] =	vst v15;
	v15 =	vld [tilespmem:s20+$0x90]  }
0x570: {  	v16 =	vld [tilespmem:s24+$0xFFFFFF90]  }
0x571: {  	[tilespmem:s12+$0xFFFFFF80] =	vst v13;
	v13 =	vld [tilespmem:s20+$0xFFFFFEA0]  }
0x572: {  	v22 =	vld [tilespmem:s14+$0xB0]  }
0x573: {  	v26 =	vld [tilespmem:s25+$0x130];
	v6 =	vunpack.i.u.bf16.f32 v6  }
0x574: {  	v25 =	vld [tilespmem:s25+$0x100];
	v14 =	vunpack.i.u.bf16.f32 v14;
	v6 =	vadd.f32 v17, v6  }
0x575: {  	v31 =	vld [tilespmem:s24+$0xFFFFFFD0];
	v17 =	vmul.f32 v5, v12;
	v15 =	vadd.f32 v15, v14;
	v14 =	vunpack.i.l.bf16.f32 v16  }
0x576: {  	v23 =	vld [tilespmem:s14+$0xD0];
	v6 =	vmul.f32 v6, v12;
	v12 =	vadd.f32 v13, v14  }
0x577: {  	v20 =	vld [tilespmem:s14+$0x90];
	[tilespmem:s12+$0x110] =	vst v17;
	v17 =	vmul.f32 v15, v10  }
0x578: {  	v34 =	vunpack.i.u.bf16.f32 v63;
	v35 =	vunpack.i.l.bf16.f32 v63;
	v18 =	vld [tilespmem:s14+$0x80];
	[tilespmem:s12+$0x100] =	vst v6;
	v6 =	vmul.f32 v12, v11  }
0x579: {  	v19 =	vld [tilespmem:s14+$0xA0];
	v16 =	vunpack.i.u.bf16.f32 v16;
	v14 =	vmul.f32 v5, v11;
	v13 =	vmul.f32 v5, v9;
	[tilespmem:s12+$0x10] =	vst v17  }
0x57a: {  	s21 =	simm.s32 $0x4;
	s22 =	simm.s32 $0x8;
	s26 =	simm.s32 $0x76C0;
	v15 =	vunpack.i.u.bf16.f32 v31;
	v12 =	vmul.f32 v5, v10;
	v17 =	vunpack.i.l.bf16.f32 v31;
	v31 =	vld [tilespmem:s25+$0x160];
	[tilespmem:s12+$0xFFFFFF00] =	vst v6  }
.LBB2_15:
0x57b: {  	p0 =	slt.u32 s22, $0xC;
	v6 =	vunpack.i.u.bf16.f32 v33;
	v33 =	vunpack.i.l.bf16.f32 v33;
	v36 =	vunpack.i.u.bf16.f32 v30;
	v37 =	vld [tilespmem:s25+$0x170]  }
0x57c: {  	v25 =	vadd.f32 v25, v35;
	v27 =	vadd.f32 v27, v34;
	v30 =	vunpack.i.l.bf16.f32 v30;
	v34 =	vld [tilespmem:s14+$0xE0]  }
0x57d: {  	v24 =	vadd.f32 v24, v33;
	v6 =	vadd.f32 v26, v6;
	v26 =	vunpack.i.u.bf16.f32 v28;
	v33 =	vld [tilespmem:s14+$0xF0]  }
0x57e: {  	v29 =	vadd.f32 v29, v30;
	v28 =	vunpack.i.l.bf16.f32 v28;
	v35 =	vld [tilespmem:s29+$0xFFFFFF90];
	v30 =	vadd.f32 v32, v36  }
0x57f: {  	v18 =	vmul.f32 v25, v18;
	v20 =	vmul.f32 v27, v20;
	v32 =	vld [tilespmem:s29+$0xFFFFFFA0];
	v25 =	vadd.f32 v31, v28  }
0x580: {  	v19 =	vmul.f32 v24, v19;
	v6 =	vmul.f32 v6, v22;
	v27 =	vld [tilespmem:s29+$0xFFFFFFB0];
	v22 =	vadd.f32 v37, v26  }
0x581: {  	v21 =	vmul.f32 v29, v21;
	v23 =	vmul.f32 v30, v23;
	v24 =	vld [tilespmem:s29+$0xFFFFFFC0]  }
0x582: {  	v25 =	vmul.f32 v25, v34;
	v26 =	vld [tilespmem:s29+$0xFFFFFFD0];
	v22 =	vmul.f32 v22, v33  }
0x583: {  	v18 =	vadd.f32 v20, v18;
	v6 =	vadd.f32 v6, v19;
	v33 =	vunpack.i.u.bf16.f32 v35;
	v28 =	vld [tilespmem:s29+$0xFFFFFFE0]  }
0x584: {  	s4 =	sshll.u32 s21, $0x4;
	s21 =	smov.u32 s22;
	v21 =	vadd.f32 v23, v21;
	v19 =	vunpack.i.l.bf16.f32 v35;
	v20 =	vld [tilespmem:s29+$0xFFFFFFF0];
	v22 =	vadd.f32 v22, v25  }
0x585: {  	s1 =	sadd.s32 $0x10, s4;
	s2 =	sadd.s32 $0x20, s4;
	s23 =	sadd.s32 $0x30, s4;
	v34 =	vunpack.i.u.bf16.f32 v32;
	v32 =	vunpack.i.l.bf16.f32 v32;
	v35 =	vunpack.i.u.bf16.f32 v27;
	v23 =	vld [tilespmem:s29+$0x0]  }
0x586: {  	v6 =	vadd.f32 v6, v18;
	v25 =	vld [tilespmem:s29+$0x10];
	v18 =	vadd.f32 v22, v21;
	v21 =	vor.u32 s23, v1  }
0x587: {  	v36 =	vunpack.i.l.bf16.f32 v27;
	v37 =	vunpack.i.u.bf16.f32 v24;
	v38 =	vunpack.i.l.bf16.f32 v24;
	v22 =	vld [tilespmem:s29+$0x20]  }
0x588: {  	v39 =	vunpack.i.u.bf16.f32 v26;
	v40 =	vunpack.i.l.bf16.f32 v26;
	v24 =	vld [tilespmem:s29+$0x30];
	v6 =	vadd.f32 v18, v6  }
0x589: {  	s28 =	sadd.s32 $0x40, s28;
	v41 =	vunpack.i.u.bf16.f32 v28;
	v42 =	vunpack.i.l.bf16.f32 v28;
	v18 =	vld [tilespmem:s29+$0xFFFFFF80];
	v43 =	vunpack.i.u.bf16.f32 v20  }
0x58a: {  	v20 =	vunpack.i.l.bf16.f32 v20;
	v26 =	vld [tilespmem:s25+$0xFFFFFE00];
	v44 =	vunpack.i.u.bf16.f32 v23;
	v45 =	vunpack.i.l.bf16.f32 v23;
	[tilespmem:s28+$0x10] =	vst v6  }
0x58b: {  	v29 =	vor.u32 s1, v1;
	v46 =	vunpack.i.u.bf16.f32 v25;
	v47 =	vunpack.i.l.bf16.f32 v25;
	v23 =	vld.idx.msk [tilespmem:v21+s0+$0x0], $0xffff  }
0x58c: {  	v27 =	vor.u32 s2, v1;
	v48 =	vld [tilespmem:s25+$0xFFFFFE10];
	v49 =	vunpack.i.u.bf16.f32 v22;
	v50 =	vunpack.i.l.bf16.f32 v22  }
0x58d: {  	v31 =	vor.u32 s4, v1;
	v22 =	vld [tilespmem:s25+$0xFFFFFE20];
	v51 =	vunpack.i.u.bf16.f32 v24;
	v52 =	vunpack.i.l.bf16.f32 v24  }
0x58e: {  	v28 =	vor.u32 s1, v3;
	v53 =	vunpack.i.u.bf16.f32 v18;
	v18 =	vunpack.i.l.bf16.f32 v18;
	v54 =	vld [tilespmem:s25+$0xFFFFFE30]  }
0x58f: {  	v57 =	vor.u32 s23, v3;
	v24 =	vor.u32 s2, v3;
	v55 =	vadd.f32 v26, v18;
	v56 =	vld [tilespmem:s25+$0xFFFFFE40]  }
0x590: {  	v30 =	vor.u32 s4, v3;
	v25 =	vor.u32 s1, v4;
	v21 =	vor.u32 s2, v4;
	v58 =	vld [tilespmem:s25+$0xFFFFFE50]  }
0x591: {  	v26 =	vor.u32 s4, v4;
	v6 =	vadd.f32 v6, v23;
	v48 =	vadd.f32 v48, v53;
	v53 =	vld [tilespmem:s25+$0xFFFFFE60]  }
0x592: {  	v18 =	vor.u32 s2, v2;
	v19 =	vadd.f32 v22, v19;
	v59 =	vld [tilespmem:s25+$0xFFFFFE70];
	v22 =	vor.u32 s1, v2  }
0x593: {  	v23 =	vor.u32 s4, v2;
	v33 =	vadd.f32 v54, v33;
	v54 =	vld [tilespmem:s25+$0xFFFFFF00];
	[tilespmem:s28+$0x10] =	vst v6  }
0x594: {  	v32 =	vadd.f32 v56, v32;
	v56 =	vld.idx.msk [tilespmem:v57+s0+$0x0], $0xffff  }
0x595: {  	v34 =	vadd.f32 v58, v34;
	v57 =	vld [tilespmem:s25+$0xFFFFFF10]  }
0x596: {  	v36 =	vadd.f32 v53, v36;
	v53 =	vld [tilespmem:s25+$0xFFFFFF20]  }
0x597: {  	v35 =	vadd.f32 v59, v35;
	v58 =	vld [tilespmem:s25+$0xFFFFFF30]  }
0x598: {  	v59 =	vor.u32 s23, v4;
	v38 =	vadd.f32 v54, v38;
	v54 =	vld [tilespmem:s25+$0xFFFFFF40]  }
0x599: {  	v60 =	vld [tilespmem:s25+$0xFFFFFF50]  }
0x59a: {  	v6 =	vadd.f32 v6, v56;
	v37 =	vadd.f32 v57, v37;
	v57 =	vld [tilespmem:s25+$0xFFFFFF60]  }
0x59b: {  	v40 =	vadd.f32 v53, v40;
	v53 =	vld [tilespmem:s25+$0xFFFFFF70]  }
0x59c: {  	v39 =	vadd.f32 v58, v39;
	v56 =	vld [tilespmem:s25+$0x0];
	[tilespmem:s28+$0x10] =	vst v6  }
0x59d: {  	v42 =	vadd.f32 v54, v42;
	v54 =	vld.idx.msk [tilespmem:v59+s0+$0x0], $0xffff  }
0x59e: {  	v41 =	vadd.f32 v60, v41;
	v58 =	vld [tilespmem:s25+$0x10]  }
0x59f: {  	v20 =	vadd.f32 v57, v20;
	v57 =	vld [tilespmem:s25+$0x20]  }
0x5a0: {  	v43 =	vadd.f32 v53, v43;
	v53 =	vld [tilespmem:s25+$0x30]  }
0x5a1: {  	v59 =	vor.u32 s23, v2;
	v45 =	vadd.f32 v56, v45;
	v56 =	vld [tilespmem:s25+$0x40]  }
0x5a2: {  	v60 =	vld [tilespmem:s25+$0x50]  }
0x5a3: {  	v6 =	vadd.f32 v6, v54;
	v44 =	vadd.f32 v58, v44;
	v58 =	vld [tilespmem:s25+$0x60]  }
0x5a4: {  	v47 =	vadd.f32 v57, v47;
	v54 =	vld [tilespmem:s25+$0x70]  }
0x5a5: {  	v57 =	vld [tilespmem:s14+$0xFFFFFF00];
	v46 =	vadd.f32 v53, v46;
	[tilespmem:s28+$0x10] =	vst v6  }
0x5a6: {  	v50 =	vadd.f32 v56, v50;
	v53 =	vld.idx.msk [tilespmem:v59+s0+$0x0], $0xffff  }
0x5a7: {  	v56 =	vld [tilespmem:s14+$0xFFFFFF10];
	v49 =	vadd.f32 v60, v49  }
0x5a8: {  	v59 =	vld [tilespmem:s14+$0xFFFFFF20];
	v52 =	vadd.f32 v58, v52  }
0x5a9: {  	v58 =	vld [tilespmem:s14+$0xFFFFFF30];
	v51 =	vadd.f32 v54, v51  }
0x5aa: {  	v54 =	vmul.f32 v55, v57;
	v55 =	vld [tilespmem:s14+$0xFFFFFF40]  }
0x5ab: {  	v57 =	vld [tilespmem:s14+$0xFFFFFF50]  }
0x5ac: {  	v6 =	vadd.f32 v53, v6;
	v48 =	vmul.f32 v48, v56;
	v56 =	vld [tilespmem:s14+$0xFFFFFF60]  }
0x5ad: {  	v19 =	vmul.f32 v19, v59;
	v53 =	vld [tilespmem:s14+$0xFFFFFF70]  }
0x5ae: {  	v6 =	vmul.f32 $8.838834610e-02, v6;
	v33 =	vmul.f32 v33, v58;
	v48 =	vadd.f32 v48, v54;
	v54 =	vld [tilespmem:s14+$0xFFFFFF80]  }
0x5af: {  	v32 =	vmul.f32 v32, v55;
	v55 =	vld [tilespmem:s14+$0xFFFFFF90]  }
0x5b0: {  	v6 =	vmul.f32 $1.442695020e+00, v6;
	v34 =	vmul.f32 v34, v57;
	v19 =	vadd.f32 v33, v19;
	v33 =	vld [tilespmem:s14+$0xFFFFFFA0]  }
0x5b1: {  	v36 =	vmul.f32 v36, v56;
	v56 =	vld [tilespmem:s14+$0xFFFFFFB0]  }
0x5b2: {  	v35 =	vmul.f32 v35, v53;
	v32 =	vadd.f32 v34, v32;
	v34 =	vld [tilespmem:s14+$0xFFFFFFC0];
	(erf) = vpow2.f32 v6  }
0x5b3: {  	v6 =	vadd.f32 v19, v48;
	v19 =	vmul.f32 v38, v54;
	v38 =	vld [tilespmem:s14+$0xFFFFFFD0]  }
0x5b4: {  	v35 =	vadd.f32 v35, v36;
	v36 =	vmul.f32 v37, v55;
	v37 =	vld [tilespmem:s29+$0x40]  }
0x5b5: {  	v33 =	vmul.f32 v40, v33;
	v40 =	vld [tilespmem:s25+$0x180]  }
0x5b6: {  	v32 =	vadd.f32 v35, v32;
	v35 =	vmul.f32 v39, v56;
	v39 =	vld [tilespmem:s14+$0xFFFFFFE0];
	v19 =	vadd.f32 v36, v19  }
0x5b7: {  	v34 =	vmul.f32 v42, v34;
	v36 =	vld [tilespmem:s14+$0xFFFFFFF0]  }
0x5b8: {  	v6 =	vadd.f32 v32, v6;
	v32 =	vmul.f32 v41, v38;
	v33 =	vadd.f32 v35, v33;
	v35 =	vld [tilespmem:s14+$0x0]  }
0x5b9: {  	v38 =	vld [tilespmem:s14+$0x10];
	v41 =	vunpack.i.l.bf16.f32 v37  }
0x5ba: {  	[tilespmem:s28+$0xFFFFFFE0] =	vst v6;
	v32 =	vadd.f32 v32, v34;
	v34 =	vld [tilespmem:s14+$0x20];
	v40 =	vadd.f32 v40, v41  }
0x5bb: {  	v33 =	vadd.f32 v33, v19;
	v39 =	vmul.f32 v20, v39;
	v41 =	vld [tilespmem:s14+$0x30];
	v19 =	vpop (erf)  }
0x5bc: {  	v36 =	vmul.f32 v43, v36;
	v42 =	vld [tilespmem:s14+$0x40];
	v40 =	vmul.f32 v40, v19  }
0x5bd: {  	s12 =	sadd.s32 $0x240, s12;
	v20 =	vmul.f32 v5, v19;
	v35 =	vmul.f32 v45, v35;
	v43 =	vld [tilespmem:s14+$0x50]  }
0x5be: {  	v36 =	vadd.f32 v36, v39;
	v38 =	vmul.f32 v44, v38;
	v39 =	vld [tilespmem:s14+$0x60];
	[tilespmem:s12+$0x90] =	vst v40  }
0x5bf: {  	v34 =	vmul.f32 v47, v34;
	v40 =	vld [tilespmem:s25+$0x190]  }
0x5c0: {  	v32 =	vadd.f32 v36, v32;
	v36 =	vmul.f32 v46, v41;
	v41 =	vld [tilespmem:s14+$0x70];
	v35 =	vadd.f32 v38, v35  }
0x5c1: {  	v31 =	vld.idx.msk [tilespmem:v31+s0+$0x0], $0xffff;
	v38 =	vmul.f32 v50, v42  }
0x5c2: {  	v32 =	vadd.f32 v32, v33;
	v33 =	vmul.f32 v49, v43;
	v34 =	vadd.f32 v36, v34;
	v36 =	vld [tilespmem:s24+$0x10]  }
0x5c3: {  	v37 =	vunpack.i.u.bf16.f32 v37;
	v39 =	vmul.f32 v52, v39;
	v42 =	vld [tilespmem:s20+$0xFFFFFFA0]  }
0x5c4: {  	[tilespmem:s28+$0xFFFFFFF0] =	vst v32;
	v33 =	vadd.f32 v33, v38;
	v37 =	vadd.f32 v40, v37;
	v38 =	vld [tilespmem:s20+$0xA0]  }
0x5c5: {  	v34 =	vadd.f32 v34, v35;
	v29 =	vld.idx.msk [tilespmem:v29+s0+$0x0], $0xffff;
	v40 =	vmul.f32 v51, v41  }
0x5c6: {  	v35 =	vmul.f32 v37, v19;
	v37 =	vld [tilespmem:s20+$0xFFFFFEB0]  }
0x5c7: {  	v6 =	vadd.f32 v6, v31;
	v31 =	vadd.f32 v40, v39;
	v39 =	vunpack.i.l.bf16.f32 v36  }
0x5c8: {  	[tilespmem:s12+$0xA0] =	vst v35;
	v17 =	vadd.f32 v42, v17;
	v35 =	vunpack.i.u.bf16.f32 v36  }
0x5c9: {  	[tilespmem:s28+$0xFFFFFFE0] =	vst v6;
	v31 =	vadd.f32 v31, v33;
	v33 =	vld [tilespmem:s29+$0x50];
	v36 =	vadd.f32 v38, v39  }
0x5ca: {  	v38 =	vld [tilespmem:s25+$0x1A0];
	v17 =	vmul.f32 v17, v9  }
0x5cb: {  	v29 =	vadd.f32 v32, v29;
	v30 =	vld.idx.msk [tilespmem:v30+s0+$0x0], $0xffff;
	v31 =	vadd.f32 v31, v34;
	v32 =	vmul.f32 v36, v10  }
0x5cc: {  	v16 =	vadd.f32 v37, v16;
	[tilespmem:s26+$0xFFFFFF90] =	vst v17  }
0x5cd: {  	[tilespmem:s28+$0x0] =	vst v31;
	v17 =	vld [tilespmem:s20+$0xFFFFFFB0]  }
0x5ce: {  	v16 =	vmul.f32 v16, v11;
	[tilespmem:s28+$0xFFFFFFF0] =	vst v29;
	v27 =	vld.idx.msk [tilespmem:v27+s0+$0x0], $0xffff;
	v34 =	vunpack.i.l.bf16.f32 v33  }
0x5cf: {  	v28 =	vld.idx.msk [tilespmem:v28+s0+$0x0], $0xffff;
	v34 =	vadd.f32 v38, v34;
	[tilespmem:s26+$0x20] =	vst v32  }
0x5d0: {  	[tilespmem:s26+$0xFFFFFF10] =	vst v16;
	v16 =	vld [tilespmem:s20+$0xB0]  }
0x5d1: {  	v6 =	vadd.f32 v6, v30;
	v30 =	vmul.f32 v34, v19;
	v32 =	vld [tilespmem:s24+$0xFFFFFFA0]  }
0x5d2: {  	v34 =	vld [tilespmem:s20+$0xFFFFFEC0];
	v15 =	vadd.f32 v17, v15  }
0x5d3: {  	[tilespmem:s12+$0xB0] =	vst v30  }
0x5d4: {  	v17 =	vadd.f32 v31, v27;
	[tilespmem:s28+$0xFFFFFFE0] =	vst v6;
	v27 =	vld [tilespmem:s25+$0x1B0];
	v15 =	vmul.f32 v15, v9  }
0x5d5: {  	v28 =	vadd.f32 v29, v28;
	v26 =	vld.idx.msk [tilespmem:v26+s0+$0x0], $0xffff;
	v16 =	vadd.f32 v16, v35  }
0x5d6: {  	[tilespmem:s28+$0x0] =	vst v17;
	v29 =	vunpack.i.u.bf16.f32 v32;
	v30 =	vunpack.i.l.bf16.f32 v32  }
0x5d7: {  	[tilespmem:s28+$0xFFFFFFF0] =	vst v28;
	v24 =	vld.idx.msk [tilespmem:v24+s0+$0x0], $0xffff;
	v30 =	vadd.f32 v34, v30;
	v16 =	vmul.f32 v16, v10  }
0x5d8: {  	v31 =	vunpack.i.u.bf16.f32 v33;
	v25 =	vld.idx.msk [tilespmem:v25+s0+$0x0], $0xffff;
	[tilespmem:s26+$0xFFFFFFA0] =	vst v15  }
0x5d9: {  	v15 =	vadd.f32 v27, v31;
	v27 =	vmul.f32 v30, v11;
	v30 =	vld [tilespmem:s24+$0xFFFFFFE0];
	[tilespmem:s26+$0x30] =	vst v16  }
0x5da: {  	v16 =	vld [tilespmem:s24+$0x20]  }
0x5db: {  	v6 =	vadd.f32 v6, v26;
	v15 =	vmul.f32 v15, v19;
	[tilespmem:s26+$0xFFFFFF20] =	vst v27;
	v26 =	vld [tilespmem:s20+$0xFFFFFFC0]  }
0x5dc: {  	v27 =	vld [tilespmem:s20+$0xC0]  }
0x5dd: {  	v17 =	vadd.f32 v17, v24;
	[tilespmem:s12+$0xC0] =	vst v15;
	v15 =	vld [tilespmem:s20+$0xFFFFFED0]  }
0x5de: {  	v24 =	vadd.f32 v28, v25;
	[tilespmem:s28+$0xFFFFFFE0] =	vst v6;
	v25 =	vld [tilespmem:s29+$0x60];
	v28 =	vunpack.i.u.bf16.f32 v30;
	v30 =	vunpack.i.l.bf16.f32 v30  }
0x5df: {  	[tilespmem:s28+$0x0] =	vst v17;
	v31 =	vld [tilespmem:s25+$0x1C0];
	v32 =	vunpack.i.u.bf16.f32 v16;
	v16 =	vunpack.i.l.bf16.f32 v16  }
0x5e0: {  	[tilespmem:s28+$0xFFFFFFF0] =	vst v24;
	v21 =	vld.idx.msk [tilespmem:v21+s0+$0x0], $0xffff;
	v26 =	vadd.f32 v26, v30  }
0x5e1: {  	v23 =	vld.idx.msk [tilespmem:v23+s0+$0x0], $0xffff;
	v16 =	vadd.f32 v27, v16  }
0x5e2: {  	v22 =	vld.idx.msk [tilespmem:v22+s0+$0x0], $0xffff;
	v15 =	vadd.f32 v15, v29;
	v26 =	vmul.f32 v26, v9  }
0x5e3: {  	v27 =	vld [tilespmem:s29+$0xFFFFFF80];
	v29 =	vunpack.i.l.bf16.f32 v25;
	v16 =	vmul.f32 v16, v10  }
0x5e4: {  	v30 =	vld [tilespmem:s29+$0xFFFFFFC0];
	v29 =	vadd.f32 v31, v29;
	v15 =	vmul.f32 v15, v11;
	[tilespmem:s26+$0xFFFFFFB0] =	vst v26  }
0x5e5: {  	v26 =	vld [tilespmem:s25+$0xFFFFFE80];
	[tilespmem:s26+$0x40] =	vst v16  }
0x5e6: {  	v17 =	vadd.f32 v17, v21;
	v16 =	vld [tilespmem:s25+$0xFFFFFF80];
	v21 =	vmul.f32 v29, v19;
	[tilespmem:s26+$0xFFFFFF30] =	vst v15  }
0x5e7: {  	v6 =	vadd.f32 v23, v6;
	v15 =	vld [tilespmem:s20+$0xFFFFFFD0]  }
0x5e8: {  	v22 =	vadd.f32 v22, v24;
	v23 =	vunpack.i.u.bf16.f32 v27;
	v27 =	vunpack.i.l.bf16.f32 v27;
	[tilespmem:s12+$0xD0] =	vst v21;
	v21 =	vld [tilespmem:s20+$0xD0]  }
0x5e9: {  	v6 =	vmul.f32 $8.838834610e-02, v6;
	v24 =	vunpack.i.u.bf16.f32 v30;
	v29 =	vunpack.i.l.bf16.f32 v30;
	[tilespmem:s28+$0x0] =	vst v17;
	v30 =	vld [tilespmem:s25+$0x1D0]  }
0x5ea: {  	v22 =	vmul.f32 $8.838834610e-02, v22;
	v26 =	vadd.f32 v26, v27;
	v18 =	vld.idx.msk [tilespmem:v18+s0+$0x0], $0xffff  }
0x5eb: {  	v6 =	vmul.f32 $1.442695020e+00, v6;
	v16 =	vadd.f32 v16, v29;
	v27 =	vld [tilespmem:s29+$0x0]  }
0x5ec: {  	v22 =	vmul.f32 $1.442695020e+00, v22;
	v29 =	vld [tilespmem:s25+$0x80];
	v15 =	vadd.f32 v15, v28  }
0x5ed: {  	v25 =	vunpack.i.u.bf16.f32 v25;
	(erf) = vpow2.f32 v6;
	v6 =	vld [tilespmem:s24+$0xFFFFFFB0];
	v21 =	vadd.f32 v21, v32  }
0x5ee: {  	v25 =	vadd.f32 v30, v25;
	(erf) = vpow2.f32 v22;
	v22 =	vld [tilespmem:s20+$0xFFFFFEE0];
	v15 =	vmul.f32 v15, v9  }
0x5ef: {  	v21 =	vmul.f32 v21, v10  }
0x5f0: {  	v17 =	vadd.f32 v18, v17;
	v18 =	vunpack.i.l.bf16.f32 v27;
	v25 =	vmul.f32 v25, v19;
	[tilespmem:s26+$0xFFFFFFC0] =	vst v15  }
0x5f1: {  	v15 =	vunpack.i.u.bf16.f32 v27;
	v18 =	vadd.f32 v29, v18;
	v27 =	vld [tilespmem:s24+$0xFFFFFFF0];
	[tilespmem:s26+$0x50] =	vst v21  }
0x5f2: {  	v17 =	vmul.f32 $8.838834610e-02, v17;
	[tilespmem:s12+$0xE0] =	vst v25;
	v21 =	vunpack.i.u.bf16.f32 v6;
	v6 =	vunpack.i.l.bf16.f32 v6;
	v25 =	vld [tilespmem:s24+$0x30];
	s24 =	smov.u32 s29  }
0x5f3: {  	v28 =	vld [tilespmem:s29+$0x70];
	v6 =	vadd.f32 v22, v6  }
0x5f4: {  	v17 =	vmul.f32 $1.442695020e+00, v17;
	v22 =	vld [tilespmem:s25+$0x1E0]  }
0x5f5: {  	v6 =	vmul.f32 v6, v11;
	v29 =	vld [tilespmem:s20+$0xFFFFFFE0]  }
0x5f6: {  	v30 =	vpop (erf);
	(erf) = vpow2.f32 v17;
	v17 =	vunpack.i.u.bf16.f32 v27;
	v27 =	vunpack.i.l.bf16.f32 v27;
	v31 =	vld [tilespmem:s20+$0xE0]  }
0x5f7: {  	v26 =	vmul.f32 v26, v30;
	v32 =	vpop (erf);
	[tilespmem:s26+$0xFFFFFF40] =	vst v6;
	v6 =	vunpack.i.u.bf16.f32 v25;
	v25 =	vunpack.i.l.bf16.f32 v25  }
0x5f8: {  	v16 =	vmul.f32 v16, v32;
	v33 =	vunpack.i.l.bf16.f32 v28;
	v34 =	vld [tilespmem:s20+$0xFFFFFEF0];
	[tilespmem:s26+$0xFFFFFF60] =	vst v14;
	v14 =	vmul.f32 v5, v30  }
0x5f9: {  	[tilespmem:s12+$0xFFFFFEE0] =	vst v26;
	v26 =	vmul.f32 v5, v32;
	v22 =	vadd.f32 v22, v33  }
0x5fa: {  	v33 =	vld [tilespmem:s25+$0xFFFFFE90];
	[tilespmem:s12+$0xFFFFFF70] =	vst v16;
	v16 =	vadd.f32 v29, v27  }
0x5fb: {  	v27 =	vld [tilespmem:s25+$0xFFFFFF90];
	v22 =	vmul.f32 v22, v19;
	v25 =	vadd.f32 v31, v25  }
0x5fc: {  	v16 =	vmul.f32 v16, v9  }
0x5fd: {  	[tilespmem:s12+$0xF0] =	vst v22;
	v21 =	vadd.f32 v34, v21;
	v22 =	vmul.f32 v25, v10  }
0x5fe: {  	v25 =	vld [tilespmem:s25+$0x1F0];
	[tilespmem:s26+$0xFFFFFFD0] =	vst v16  }
0x5ff: {  	v16 =	vadd.f32 v33, v23;
	v23 =	vpop (erf);
	v21 =	vmul.f32 v21, v11;
	v29 =	vld [tilespmem:s20+$0xFFFFFFF0];
	[tilespmem:s26+$0x60] =	vst v22;
	v11 =	vmov v30  }
0x600: {  	v22 =	vadd.f32 v27, v24;
	v18 =	vmul.f32 v18, v23;
	v24 =	vmul.f32 v5, v23;
	[tilespmem:s26+$0xFFFFFFF0] =	vst v13;
	v27 =	vld [tilespmem:s20+$0xF0];
	s20 =	smov.u32 s25  }
0x601: {  	v13 =	vmov v26;
	v16 =	vmul.f32 v16, v11;
	[tilespmem:s26+$0xFFFFFF50] =	vst v21  }
0x602: {  	v21 =	vmul.f32 v22, v32;
	[tilespmem:s12+$0x0] =	vst v18;
	v18 =	vunpack.i.u.bf16.f32 v28  }
0x603: {  	[tilespmem:s12+$0xFFFFFEF0] =	vst v16;
	v16 =	vld [tilespmem:s25+$0x90];
	v18 =	vadd.f32 v25, v18  }
0x604: {  	v22 =	vld [tilespmem:s29+$0xFFFFFF90];
	[tilespmem:s12+$0xFFFFFF80] =	vst v21;
	v17 =	vadd.f32 v29, v17  }
0x605: {  	v21 =	vld [tilespmem:s29+$0xFFFFFFD0];
	v19 =	vmul.f32 v18, v19;
	v6 =	vadd.f32 v27, v6;
	[tilespmem:s26+$0x80] =	vst v12;
	v12 =	vmov v24  }
0x606: {  	s14 =	sadd.s32 $0x200, s14;
	v24 =	vld [tilespmem:s25+$0xFFFFFEA0];
	[tilespmem:s12+$0x110] =	vst v20;
	v17 =	vmul.f32 v17, v9;
	v9 =	vmov v32  }
0x607: {  	v18 =	vld [tilespmem:s14+$0x80];
	[tilespmem:s12+$0x100] =	vst v19;
	v6 =	vmul.f32 v6, v10;
	v10 =	vmov v23  }
0x608: {  	v20 =	vld [tilespmem:s14+$0x90];
	v23 =	vadd.f32 v16, v15;
	[tilespmem:s26+$0xFFFFFFE0] =	vst v17  }
0x609: {  	v19 =	vld [tilespmem:s14+$0xA0];
	v16 =	vunpack.i.u.bf16.f32 v22;
	v25 =	vunpack.i.l.bf16.f32 v22;
	[tilespmem:s26+$0x70] =	vst v6;
	s26 =	smov.u32 s12  }
0x60a: {  	v22 =	vld [tilespmem:s14+$0xB0];
	v15 =	vunpack.i.u.bf16.f32 v21;
	v17 =	vunpack.i.l.bf16.f32 v21;
	v6 =	vmul.f32 v23, v10  }
0x60b: {  	v21 =	vld [tilespmem:s14+$0xC0];
	v24 =	vadd.f32 v24, v25  }
0x60c: {  	s25 =	sadd.s32 $0x400, s25;
	v23 =	vld [tilespmem:s14+$0xD0];
	[tilespmem:s12+$0x10] =	vst v6  }
0x60d: {  	v25 =	vld [tilespmem:s25+$0x100];
	v6 =	vmul.f32 v24, v11  }
0x60e: {  	v27 =	vld [tilespmem:s25+$0x110]  }
0x60f: {  	v24 =	vld [tilespmem:s25+$0x120];
	[tilespmem:s12+$0xFFFFFF00] =	vst v6  }
0x610: {  	s29 =	sadd.s32 $0x100, s29;
	v26 =	vld [tilespmem:s25+$0x130]  }
0x611: {  	v6 =	vld [tilespmem:s29+$0x40]  }
0x612: {  	v33 =	vld [tilespmem:s29+$0x50]  }
.Ltmp5:
0x613: {  	v30 =	vld [tilespmem:s29+$0x60];
	(pc) =	sbr.rel @p0 .LBB2_15-.Ltmp5, $4  }
0x614: {  	v29 =	vld [tilespmem:s25+$0x140]  }
0x615: {  	v28 =	vld [tilespmem:s29+$0x70]  }
0x616: {  	v32 =	vld [tilespmem:s25+$0x150]  }
0x617: {  	s22 =	sadd.s32 $0x4, s22;
	v34 =	vunpack.i.u.bf16.f32 v6;
	v35 =	vunpack.i.l.bf16.f32 v6;
	v31 =	vld [tilespmem:s25+$0x160]  }
0x618: {  	v6 =	vld [tilespmem:s25+$0x170]  }
0x619: {  	v36 =	vld [tilespmem:s14+$0xE0]  }
0x61a: {  	v37 =	vld [tilespmem:s14+$0xF0]  }
0x61b: {  	v38 =	vld [tilespmem:s29+$0xFFFFFF90]  }
0x61c: {  	v39 =	vld [tilespmem:s29+$0xFFFFFFA0]  }
0x61d: {  	v40 =	vld [tilespmem:s29+$0xFFFFFFB0]  }
0x61e: {  	v41 =	vld [tilespmem:s29+$0xFFFFFFC0]  }
0x61f: {  	v42 =	vld [tilespmem:s29+$0xFFFFFFD0]  }
0x620: {  	v43 =	vld [tilespmem:s29+$0xFFFFFFE0]  }
0x621: {  	v44 =	vld [tilespmem:s29+$0xFFFFFFF0]  }
0x622: {  	v45 =	vld [tilespmem:s29+$0x0]  }
0x623: {  	v46 =	vld [tilespmem:s29+$0x10]  }
0x624: {  	v47 =	vld [tilespmem:s29+$0x20]  }
0x625: {  	v48 =	vld [tilespmem:s29+$0x30]  }
0x626: {  	v49 =	vld [tilespmem:s29+$0xFFFFFF80]  }
0x627: {  	v50 =	vld [tilespmem:s25+$0xFFFFFE00]  }
0x628: {  	v51 =	vld [tilespmem:s25+$0xFFFFFE10]  }
0x629: {  	v52 =	vld [tilespmem:s25+$0xFFFFFE20]  }
0x62a: {  	v53 =	vld [tilespmem:s25+$0xFFFFFE30]  }
0x62b: {  	v54 =	vld [tilespmem:s25+$0xFFFFFE40]  }
0x62c: {  	v55 =	vld [tilespmem:s25+$0xFFFFFE50]  }
0x62d: {  	v56 =	vld [tilespmem:s25+$0xFFFFFE60]  }
0x62e: {  	v57 =	vld [tilespmem:s25+$0xFFFFFE70]  }
0x62f: {  	v58 =	vld [tilespmem:s25+$0xFFFFFF00]  }
0x630: {  	v59 =	vld [tilespmem:s25+$0xFFFFFF10]  }
0x631: {  	v60 =	vld [tilespmem:s25+$0xFFFFFF20]  }
0x632: {  	v61 =	vld [tilespmem:s25+$0xFFFFFF30]  }
0x633: {  	v62 =	vld [tilespmem:s25+$0xFFFFFF40]  }
0x634: {  	v63 =	vunpack.i.u.bf16.f32 v33;
	v33 =	vunpack.i.l.bf16.f32 v33;
	v25 =	vadd.f32 v25, v35;
	v35 =	vld [tilespmem:s25+$0xFFFFFF50]  }
0x635: {  	v27 =	vadd.f32 v27, v34;
	v34 =	vunpack.i.l.bf16.f32 v30;
	v24 =	vadd.f32 v24, v33;
	v33 =	vld [tilespmem:s25+$0xFFFFFF60]  }
0x636: {  	v29 =	vadd.f32 v29, v34;
	v34 =	vld [tilespmem:s25+$0xFFFFFF70]  }
0x637: {  	v26 =	vadd.f32 v26, v63;
	v18 =	vmul.f32 v25, v18;
	v25 =	vld [tilespmem:s25+$0x0]  }
0x638: {  	v63 =	vunpack.i.u.bf16.f32 v30;
	v20 =	vmul.f32 v27, v20;
	v19 =	vmul.f32 v24, v19;
	v24 =	vld [tilespmem:s25+$0x20]  }
0x639: {  	v30 =	vadd.f32 v32, v63;
	v63 =	vunpack.i.l.bf16.f32 v28;
	v22 =	vmul.f32 v26, v22;
	v26 =	vld [tilespmem:s25+$0x30]  }
0x63a: {  	v27 =	vunpack.i.u.bf16.f32 v28;
	v21 =	vmul.f32 v29, v21;
	v28 =	vld [tilespmem:s25+$0x40];
	v63 =	vadd.f32 v31, v63  }
0x63b: {  	v29 =	vld [tilespmem:s25+$0x70];
	v18 =	vadd.f32 v20, v18;
	v6 =	vadd.f32 v6, v27;
	v23 =	vmul.f32 v30, v23  }
0x63c: {  	v31 =	vld [tilespmem:s25+$0x10];
	v19 =	vadd.f32 v22, v19;
	v27 =	vunpack.i.l.bf16.f32 v38;
	v30 =	vunpack.i.u.bf16.f32 v39  }
0x63d: {  	v20 =	vld [tilespmem:s25+$0x50];
	v32 =	vunpack.i.u.bf16.f32 v40;
	v36 =	vmul.f32 v63, v36;
	v63 =	vunpack.i.u.bf16.f32 v49  }
0x63e: {  	v22 =	vld [tilespmem:s25+$0x60];
	v49 =	vunpack.i.l.bf16.f32 v49;
	v27 =	vadd.f32 v52, v27;
	v30 =	vadd.f32 v55, v30  }
0x63f: {  	v52 =	vld [tilespmem:s14+$0xFFFFFF50];
	v32 =	vadd.f32 v57, v32;
	v6 =	vmul.f32 v6, v37;
	v21 =	vadd.f32 v23, v21  }
0x640: {  	v55 =	vld [tilespmem:s14+$0xFFFFFF70];
	v23 =	vunpack.i.u.bf16.f32 v38;
	v18 =	vadd.f32 v19, v18;
	v38 =	vadd.f32 v50, v49  }
0x641: {  	v57 =	vld [tilespmem:s14+$0xFFFFFF80];
	v23 =	vadd.f32 v53, v23;
	v6 =	vadd.f32 v6, v36  }
0x642: {  	v19 =	vld [tilespmem:s14+$0xFFFFFF00];
	v36 =	vunpack.i.l.bf16.f32 v40;
	v40 =	vunpack.i.u.bf16.f32 v41;
	v41 =	vunpack.i.l.bf16.f32 v41  }
0x643: {  	v37 =	vld [tilespmem:s14+$0xFFFFFF10];
	v36 =	vadd.f32 v56, v36;
	v41 =	vadd.f32 v58, v41;
	v56 =	vunpack.i.u.bf16.f32 v44  }
0x644: {  	v49 =	vld [tilespmem:s14+$0xFFFFFF30];
	v44 =	vunpack.i.l.bf16.f32 v44;
	v40 =	vadd.f32 v59, v40;
	v58 =	vunpack.i.u.bf16.f32 v45  }
0x645: {  	v50 =	vld [tilespmem:s14+$0xFFFFFF40];
	v45 =	vunpack.i.l.bf16.f32 v45;
	v6 =	vadd.f32 v6, v21;
	v21 =	vunpack.i.l.bf16.f32 v39  }
0x646: {  	v53 =	vld [tilespmem:s14+$0xFFFFFFA0];
	v33 =	vadd.f32 v33, v44;
	v34 =	vadd.f32 v34, v56;
	v56 =	vunpack.i.u.bf16.f32 v47  }
0x647: {  	v59 =	vld [tilespmem:s14+$0xFFFFFF90];
	v25 =	vadd.f32 v25, v45;
	v47 =	vunpack.i.l.bf16.f32 v47;
	v31 =	vadd.f32 v31, v58  }
0x648: {  	v39 =	vld [tilespmem:s14+$0xFFFFFF20];
	v58 =	vunpack.i.u.bf16.f32 v48;
	v48 =	vunpack.i.l.bf16.f32 v48;
	v21 =	vadd.f32 v54, v21  }
0x649: {  	v44 =	vld [tilespmem:s14+$0xFFFFFFB0];
	v30 =	vmul.f32 v30, v52;
	v28 =	vadd.f32 v28, v47;
	v20 =	vadd.f32 v20, v56  }
0x64a: {  	v45 =	vld [tilespmem:s14+$0xFFFFFFC0];
	v32 =	vmul.f32 v32, v55;
	v22 =	vadd.f32 v22, v48;
	v29 =	vadd.f32 v29, v58  }
0x64b: {  	v55 =	vld [tilespmem:s14+$0x20];
	v19 =	vmul.f32 v38, v19;
	v6 =	vadd.f32 v6, v18;
	v18 =	vadd.f32 v51, v63  }
0x64c: {  	v52 =	vld [tilespmem:s14+$0x60];
	v51 =	vunpack.i.u.bf16.f32 v42;
	v42 =	vunpack.i.l.bf16.f32 v42;
	v63 =	vunpack.i.u.bf16.f32 v43  }
0x64d: {  	v54 =	vld [tilespmem:s14+$0xFFFFFF60];
	v43 =	vunpack.i.l.bf16.f32 v43;
	v42 =	vadd.f32 v60, v42;
	v51 =	vadd.f32 v61, v51  }
0x64e: {  	v23 =	vmul.f32 v23, v49;
	v38 =	vld [tilespmem:s14+$0x0];
	v43 =	vadd.f32 v62, v43;
	v35 =	vadd.f32 v35, v63  }
0x64f: {  	s21 =	sshll.u32 s21, $0x4;
	v58 =	vld [tilespmem:s14+$0x30];
	v60 =	vunpack.i.u.bf16.f32 v46;
	v46 =	vunpack.i.l.bf16.f32 v46;
	v21 =	vmul.f32 v21, v50  }
0x650: {  	v49 =	vld [tilespmem:s14+$0x50];
	v63 =	vmul.f32 v41, v57;
	v57 =	vor.u32 s21, v1;
	v18 =	vmul.f32 v18, v37  }
0x651: {  	v62 =	vld [tilespmem:s14+$0x40];
	v24 =	vadd.f32 v24, v46;
	v48 =	vmul.f32 v40, v59;
	v27 =	vmul.f32 v27, v39  }
0x652: {  	v46 =	vld [tilespmem:s14+$0xFFFFFFD0];
	v26 =	vadd.f32 v26, v60;
	v50 =	vmul.f32 v42, v53;
	v51 =	vmul.f32 v51, v44  }
0x653: {  	v60 =	vld [tilespmem:s14+$0xFFFFFFE0];
	v21 =	vadd.f32 v30, v21;
	v53 =	vmul.f32 v43, v45;
	v22 =	vmul.f32 v22, v52  }
0x654: {  	v37 =	vld [tilespmem:s14+$0xFFFFFFF0];
	v36 =	vmul.f32 v36, v54;
	v18 =	vadd.f32 v18, v19;
	v25 =	vmul.f32 v25, v38  }
0x655: {  	s22 =	sadd.s32 $0x30, s21;
	v39 =	vld [tilespmem:s14+$0x10];
	v19 =	vadd.f32 v48, v63;
	v24 =	vmul.f32 v24, v55;
	v20 =	vmul.f32 v20, v49  }
0x656: {  	v54 =	vld [tilespmem:s14+$0x70];
	v56 =	vadd.f32 v23, v27;
	v27 =	vor.u32 s22, v1;
	v30 =	vadd.f32 v51, v50  }
0x657: {  	v23 =	vmul.f32 v26, v58;
	v61 =	vadd.f32 v32, v36;
	v55 =	vmul.f32 v28, v62  }
0x658: {  	v18 =	vadd.f32 v56, v18;
	v35 =	vmul.f32 v35, v46;
	v33 =	vmul.f32 v33, v60  }
0x659: {  	v34 =	vmul.f32 v34, v37;
	v19 =	vadd.f32 v30, v19;
	v23 =	vadd.f32 v23, v24  }
0x65a: {  	v21 =	vadd.f32 v61, v21;
	v31 =	vmul.f32 v31, v39;
	v20 =	vadd.f32 v20, v55  }
0x65b: {  	s1 =	sadd.s32 $0x40, s28;
	v35 =	vadd.f32 v35, v53;
	v33 =	vadd.f32 v34, v33;
	v29 =	vmul.f32 v29, v54  }
0x65c: {  	s2 =	sadd.s32 $0x10, s21;
	[tilespmem:s1+$0x10] =	vst v6;
	v25 =	vadd.f32 v31, v25;
	v18 =	vadd.f32 v21, v18  }
0x65d: {  	v58 =	vor.u32 s2, v1;
	v59 =	vld.idx.msk [tilespmem:v27+s0+$0x0], $0xffff;
	v56 =	vadd.f32 v33, v35;
	v22 =	vadd.f32 v29, v22  }
0x65e: {  	s4 =	sadd.s32 $0x20, s21;
	v23 =	vadd.f32 v23, v25;
	[tilespmem:s1+$0xFFFFFFE0] =	vst v18  }
0x65f: {  	v60 =	vor.u32 s4, v1;
	v19 =	vadd.f32 v56, v19;
	v20 =	vadd.f32 v22, v20;
	v62 =	vld.idx.msk [tilespmem:v57+s0+$0x0], $0xffff  }
0x660: {  	v61 =	vor.u32 s22, v3  }
0x661: {  	[tilespmem:s1+$0xFFFFFFF0] =	vst v19;
	v20 =	vadd.f32 v20, v23  }
0x662: {  	v28 =	vor.u32 s21, v3;
	v6 =	vadd.f32 v6, v59;
	v63 =	vld.idx.msk [tilespmem:v58+s0+$0x0], $0xffff  }
0x663: {  	[tilespmem:s1+$0x0] =	vst v20  }
0x664: {  	[tilespmem:s1+$0x10] =	vst v6;
	v21 =	vld.idx.msk [tilespmem:v60+s0+$0x0], $0xffff;
	v18 =	vadd.f32 v18, v62  }
0x665: {  	v29 =	vor.u32 s2, v3;
	v22 =	vld.idx.msk [tilespmem:v61+s0+$0x0], $0xffff  }
0x666: {  	[tilespmem:s1+$0xFFFFFFE0] =	vst v18  }
0x667: {  	v30 =	vor.u32 s4, v3;
	v19 =	vadd.f32 v19, v63;
	v24 =	vld.idx.msk [tilespmem:v28+s0+$0x0], $0xffff  }
0x668: {  	v31 =	vor.u32 s22, v4  }
0x669: {  	[tilespmem:s1+$0xFFFFFFF0] =	vst v19;
	v20 =	vadd.f32 v20, v21  }
0x66a: {  	v33 =	vor.u32 s21, v4;
	v6 =	vadd.f32 v6, v22;
	v32 =	vld.idx.msk [tilespmem:v29+s0+$0x0], $0xffff  }
0x66b: {  	[tilespmem:s1+$0x0] =	vst v20  }
0x66c: {  	[tilespmem:s1+$0x10] =	vst v6;
	v25 =	vld.idx.msk [tilespmem:v30+s0+$0x0], $0xffff;
	v18 =	vadd.f32 v18, v24  }
0x66d: {  	v34 =	vor.u32 s2, v4;
	v23 =	vld.idx.msk [tilespmem:v31+s0+$0x0], $0xffff  }
0x66e: {  	[tilespmem:s1+$0xFFFFFFE0] =	vst v18  }
0x66f: {  	v35 =	vor.u32 s4, v4;
	v19 =	vadd.f32 v19, v32;
	v22 =	vld.idx.msk [tilespmem:v33+s0+$0x0], $0xffff  }
0x670: {  	v36 =	vor.u32 s22, v2  }
0x671: {  	[tilespmem:s1+$0xFFFFFFF0] =	vst v19;
	v20 =	vadd.f32 v20, v25  }
0x672: {  	v38 =	vor.u32 s21, v2;
	v6 =	vadd.f32 v6, v23;
	v37 =	vld.idx.msk [tilespmem:v34+s0+$0x0], $0xffff  }
0x673: {  	[tilespmem:s1+$0x0] =	vst v20  }
0x674: {  	[tilespmem:s1+$0x10] =	vst v6;
	v24 =	vld.idx.msk [tilespmem:v35+s0+$0x0], $0xffff;
	v18 =	vadd.f32 v18, v22  }
0x675: {  	v39 =	vor.u32 s2, v2;
	v21 =	vld.idx.msk [tilespmem:v36+s0+$0x0], $0xffff  }
0x676: {  	[tilespmem:s1+$0xFFFFFFE0] =	vst v18  }
0x677: {  	v40 =	vor.u32 s4, v2;
	v19 =	vadd.f32 v19, v37;
	v23 =	vld.idx.msk [tilespmem:v38+s0+$0x0], $0xffff;
	_ =	sdelay $0x1  }
0x678: {  	[tilespmem:s1+$0xFFFFFFF0] =	vst v19;
	v20 =	vadd.f32 v20, v24  }
0x679: {  	v6 =	vadd.f32 v21, v6;
	v41 =	vld.idx.msk [tilespmem:v39+s0+$0x0], $0xffff  }
0x67a: {  	[tilespmem:s1+$0x0] =	vst v20  }
0x67b: {  	v6 =	vmul.f32 $8.838834610e-02, v6;
	v42 =	vld.idx.msk [tilespmem:v40+s0+$0x0], $0xffff;
	v18 =	vadd.f32 v23, v18;
	_ =	sdelay $0x1  }
0x67c: {  	v6 =	vmul.f32 $1.442695020e+00, v6;
	v18 =	vmul.f32 $8.838834610e-02, v18  }
0x67d: {  	v19 =	vadd.f32 v41, v19  }
0x67e: {  	(erf) = vpow2.f32 v6;
	v18 =	vmul.f32 $1.442695020e+00, v18  }
0x67f: {  	v6 =	vmul.f32 $8.838834610e-02, v19;
	v43 =	vadd.f32 v42, v20  }
0x680: {  	v44 =	vld [tilespmem:s29+$0x40];
	(erf) = vpow2.f32 v18  }
0x681: {  	v45 =	vld [tilespmem:s25+$0x180];
	v6 =	vmul.f32 $1.442695020e+00, v6;
	v19 =	vmul.f32 $8.838834610e-02, v43;
	_ =	sdelay $0x1  }
0x682: {  	v46 =	vld [tilespmem:s29+$0xFFFFFF80];
	(erf) = vpow2.f32 v6;
	v6 =	vmul.f32 $1.442695020e+00, v19  }
0x683: {  	v48 =	vld [tilespmem:s25+$0xFFFFFE80]  }
0x684: {  	v47 =	vld [tilespmem:s29+$0xFFFFFFC0];
	(erf) = vpow2.f32 v6;
	v6 =	vunpack.i.l.bf16.f32 v44  }
0x685: {  	v49 =	vld [tilespmem:s25+$0xFFFFFF80];
	v6 =	vadd.f32 v45, v6  }
0x686: {  	v50 =	vld [tilespmem:s29+$0x0];
	v21 =	vpop (erf)  }
0x687: {  	v51 =	vld [tilespmem:s25+$0x80];
	v52 =	vunpack.i.l.bf16.f32 v46;
	v6 =	vmul.f32 v6, v21  }
0x688: {  	s12 =	sadd.s32 $0x240, s12;
	v26 =	vadd.f32 v48, v52  }
0x689: {  	v53 =	vunpack.i.l.bf16.f32 v47;
	v18 =	vpop (erf);
	[tilespmem:s12+$0x90] =	vst v6  }
0x68a: {  	v6 =	vadd.f32 v49, v53;
	v26 =	vmul.f32 v26, v18;
	v54 =	vld [tilespmem:s25+$0x190]  }
0x68b: {  	v55 =	vunpack.i.l.bf16.f32 v50;
	v19 =	vpop (erf)  }
0x68c: {  	v56 =	vld [tilespmem:s20+$0xFFFFFFA0];
	v28 =	vadd.f32 v51, v55;
	[tilespmem:s12+$0xFFFFFEE0] =	vst v26;
	v6 =	vmul.f32 v6, v19  }
0x68d: {  	v26 =	vld [tilespmem:s25+$0xFFFFFE90];
	v20 =	vpop (erf)  }
0x68e: {  	v22 =	vunpack.i.u.bf16.f32 v44;
	[tilespmem:s12+$0xFFFFFF70] =	vst v6;
	v6 =	vmul.f32 v28, v20  }
0x68f: {  	v57 =	vld [tilespmem:s25+$0xFFFFFF90];
	v22 =	vadd.f32 v54, v22  }
0x690: {  	v59 =	vld [tilespmem:s20+$0xA0];
	[tilespmem:s12+$0x0] =	vst v6  }
0x691: {  	v17 =	vadd.f32 v56, v17;
	v23 =	vunpack.i.u.bf16.f32 v46;
	v6 =	vld [tilespmem:s25+$0x90];
	v22 =	vmul.f32 v22, v21  }
0x692: {  	v58 =	vld [tilespmem:s24+$0x10];
	v23 =	vadd.f32 v26, v23  }
0x693: {  	v60 =	vld [tilespmem:s20+$0xFFFFFEB0];
	v17 =	vmul.f32 v17, v9;
	v24 =	vunpack.i.u.bf16.f32 v47;
	[tilespmem:s12+$0xA0] =	vst v22  }
0x694: {  	v23 =	vmul.f32 v23, v18;
	v61 =	vadd.f32 v57, v24;
	v62 =	vld [tilespmem:s29+$0x50]  }
0x695: {  	[tilespmem:s26+$0xFFFFFF90] =	vst v17;
	v25 =	vunpack.i.u.bf16.f32 v50;
	v63 =	vld [tilespmem:s25+$0x1A0]  }
0x696: {  	v33 =	vld [tilespmem:s20+$0xFFFFFFB0];
	[tilespmem:s12+$0xFFFFFEF0] =	vst v23;
	v32 =	vmul.f32 v61, v19;
	v6 =	vadd.f32 v6, v25  }
0x697: {  	v34 =	vunpack.i.l.bf16.f32 v58;
	v35 =	vld [tilespmem:s29+$0xFFFFFF90]  }
0x698: {  	v36 =	vadd.f32 v59, v34;
	v39 =	vld [tilespmem:s25+$0xFFFFFEA0];
	[tilespmem:s12+$0xFFFFFF80] =	vst v32;
	v6 =	vmul.f32 v6, v20  }
0x699: {  	v16 =	vadd.f32 v60, v16;
	v37 =	vld [tilespmem:s29+$0xFFFFFFD0];
	v38 =	vunpack.i.l.bf16.f32 v62  }
0x69a: {  	v42 =	vld [tilespmem:s25+$0xFFFFFFA0];
	[tilespmem:s12+$0x10] =	vst v6;
	v6 =	vmul.f32 v36, v10;
	v40 =	vadd.f32 v63, v38  }
0x69b: {  	v16 =	vmul.f32 v16, v11;
	v41 =	vld [tilespmem:s29+$0x10]  }
0x69c: {  	v15 =	vadd.f32 v33, v15;
	v43 =	vld [tilespmem:s25+$0xA0];
	[tilespmem:s26+$0x20] =	vst v6;
	v6 =	vmul.f32 v40, v21  }
0x69d: {  	[tilespmem:s26+$0xFFFFFF10] =	vst v16;
	v45 =	vunpack.i.l.bf16.f32 v35;
	v44 =	vld [tilespmem:s20+$0xB0]  }
0x69e: {  	v46 =	vld [tilespmem:s24+$0xFFFFFFA0];
	v47 =	vadd.f32 v39, v45;
	[tilespmem:s12+$0xB0] =	vst v6;
	v6 =	vmul.f32 v15, v9  }
0x69f: {  	v49 =	vunpack.i.l.bf16.f32 v37;
	v48 =	vld [tilespmem:s25+$0x1B0]  }
0x6a0: {  	v50 =	vld [tilespmem:s20+$0xFFFFFEC0];
	v28 =	vadd.f32 v42, v49;
	[tilespmem:s26+$0xFFFFFFA0] =	vst v6;
	v6 =	vmul.f32 v47, v18;
	v51 =	vunpack.i.l.bf16.f32 v41  }
0x6a1: {  	v27 =	vunpack.i.u.bf16.f32 v58;
	v52 =	vld [tilespmem:s24+$0xFFFFFFE0];
	v15 =	vadd.f32 v43, v51  }
0x6a2: {  	v53 =	vld [tilespmem:s20+$0xFFFFFFC0];
	v16 =	vadd.f32 v44, v27;
	[tilespmem:s12+$0xFFFFFF00] =	vst v6;
	v6 =	vmul.f32 v28, v19  }
0x6a3: {  	v24 =	vunpack.i.u.bf16.f32 v62;
	v54 =	vld [tilespmem:s25+$0xFFFFFEB0];
	v15 =	vmul.f32 v15, v20  }
0x6a4: {  	v16 =	vmul.f32 v16, v10;
	v22 =	vadd.f32 v48, v24;
	[tilespmem:s12+$0xFFFFFF90] =	vst v6  }
0x6a5: {  	v6 =	vunpack.i.l.bf16.f32 v46;
	v55 =	vld [tilespmem:s25+$0xFFFFFFB0];
	[tilespmem:s12+$0x20] =	vst v15  }
0x6a6: {  	v6 =	vadd.f32 v50, v6;
	[tilespmem:s26+$0x30] =	vst v16;
	v56 =	vmul.f32 v22, v21;
	v57 =	vunpack.i.l.bf16.f32 v52;
	v58 =	vld [tilespmem:s25+$0xB0]  }
0x6a7: {  	v60 =	vunpack.i.u.bf16.f32 v35;
	v59 =	vld [tilespmem:s24+$0x20];
	v16 =	vadd.f32 v53, v57  }
0x6a8: {  	v6 =	vmul.f32 v6, v11;
	v61 =	vld [tilespmem:s20+$0xC0];
	[tilespmem:s12+$0xC0] =	vst v56;
	v62 =	vadd.f32 v54, v60  }
0x6a9: {  	v23 =	vunpack.i.u.bf16.f32 v37;
	v63 =	vld [tilespmem:s29+$0x60];
	v16 =	vmul.f32 v16, v9  }
0x6aa: {  	[tilespmem:s26+$0xFFFFFF20] =	vst v6;
	v6 =	vld [tilespmem:s25+$0x1C0];
	v15 =	vmul.f32 v62, v18;
	v23 =	vadd.f32 v55, v23  }
0x6ab: {  	v26 =	vunpack.i.u.bf16.f32 v41;
	v33 =	vld [tilespmem:s20+$0xFFFFFED0];
	[tilespmem:s26+$0xFFFFFFB0] =	vst v16  }
0x6ac: {  	v34 =	vadd.f32 v58, v26;
	v35 =	vld [tilespmem:s20+$0xFFFFFFD0];
	[tilespmem:s12+$0xFFFFFF10] =	vst v15;
	v36 =	vmul.f32 v23, v19  }
0x6ad: {  	v37 =	vunpack.i.l.bf16.f32 v59;
	v38 =	vld [tilespmem:s29+$0xFFFFFFA0]  }
0x6ae: {  	v16 =	vmul.f32 v34, v20;
	v23 =	vadd.f32 v61, v37;
	v40 =	vld [tilespmem:s25+$0xFFFFFEC0];
	v39 =	vunpack.i.l.bf16.f32 v63;
	[tilespmem:s12+$0xFFFFFFA0] =	vst v36  }
0x6af: {  	v6 =	vadd.f32 v6, v39;
	v15 =	vld [tilespmem:s29+$0xFFFFFFE0]  }
0x6b0: {  	[tilespmem:s12+$0x30] =	vst v16;
	v41 =	vmul.f32 v23, v10;
	v44 =	vld [tilespmem:s25+$0xFFFFFFC0]  }
0x6b1: {  	v43 =	vunpack.i.u.bf16.f32 v46;
	v42 =	vld [tilespmem:s29+$0x20];
	v6 =	vmul.f32 v6, v21  }
0x6b2: {  	v24 =	vadd.f32 v33, v43;
	v45 =	vld [tilespmem:s25+$0xC0];
	[tilespmem:s26+$0x40] =	vst v41  }
0x6b3: {  	v46 =	vunpack.i.l.bf16.f32 v38;
	[tilespmem:s12+$0xD0] =	vst v6;
	v6 =	vld [tilespmem:s20+$0xD0]  }
0x6b4: {  	v29 =	vunpack.i.u.bf16.f32 v52;
	v24 =	vmul.f32 v24, v11;
	v25 =	vadd.f32 v40, v46  }
0x6b5: {  	v22 =	vadd.f32 v35, v29;
	v47 =	vld [tilespmem:s25+$0x1D0];
	v48 =	vunpack.i.l.bf16.f32 v15  }
0x6b6: {  	[tilespmem:s26+$0xFFFFFF30] =	vst v24;
	v49 =	vmul.f32 v25, v18;
	v50 =	vunpack.i.l.bf16.f32 v42;
	v27 =	vadd.f32 v44, v48  }
0x6b7: {  	v28 =	vunpack.i.u.bf16.f32 v59;
	v22 =	vmul.f32 v22, v9;
	v51 =	vld [tilespmem:s24+$0xFFFFFFB0];
	v16 =	vadd.f32 v45, v50  }
0x6b8: {  	v52 =	vld [tilespmem:s20+$0xFFFFFEE0];
	[tilespmem:s12+$0xFFFFFF20] =	vst v49;
	v53 =	vmul.f32 v27, v19;
	v6 =	vadd.f32 v6, v28  }
0x6b9: {  	v17 =	vunpack.i.u.bf16.f32 v63;
	[tilespmem:s26+$0xFFFFFFC0] =	vst v22;
	v54 =	vld [tilespmem:s25+$0xFFFFFED0];
	v16 =	vmul.f32 v16, v20  }
0x6ba: {  	v55 =	vld [tilespmem:s24+$0xFFFFFFF0];
	v17 =	vadd.f32 v47, v17;
	[tilespmem:s12+$0xFFFFFFB0] =	vst v53;
	v6 =	vmul.f32 v6, v10  }
0x6bb: {  	[tilespmem:s12+$0x40] =	vst v16;
	v56 =	vld [tilespmem:s25+$0xFFFFFFD0]  }
0x6bc: {  	v62 =	vld [tilespmem:s20+$0xFFFFFFE0];
	v17 =	vmul.f32 v17, v21;
	[tilespmem:s26+$0x50] =	vst v6;
	v6 =	vunpack.i.l.bf16.f32 v51  }
0x6bd: {  	v59 =	vunpack.i.u.bf16.f32 v38;
	v57 =	vld [tilespmem:s25+$0xD0];
	v6 =	vadd.f32 v52, v6  }
0x6be: {  	[tilespmem:s12+$0xE0] =	vst v17;
	v58 =	vld [tilespmem:s24+$0x30];
	v22 =	vadd.f32 v54, v59  }
0x6bf: {  	v15 =	vunpack.i.u.bf16.f32 v15;
	v60 =	vld [tilespmem:s29+$0x70];
	v6 =	vmul.f32 v6, v11  }
0x6c0: {  	v61 =	vld [tilespmem:s25+$0x1E0];
	v22 =	vmul.f32 v22, v18;
	v15 =	vadd.f32 v56, v15  }
0x6c1: {  	v23 =	vunpack.i.u.bf16.f32 v42;
	v63 =	vld [tilespmem:s20+$0xE0];
	[tilespmem:s26+$0xFFFFFF40] =	vst v6  }
0x6c2: {  	v6 =	vadd.f32 v57, v23;
	[tilespmem:s12+$0xFFFFFF30] =	vst v22;
	v15 =	vmul.f32 v15, v19;
	v33 =	vld [tilespmem:s20+$0xFFFFFEF0]  }
0x6c3: {  	v22 =	vld [tilespmem:s29+$0xFFFFFFB0]  }
0x6c4: {  	v35 =	vld [tilespmem:s25+$0xFFFFFEE0];
	v6 =	vmul.f32 v6, v20;
	v34 =	vunpack.i.l.bf16.f32 v60;
	[tilespmem:s12+$0xFFFFFFC0] =	vst v15  }
0x6c5: {  	v36 =	vunpack.i.l.bf16.f32 v55;
	v24 =	vadd.f32 v61, v34;
	v37 =	vld [tilespmem:s29+$0xFFFFFFF0]  }
0x6c6: {  	v15 =	vadd.f32 v62, v36;
	v39 =	vld [tilespmem:s25+$0xFFFFFFE0];
	[tilespmem:s12+$0x50] =	vst v6;
	v6 =	vunpack.i.l.bf16.f32 v58  }
0x6c7: {  	v38 =	vld [tilespmem:s29+$0x30];
	v24 =	vmul.f32 v24, v21;
	v6 =	vadd.f32 v63, v6  }
0x6c8: {  	[tilespmem:s26+$0xFFFFFF60] =	vst v14;
	v40 =	vmul.f32 v15, v9;
	v41 =	vld [tilespmem:s25+$0xE0]  }
0x6c9: {  	v29 =	vunpack.i.u.bf16.f32 v51;
	[tilespmem:s12+$0xF0] =	vst v24;
	v6 =	vmul.f32 v6, v10  }
0x6ca: {  	v23 =	vadd.f32 v33, v29;
	v42 =	vunpack.i.l.bf16.f32 v22;
	[tilespmem:s26+$0xFFFFFFD0] =	vst v40;
	v43 =	vld [tilespmem:s25+$0x1F0]  }
0x6cb: {  	v53 =	vmul.f32 v5, v21;
	v44 =	vadd.f32 v35, v42;
	v46 =	vld [tilespmem:s20+$0xFFFFFFF0];
	[tilespmem:s26+$0x60] =	vst v6;
	v6 =	vunpack.i.l.bf16.f32 v37  }
0x6cc: {  	[tilespmem:s26+$0xFFFFFFF0] =	vst v13;
	v45 =	vmul.f32 v23, v11;
	v47 =	vld [tilespmem:s20+$0xF0];
	v48 =	vunpack.i.l.bf16.f32 v38;
	v6 =	vadd.f32 v39, v6  }
0x6cd: {  	[tilespmem:s12+$0x110] =	vst v53;
	v14 =	vmul.f32 v44, v18;
	v49 =	vadd.f32 v41, v48  }
0x6ce: {  	v50 =	vunpack.i.u.bf16.f32 v60;
	[tilespmem:s26+$0xFFFFFF50] =	vst v45;
	v6 =	vmul.f32 v6, v19  }
0x6cf: {  	[tilespmem:s12+$0xFFFFFF40] =	vst v14;
	v15 =	vadd.f32 v43, v50;
	v11 =	vmul.f32 v49, v20  }
0x6d0: {  	v17 =	vunpack.i.u.bf16.f32 v58;
	v52 =	vld [tilespmem:s25+$0xFFFFFEF0];
	[tilespmem:s12+$0xFFFFFFD0] =	vst v6  }
0x6d1: {  	v6 =	vmul.f32 v15, v21;
	v13 =	vadd.f32 v47, v17;
	v54 =	vld [tilespmem:s25+$0xFFFFFFF0];
	[tilespmem:s12+$0x60] =	vst v11  }
0x6d2: {  	v51 =	vunpack.i.u.bf16.f32 v55;
	v57 =	vmul.f32 v5, v18;
	[tilespmem:s26+$0x80] =	vst v12;
	v11 =	vld [tilespmem:s25+$0xF0]  }
0x6d3: {  	v14 =	vadd.f32 v46, v51;
	[tilespmem:s12+$0x100] =	vst v6;
	v6 =	vmul.f32 v13, v10  }
0x6d4: {  	v59 =	vmul.f32 v5, v19;
	v56 =	vunpack.i.u.bf16.f32 v22;
	[tilespmem:s12+$0xFFFFFF60] =	vst v57  }
0x6d5: {  	v55 =	vmul.f32 v14, v9;
	v58 =	vadd.f32 v52, v56;
	[tilespmem:s26+$0x70] =	vst v6;
	v6 =	vunpack.i.u.bf16.f32 v37  }
0x6d6: {  	s15 =	sadd.s32 $0x1, s15;
	v61 =	vmul.f32 v5, v20;
	v60 =	vunpack.i.u.bf16.f32 v38;
	[tilespmem:s12+$0xFFFFFFF0] =	vst v59;
	v6 =	vadd.f32 v54, v6  }
0x6d7: {  	p0 =	sne.s32 s15, $0xD0;
	[tilespmem:s26+$0xFFFFFFE0] =	vst v55;
	v9 =	vmul.f32 v58, v18;
	v62 =	vadd.f32 v11, v60  }
.Ltmp6:
0x6d8: {  	[tilespmem:s12+$0x80] =	vst v61;
	v6 =	vmul.f32 v6, v19;
	(pc) =	sbr.rel @p0 .LBB2_6-.Ltmp6, $4  }
.Ltmp7:
0x6d9: {  	[tilespmem:s12+$0xFFFFFF50] =	vst v9;
	v63 =	vmul.f32 v62, v20;
	(pc) =	sbr.rel @!p0 .LBB2_17-.Ltmp7, $4  }
0x6da: {  	[tilespmem:s12+$0xFFFFFFE0] =	vst v6  }
0x6db: {  	s30 =	simm.s32 $0x75A0;
	s29 =	rddreg [dreg:$0x2];
	[tilespmem:s12+$0x70] =	vst v63  }
0x6dc: {  	[spmem:s29] =	stream.indirect_vreg.scatter.add.f32 [tilespmem:s30], [sflag:$0x6], $0x90, v8, vm0, $0xb8;
	[tilespmem:$0x1EC20] =	vst v63  }
0x6dd: {  	_ = 	snop  }
.LBB2_12:
.Ltmp8:
0x6de: {  	(pc) =	sbr.rel @p1 .LBB2_14-.Ltmp8, $4  }
.Ltmp9:
0x6df: {  	(pc) =	sbr.rel @!p1 .LBB2_13-.Ltmp9, $4  }
0x6e0: {  	_ = 	snop  }
0x6e1: {  	s2 =	sshll.u32 s4, $0x4  }
0x6e2: {  	v7 =	vld [tilespmem:s2+$0x7D0]  }
0x6e3: {  	_ = 	snop  }
.LBB2_17:
0x6e4: {  	_ =	swait.ge [sflag:s31], $0x400  }
0x6e5: {  	[sflag:s31] =	ssyncset.done $0x0  }
0x6e6: {  	[sflag:s31] =	ssyncadd.s32 $0xFFFFFC00  }
0x6e7: {  	_ =	swait.ge [sflag:s31], $0x1000  }
0x6e8: {  	[sflag:s31] =	ssyncset.done $0x0  }
0x6e9: {  	[sflag:s31] =	ssyncadd.s32 $0xFFFFF000  }
0x6ea: {  	_ =	swait.ge [sflag:s31], $0x800  }
0x6eb: {  	[sflag:s31] =	ssyncset.done $0x0  }
0x6ec: {  	s29 =	simm.s32 $0x4;
	[sflag:s31] =	ssyncadd.s32 $0xFFFFF800  }
0x6ed: {  	_ =	swait.ge [sflag:s29], $0x900  }
0x6ee: {  	[sflag:s29] =	ssyncset.done $0x0  }
0x6ef: {  	s14 =	simm.s32 $0x10A0;
	[sflag:s29] =	ssyncadd.s32 $0xFFFFF700  }
0x6f0: {  	v6 =	vld [tilespmem:s14+$0x80]  }
0x6f1: {  	v7 =	vld [tilespmem:s14+$0x90]  }
0x6f2: {  	v8 =	vld [tilespmem:s14+$0xA0]  }
0x6f3: {  	v9 =	vld [tilespmem:s14+$0xB0]  }
0x6f4: {  	v10 =	vld [tilespmem:s14+$0xC0]  }
0x6f5: {  	s15 =	simm.s32 $0x19A0;
	v11 =	vld [tilespmem:s14+$0xD0]  }
0x6f6: {  	v12 =	vld [tilespmem:s15+$0x100]  }
0x6f7: {  	v13 =	vld [tilespmem:s15+$0x110]  }
0x6f8: {  	v14 =	vld [tilespmem:s15+$0x120]  }
0x6f9: {  	s20 =	simm.s32 $0x2820;
	v15 =	vld [tilespmem:s15+$0x130]  }
0x6fa: {  	v16 =	vld [tilespmem:s20+$0x40]  }
0x6fb: {  	v17 =	vld [tilespmem:s20+$0x50]  }
0x6fc: {  	v18 =	vld [tilespmem:s20+$0x60]  }
0x6fd: {  	v19 =	vld [tilespmem:s15+$0x140]  }
0x6fe: {  	v20 =	vld [tilespmem:s20+$0x70]  }
0x6ff: {  	v21 =	vld [tilespmem:s15+$0x150]  }
0x700: {  	v23 =	vld [tilespmem:s15+$0x160]  }
0x701: {  	v26 =	vld [tilespmem:s15+$0x170]  }
0x702: {  	v27 =	vld [tilespmem:s15+$0xFFFFFE60];
	v22 =	vunpack.i.u.bf16.f32 v16;
	v16 =	vunpack.i.l.bf16.f32 v16  }
0x703: {  	v28 =	vld [tilespmem:s15+$0xFFFFFF00];
	v24 =	vunpack.i.u.bf16.f32 v17;
	v17 =	vunpack.i.l.bf16.f32 v17;
	v25 =	vunpack.i.u.bf16.f32 v18  }
0x704: {  	v12 =	vadd.f32 v12, v16;
	v13 =	vadd.f32 v13, v22;
	v16 =	vunpack.i.l.bf16.f32 v18;
	v18 =	vld [tilespmem:s14+$0xE0]  }
0x705: {  	v14 =	vadd.f32 v14, v17;
	v15 =	vadd.f32 v15, v24;
	v17 =	vunpack.i.u.bf16.f32 v20;
	v22 =	vld [tilespmem:s14+$0xF0]  }
0x706: {  	v29 =	vld [tilespmem:s15+$0xFFFFFF10];
	v20 =	vunpack.i.l.bf16.f32 v20;
	v16 =	vadd.f32 v19, v16;
	v19 =	vadd.f32 v21, v25  }
0x707: {  	v30 =	vld [tilespmem:s15+$0xFFFFFF20];
	v6 =	vmul.f32 v12, v6;
	v7 =	vmul.f32 v13, v7;
	v12 =	vadd.f32 v23, v20  }
0x708: {  	v31 =	vld [tilespmem:s15+$0xFFFFFF30];
	v8 =	vmul.f32 v14, v8;
	v9 =	vmul.f32 v15, v9;
	v14 =	vadd.f32 v26, v17  }
0x709: {  	v32 =	vld [tilespmem:s15+$0xFFFFFF40];
	v10 =	vmul.f32 v16, v10;
	v11 =	vmul.f32 v19, v11  }
0x70a: {  	v34 =	vld [tilespmem:s15+$0xFFFFFF50];
	v12 =	vmul.f32 v12, v18;
	v14 =	vmul.f32 v14, v22  }
0x70b: {  	v35 =	vld [tilespmem:s15+$0xFFFFFF60];
	v6 =	vadd.f32 v7, v6;
	v7 =	vadd.f32 v9, v8  }
0x70c: {  	v36 =	vld [tilespmem:s15+$0x0];
	v9 =	vadd.f32 v11, v10;
	v10 =	vadd.f32 v14, v12  }
0x70d: {  	s1 =	simm.s32 $0x30;
	v37 =	vld [tilespmem:s15+$0x10]  }
0x70e: {  	v38 =	vld [tilespmem:s15+$0x20];
	v6 =	vadd.f32 v7, v6;
	v7 =	vadd.f32 v10, v9;
	v9 =	vor.u32 s1, v1  }
0x70f: {  	v39 =	vld [tilespmem:s15+$0x30]  }
0x710: {  	v41 =	vld [tilespmem:s15+$0x40];
	v6 =	vadd.f32 v7, v6  }
0x711: {  	s26 =	simm.s32 $0x8340;
	v42 =	vld [tilespmem:s15+$0x50]  }
0x712: {  	v44 =	vld [tilespmem:s15+$0x70];
	[tilespmem:s26+$0x10] =	vst v6  }
0x713: {  	v9 =	vld.idx.msk [tilespmem:v9+s0+$0x0], $0xffff  }
0x714: {  	v49 =	vld [tilespmem:s14+$0xFFFFFF00]  }
0x715: {  	v61 =	vld [tilespmem:s14+$0xFFFFFF10]  }
0x716: {  	v63 =	vld [tilespmem:s14+$0xFFFFFF40];
	v25 =	vor.u32 s1, v3  }
0x717: {  	v51 =	vld [tilespmem:s14+$0xFFFFFF60]  }
0x718: {  	v52 =	vld [tilespmem:s14+$0xFFFFFF70];
	v6 =	vadd.f32 v6, v9  }
0x719: {  	v53 =	vld [tilespmem:s14+$0xFFFFFF90]  }
0x71a: {  	v54 =	vld [tilespmem:s14+$0xFFFFFFA0];
	[tilespmem:s26+$0x10] =	vst v6  }
0x71b: {  	v25 =	vld.idx.msk [tilespmem:v25+s0+$0x0], $0xffff  }
0x71c: {  	v55 =	vld [tilespmem:s14+$0xFFFFFFB0]  }
0x71d: {  	v60 =	vld [tilespmem:s14+$0xFFFFFFC0]  }
0x71e: {  	v33 =	vor.u32 s1, v4;
	v24 =	vld [tilespmem:s20+$0xFFFFFF90]  }
0x71f: {  	v21 =	vld [tilespmem:s20+$0xFFFFFFA0]  }
0x720: {  	v13 =	vld [tilespmem:s20+$0xFFFFFFB0];
	v6 =	vadd.f32 v6, v25  }
0x721: {  	v15 =	vld [tilespmem:s20+$0xFFFFFFC0]  }
0x722: {  	v17 =	vld [tilespmem:s20+$0xFFFFFFE0];
	[tilespmem:s26+$0x10] =	vst v6  }
0x723: {  	v33 =	vld.idx.msk [tilespmem:v33+s0+$0x0], $0xffff  }
0x724: {  	v20 =	vld [tilespmem:s15+$0xFFFFFE20]  }
0x725: {  	v23 =	vld [tilespmem:s15+$0xFFFFFE40]  }
0x726: {  	v40 =	vor.u32 s1, v2;
	v26 =	vld [tilespmem:s15+$0xFFFFFE50]  }
0x727: {  	v16 =	vld [tilespmem:s20+$0xFFFFFFD0]  }
0x728: {  	v19 =	vld [tilespmem:s15+$0xFFFFFE10];
	v6 =	vadd.f32 v6, v33  }
0x729: {  	v8 =	vld [tilespmem:s20+$0xFFFFFFF0]  }
0x72a: {  	v11 =	vld [tilespmem:s20+$0x0];
	v43 =	vunpack.i.u.bf16.f32 v24;
	[tilespmem:s26+$0x10] =	vst v6  }
0x72b: {  	v24 =	vunpack.i.l.bf16.f32 v24;
	v45 =	vunpack.i.u.bf16.f32 v21;
	v21 =	vunpack.i.l.bf16.f32 v21;
	v40 =	vld.idx.msk [tilespmem:v40+s0+$0x0], $0xffff  }
0x72c: {  	v18 =	vld [tilespmem:s15+$0xFFFFFE00];
	v46 =	vunpack.i.u.bf16.f32 v13;
	v13 =	vunpack.i.l.bf16.f32 v13;
	v47 =	vunpack.i.u.bf16.f32 v15  }
0x72d: {  	v22 =	vld [tilespmem:s15+$0xFFFFFE30];
	v15 =	vunpack.i.l.bf16.f32 v15;
	v20 =	vadd.f32 v20, v24;
	v21 =	vadd.f32 v23, v21  }
0x72e: {  	v12 =	vld [tilespmem:s20+$0x10];
	v62 =	vunpack.i.u.bf16.f32 v17;
	v26 =	vadd.f32 v26, v45;
	v13 =	vadd.f32 v27, v13  }
0x72f: {  	v24 =	vld [tilespmem:s14+$0xFFFFFF20];
	v17 =	vunpack.i.l.bf16.f32 v17;
	v15 =	vadd.f32 v28, v15;
	v29 =	vadd.f32 v29, v47  }
0x730: {  	v23 =	vld [tilespmem:s14+$0xFFFFFF30];
	v17 =	vadd.f32 v32, v17;
	v6 =	vadd.f32 v40, v6  }
0x731: {  	v27 =	vld [tilespmem:s14+$0xFFFFFF50];
	v34 =	vadd.f32 v34, v62;
	v50 =	vunpack.i.u.bf16.f32 v8;
	v8 =	vunpack.i.l.bf16.f32 v8  }
0x732: {  	v21 =	vmul.f32 v21, v63;
	v22 =	vadd.f32 v22, v43;
	v7 =	vld [tilespmem:s20+$0xFFFFFF80];
	v6 =	vmul.f32 $8.838834610e-02, v6  }
0x733: {  	v14 =	vld [tilespmem:s20+$0x30];
	v28 =	vunpack.i.u.bf16.f32 v11;
	v11 =	vunpack.i.l.bf16.f32 v11;
	v13 =	vmul.f32 v13, v51  }
0x734: {  	v10 =	vld [tilespmem:s20+$0x20];
	v8 =	vadd.f32 v35, v8;
	v17 =	vmul.f32 v17, v60;
	v6 =	vmul.f32 $1.442695020e+00, v6  }
0x735: {  	v11 =	vadd.f32 v36, v11;
	v20 =	vmul.f32 v20, v24;
	v22 =	vmul.f32 v22, v23;
	v23 =	vld [tilespmem:s14+$0xFFFFFFE0]  }
0x736: {  	v28 =	vadd.f32 v37, v28;
	v26 =	vmul.f32 v26, v27;
	v9 =	vld [tilespmem:s15+$0xFFFFFE70];
	(erf) = vpow2.f32 v6  }
0x737: {  	v20 =	vadd.f32 v22, v20;
	v48 =	vunpack.i.l.bf16.f32 v7;
	v7 =	vunpack.i.u.bf16.f32 v7;
	v56 =	vld [tilespmem:s20+$0x40]  }
0x738: {  	v24 =	vld [tilespmem:s14+$0xFFFFFFF0];
	v18 =	vadd.f32 v18, v48;
	v7 =	vadd.f32 v19, v7;
	v19 =	vunpack.i.u.bf16.f32 v16  }
0x739: {  	v16 =	vunpack.i.l.bf16.f32 v16;
	v58 =	vld [tilespmem:s15+$0x180];
	v6 =	vunpack.i.u.bf16.f32 v10;
	v10 =	vunpack.i.l.bf16.f32 v10  }
0x73a: {  	v27 =	vld [tilespmem:s14+$0x0];
	v7 =	vmul.f32 v7, v61;
	v59 =	vadd.f32 v41, v10;
	v10 =	vmul.f32 v18, v49  }
0x73b: {  	v57 =	vunpack.i.u.bf16.f32 v14;
	v16 =	vadd.f32 v30, v16;
	v30 =	vld [tilespmem:s14+$0xFFFFFF80];
	v9 =	vadd.f32 v9, v46  }
0x73c: {  	v22 =	vld [tilespmem:s14+$0x10];
	v21 =	vadd.f32 v26, v21;
	v7 =	vadd.f32 v7, v10;
	v10 =	vunpack.i.l.bf16.f32 v56  }
0x73d: {  	v26 =	vmul.f32 v29, v53;
	v19 =	vadd.f32 v31, v19;
	v9 =	vmul.f32 v9, v52;
	v25 =	vld [tilespmem:s15+$0xFFFFFF70]  }
0x73e: {  	v29 =	vld [tilespmem:s14+$0x20];
	v31 =	vunpack.i.u.bf16.f32 v12;
	v12 =	vunpack.i.l.bf16.f32 v12;
	v62 =	vadd.f32 v58, v10  }
0x73f: {  	v9 =	vadd.f32 v9, v13;
	v13 =	vmul.f32 v16, v54;
	v16 =	vmul.f32 v19, v55;
	v18 =	vld [tilespmem:s14+$0xFFFFFFD0];
	v10 =	vpop (erf)  }
0x740: {  	v12 =	vadd.f32 v38, v12;
	v15 =	vmul.f32 v15, v30;
	v19 =	vld [tilespmem:s14+$0x30];
	v30 =	vmul.f32 v62, v10  }
0x741: {  	s12 =	simm.s32 $0x64C0;
	v14 =	vunpack.i.l.bf16.f32 v14;
	v31 =	vadd.f32 v39, v31;
	v13 =	vadd.f32 v16, v13;
	v16 =	vld [tilespmem:s14+$0x50]  }
0x742: {  	v8 =	vmul.f32 v8, v23;
	v15 =	vadd.f32 v26, v15;
	v25 =	vadd.f32 v25, v50;
	v33 =	vld [tilespmem:s15+$0x60];
	[tilespmem:s12+$0x90] =	vst v30  }
0x743: {  	v11 =	vmul.f32 v11, v27;
	v9 =	vadd.f32 v9, v21;
	v7 =	vadd.f32 v20, v7;
	v23 =	vld [tilespmem:s15+$0x190]  }
0x744: {  	v61 =	vadd.f32 v44, v57;
	v21 =	vmul.f32 v25, v24;
	v20 =	vld [tilespmem:s14+$0x40];
	v18 =	vmul.f32 v34, v18  }
0x745: {  	v12 =	vmul.f32 v12, v29;
	v7 =	vadd.f32 v9, v7;
	v9 =	vadd.f32 v13, v15;
	v13 =	vld [tilespmem:s14+$0x70]  }
0x746: {  	s30 =	simm.s32 $0x0;
	v19 =	vmul.f32 v31, v19;
	v8 =	vadd.f32 v21, v8;
	v17 =	vadd.f32 v18, v17;
	v18 =	vld [tilespmem:s14+$0x60]  }
0x747: {  	s4 =	simm.s32 $0x10;
	v21 =	vor.u32 s30, v1;
	v6 =	vadd.f32 v42, v6;
	v15 =	vunpack.i.u.bf16.f32 v56  }
0x748: {  	v24 =	vor.u32 s4, v1;
	v8 =	vadd.f32 v8, v17;
	v15 =	vadd.f32 v23, v15  }
0x749: {  	v14 =	vadd.f32 v33, v14;
	v6 =	vmul.f32 v6, v16;
	v17 =	vmul.f32 v28, v22  }
0x74a: {  	v20 =	vmul.f32 v59, v20;
	v8 =	vadd.f32 v8, v9;
	v9 =	vmul.f32 v15, v10  }
0x74b: {  	[tilespmem:s26+$0xFFFFFFE0] =	vst v7;
	v13 =	vmul.f32 v61, v13;
	v14 =	vmul.f32 v14, v18  }
0x74c: {  	v12 =	vadd.f32 v19, v12;
	v11 =	vadd.f32 v17, v11;
	v15 =	vld.idx.msk [tilespmem:v21+s0+$0x0], $0xffff;
	[tilespmem:s12+$0xA0] =	vst v9  }
0x74d: {  	v6 =	vadd.f32 v6, v20;
	v9 =	vadd.f32 v13, v14;
	v13 =	vld [tilespmem:s20+$0x50]  }
0x74e: {  	s2 =	simm.s32 $0x20;
	[tilespmem:s26+$0xFFFFFFF0] =	vst v8;
	v14 =	vld [tilespmem:s15+$0x1A0]  }
0x74f: {  	v17 =	vor.u32 s2, v1;
	v11 =	vadd.f32 v12, v11;
	v16 =	vld.idx.msk [tilespmem:v24+s0+$0x0], $0xffff;
	v6 =	vadd.f32 v9, v6  }
0x750: {  	v9 =	vor.u32 s30, v3  }
0x751: {  	v6 =	vadd.f32 v6, v11  }
0x752: {  	v12 =	vor.u32 s4, v3;
	v7 =	vadd.f32 v7, v15;
	v11 =	vunpack.i.l.bf16.f32 v13  }
0x753: {  	[tilespmem:s26+$0x0] =	vst v6;
	v11 =	vadd.f32 v14, v11  }
0x754: {  	v8 =	vadd.f32 v8, v16;
	[tilespmem:s26+$0xFFFFFFE0] =	vst v7;
	v14 =	vld.idx.msk [tilespmem:v17+s0+$0x0], $0xffff  }
0x755: {  	v9 =	vld.idx.msk [tilespmem:v9+s0+$0x0], $0xffff;
	v11 =	vmul.f32 v11, v10  }
0x756: {  	[tilespmem:s26+$0xFFFFFFF0] =	vst v8  }
0x757: {  	v12 =	vld.idx.msk [tilespmem:v12+s0+$0x0], $0xffff;
	v15 =	vor.u32 s2, v3;
	[tilespmem:s12+$0xB0] =	vst v11  }
0x758: {  	v11 =	vor.u32 s30, v4;
	v16 =	vld [tilespmem:s15+$0x1B0]  }
0x759: {  	v6 =	vadd.f32 v6, v14  }
0x75a: {  	v17 =	vor.u32 s4, v4;
	v7 =	vadd.f32 v7, v9  }
0x75b: {  	[tilespmem:s26+$0x0] =	vst v6  }
0x75c: {  	v8 =	vadd.f32 v8, v12;
	v12 =	vunpack.i.u.bf16.f32 v13;
	[tilespmem:s26+$0xFFFFFFE0] =	vst v7;
	v9 =	vld.idx.msk [tilespmem:v15+s0+$0x0], $0xffff  }
0x75d: {  	v11 =	vld.idx.msk [tilespmem:v11+s0+$0x0], $0xffff;
	v12 =	vadd.f32 v16, v12  }
0x75e: {  	[tilespmem:s26+$0xFFFFFFF0] =	vst v8  }
0x75f: {  	v13 =	vld.idx.msk [tilespmem:v17+s0+$0x0], $0xffff;
	v14 =	vor.u32 s2, v4;
	v12 =	vmul.f32 v12, v10  }
0x760: {  	v15 =	vor.u32 s30, v2  }
0x761: {  	v6 =	vadd.f32 v6, v9;
	[tilespmem:s12+$0xC0] =	vst v12  }
0x762: {  	v16 =	vor.u32 s4, v2;
	v7 =	vadd.f32 v7, v11;
	v9 =	vld [tilespmem:s20+$0x60]  }
0x763: {  	[tilespmem:s26+$0x0] =	vst v6;
	v11 =	vld [tilespmem:s15+$0x1C0]  }
0x764: {  	v8 =	vadd.f32 v8, v13;
	[tilespmem:s26+$0xFFFFFFE0] =	vst v7;
	v12 =	vld.idx.msk [tilespmem:v14+s0+$0x0], $0xffff  }
0x765: {  	v13 =	vld.idx.msk [tilespmem:v15+s0+$0x0], $0xffff  }
0x766: {  	[tilespmem:s26+$0xFFFFFFF0] =	vst v8  }
0x767: {  	v14 =	vld.idx.msk [tilespmem:v16+s0+$0x0], $0xffff  }
0x768: {  	v15 =	vor.u32 s2, v2;
	v16 =	vunpack.i.l.bf16.f32 v9  }
0x769: {  	v11 =	vadd.f32 v11, v16  }
0x76a: {  	v6 =	vadd.f32 v6, v12;
	v7 =	vadd.f32 v13, v7  }
0x76b: {  	v11 =	vmul.f32 v11, v10  }
0x76c: {  	v8 =	vadd.f32 v14, v8;
	[tilespmem:s26+$0x0] =	vst v6;
	v7 =	vmul.f32 $8.838834610e-02, v7  }
0x76d: {  	v12 =	vld.idx.msk [tilespmem:v15+s0+$0x0], $0xffff;
	[tilespmem:s12+$0xD0] =	vst v11  }
0x76e: {  	v8 =	vmul.f32 $8.838834610e-02, v8;
	v7 =	vmul.f32 $1.442695020e+00, v7;
	v11 =	vld [tilespmem:s15+$0x1D0];
	_ =	sdelay $0x1  }
0x76f: {  	v8 =	vmul.f32 $1.442695020e+00, v8;
	(erf) = vpow2.f32 v7  }
0x770: {  	v13 =	vld [tilespmem:s20+$0xFFFFFF80]  }
0x771: {  	v9 =	vunpack.i.u.bf16.f32 v9;
	v7 =	vld [tilespmem:s15+$0xFFFFFE80];
	(erf) = vpow2.f32 v8  }
0x772: {  	v8 =	vld [tilespmem:s20+$0xFFFFFFC0];
	v6 =	vadd.f32 v12, v6;
	v9 =	vadd.f32 v11, v9  }
0x773: {  	v12 =	vld [tilespmem:s15+$0xFFFFFF80]  }
0x774: {  	s28 =	simm.s32 $0x2920;
	v6 =	vmul.f32 $8.838834610e-02, v6;
	v9 =	vmul.f32 v9, v10  }
0x775: {  	s24 =	simm.s32 $0x1DA0;
	v63 =	vld [tilespmem:s28+$0x40];
	v11 =	vunpack.i.l.bf16.f32 v13  }
0x776: {  	v27 =	vld [tilespmem:s24+$0x140];
	v6 =	vmul.f32 $1.442695020e+00, v6;
	v7 =	vadd.f32 v7, v11  }
0x777: {  	v26 =	vld [tilespmem:s28+$0x70];
	v14 =	vunpack.i.l.bf16.f32 v8  }
0x778: {  	v11 =	vadd.f32 v12, v14;
	v12 =	vld [tilespmem:s20+$0x0];
	[tilespmem:s12+$0xE0] =	vst v9;
	v9 =	vpop (erf);
	(erf) = vpow2.f32 v6  }
0x779: {  	v6 =	vld [tilespmem:s20+$0x70];
	v14 =	vmul.f32 v7, v9  }
0x77a: {  	v15 =	vld [tilespmem:s15+$0x1E0];
	v7 =	vpop (erf)  }
0x77b: {  	v16 =	vld [tilespmem:s15+$0x80];
	v11 =	vmul.f32 v11, v7;
	[tilespmem:s12+$0xFFFFFEE0] =	vst v14  }
0x77c: {  	v14 =	vld [tilespmem:s15+$0xFFFFFE90]  }
0x77d: {  	v31 =	vld [tilespmem:s28+$0x50];
	[tilespmem:s12+$0xFFFFFF70] =	vst v11  }
0x77e: {  	v11 =	vld [tilespmem:s15+$0xFFFFFF90];
	v17 =	vunpack.i.l.bf16.f32 v6  }
0x77f: {  	v25 =	vld [tilespmem:s24+$0x110];
	s14 =	simm.s32 $0x12A0;
	v18 =	vunpack.i.l.bf16.f32 v12;
	v15 =	vadd.f32 v15, v17  }
0x780: {  	v19 =	vld [tilespmem:s14+$0xC0];
	v13 =	vunpack.i.u.bf16.f32 v13;
	v16 =	vadd.f32 v16, v18  }
0x781: {  	v22 =	vld [tilespmem:s24+$0x120];
	v17 =	vunpack.i.u.bf16.f32 v8;
	v15 =	vmul.f32 v15, v10;
	v13 =	vadd.f32 v14, v13;
	v8 =	vpop (erf)  }
0x782: {  	v28 =	vld [tilespmem:s28+$0x60];
	v14 =	vmul.f32 v16, v8  }
0x783: {  	v20 =	vld [tilespmem:s14+$0xB0];
	v11 =	vadd.f32 v11, v17;
	[tilespmem:s12+$0xF0] =	vst v15;
	v13 =	vmul.f32 v13, v9  }
0x784: {  	v15 =	vld [tilespmem:s15+$0x1F0];
	[tilespmem:s12+$0x0] =	vst v14  }
0x785: {  	v11 =	vmul.f32 v11, v7;
	[tilespmem:s12+$0xFFFFFEF0] =	vst v13;
	v13 =	vld [tilespmem:s15+$0x90]  }
0x786: {  	v14 =	vld [tilespmem:s20+$0xFFFFFF90]  }
0x787: {  	[tilespmem:s12+$0xFFFFFF80] =	vst v11;
	v11 =	vld [tilespmem:s15+$0xFFFFFEA0]  }
0x788: {  	v30 =	vld [tilespmem:s24+$0x150]  }
0x789: {  	v24 =	vld [tilespmem:s24+$0x130];
	v6 =	vunpack.i.u.bf16.f32 v6  }
0x78a: {  	v23 =	vld [tilespmem:s24+$0x100];
	v12 =	vunpack.i.u.bf16.f32 v12;
	v6 =	vadd.f32 v15, v6  }
0x78b: {  	v29 =	vld [tilespmem:s20+$0xFFFFFFD0];
	v15 =	vmul.f32 v5, v10;
	v13 =	vadd.f32 v13, v12;
	v12 =	vunpack.i.l.bf16.f32 v14  }
0x78c: {  	v21 =	vld [tilespmem:s14+$0xD0];
	v6 =	vmul.f32 v6, v10;
	v10 =	vadd.f32 v11, v12  }
0x78d: {  	v18 =	vld [tilespmem:s14+$0x90];
	[tilespmem:s12+$0x110] =	vst v15;
	v15 =	vmul.f32 v13, v8  }
0x78e: {  	v32 =	vunpack.i.u.bf16.f32 v63;
	v33 =	vunpack.i.l.bf16.f32 v63;
	v16 =	vld [tilespmem:s14+$0x80];
	[tilespmem:s12+$0x100] =	vst v6;
	v6 =	vmul.f32 v10, v9  }
0x78f: {  	v17 =	vld [tilespmem:s14+$0xA0];
	v14 =	vunpack.i.u.bf16.f32 v14;
	v12 =	vmul.f32 v5, v9;
	v11 =	vmul.f32 v5, v7;
	[tilespmem:s12+$0x10] =	vst v15  }
0x790: {  	s21 =	simm.s32 $0x4;
	s22 =	simm.s32 $0x8;
	s25 =	simm.s32 $0x64C0;
	v13 =	vunpack.i.u.bf16.f32 v29;
	v10 =	vmul.f32 v5, v8;
	v15 =	vunpack.i.l.bf16.f32 v29;
	v29 =	vld [tilespmem:s24+$0x160];
	[tilespmem:s12+$0xFFFFFF00] =	vst v6  }
.LBB2_18:
0x791: {  	p0 =	slt.u32 s22, $0xC;
	v6 =	vunpack.i.u.bf16.f32 v31;
	v31 =	vunpack.i.l.bf16.f32 v31;
	v34 =	vunpack.i.u.bf16.f32 v28;
	v35 =	vld [tilespmem:s24+$0x170]  }
0x792: {  	v23 =	vadd.f32 v23, v33;
	v25 =	vadd.f32 v25, v32;
	v28 =	vunpack.i.l.bf16.f32 v28;
	v32 =	vld [tilespmem:s14+$0xE0]  }
0x793: {  	v22 =	vadd.f32 v22, v31;
	v6 =	vadd.f32 v24, v6;
	v24 =	vunpack.i.u.bf16.f32 v26;
	v31 =	vld [tilespmem:s14+$0xF0]  }
0x794: {  	v27 =	vadd.f32 v27, v28;
	v26 =	vunpack.i.l.bf16.f32 v26;
	v33 =	vld [tilespmem:s28+$0xFFFFFF90];
	v28 =	vadd.f32 v30, v34  }
0x795: {  	v16 =	vmul.f32 v23, v16;
	v18 =	vmul.f32 v25, v18;
	v30 =	vld [tilespmem:s28+$0xFFFFFFA0];
	v23 =	vadd.f32 v29, v26  }
0x796: {  	v17 =	vmul.f32 v22, v17;
	v6 =	vmul.f32 v6, v20;
	v25 =	vld [tilespmem:s28+$0xFFFFFFB0];
	v20 =	vadd.f32 v35, v24  }
0x797: {  	v19 =	vmul.f32 v27, v19;
	v21 =	vmul.f32 v28, v21;
	v22 =	vld [tilespmem:s28+$0xFFFFFFC0]  }
0x798: {  	v23 =	vmul.f32 v23, v32;
	v24 =	vld [tilespmem:s28+$0xFFFFFFD0];
	v20 =	vmul.f32 v20, v31  }
0x799: {  	v16 =	vadd.f32 v18, v16;
	v6 =	vadd.f32 v6, v17;
	v31 =	vunpack.i.u.bf16.f32 v33;
	v26 =	vld [tilespmem:s28+$0xFFFFFFE0]  }
0x79a: {  	s4 =	sshll.u32 s21, $0x4;
	s21 =	smov.u32 s22;
	v19 =	vadd.f32 v21, v19;
	v17 =	vunpack.i.l.bf16.f32 v33;
	v18 =	vld [tilespmem:s28+$0xFFFFFFF0];
	v20 =	vadd.f32 v20, v23  }
0x79b: {  	s1 =	sadd.s32 $0x10, s4;
	s2 =	sadd.s32 $0x20, s4;
	s23 =	sadd.s32 $0x30, s4;
	v32 =	vunpack.i.u.bf16.f32 v30;
	v30 =	vunpack.i.l.bf16.f32 v30;
	v33 =	vunpack.i.u.bf16.f32 v25;
	v21 =	vld [tilespmem:s28+$0x0]  }
0x79c: {  	v6 =	vadd.f32 v6, v16;
	v23 =	vld [tilespmem:s28+$0x10];
	v16 =	vadd.f32 v20, v19;
	v19 =	vor.u32 s23, v1  }
0x79d: {  	v34 =	vunpack.i.l.bf16.f32 v25;
	v35 =	vunpack.i.u.bf16.f32 v22;
	v36 =	vunpack.i.l.bf16.f32 v22;
	v20 =	vld [tilespmem:s28+$0x20]  }
0x79e: {  	v37 =	vunpack.i.u.bf16.f32 v24;
	v38 =	vunpack.i.l.bf16.f32 v24;
	v22 =	vld [tilespmem:s28+$0x30];
	v6 =	vadd.f32 v16, v6  }
0x79f: {  	s26 =	sadd.s32 $0x40, s26;
	v39 =	vunpack.i.u.bf16.f32 v26;
	v40 =	vunpack.i.l.bf16.f32 v26;
	v16 =	vld [tilespmem:s28+$0xFFFFFF80];
	v41 =	vunpack.i.u.bf16.f32 v18  }
0x7a0: {  	v18 =	vunpack.i.l.bf16.f32 v18;
	v24 =	vld [tilespmem:s24+$0xFFFFFE00];
	v42 =	vunpack.i.u.bf16.f32 v21;
	v43 =	vunpack.i.l.bf16.f32 v21;
	[tilespmem:s26+$0x10] =	vst v6  }
0x7a1: {  	v27 =	vor.u32 s1, v1;
	v44 =	vunpack.i.u.bf16.f32 v23;
	v45 =	vunpack.i.l.bf16.f32 v23;
	v21 =	vld.idx.msk [tilespmem:v19+s0+$0x0], $0xffff  }
0x7a2: {  	v25 =	vor.u32 s2, v1;
	v46 =	vld [tilespmem:s24+$0xFFFFFE10];
	v47 =	vunpack.i.u.bf16.f32 v20;
	v48 =	vunpack.i.l.bf16.f32 v20  }
0x7a3: {  	v29 =	vor.u32 s4, v1;
	v20 =	vld [tilespmem:s24+$0xFFFFFE20];
	v49 =	vunpack.i.u.bf16.f32 v22;
	v50 =	vunpack.i.l.bf16.f32 v22  }
0x7a4: {  	v26 =	vor.u32 s1, v3;
	v51 =	vunpack.i.u.bf16.f32 v16;
	v16 =	vunpack.i.l.bf16.f32 v16;
	v52 =	vld [tilespmem:s24+$0xFFFFFE30]  }
0x7a5: {  	v55 =	vor.u32 s23, v3;
	v22 =	vor.u32 s2, v3;
	v53 =	vadd.f32 v24, v16;
	v54 =	vld [tilespmem:s24+$0xFFFFFE40]  }
0x7a6: {  	v28 =	vor.u32 s4, v3;
	v23 =	vor.u32 s1, v4;
	v19 =	vor.u32 s2, v4;
	v56 =	vld [tilespmem:s24+$0xFFFFFE50]  }
0x7a7: {  	v24 =	vor.u32 s4, v4;
	v6 =	vadd.f32 v6, v21;
	v46 =	vadd.f32 v46, v51;
	v51 =	vld [tilespmem:s24+$0xFFFFFE60]  }
0x7a8: {  	v16 =	vor.u32 s2, v2;
	v17 =	vadd.f32 v20, v17;
	v57 =	vld [tilespmem:s24+$0xFFFFFE70];
	v20 =	vor.u32 s1, v2  }
0x7a9: {  	v21 =	vor.u32 s4, v2;
	v31 =	vadd.f32 v52, v31;
	v52 =	vld [tilespmem:s24+$0xFFFFFF00];
	[tilespmem:s26+$0x10] =	vst v6  }
0x7aa: {  	v30 =	vadd.f32 v54, v30;
	v54 =	vld.idx.msk [tilespmem:v55+s0+$0x0], $0xffff  }
0x7ab: {  	v32 =	vadd.f32 v56, v32;
	v55 =	vld [tilespmem:s24+$0xFFFFFF10]  }
0x7ac: {  	v34 =	vadd.f32 v51, v34;
	v51 =	vld [tilespmem:s24+$0xFFFFFF20]  }
0x7ad: {  	v33 =	vadd.f32 v57, v33;
	v56 =	vld [tilespmem:s24+$0xFFFFFF30]  }
0x7ae: {  	v57 =	vor.u32 s23, v4;
	v36 =	vadd.f32 v52, v36;
	v52 =	vld [tilespmem:s24+$0xFFFFFF40]  }
0x7af: {  	v58 =	vld [tilespmem:s24+$0xFFFFFF50]  }
0x7b0: {  	v6 =	vadd.f32 v6, v54;
	v35 =	vadd.f32 v55, v35;
	v55 =	vld [tilespmem:s24+$0xFFFFFF60]  }
0x7b1: {  	v38 =	vadd.f32 v51, v38;
	v51 =	vld [tilespmem:s24+$0xFFFFFF70]  }
0x7b2: {  	v37 =	vadd.f32 v56, v37;
	v54 =	vld [tilespmem:s24+$0x0];
	[tilespmem:s26+$0x10] =	vst v6  }
0x7b3: {  	v40 =	vadd.f32 v52, v40;
	v52 =	vld.idx.msk [tilespmem:v57+s0+$0x0], $0xffff  }
0x7b4: {  	v39 =	vadd.f32 v58, v39;
	v56 =	vld [tilespmem:s24+$0x10]  }
0x7b5: {  	v18 =	vadd.f32 v55, v18;
	v55 =	vld [tilespmem:s24+$0x20]  }
0x7b6: {  	v41 =	vadd.f32 v51, v41;
	v51 =	vld [tilespmem:s24+$0x30]  }
0x7b7: {  	v57 =	vor.u32 s23, v2;
	v43 =	vadd.f32 v54, v43;
	v54 =	vld [tilespmem:s24+$0x40]  }
0x7b8: {  	v58 =	vld [tilespmem:s24+$0x50]  }
0x7b9: {  	v6 =	vadd.f32 v6, v52;
	v42 =	vadd.f32 v56, v42;
	v56 =	vld [tilespmem:s24+$0x60]  }
0x7ba: {  	v45 =	vadd.f32 v55, v45;
	v52 =	vld [tilespmem:s24+$0x70]  }
0x7bb: {  	v55 =	vld [tilespmem:s14+$0xFFFFFF00];
	v44 =	vadd.f32 v51, v44;
	[tilespmem:s26+$0x10] =	vst v6  }
0x7bc: {  	v48 =	vadd.f32 v54, v48;
	v51 =	vld.idx.msk [tilespmem:v57+s0+$0x0], $0xffff  }
0x7bd: {  	v54 =	vld [tilespmem:s14+$0xFFFFFF10];
	v47 =	vadd.f32 v58, v47  }
0x7be: {  	v57 =	vld [tilespmem:s14+$0xFFFFFF20];
	v50 =	vadd.f32 v56, v50  }
0x7bf: {  	v56 =	vld [tilespmem:s14+$0xFFFFFF30];
	v49 =	vadd.f32 v52, v49  }
0x7c0: {  	v52 =	vmul.f32 v53, v55;
	v53 =	vld [tilespmem:s14+$0xFFFFFF40]  }
0x7c1: {  	v55 =	vld [tilespmem:s14+$0xFFFFFF50]  }
0x7c2: {  	v6 =	vadd.f32 v51, v6;
	v46 =	vmul.f32 v46, v54;
	v54 =	vld [tilespmem:s14+$0xFFFFFF60]  }
0x7c3: {  	v17 =	vmul.f32 v17, v57;
	v51 =	vld [tilespmem:s14+$0xFFFFFF70]  }
0x7c4: {  	v6 =	vmul.f32 $8.838834610e-02, v6;
	v31 =	vmul.f32 v31, v56;
	v46 =	vadd.f32 v46, v52;
	v52 =	vld [tilespmem:s14+$0xFFFFFF80]  }
0x7c5: {  	v30 =	vmul.f32 v30, v53;
	v53 =	vld [tilespmem:s14+$0xFFFFFF90]  }
0x7c6: {  	v6 =	vmul.f32 $1.442695020e+00, v6;
	v32 =	vmul.f32 v32, v55;
	v17 =	vadd.f32 v31, v17;
	v31 =	vld [tilespmem:s14+$0xFFFFFFA0]  }
0x7c7: {  	v34 =	vmul.f32 v34, v54;
	v54 =	vld [tilespmem:s14+$0xFFFFFFB0]  }
0x7c8: {  	v33 =	vmul.f32 v33, v51;
	v30 =	vadd.f32 v32, v30;
	v32 =	vld [tilespmem:s14+$0xFFFFFFC0];
	(erf) = vpow2.f32 v6  }
0x7c9: {  	v6 =	vadd.f32 v17, v46;
	v17 =	vmul.f32 v36, v52;
	v36 =	vld [tilespmem:s14+$0xFFFFFFD0]  }
0x7ca: {  	v33 =	vadd.f32 v33, v34;
	v34 =	vmul.f32 v35, v53;
	v35 =	vld [tilespmem:s28+$0x40]  }
0x7cb: {  	v31 =	vmul.f32 v38, v31;
	v38 =	vld [tilespmem:s24+$0x180]  }
0x7cc: {  	v30 =	vadd.f32 v33, v30;
	v33 =	vmul.f32 v37, v54;
	v37 =	vld [tilespmem:s14+$0xFFFFFFE0];
	v17 =	vadd.f32 v34, v17  }
0x7cd: {  	v32 =	vmul.f32 v40, v32;
	v34 =	vld [tilespmem:s14+$0xFFFFFFF0]  }
0x7ce: {  	v6 =	vadd.f32 v30, v6;
	v30 =	vmul.f32 v39, v36;
	v31 =	vadd.f32 v33, v31;
	v33 =	vld [tilespmem:s14+$0x0]  }
0x7cf: {  	v36 =	vld [tilespmem:s14+$0x10];
	v39 =	vunpack.i.l.bf16.f32 v35  }
0x7d0: {  	[tilespmem:s26+$0xFFFFFFE0] =	vst v6;
	v30 =	vadd.f32 v30, v32;
	v32 =	vld [tilespmem:s14+$0x20];
	v38 =	vadd.f32 v38, v39  }
0x7d1: {  	v31 =	vadd.f32 v31, v17;
	v37 =	vmul.f32 v18, v37;
	v39 =	vld [tilespmem:s14+$0x30];
	v17 =	vpop (erf)  }
0x7d2: {  	v34 =	vmul.f32 v41, v34;
	v40 =	vld [tilespmem:s14+$0x40];
	v38 =	vmul.f32 v38, v17  }
0x7d3: {  	s12 =	sadd.s32 $0x240, s12;
	v18 =	vmul.f32 v5, v17;
	v33 =	vmul.f32 v43, v33;
	v41 =	vld [tilespmem:s14+$0x50]  }
0x7d4: {  	v34 =	vadd.f32 v34, v37;
	v36 =	vmul.f32 v42, v36;
	v37 =	vld [tilespmem:s14+$0x60];
	[tilespmem:s12+$0x90] =	vst v38  }
0x7d5: {  	v32 =	vmul.f32 v45, v32;
	v38 =	vld [tilespmem:s24+$0x190]  }
0x7d6: {  	v30 =	vadd.f32 v34, v30;
	v34 =	vmul.f32 v44, v39;
	v39 =	vld [tilespmem:s14+$0x70];
	v33 =	vadd.f32 v36, v33  }
0x7d7: {  	v29 =	vld.idx.msk [tilespmem:v29+s0+$0x0], $0xffff;
	v36 =	vmul.f32 v48, v40  }
0x7d8: {  	v30 =	vadd.f32 v30, v31;
	v31 =	vmul.f32 v47, v41;
	v32 =	vadd.f32 v34, v32;
	v34 =	vld [tilespmem:s20+$0x10]  }
0x7d9: {  	v35 =	vunpack.i.u.bf16.f32 v35;
	v37 =	vmul.f32 v50, v37;
	v40 =	vld [tilespmem:s15+$0xFFFFFFA0]  }
0x7da: {  	[tilespmem:s26+$0xFFFFFFF0] =	vst v30;
	v31 =	vadd.f32 v31, v36;
	v35 =	vadd.f32 v38, v35;
	v36 =	vld [tilespmem:s15+$0xA0]  }
0x7db: {  	v32 =	vadd.f32 v32, v33;
	v27 =	vld.idx.msk [tilespmem:v27+s0+$0x0], $0xffff;
	v38 =	vmul.f32 v49, v39  }
0x7dc: {  	v33 =	vmul.f32 v35, v17;
	v35 =	vld [tilespmem:s15+$0xFFFFFEB0]  }
0x7dd: {  	v6 =	vadd.f32 v6, v29;
	v29 =	vadd.f32 v38, v37;
	v37 =	vunpack.i.l.bf16.f32 v34  }
0x7de: {  	[tilespmem:s12+$0xA0] =	vst v33;
	v15 =	vadd.f32 v40, v15;
	v33 =	vunpack.i.u.bf16.f32 v34  }
0x7df: {  	[tilespmem:s26+$0xFFFFFFE0] =	vst v6;
	v29 =	vadd.f32 v29, v31;
	v31 =	vld [tilespmem:s28+$0x50];
	v34 =	vadd.f32 v36, v37  }
0x7e0: {  	v36 =	vld [tilespmem:s24+$0x1A0];
	v15 =	vmul.f32 v15, v7  }
0x7e1: {  	v27 =	vadd.f32 v30, v27;
	v28 =	vld.idx.msk [tilespmem:v28+s0+$0x0], $0xffff;
	v29 =	vadd.f32 v29, v32;
	v30 =	vmul.f32 v34, v8  }
0x7e2: {  	v14 =	vadd.f32 v35, v14;
	[tilespmem:s25+$0xFFFFFF90] =	vst v15  }
0x7e3: {  	[tilespmem:s26+$0x0] =	vst v29;
	v15 =	vld [tilespmem:s15+$0xFFFFFFB0]  }
0x7e4: {  	v14 =	vmul.f32 v14, v9;
	[tilespmem:s26+$0xFFFFFFF0] =	vst v27;
	v25 =	vld.idx.msk [tilespmem:v25+s0+$0x0], $0xffff;
	v32 =	vunpack.i.l.bf16.f32 v31  }
0x7e5: {  	v26 =	vld.idx.msk [tilespmem:v26+s0+$0x0], $0xffff;
	v32 =	vadd.f32 v36, v32;
	[tilespmem:s25+$0x20] =	vst v30  }
0x7e6: {  	[tilespmem:s25+$0xFFFFFF10] =	vst v14;
	v14 =	vld [tilespmem:s15+$0xB0]  }
0x7e7: {  	v6 =	vadd.f32 v6, v28;
	v28 =	vmul.f32 v32, v17;
	v30 =	vld [tilespmem:s20+$0xFFFFFFA0]  }
0x7e8: {  	v32 =	vld [tilespmem:s15+$0xFFFFFEC0];
	v13 =	vadd.f32 v15, v13  }
0x7e9: {  	[tilespmem:s12+$0xB0] =	vst v28  }
0x7ea: {  	v15 =	vadd.f32 v29, v25;
	[tilespmem:s26+$0xFFFFFFE0] =	vst v6;
	v25 =	vld [tilespmem:s24+$0x1B0];
	v13 =	vmul.f32 v13, v7  }
0x7eb: {  	v26 =	vadd.f32 v27, v26;
	v24 =	vld.idx.msk [tilespmem:v24+s0+$0x0], $0xffff;
	v14 =	vadd.f32 v14, v33  }
0x7ec: {  	[tilespmem:s26+$0x0] =	vst v15;
	v27 =	vunpack.i.u.bf16.f32 v30;
	v28 =	vunpack.i.l.bf16.f32 v30  }
0x7ed: {  	[tilespmem:s26+$0xFFFFFFF0] =	vst v26;
	v22 =	vld.idx.msk [tilespmem:v22+s0+$0x0], $0xffff;
	v28 =	vadd.f32 v32, v28;
	v14 =	vmul.f32 v14, v8  }
0x7ee: {  	v29 =	vunpack.i.u.bf16.f32 v31;
	v23 =	vld.idx.msk [tilespmem:v23+s0+$0x0], $0xffff;
	[tilespmem:s25+$0xFFFFFFA0] =	vst v13  }
0x7ef: {  	v13 =	vadd.f32 v25, v29;
	v25 =	vmul.f32 v28, v9;
	v28 =	vld [tilespmem:s20+$0xFFFFFFE0];
	[tilespmem:s25+$0x30] =	vst v14  }
0x7f0: {  	v14 =	vld [tilespmem:s20+$0x20]  }
0x7f1: {  	v6 =	vadd.f32 v6, v24;
	v13 =	vmul.f32 v13, v17;
	[tilespmem:s25+$0xFFFFFF20] =	vst v25;
	v24 =	vld [tilespmem:s15+$0xFFFFFFC0]  }
0x7f2: {  	v25 =	vld [tilespmem:s15+$0xC0]  }
0x7f3: {  	v15 =	vadd.f32 v15, v22;
	[tilespmem:s12+$0xC0] =	vst v13;
	v13 =	vld [tilespmem:s15+$0xFFFFFED0]  }
0x7f4: {  	v22 =	vadd.f32 v26, v23;
	[tilespmem:s26+$0xFFFFFFE0] =	vst v6;
	v23 =	vld [tilespmem:s28+$0x60];
	v26 =	vunpack.i.u.bf16.f32 v28;
	v28 =	vunpack.i.l.bf16.f32 v28  }
0x7f5: {  	[tilespmem:s26+$0x0] =	vst v15;
	v29 =	vld [tilespmem:s24+$0x1C0];
	v30 =	vunpack.i.u.bf16.f32 v14;
	v14 =	vunpack.i.l.bf16.f32 v14  }
0x7f6: {  	[tilespmem:s26+$0xFFFFFFF0] =	vst v22;
	v19 =	vld.idx.msk [tilespmem:v19+s0+$0x0], $0xffff;
	v24 =	vadd.f32 v24, v28  }
0x7f7: {  	v21 =	vld.idx.msk [tilespmem:v21+s0+$0x0], $0xffff;
	v14 =	vadd.f32 v25, v14  }
0x7f8: {  	v20 =	vld.idx.msk [tilespmem:v20+s0+$0x0], $0xffff;
	v13 =	vadd.f32 v13, v27;
	v24 =	vmul.f32 v24, v7  }
0x7f9: {  	v25 =	vld [tilespmem:s28+$0xFFFFFF80];
	v27 =	vunpack.i.l.bf16.f32 v23;
	v14 =	vmul.f32 v14, v8  }
0x7fa: {  	v28 =	vld [tilespmem:s28+$0xFFFFFFC0];
	v27 =	vadd.f32 v29, v27;
	v13 =	vmul.f32 v13, v9;
	[tilespmem:s25+$0xFFFFFFB0] =	vst v24  }
0x7fb: {  	v24 =	vld [tilespmem:s24+$0xFFFFFE80];
	[tilespmem:s25+$0x40] =	vst v14  }
0x7fc: {  	v15 =	vadd.f32 v15, v19;
	v14 =	vld [tilespmem:s24+$0xFFFFFF80];
	v19 =	vmul.f32 v27, v17;
	[tilespmem:s25+$0xFFFFFF30] =	vst v13  }
0x7fd: {  	v6 =	vadd.f32 v21, v6;
	v13 =	vld [tilespmem:s15+$0xFFFFFFD0]  }
0x7fe: {  	v20 =	vadd.f32 v20, v22;
	v21 =	vunpack.i.u.bf16.f32 v25;
	v25 =	vunpack.i.l.bf16.f32 v25;
	[tilespmem:s12+$0xD0] =	vst v19;
	v19 =	vld [tilespmem:s15+$0xD0]  }
0x7ff: {  	v6 =	vmul.f32 $8.838834610e-02, v6;
	v22 =	vunpack.i.u.bf16.f32 v28;
	v27 =	vunpack.i.l.bf16.f32 v28;
	[tilespmem:s26+$0x0] =	vst v15;
	v28 =	vld [tilespmem:s24+$0x1D0]  }
0x800: {  	v20 =	vmul.f32 $8.838834610e-02, v20;
	v24 =	vadd.f32 v24, v25;
	v16 =	vld.idx.msk [tilespmem:v16+s0+$0x0], $0xffff  }
0x801: {  	v6 =	vmul.f32 $1.442695020e+00, v6;
	v14 =	vadd.f32 v14, v27;
	v25 =	vld [tilespmem:s28+$0x0]  }
0x802: {  	v20 =	vmul.f32 $1.442695020e+00, v20;
	v27 =	vld [tilespmem:s24+$0x80];
	v13 =	vadd.f32 v13, v26  }
0x803: {  	v23 =	vunpack.i.u.bf16.f32 v23;
	(erf) = vpow2.f32 v6;
	v6 =	vld [tilespmem:s20+$0xFFFFFFB0];
	v19 =	vadd.f32 v19, v30  }
0x804: {  	v23 =	vadd.f32 v28, v23;
	(erf) = vpow2.f32 v20;
	v20 =	vld [tilespmem:s15+$0xFFFFFEE0];
	v13 =	vmul.f32 v13, v7  }
0x805: {  	v19 =	vmul.f32 v19, v8  }
0x806: {  	v15 =	vadd.f32 v16, v15;
	v16 =	vunpack.i.l.bf16.f32 v25;
	v23 =	vmul.f32 v23, v17;
	[tilespmem:s25+$0xFFFFFFC0] =	vst v13  }
0x807: {  	v13 =	vunpack.i.u.bf16.f32 v25;
	v16 =	vadd.f32 v27, v16;
	v25 =	vld [tilespmem:s20+$0xFFFFFFF0];
	[tilespmem:s25+$0x50] =	vst v19  }
0x808: {  	v15 =	vmul.f32 $8.838834610e-02, v15;
	[tilespmem:s12+$0xE0] =	vst v23;
	v19 =	vunpack.i.u.bf16.f32 v6;
	v6 =	vunpack.i.l.bf16.f32 v6;
	v23 =	vld [tilespmem:s20+$0x30];
	s20 =	smov.u32 s28  }
0x809: {  	v26 =	vld [tilespmem:s28+$0x70];
	v6 =	vadd.f32 v20, v6  }
0x80a: {  	v15 =	vmul.f32 $1.442695020e+00, v15;
	v20 =	vld [tilespmem:s24+$0x1E0]  }
0x80b: {  	v6 =	vmul.f32 v6, v9;
	v27 =	vld [tilespmem:s15+$0xFFFFFFE0]  }
0x80c: {  	v28 =	vpop (erf);
	(erf) = vpow2.f32 v15;
	v15 =	vunpack.i.u.bf16.f32 v25;
	v25 =	vunpack.i.l.bf16.f32 v25;
	v29 =	vld [tilespmem:s15+$0xE0]  }
0x80d: {  	v24 =	vmul.f32 v24, v28;
	v30 =	vpop (erf);
	[tilespmem:s25+$0xFFFFFF40] =	vst v6;
	v6 =	vunpack.i.u.bf16.f32 v23;
	v23 =	vunpack.i.l.bf16.f32 v23  }
0x80e: {  	v14 =	vmul.f32 v14, v30;
	v31 =	vunpack.i.l.bf16.f32 v26;
	v32 =	vld [tilespmem:s15+$0xFFFFFEF0];
	[tilespmem:s25+$0xFFFFFF60] =	vst v12;
	v12 =	vmul.f32 v5, v28  }
0x80f: {  	[tilespmem:s12+$0xFFFFFEE0] =	vst v24;
	v24 =	vmul.f32 v5, v30;
	v20 =	vadd.f32 v20, v31  }
0x810: {  	v31 =	vld [tilespmem:s24+$0xFFFFFE90];
	[tilespmem:s12+$0xFFFFFF70] =	vst v14;
	v14 =	vadd.f32 v27, v25  }
0x811: {  	v25 =	vld [tilespmem:s24+$0xFFFFFF90];
	v20 =	vmul.f32 v20, v17;
	v23 =	vadd.f32 v29, v23  }
0x812: {  	v14 =	vmul.f32 v14, v7  }
0x813: {  	[tilespmem:s12+$0xF0] =	vst v20;
	v19 =	vadd.f32 v32, v19;
	v20 =	vmul.f32 v23, v8  }
0x814: {  	v23 =	vld [tilespmem:s24+$0x1F0];
	[tilespmem:s25+$0xFFFFFFD0] =	vst v14  }
0x815: {  	v14 =	vadd.f32 v31, v21;
	v21 =	vpop (erf);
	v19 =	vmul.f32 v19, v9;
	v27 =	vld [tilespmem:s15+$0xFFFFFFF0];
	[tilespmem:s25+$0x60] =	vst v20;
	v9 =	vmov v28  }
0x816: {  	v20 =	vadd.f32 v25, v22;
	v16 =	vmul.f32 v16, v21;
	v22 =	vmul.f32 v5, v21;
	[tilespmem:s25+$0xFFFFFFF0] =	vst v11;
	v25 =	vld [tilespmem:s15+$0xF0];
	s15 =	smov.u32 s24  }
0x817: {  	v11 =	vmov v24;
	v14 =	vmul.f32 v14, v9;
	[tilespmem:s25+$0xFFFFFF50] =	vst v19  }
0x818: {  	v19 =	vmul.f32 v20, v30;
	[tilespmem:s12+$0x0] =	vst v16;
	v16 =	vunpack.i.u.bf16.f32 v26  }
0x819: {  	[tilespmem:s12+$0xFFFFFEF0] =	vst v14;
	v14 =	vld [tilespmem:s24+$0x90];
	v16 =	vadd.f32 v23, v16  }
0x81a: {  	v20 =	vld [tilespmem:s28+$0xFFFFFF90];
	[tilespmem:s12+$0xFFFFFF80] =	vst v19;
	v15 =	vadd.f32 v27, v15  }
0x81b: {  	v19 =	vld [tilespmem:s28+$0xFFFFFFD0];
	v17 =	vmul.f32 v16, v17;
	v6 =	vadd.f32 v25, v6;
	[tilespmem:s25+$0x80] =	vst v10;
	v10 =	vmov v22  }
0x81c: {  	s14 =	sadd.s32 $0x200, s14;
	v22 =	vld [tilespmem:s24+$0xFFFFFEA0];
	[tilespmem:s12+$0x110] =	vst v18;
	v15 =	vmul.f32 v15, v7;
	v7 =	vmov v30  }
0x81d: {  	v16 =	vld [tilespmem:s14+$0x80];
	[tilespmem:s12+$0x100] =	vst v17;
	v6 =	vmul.f32 v6, v8;
	v8 =	vmov v21  }
0x81e: {  	v18 =	vld [tilespmem:s14+$0x90];
	v21 =	vadd.f32 v14, v13;
	[tilespmem:s25+$0xFFFFFFE0] =	vst v15  }
0x81f: {  	v17 =	vld [tilespmem:s14+$0xA0];
	v14 =	vunpack.i.u.bf16.f32 v20;
	v23 =	vunpack.i.l.bf16.f32 v20;
	[tilespmem:s25+$0x70] =	vst v6;
	s25 =	smov.u32 s12  }
0x820: {  	v20 =	vld [tilespmem:s14+$0xB0];
	v13 =	vunpack.i.u.bf16.f32 v19;
	v15 =	vunpack.i.l.bf16.f32 v19;
	v6 =	vmul.f32 v21, v8  }
0x821: {  	v19 =	vld [tilespmem:s14+$0xC0];
	v22 =	vadd.f32 v22, v23  }
0x822: {  	s24 =	sadd.s32 $0x400, s24;
	v21 =	vld [tilespmem:s14+$0xD0];
	[tilespmem:s12+$0x10] =	vst v6  }
0x823: {  	v23 =	vld [tilespmem:s24+$0x100];
	v6 =	vmul.f32 v22, v9  }
0x824: {  	v25 =	vld [tilespmem:s24+$0x110]  }
0x825: {  	v22 =	vld [tilespmem:s24+$0x120];
	[tilespmem:s12+$0xFFFFFF00] =	vst v6  }
0x826: {  	s28 =	sadd.s32 $0x100, s28;
	v24 =	vld [tilespmem:s24+$0x130]  }
0x827: {  	v6 =	vld [tilespmem:s28+$0x40]  }
0x828: {  	v31 =	vld [tilespmem:s28+$0x50]  }
.Ltmp10:
0x829: {  	v28 =	vld [tilespmem:s28+$0x60];
	(pc) =	sbr.rel @p0 .LBB2_18-.Ltmp10, $4  }
0x82a: {  	v27 =	vld [tilespmem:s24+$0x140]  }
0x82b: {  	v26 =	vld [tilespmem:s28+$0x70]  }
0x82c: {  	v30 =	vld [tilespmem:s24+$0x150]  }
0x82d: {  	s22 =	sadd.s32 $0x4, s22;
	v32 =	vunpack.i.u.bf16.f32 v6;
	v33 =	vunpack.i.l.bf16.f32 v6;
	v29 =	vld [tilespmem:s24+$0x160]  }
0x82e: {  	v6 =	vld [tilespmem:s24+$0x170]  }
0x82f: {  	v34 =	vld [tilespmem:s14+$0xE0]  }
0x830: {  	v35 =	vld [tilespmem:s14+$0xF0]  }
0x831: {  	v36 =	vld [tilespmem:s28+$0xFFFFFF90]  }
0x832: {  	v37 =	vld [tilespmem:s28+$0xFFFFFFA0]  }
0x833: {  	v38 =	vld [tilespmem:s28+$0xFFFFFFB0]  }
0x834: {  	v39 =	vld [tilespmem:s28+$0xFFFFFFC0]  }
0x835: {  	v40 =	vld [tilespmem:s28+$0xFFFFFFD0]  }
0x836: {  	v41 =	vld [tilespmem:s28+$0xFFFFFFE0]  }
0x837: {  	v42 =	vld [tilespmem:s28+$0xFFFFFFF0]  }
0x838: {  	v43 =	vld [tilespmem:s28+$0x0]  }
0x839: {  	v44 =	vld [tilespmem:s28+$0x10]  }
0x83a: {  	v45 =	vld [tilespmem:s28+$0x20]  }
0x83b: {  	v46 =	vld [tilespmem:s28+$0x30]  }
0x83c: {  	v47 =	vld [tilespmem:s28+$0xFFFFFF80]  }
0x83d: {  	v48 =	vld [tilespmem:s24+$0xFFFFFE00]  }
0x83e: {  	v49 =	vld [tilespmem:s24+$0xFFFFFE10]  }
0x83f: {  	v50 =	vld [tilespmem:s24+$0xFFFFFE20]  }
0x840: {  	v51 =	vld [tilespmem:s24+$0xFFFFFE30]  }
0x841: {  	v52 =	vld [tilespmem:s24+$0xFFFFFE40]  }
0x842: {  	v53 =	vld [tilespmem:s24+$0xFFFFFE50]  }
0x843: {  	v54 =	vld [tilespmem:s24+$0xFFFFFE60]  }
0x844: {  	v55 =	vld [tilespmem:s24+$0xFFFFFE70]  }
0x845: {  	v56 =	vld [tilespmem:s24+$0xFFFFFF00]  }
0x846: {  	v57 =	vld [tilespmem:s24+$0xFFFFFF10]  }
0x847: {  	v58 =	vld [tilespmem:s24+$0xFFFFFF20]  }
0x848: {  	v59 =	vld [tilespmem:s24+$0xFFFFFF30]  }
0x849: {  	v60 =	vld [tilespmem:s24+$0xFFFFFF40]  }
0x84a: {  	v23 =	vadd.f32 v23, v33;
	v33 =	vld [tilespmem:s24+$0xFFFFFF50]  }
0x84b: {  	v61 =	vunpack.i.u.bf16.f32 v31;
	v62 =	vunpack.i.l.bf16.f32 v31;
	v31 =	vld [tilespmem:s24+$0xFFFFFF60]  }
0x84c: {  	v25 =	vadd.f32 v25, v32;
	v63 =	vunpack.i.l.bf16.f32 v28;
	v32 =	vld [tilespmem:s24+$0xFFFFFF70]  }
0x84d: {  	v22 =	vadd.f32 v22, v62;
	v24 =	vadd.f32 v24, v61;
	v16 =	vmul.f32 v23, v16;
	v23 =	vld [tilespmem:s24+$0x0]  }
0x84e: {  	v27 =	vadd.f32 v27, v63;
	v62 =	vunpack.i.l.bf16.f32 v26;
	v63 =	vunpack.i.u.bf16.f32 v26;
	v26 =	vld [tilespmem:s24+$0x40]  }
0x84f: {  	v61 =	vunpack.i.u.bf16.f32 v28;
	v18 =	vmul.f32 v25, v18;
	v17 =	vmul.f32 v22, v17;
	v22 =	vld [tilespmem:s24+$0x20]  }
0x850: {  	v28 =	vadd.f32 v30, v61;
	v20 =	vmul.f32 v24, v20;
	v24 =	vld [tilespmem:s24+$0x30]  }
0x851: {  	v19 =	vmul.f32 v27, v19;
	v27 =	vld [tilespmem:s24+$0x70];
	v61 =	vadd.f32 v29, v62;
	v16 =	vadd.f32 v18, v16  }
0x852: {  	v29 =	vld [tilespmem:s24+$0x10];
	v6 =	vadd.f32 v6, v63;
	v21 =	vmul.f32 v28, v21;
	v17 =	vadd.f32 v20, v17  }
0x853: {  	v18 =	vld [tilespmem:s24+$0x50];
	v25 =	vunpack.i.l.bf16.f32 v36;
	v28 =	vunpack.i.u.bf16.f32 v37;
	v30 =	vunpack.i.u.bf16.f32 v38  }
0x854: {  	v20 =	vld [tilespmem:s24+$0x60];
	v63 =	vunpack.i.u.bf16.f32 v47;
	v62 =	vmul.f32 v61, v34;
	v34 =	vunpack.i.l.bf16.f32 v38  }
0x855: {  	v61 =	vunpack.i.l.bf16.f32 v47;
	v47 =	vld [tilespmem:s14+$0xFFFFFF30];
	v25 =	vadd.f32 v50, v25;
	v28 =	vadd.f32 v53, v28  }
0x856: {  	v50 =	vld [tilespmem:s14+$0xFFFFFF50];
	v30 =	vadd.f32 v55, v30;
	v6 =	vmul.f32 v6, v35;
	v19 =	vadd.f32 v21, v19  }
0x857: {  	v53 =	vld [tilespmem:s14+$0xFFFFFF70];
	v21 =	vunpack.i.u.bf16.f32 v36;
	v16 =	vadd.f32 v17, v16;
	v36 =	vadd.f32 v48, v61  }
0x858: {  	v55 =	vld [tilespmem:s14+$0xFFFFFF80];
	v34 =	vadd.f32 v54, v34;
	v61 =	vunpack.i.u.bf16.f32 v42;
	v42 =	vunpack.i.l.bf16.f32 v42  }
0x859: {  	v17 =	vld [tilespmem:s14+$0xFFFFFF00];
	v21 =	vadd.f32 v51, v21;
	v31 =	vadd.f32 v31, v42  }
0x85a: {  	v35 =	vld [tilespmem:s14+$0xFFFFFF10];
	v6 =	vadd.f32 v6, v62;
	v62 =	vunpack.i.u.bf16.f32 v39;
	v39 =	vunpack.i.l.bf16.f32 v39  }
0x85b: {  	v48 =	vld [tilespmem:s14+$0xFFFFFF40];
	v32 =	vadd.f32 v32, v61;
	v39 =	vadd.f32 v56, v39  }
0x85c: {  	v51 =	vld [tilespmem:s14+$0xFFFFFFA0];
	v38 =	vadd.f32 v57, v62;
	v62 =	vunpack.i.u.bf16.f32 v43;
	v43 =	vunpack.i.l.bf16.f32 v43  }
0x85d: {  	v42 =	vld [tilespmem:s14+$0xFFFFFFB0];
	v6 =	vadd.f32 v6, v19;
	v19 =	vunpack.i.l.bf16.f32 v37;
	v23 =	vadd.f32 v23, v43  }
0x85e: {  	s21 =	sshll.u32 s21, $0x4;
	v61 =	vld [tilespmem:s14+$0xFFFFFFC0];
	v29 =	vadd.f32 v29, v62;
	v62 =	vunpack.i.u.bf16.f32 v46;
	v21 =	vmul.f32 v21, v47  }
0x85f: {  	s22 =	sadd.s32 $0x30, s21;
	v57 =	vld [tilespmem:s14+$0xFFFFFF90];
	v46 =	vunpack.i.l.bf16.f32 v46;
	v28 =	vmul.f32 v28, v50;
	v30 =	vmul.f32 v30, v53  }
0x860: {  	v56 =	vld [tilespmem:s14+$0x50];
	v50 =	vor.u32 s22, v1;
	v19 =	vadd.f32 v52, v19;
	v20 =	vadd.f32 v20, v46  }
0x861: {  	v37 =	vld [tilespmem:s14+$0xFFFFFF20];
	v17 =	vmul.f32 v36, v17;
	v27 =	vadd.f32 v27, v62;
	v6 =	vadd.f32 v6, v16  }
0x862: {  	v53 =	vld [tilespmem:s14+$0x40];
	v16 =	vadd.f32 v49, v63;
	v49 =	vunpack.i.u.bf16.f32 v40;
	v40 =	vunpack.i.l.bf16.f32 v40  }
0x863: {  	v52 =	vld [tilespmem:s14+$0xFFFFFF60];
	v63 =	vunpack.i.u.bf16.f32 v41;
	v41 =	vunpack.i.l.bf16.f32 v41;
	v40 =	vadd.f32 v58, v40  }
0x864: {  	v36 =	vld [tilespmem:s14+$0x0];
	v54 =	vmul.f32 v39, v55;
	v49 =	vadd.f32 v59, v49;
	v41 =	vadd.f32 v60, v41  }
0x865: {  	v62 =	vld [tilespmem:s14+$0x70];
	v33 =	vadd.f32 v33, v63;
	v63 =	vunpack.i.u.bf16.f32 v44;
	v44 =	vunpack.i.l.bf16.f32 v44  }
0x866: {  	v60 =	vunpack.i.u.bf16.f32 v45;
	v45 =	vunpack.i.l.bf16.f32 v45;
	v58 =	vld [tilespmem:s14+$0xFFFFFFE0];
	v19 =	vmul.f32 v19, v48  }
0x867: {  	v48 =	vld [tilespmem:s14+$0x30];
	v22 =	vadd.f32 v22, v44;
	v24 =	vadd.f32 v24, v63;
	v16 =	vmul.f32 v16, v35  }
0x868: {  	v44 =	vld [tilespmem:s14+$0xFFFFFFD0];
	v26 =	vadd.f32 v26, v45;
	v55 =	vmul.f32 v38, v57;
	v25 =	vmul.f32 v25, v37  }
0x869: {  	v35 =	vld [tilespmem:s14+$0xFFFFFFF0];
	v18 =	vadd.f32 v18, v60;
	v57 =	vmul.f32 v40, v51;
	v59 =	vmul.f32 v49, v42  }
0x86a: {  	v63 =	vld [tilespmem:s14+$0x20];
	v19 =	vadd.f32 v28, v19;
	v61 =	vmul.f32 v41, v61;
	v34 =	vmul.f32 v34, v52  }
0x86b: {  	v60 =	vld [tilespmem:s14+$0x60];
	v16 =	vadd.f32 v16, v17;
	v17 =	vadd.f32 v55, v54;
	v23 =	vmul.f32 v23, v36  }
0x86c: {  	v37 =	vld [tilespmem:s14+$0x10];
	v18 =	vmul.f32 v18, v56;
	v27 =	vmul.f32 v27, v62;
	v47 =	vadd.f32 v21, v25  }
0x86d: {  	v28 =	vadd.f32 v59, v57;
	v31 =	vmul.f32 v31, v58;
	v21 =	vmul.f32 v24, v48  }
0x86e: {  	v52 =	vadd.f32 v30, v34;
	v33 =	vmul.f32 v33, v44;
	v32 =	vmul.f32 v32, v35  }
0x86f: {  	v16 =	vadd.f32 v47, v16;
	v22 =	vmul.f32 v22, v63;
	v63 =	vmul.f32 v26, v53  }
0x870: {  	v20 =	vmul.f32 v20, v60;
	v33 =	vadd.f32 v33, v61;
	v31 =	vadd.f32 v32, v31  }
0x871: {  	v19 =	vadd.f32 v52, v19;
	v29 =	vmul.f32 v29, v37;
	v21 =	vadd.f32 v21, v22  }
0x872: {  	s1 =	sadd.s32 $0x40, s26;
	v18 =	vadd.f32 v18, v63;
	v32 =	vadd.f32 v31, v33;
	v33 =	vor.u32 s21, v1  }
0x873: {  	s2 =	sadd.s32 $0x10, s21;
	[tilespmem:s1+$0x10] =	vst v6;
	v20 =	vadd.f32 v27, v20;
	v23 =	vadd.f32 v29, v23  }
0x874: {  	s4 =	sadd.s32 $0x20, s21;
	v34 =	vor.u32 s2, v1;
	v17 =	vadd.f32 v28, v17;
	v35 =	vld.idx.msk [tilespmem:v50+s0+$0x0], $0xffff;
	v16 =	vadd.f32 v19, v16  }
0x875: {  	v36 =	vor.u32 s4, v1;
	v18 =	vadd.f32 v20, v18;
	v21 =	vadd.f32 v21, v23  }
0x876: {  	[tilespmem:s1+$0xFFFFFFE0] =	vst v16;
	v17 =	vadd.f32 v32, v17  }
0x877: {  	v37 =	vor.u32 s22, v3;
	v18 =	vadd.f32 v18, v21;
	v38 =	vld.idx.msk [tilespmem:v33+s0+$0x0], $0xffff  }
0x878: {  	[tilespmem:s1+$0xFFFFFFF0] =	vst v17  }
0x879: {  	v6 =	vadd.f32 v6, v35;
	v39 =	vld.idx.msk [tilespmem:v34+s0+$0x0], $0xffff;
	[tilespmem:s1+$0x0] =	vst v18  }
0x87a: {  	v40 =	vor.u32 s21, v3;
	v19 =	vld.idx.msk [tilespmem:v36+s0+$0x0], $0xffff  }
0x87b: {  	[tilespmem:s1+$0x10] =	vst v6  }
0x87c: {  	v41 =	vor.u32 s2, v3;
	v20 =	vld.idx.msk [tilespmem:v37+s0+$0x0], $0xffff;
	v16 =	vadd.f32 v16, v38  }
0x87d: {  	v42 =	vor.u32 s4, v3  }
0x87e: {  	v17 =	vadd.f32 v17, v39;
	[tilespmem:s1+$0xFFFFFFE0] =	vst v16  }
0x87f: {  	v43 =	vor.u32 s22, v4;
	v18 =	vadd.f32 v18, v19;
	v22 =	vld.idx.msk [tilespmem:v40+s0+$0x0], $0xffff  }
0x880: {  	[tilespmem:s1+$0xFFFFFFF0] =	vst v17  }
0x881: {  	v6 =	vadd.f32 v6, v20;
	v44 =	vld.idx.msk [tilespmem:v41+s0+$0x0], $0xffff;
	[tilespmem:s1+$0x0] =	vst v18  }
0x882: {  	v45 =	vor.u32 s21, v4;
	v23 =	vld.idx.msk [tilespmem:v42+s0+$0x0], $0xffff  }
0x883: {  	[tilespmem:s1+$0x10] =	vst v6  }
0x884: {  	v46 =	vor.u32 s2, v4;
	v21 =	vld.idx.msk [tilespmem:v43+s0+$0x0], $0xffff;
	v16 =	vadd.f32 v16, v22  }
0x885: {  	v47 =	vor.u32 s4, v4  }
0x886: {  	v17 =	vadd.f32 v17, v44;
	[tilespmem:s1+$0xFFFFFFE0] =	vst v16  }
0x887: {  	v48 =	vor.u32 s22, v2;
	v18 =	vadd.f32 v18, v23;
	v20 =	vld.idx.msk [tilespmem:v45+s0+$0x0], $0xffff  }
0x888: {  	[tilespmem:s1+$0xFFFFFFF0] =	vst v17  }
0x889: {  	v6 =	vadd.f32 v6, v21;
	v49 =	vld.idx.msk [tilespmem:v46+s0+$0x0], $0xffff;
	[tilespmem:s1+$0x0] =	vst v18  }
0x88a: {  	v50 =	vor.u32 s21, v2;
	v22 =	vld.idx.msk [tilespmem:v47+s0+$0x0], $0xffff  }
0x88b: {  	[tilespmem:s1+$0x10] =	vst v6  }
0x88c: {  	v51 =	vor.u32 s2, v2;
	v19 =	vld.idx.msk [tilespmem:v48+s0+$0x0], $0xffff;
	v16 =	vadd.f32 v16, v20  }
0x88d: {  	v52 =	vor.u32 s4, v2  }
0x88e: {  	v17 =	vadd.f32 v17, v49;
	[tilespmem:s1+$0xFFFFFFE0] =	vst v16  }
0x88f: {  	v18 =	vadd.f32 v18, v22;
	v21 =	vld.idx.msk [tilespmem:v50+s0+$0x0], $0xffff  }
0x890: {  	[tilespmem:s1+$0xFFFFFFF0] =	vst v17  }
0x891: {  	v6 =	vadd.f32 v19, v6;
	v53 =	vld.idx.msk [tilespmem:v51+s0+$0x0], $0xffff;
	[tilespmem:s1+$0x0] =	vst v18  }
0x892: {  	v54 =	vld.idx.msk [tilespmem:v52+s0+$0x0], $0xffff  }
0x893: {  	v6 =	vmul.f32 $8.838834610e-02, v6  }
0x894: {  	v16 =	vadd.f32 v21, v16  }
0x895: {  	v6 =	vmul.f32 $1.442695020e+00, v6  }
0x896: {  	v17 =	vadd.f32 v53, v17;
	v16 =	vmul.f32 $8.838834610e-02, v16  }
0x897: {  	(erf) = vpow2.f32 v6;
	v55 =	vadd.f32 v54, v18  }
0x898: {  	v6 =	vmul.f32 $8.838834610e-02, v17;
	v16 =	vmul.f32 $1.442695020e+00, v16  }
0x899: {  	v56 =	vld [tilespmem:s28+$0x40];
	v17 =	vmul.f32 $8.838834610e-02, v55  }
0x89a: {  	v57 =	vld [tilespmem:s24+$0x180];
	v6 =	vmul.f32 $1.442695020e+00, v6;
	(erf) = vpow2.f32 v16;
	_ =	sdelay $0x1  }
0x89b: {  	v58 =	vld [tilespmem:s28+$0xFFFFFF80];
	(erf) = vpow2.f32 v6;
	v6 =	vmul.f32 $1.442695020e+00, v17  }
0x89c: {  	v60 =	vld [tilespmem:s24+$0xFFFFFE80]  }
0x89d: {  	v59 =	vld [tilespmem:s28+$0xFFFFFFC0];
	(erf) = vpow2.f32 v6;
	v6 =	vunpack.i.l.bf16.f32 v56  }
0x89e: {  	v61 =	vld [tilespmem:s24+$0xFFFFFF80];
	v6 =	vadd.f32 v57, v6  }
0x89f: {  	v62 =	vld [tilespmem:s28+$0x0];
	v19 =	vpop (erf)  }
0x8a0: {  	v63 =	vld [tilespmem:s24+$0x80];
	v28 =	vunpack.i.l.bf16.f32 v58;
	v6 =	vmul.f32 v6, v19  }
0x8a1: {  	s12 =	sadd.s32 $0x240, s12;
	v24 =	vadd.f32 v60, v28  }
0x8a2: {  	v29 =	vunpack.i.l.bf16.f32 v59;
	[tilespmem:s12+$0x90] =	vst v6;
	v16 =	vpop (erf)  }
0x8a3: {  	v6 =	vadd.f32 v61, v29;
	v30 =	vld [tilespmem:s24+$0x190];
	v24 =	vmul.f32 v24, v16  }
0x8a4: {  	v31 =	vunpack.i.l.bf16.f32 v62;
	v17 =	vpop (erf)  }
0x8a5: {  	v32 =	vld [tilespmem:s15+$0xFFFFFFA0];
	v26 =	vadd.f32 v63, v31;
	v6 =	vmul.f32 v6, v17;
	[tilespmem:s12+$0xFFFFFEE0] =	vst v24  }
0x8a6: {  	v18 =	vpop (erf);
	v24 =	vld [tilespmem:s24+$0xFFFFFE90]  }
0x8a7: {  	v20 =	vunpack.i.u.bf16.f32 v56;
	[tilespmem:s12+$0xFFFFFF70] =	vst v6;
	v6 =	vmul.f32 v26, v18  }
0x8a8: {  	v33 =	vld [tilespmem:s24+$0xFFFFFF90];
	v20 =	vadd.f32 v30, v20  }
0x8a9: {  	v35 =	vld [tilespmem:s15+$0xA0];
	[tilespmem:s12+$0x0] =	vst v6  }
0x8aa: {  	v15 =	vadd.f32 v32, v15;
	v21 =	vunpack.i.u.bf16.f32 v58;
	v6 =	vld [tilespmem:s24+$0x90];
	v20 =	vmul.f32 v20, v19  }
0x8ab: {  	v34 =	vld [tilespmem:s20+$0x10];
	v21 =	vadd.f32 v24, v21  }
0x8ac: {  	v36 =	vld [tilespmem:s15+$0xFFFFFEB0];
	v15 =	vmul.f32 v15, v7;
	v22 =	vunpack.i.u.bf16.f32 v59;
	[tilespmem:s12+$0xA0] =	vst v20  }
0x8ad: {  	v37 =	vadd.f32 v33, v22;
	v38 =	vld [tilespmem:s28+$0x50];
	v21 =	vmul.f32 v21, v16  }
0x8ae: {  	[tilespmem:s25+$0xFFFFFF90] =	vst v15;
	v23 =	vunpack.i.u.bf16.f32 v62;
	v39 =	vld [tilespmem:s24+$0x1A0]  }
0x8af: {  	v41 =	vld [tilespmem:s15+$0xFFFFFFB0];
	v40 =	vmul.f32 v37, v17;
	v6 =	vadd.f32 v6, v23;
	[tilespmem:s12+$0xFFFFFEF0] =	vst v21  }
0x8b0: {  	v42 =	vunpack.i.l.bf16.f32 v34;
	v43 =	vld [tilespmem:s28+$0xFFFFFF90]  }
0x8b1: {  	v44 =	vadd.f32 v35, v42;
	[tilespmem:s12+$0xFFFFFF80] =	vst v40;
	v6 =	vmul.f32 v6, v18;
	v47 =	vld [tilespmem:s24+$0xFFFFFEA0]  }
0x8b2: {  	v14 =	vadd.f32 v36, v14;
	v45 =	vld [tilespmem:s28+$0xFFFFFFD0];
	v46 =	vunpack.i.l.bf16.f32 v38  }
0x8b3: {  	v50 =	vld [tilespmem:s24+$0xFFFFFFA0];
	[tilespmem:s12+$0x10] =	vst v6;
	v6 =	vmul.f32 v44, v8;
	v48 =	vadd.f32 v39, v46  }
0x8b4: {  	v14 =	vmul.f32 v14, v9;
	v49 =	vld [tilespmem:s28+$0x10]  }
0x8b5: {  	v13 =	vadd.f32 v41, v13;
	v51 =	vld [tilespmem:s24+$0xA0];
	[tilespmem:s25+$0x20] =	vst v6;
	v6 =	vmul.f32 v48, v19  }
0x8b6: {  	[tilespmem:s25+$0xFFFFFF10] =	vst v14;
	v52 =	vld [tilespmem:s15+$0xB0];
	v53 =	vunpack.i.l.bf16.f32 v43  }
0x8b7: {  	v58 =	vld [tilespmem:s15+$0xFFFFFEC0];
	[tilespmem:s12+$0xB0] =	vst v6;
	v6 =	vmul.f32 v13, v7;
	v55 =	vadd.f32 v47, v53  }
0x8b8: {  	v57 =	vunpack.i.l.bf16.f32 v45;
	v56 =	vld [tilespmem:s24+$0x1B0]  }
0x8b9: {  	v54 =	vld [tilespmem:s20+$0xFFFFFFA0];
	v26 =	vadd.f32 v50, v57;
	[tilespmem:s25+$0xFFFFFFA0] =	vst v6;
	v6 =	vmul.f32 v55, v16;
	v59 =	vunpack.i.l.bf16.f32 v49  }
0x8ba: {  	v25 =	vunpack.i.u.bf16.f32 v34;
	v60 =	vld [tilespmem:s20+$0xFFFFFFE0];
	v13 =	vadd.f32 v51, v59  }
0x8bb: {  	v61 =	vld [tilespmem:s15+$0xFFFFFFC0];
	v14 =	vadd.f32 v52, v25;
	[tilespmem:s12+$0xFFFFFF00] =	vst v6;
	v6 =	vmul.f32 v26, v17  }
0x8bc: {  	v22 =	vunpack.i.u.bf16.f32 v38;
	v62 =	vld [tilespmem:s24+$0xFFFFFEB0];
	v13 =	vmul.f32 v13, v18  }
0x8bd: {  	v14 =	vmul.f32 v14, v8;
	v20 =	vadd.f32 v56, v22;
	[tilespmem:s12+$0xFFFFFF90] =	vst v6  }
0x8be: {  	v6 =	vunpack.i.l.bf16.f32 v54;
	v63 =	vld [tilespmem:s24+$0xFFFFFFB0];
	[tilespmem:s12+$0x20] =	vst v13  }
0x8bf: {  	v6 =	vadd.f32 v58, v6;
	[tilespmem:s25+$0x30] =	vst v14;
	v30 =	vmul.f32 v20, v19;
	v31 =	vunpack.i.l.bf16.f32 v60;
	v32 =	vld [tilespmem:s24+$0xB0]  }
0x8c0: {  	v34 =	vunpack.i.u.bf16.f32 v43;
	v33 =	vld [tilespmem:s20+$0x20];
	v14 =	vadd.f32 v61, v31  }
0x8c1: {  	v6 =	vmul.f32 v6, v9;
	v35 =	vld [tilespmem:s15+$0xC0];
	[tilespmem:s12+$0xC0] =	vst v30;
	v36 =	vadd.f32 v62, v34  }
0x8c2: {  	v21 =	vunpack.i.u.bf16.f32 v45;
	v37 =	vld [tilespmem:s28+$0x60];
	v14 =	vmul.f32 v14, v7  }
0x8c3: {  	[tilespmem:s25+$0xFFFFFF20] =	vst v6;
	v6 =	vld [tilespmem:s24+$0x1C0];
	v13 =	vmul.f32 v36, v16;
	v21 =	vadd.f32 v63, v21  }
0x8c4: {  	v24 =	vunpack.i.u.bf16.f32 v49;
	v38 =	vld [tilespmem:s15+$0xFFFFFED0];
	[tilespmem:s25+$0xFFFFFFB0] =	vst v14  }
0x8c5: {  	v39 =	vadd.f32 v32, v24;
	v40 =	vld [tilespmem:s15+$0xFFFFFFD0];
	[tilespmem:s12+$0xFFFFFF10] =	vst v13;
	v41 =	vmul.f32 v21, v17  }
0x8c6: {  	v42 =	vunpack.i.l.bf16.f32 v33;
	v43 =	vld [tilespmem:s28+$0xFFFFFFA0]  }
0x8c7: {  	v14 =	vmul.f32 v39, v18;
	v21 =	vadd.f32 v35, v42;
	v45 =	vld [tilespmem:s24+$0xFFFFFEC0];
	v44 =	vunpack.i.l.bf16.f32 v37;
	[tilespmem:s12+$0xFFFFFFA0] =	vst v41  }
0x8c8: {  	v6 =	vadd.f32 v6, v44;
	v13 =	vld [tilespmem:s28+$0xFFFFFFE0]  }
0x8c9: {  	[tilespmem:s12+$0x30] =	vst v14;
	v46 =	vmul.f32 v21, v8;
	v49 =	vld [tilespmem:s24+$0xFFFFFFC0]  }
0x8ca: {  	v48 =	vunpack.i.u.bf16.f32 v54;
	v47 =	vld [tilespmem:s28+$0x20];
	v6 =	vmul.f32 v6, v19  }
0x8cb: {  	v22 =	vadd.f32 v38, v48;
	v50 =	vld [tilespmem:s24+$0xC0];
	[tilespmem:s25+$0x40] =	vst v46  }
0x8cc: {  	v51 =	vunpack.i.l.bf16.f32 v43;
	[tilespmem:s12+$0xD0] =	vst v6;
	v6 =	vld [tilespmem:s15+$0xD0]  }
0x8cd: {  	v27 =	vunpack.i.u.bf16.f32 v60;
	v22 =	vmul.f32 v22, v9;
	v23 =	vadd.f32 v45, v51  }
0x8ce: {  	v20 =	vadd.f32 v40, v27;
	v52 =	vld [tilespmem:s24+$0x1D0];
	v53 =	vunpack.i.l.bf16.f32 v13  }
0x8cf: {  	[tilespmem:s25+$0xFFFFFF30] =	vst v22;
	v54 =	vmul.f32 v23, v16;
	v55 =	vunpack.i.l.bf16.f32 v47;
	v25 =	vadd.f32 v49, v53  }
0x8d0: {  	v26 =	vunpack.i.u.bf16.f32 v33;
	v20 =	vmul.f32 v20, v7;
	v56 =	vld [tilespmem:s20+$0xFFFFFFB0];
	v14 =	vadd.f32 v50, v55  }
0x8d1: {  	v57 =	vld [tilespmem:s15+$0xFFFFFEE0];
	[tilespmem:s12+$0xFFFFFF20] =	vst v54;
	v58 =	vmul.f32 v25, v17;
	v6 =	vadd.f32 v6, v26  }
0x8d2: {  	v15 =	vunpack.i.u.bf16.f32 v37;
	[tilespmem:s25+$0xFFFFFFC0] =	vst v20;
	v59 =	vld [tilespmem:s24+$0xFFFFFED0];
	v14 =	vmul.f32 v14, v18  }
0x8d3: {  	v60 =	vld [tilespmem:s20+$0xFFFFFFF0];
	v15 =	vadd.f32 v52, v15;
	[tilespmem:s12+$0xFFFFFFB0] =	vst v58;
	v6 =	vmul.f32 v6, v8  }
0x8d4: {  	[tilespmem:s12+$0x40] =	vst v14;
	v61 =	vld [tilespmem:s24+$0xFFFFFFD0]  }
0x8d5: {  	v34 =	vld [tilespmem:s15+$0xFFFFFFE0];
	v15 =	vmul.f32 v15, v19;
	[tilespmem:s25+$0x50] =	vst v6;
	v6 =	vunpack.i.l.bf16.f32 v56  }
0x8d6: {  	v31 =	vunpack.i.u.bf16.f32 v43;
	v62 =	vld [tilespmem:s24+$0xD0];
	v6 =	vadd.f32 v57, v6  }
0x8d7: {  	[tilespmem:s12+$0xE0] =	vst v15;
	v63 =	vld [tilespmem:s20+$0x30];
	v20 =	vadd.f32 v59, v31  }
0x8d8: {  	v13 =	vunpack.i.u.bf16.f32 v13;
	v32 =	vld [tilespmem:s28+$0x70];
	v6 =	vmul.f32 v6, v9  }
0x8d9: {  	v33 =	vld [tilespmem:s24+$0x1E0];
	v20 =	vmul.f32 v20, v16;
	v13 =	vadd.f32 v61, v13  }
0x8da: {  	v21 =	vunpack.i.u.bf16.f32 v47;
	v35 =	vld [tilespmem:s15+$0xE0];
	[tilespmem:s25+$0xFFFFFF40] =	vst v6  }
0x8db: {  	v6 =	vadd.f32 v62, v21;
	[tilespmem:s12+$0xFFFFFF30] =	vst v20;
	v13 =	vmul.f32 v13, v17;
	v36 =	vld [tilespmem:s15+$0xFFFFFEF0]  }
0x8dc: {  	v20 =	vld [tilespmem:s28+$0xFFFFFFB0]  }
0x8dd: {  	v38 =	vld [tilespmem:s24+$0xFFFFFEE0];
	v6 =	vmul.f32 v6, v18;
	v37 =	vunpack.i.l.bf16.f32 v32;
	[tilespmem:s12+$0xFFFFFFC0] =	vst v13  }
0x8de: {  	v39 =	vunpack.i.l.bf16.f32 v60;
	v22 =	vadd.f32 v33, v37;
	v40 =	vld [tilespmem:s28+$0xFFFFFFF0]  }
0x8df: {  	v13 =	vadd.f32 v34, v39;
	v42 =	vld [tilespmem:s24+$0xFFFFFFE0];
	[tilespmem:s12+$0x50] =	vst v6;
	v6 =	vunpack.i.l.bf16.f32 v63  }
0x8e0: {  	v41 =	vld [tilespmem:s28+$0x30];
	v22 =	vmul.f32 v22, v19;
	v6 =	vadd.f32 v35, v6  }
0x8e1: {  	[tilespmem:s25+$0xFFFFFF60] =	vst v12;
	v43 =	vmul.f32 v13, v7;
	v44 =	vld [tilespmem:s24+$0xE0]  }
0x8e2: {  	v27 =	vunpack.i.u.bf16.f32 v56;
	[tilespmem:s12+$0xF0] =	vst v22;
	v6 =	vmul.f32 v6, v8  }
0x8e3: {  	v21 =	vadd.f32 v36, v27;
	v45 =	vunpack.i.l.bf16.f32 v20;
	[tilespmem:s25+$0xFFFFFFD0] =	vst v43;
	v46 =	vld [tilespmem:s24+$0x1F0]  }
0x8e4: {  	v56 =	vmul.f32 v5, v19;
	v47 =	vadd.f32 v38, v45;
	v49 =	vld [tilespmem:s15+$0xFFFFFFF0];
	[tilespmem:s25+$0x60] =	vst v6;
	v6 =	vunpack.i.l.bf16.f32 v40  }
0x8e5: {  	[tilespmem:s25+$0xFFFFFFF0] =	vst v11;
	v48 =	vmul.f32 v21, v9;
	v50 =	vld [tilespmem:s15+$0xF0];
	v51 =	vunpack.i.l.bf16.f32 v41;
	v6 =	vadd.f32 v42, v6  }
0x8e6: {  	[tilespmem:s12+$0x110] =	vst v56;
	v12 =	vmul.f32 v47, v16;
	v52 =	vadd.f32 v44, v51  }
0x8e7: {  	v53 =	vunpack.i.u.bf16.f32 v32;
	[tilespmem:s25+$0xFFFFFF50] =	vst v48;
	v6 =	vmul.f32 v6, v17  }
0x8e8: {  	v54 =	vunpack.i.u.bf16.f32 v60;
	[tilespmem:s12+$0xFFFFFF40] =	vst v12;
	v13 =	vadd.f32 v46, v53;
	v9 =	vmul.f32 v52, v18  }
0x8e9: {  	v15 =	vunpack.i.u.bf16.f32 v63;
	v55 =	vld [tilespmem:s24+$0xFFFFFEF0];
	v12 =	vadd.f32 v49, v54;
	[tilespmem:s12+$0xFFFFFFD0] =	vst v6  }
0x8ea: {  	v6 =	vmul.f32 v13, v19;
	v11 =	vadd.f32 v50, v15;
	v57 =	vld [tilespmem:s24+$0xFFFFFFF0];
	[tilespmem:s12+$0x60] =	vst v9  }
0x8eb: {  	[tilespmem:s25+$0x80] =	vst v10;
	v7 =	vmul.f32 v12, v7;
	v9 =	vld [tilespmem:s24+$0xF0]  }
0x8ec: {  	[tilespmem:s12+$0x100] =	vst v6;
	v6 =	vmul.f32 v11, v8  }
0x8ed: {  	v59 =	vmul.f32 v5, v16;
	v58 =	vunpack.i.u.bf16.f32 v20;
	[tilespmem:s25+$0xFFFFFFE0] =	vst v7  }
0x8ee: {  	v60 =	vmul.f32 v5, v17;
	v7 =	vadd.f32 v55, v58;
	[tilespmem:s25+$0x70] =	vst v6;
	v6 =	vunpack.i.u.bf16.f32 v40  }
0x8ef: {  	v62 =	vmul.f32 v5, v18;
	v61 =	vunpack.i.u.bf16.f32 v41;
	[tilespmem:s12+$0xFFFFFF60] =	vst v59;
	v6 =	vadd.f32 v57, v6  }
0x8f0: {  	[tilespmem:s12+$0xFFFFFFF0] =	vst v60;
	v7 =	vmul.f32 v7, v16;
	v63 =	vadd.f32 v9, v61  }
0x8f1: {  	[tilespmem:s12+$0x80] =	vst v62;
	v6 =	vmul.f32 v6, v17  }
0x8f2: {  	[tilespmem:s12+$0xFFFFFF50] =	vst v7;
	v7 =	vmul.f32 v63, v18  }
0x8f3: {  	[tilespmem:s12+$0xFFFFFFE0] =	vst v6  }
0x8f4: {  	[tilespmem:s12+$0x70] =	vst v7  }
0x8f5: {  	v6 =	vld [tilespmem:$0x1FFF0];
	_ =	sdelay $0x6  }
0x8f6: {  	s26 =	simm.s32 $0x63A0;
	s25 =	rddreg [dreg:$0x2]  }
0x8f7: {  	[spmem:s25] =	stream.indirect_vreg.scatter.add.f32 [tilespmem:s26], [sflag:$0x4], $0x90, v6, vm0, $0xb8;
	[tilespmem:$0x1EC20] =	vst v63  }
0x8f8: {  	_ =	swait.ge [sflag:s29], $0x900  }
0x8f9: {  	[sflag:s29] =	ssyncset.done $0x0  }
0x8fa: {  	s28 =	simm.s32 $0x5;
	[sflag:s29] =	ssyncadd.s32 $0xFFFFF700  }
0x8fb: {  	_ =	swait.ge [sflag:s28], $0x900  }
0x8fc: {  	[sflag:s28] =	ssyncset.done $0x0  }
0x8fd: {  	s29 =	simm.s32 $0x6;
	[sflag:s28] =	ssyncadd.s32 $0xFFFFF700  }
0x8fe: {  	_ =	swait.ge [sflag:s29], $0x900  }
0x8ff: {  	[sflag:s29] =	ssyncset.done $0x0  }
0x900: {  	[sflag:s29] =	ssyncadd.s32 $0xFFFFF700  }
0x901: {  	[bflag:$0x0] =	sbarrier.arrive $0xFFFF  }
0x902: {  	[tilespmem:s18], [sflag:$0x7] =	stream.linear.gather [spmem:s16], $0x480, $0x38;
	[tilespmem:$0x1EC20] =	vst v63  }
0x903: {  	_ =	swait.ge [sflag:s19], $0x480  }
0x904: {  	[sflag:s19] =	ssyncset.done $0x0  }
0x905: {  	s30 =	sadd.s32 $0x0, s17;
	[sflag:s19] =	ssyncadd.s32 $0xFFFFFB80  }
0x906: {  	[hbm4b:s30+s3] =	stream.linear.scatter [tilespmem:s18], [sflag:$0x7], $0x480, $0x38;
	[tilespmem:$0x1EC20] =	vst v63  }
0x907: {  	_ =	swait.ge [sflag:s19], $0x480  }
0x908: {  	s2 =	smov.u32 s16;
	s1 =	simm.s32 $0x90;
	[sflag:s19] =	ssyncset.done $0x0  }
.LBB2_20:
0x909: {  	p0 =	sne.s32 s1, $0x2C70;
	[sflag:s19] =	ssyncadd.s32 $0xFFFFFB80;
	s2 =	sadd.s32 $0x480, s2  }
0x90a: {  	[tilespmem:s18], [sflag:$0x7] =	stream.linear.gather [spmem:s2], $0x480, $0x38;
	[tilespmem:$0x1EC20] =	vst v63  }
0x90b: {  	s4 =	smov.u32 s1;
	s1 =	sadd.s32 $0x90, s1;
	_ =	swait.ge [sflag:s19], $0x480  }
.Ltmp11:
0x90c: {  	[sflag:s19] =	ssyncset.done $0x0;
	(pc) =	sbr.rel @p0 .LBB2_20-.Ltmp11, $4  }
0x90d: {  	s4 =	sadd.s32 s4, s17;
	[sflag:s19] =	ssyncadd.s32 $0xFFFFFB80  }
0x90e: {  	[hbm4b:s4+s3] =	stream.linear.scatter [tilespmem:s18], [sflag:$0x7], $0x480, $0x38;
	[tilespmem:$0x1EC20] =	vst v63  }
0x90f: {  	_ =	swait.ge [sflag:s19], $0x480  }
0x910: {  	[sflag:s19] =	ssyncset.done $0x0  }
0x911: {  	s2 =	rddreg [dreg:$0x9]  }
0x912: {  	s1 =	rddreg [dreg:$0x8];
	s2 =	sadd.s32 $0x1, s2  }
0x913: {  	p0 =	sne.s32 s2, s1  }
.Ltmp12:
0x914: {  	_ = 	snop;
	(pc) =	sbr.rel @p0 .LBB2_1-.Ltmp12, $2  }
0x915: {  	_ =	sdelay $0x2  }
0x916: {  	[sflag:s19] =	ssyncadd.s32 $0xFFFFFB80  }
0x917: {  	_ =	sfence.sel $0x180000  }
0x918: {  	[bflag:$0x0] =	sbarrier.arrive $0xFFFF  }
0x919: {  	_ =	strace $0x9000004A  }
0x91a: {  	s0 =	stileid.u32;
	[bflag:$0x2] =	sbarrier.arrive $0xFFFF  }
0x91b: {  	p0 =	sne.s32 s0, $0x0;
	s0 =	rddreg [dreg:$0x3]  }
0x91c: {  	s0 =	sadd.s32 @!p0 $0x100000, s0  }
0x91d: {  	[sflag:s0] =	ssyncadd.tile.s32 @!p0 $0x1;
	_ =	shalt  }
.Lfunc_end2:
_tile_overlayer_lowered:
.L_overlay_start_2:
0x91e: {  	(tag) =	ssettag $0x2  }
0x91f: {  	s0 =	rddreg [dreg:$0x0];
	s2 =	stileid.u32  }
0x920: {  	s1 =	rddreg [dreg:$0x1];
	p0 =	sne.s32 s2, $0x0  }
0x921: {  	s3 =	rddreg [dreg:$0x2];
	[bflag:$0x3] =	sbarrier.arrive $0xFFFF;
	s2 =	simm.s32 @!p0 $0x1C07  }
0x922: {  	[timem:s3], [sflag:s2] =	dma.local @!p0 [hbm:s0], s1  }
0x923: {  	s0 =	simm.s32 @!p0 $0x7  }
0x924: {  	_ =	swait.ge @!p0 [sflag:s0], s1  }
0x925: {  	s1 =	ssub.s32 @!p0 $0x0, s1;
	[sflag:s0] =	ssyncset.done @!p0 $0x0  }
0x926: {  	[sflag:s0] =	ssyncadd.s32 @!p0 s1  }
0x927: {  	[bflag:$0x3] =	sbarrier.arrive $0xFFFF  }
0x928: {  	_ =	shalt  }

// kernel: sparse-core-data-format-call.cloned.1.call-start
scs
called_computation_lowered:
.L_overlay_start_0:
0x0: {  	s1 =	sld [smem:$0x3FD9]  }
0x1: {  	s2 =	sld [smem:$0x3FFE];
	_ =	sdelay $0x1  }
0x2: {  	s3 =	srdreg.scid  }
0x3: {  	s0 =	sand.u32 $0x1, s3  }
0x4: {  	s17 =	sshll.u32 s0, $0xA;
	s1 =	sadd.s32 s2, s1  }
0x5: {  	s1 =	sadd.s32 s1, s17  }
0x6: {  	[smem:$0x3FBC] =	sst s1  }
0x7: {  	_ = 	snop  }
0x8: {  	(tm) =	ssettm $0x1  }
0x9: {  	s18 =	sld [smem:$0x3FFB];
	_ =	sdelay $0x3  }
0xa: {  	_ =	strace s18  }
0xb: {  	s1 =	sld [smem:$0x3FFC];
	_ =	sdelay $0x3  }
0xc: {  	_ =	strace s1  }
0xd: {  	s1 =	sld [smem:$0x3FFD];
	_ =	sdelay $0x3  }
0xe: {  	_ =	strace s1  }
0xf: {  	_ =	strace $0x8FFFFFFF  }
0x10: {  	s19 =	sld [smem:$0x3FDB];
	_ =	sdelay $0x1  }
0x11: {  	s20 =	simm.s32 $_scs_section_size  }
0x12: {  	s4 =	simm.s32 $_size__tile_overlayer_lowered;
	s5 =	simm.s32 $_tile_overlayer_lowered  }
0x13: {  	s23 =	simm.s32 $0x1BFF;
	s22 =	sshll.u32 s5, $0x1;
	s1 =	sadd.s32 s20, s19  }
0x14: {  	s6 =	simm.s32 $0x0;
	s21 =	sshll.u32 s4, $0x1;
	s4 =	sadd.s32 s22, s1  }
0x15: {  	[timem:s6], [sflag:s23] =	dma.local [hbm:s4], s21  }
0x16: {  	_ =	swait.ge [sflag:s23], s21  }
0x17: {  	s2 =	ssub.s32 $0x0, s21;
	[sflag:s23] =	ssyncset.done $0x0  }
0x18: {  	[sflag:s23] =	ssyncadd.s32 s2;
	_ =	sdelay $0x1  }
0x19: {  	s24 =	simm.s32 $0x1B8B  }
0x1a: {  	_ =	swait.ge [sflag:s24], $0x1  }
0x1b: {  	[sflag:s24] =	ssyncset.done $0x0  }
0x1c: {  	s26 =	simm.s32 $0x1B8E;
	s25 =	sld [smem:$0x3FFE];
	[sflag:s24] =	ssyncadd.s32 $0xFFFFFFFF  }
0x1d: {  	s27 =	simm.s32 $execute0_lowered;
	[smem:$0x3FD2] =	sst s26  }
0x1e: {  	s4 =	sshll.u32 s27, $0x1;
	_ =	strace $0x80000046;
	[dreg:$0x1] =	wrdreg $0xFFFFFFFF  }
0x1f: {  	s28 =	simm.s32 $_size_execute0_lowered;
	s1 =	sadd.s32 s1, s4;
	[dreg:$0x0] =	wrdreg $0x0  }
0x20: {  	s4 =	sshll.u32 s28, $0x1;
	[dreg:$0x2] =	wrdreg s1  }
0x21: {  	[dreg:$0x3] =	wrdreg s4  }
0x22: {  	[dreg:$0x4] =	wrdreg $0xC0  }
0x23: {  	_ =	task [dreg:s6], $0x5FFFF  }
0x24: {  	[dreg:$0x1] =	wrdreg $0xFFFFFFFF  }
0x25: {  	[dreg:$0x0] =	wrdreg $0x60  }
0x26: {  	[dreg:$0x2] =	wrdreg s25  }
0x27: {  	[dreg:$0x3] =	wrdreg $0x9  }
0x28: {  	_ =	task.clear_ibuf [dreg:s6], $0x4FFFF;
	_ =	strace $0x90000046  }
0x29: {  	s29 =	simm.s32 $0x9;
	_ =	strace $0x80000048  }
0x2a: {  	_ =	swait.ge [sflag:s29], $0x1  }
0x2b: {  	[sflag:s29] =	ssyncadd.s32 $0xFFFFFFFF  }
0x2c: {  	_ =	strace $0x90000048  }
0x2d: {  	_ =	sfence  }
0x2e: {  	s30 =	sld [smem:$0x0];
	_ =	sdelay $0x2  }
0x2f: {  	s31 =	sshll.u32 s3, $0xD;
	s3 =	sshrl.u32 s3, $0x2  }
0x30: {  	s2 =	sand.u32 $0x4000, s31;
	s1 =	sadd.s32 s3, s30  }
0x31: {  	s0 =	sor.u32 s2, s0;
	s1 =	sshll.u32 s1, $0x11  }
0x32: {  	s0 =	sor.u32 s1, s0  }
0x33: {  	s0 =	sadd.s32 $0x8F2B, s0  }
0x34: {  	[sflag:s0] =	ssyncadd.remote.s32 $0x1  }
0x35: {  	_ =	sfence.sel $0xFFFF  }
0x36: {  	[dreg:$0x0] =	wrdreg $0xFFFFFFFF;
	(pc) =	sbr.abs _section_cstart, $3  }
0x37: {  	[dreg:$0x1] =	wrdreg $0xFFFFFFFF  }
0x38: {  	_ =	task.clear_ibuf [dreg:s6], $0x2FFFF;
	_ =	strace $0x9FFFFFFF  }
0x39: {  	(tm) =	ssettm $0x7FFFFFFF  }
tec
execute0_lowered:
.L_overlay_start_1:
0x0: {  	(tag) =	ssettag $0x1  }
0x1: {  	s0 =	srdreg.scid  }
0x2: {  	s1 =	sshll.u32 s0, $0x4  }
0x3: {  	s4 =	rddreg [dreg:$0x0];
	s0 =	stileid.u32;
	s1 =	sand.u32 $0x10, s1  }
0x4: {  	s7 =	simm.s32 $0x1;
	s8 =	simm.s32 $0x2;
	s2 =	sor.u32 s0, s1  }
0x5: {  	s9 =	simm.s32 $0x0;
	s12 =	simm.s32 $0x0;
	s2 =	sshll.u32 s2, $0x4  }
0x6: {  	s11 =	simm.s32 $0x0;
	s3 =	sadd.s32 $0x272C00, s4;
	s6 =	ssub.s32 $0x4E20, s2  }
.Ltmp0:
0x7: {  	s4 =	sadd.s32 $0x1C00, s4;
	s5 =	sand.u32 $0x1F0, s6;
	(pc) =	sbr.rel .LBB1_1-.Ltmp0, $4  }
0x8: {  	s1 =	rddreg [dreg:$0x1];
	_ =	strace $0x80000047;
	p0 =	sne.s32 s5, $0x0  }
0x9: {  	s6 =	sshrl.u32 s6, $0x9;
	s5 =	simm.s32 $0x1;
	s7 =	simm.s32 @!p0 $0x0  }
0xa: {  	s10 =	smov.u32 s2;
	[sflag:s5] =	ssyncpa.u1 $0x0;
	s6 =	sadd.s32 s7, s6  }
0xb: {  	[sflag:s8] =	ssyncpa.u1 $0x0;
	s8 =	simm.s32 $0x0;
	s7 =	sadd.s32 $0x1, s6  }
.LBB1_7:
0xc: {  	s14 =	sadd.s32 $0x200, s10  }
0xd: {  	p1 =	sgt.s32 s14, $0x4E1F  }
0xe: {  	s14 =	smov.u32 @p1 s2;
	p1 =	sne.s32 s11, s7  }
.Ltmp1:
0xf: {  	p0 =	slt.u32 s11, $0x2;
	(pc) =	sbr.rel @!p1 .LBB1_8-.Ltmp1, $4  }
0x10: {  	s13 =	simm.s32 @!p0 $0x2  }
0x11: {  	s15 =	sadd.s32 $0x1, s11;
	_ =	swait.ge @!p0 [sflag:s13], $0x4000  }
0x12: {  	s12 =	smov.u32 s10;
	s9 =	sadd.s32 $0x8000, s9;
	[sflag:s13] =	ssyncset.done @!p0 $0x0  }
0x13: {  	s11 =	smov.u32 s15;
	s10 =	smov.u32 s14;
	[sflag:s13] =	ssyncadd.s32 @!p0 $0xFFFFC000  }
.LBB1_1:
0x14: {  	p0 =	sge.u32 s11, s6  }
0x15: {  	s13 =	sxor.u32 @!p0 $0xFFFFFFFF, s11  }
0x16: {  	s31 =	sadd.s32 $0xFFFFFFFF, s11;
	s14 =	sshll.u32 @!p0 s10, $0x7;
	s13 =	sshll.u32 @!p0 s13, $0xE  }
0x17: {  	s15 =	simm.s32 @!p0 $0x0;
	s14 =	sadd.s32 @!p0 s3, s14;
	s13 =	sand.u32 @!p0 $0x4000, s13  }
0x18: {  	[tilespmem:s13], [sflag:$0x1] =	stream.linear.gather @!p0 [hbm4b:s14+s15], $0x4000, $0x38;
	[tilespmem:$0x10000] =	vst v63  }
0x19: {  	p0 =	sge.u32 s31, s6  }
.Ltmp2:
0x1a: {  	_ = 	snop;
	(pc) =	sbr.rel @p0 .LBB1_7-.Ltmp2, $1  }
0x1b: {  	_ =	sdelay $0x3  }
0x1c: {  	s13 =	sshrl.u32 s9, $0x1;
	_ =	swait.ge [sflag:s5], $0x4000  }
0x1d: {  	s15 =	sshll.u32 s11, $0xE;
	s16 =	simm.s32 $0x0;
	s14 =	sand.u32 $0x4000, s13  }
0x1e: {  	[sflag:s5] =	ssyncset.done $0x0;
	s15 =	sand.u32 $0x4000, s15;
	s13 =	sor.u32 $0x200, s14  }
0x1f: {  	s14 =	sor.u32 $0x8080, s14;
	[sflag:s5] =	ssyncadd.s32 $0xFFFFC000;
	s15 =	sor.u32 $0x8000, s15  }
.LBB1_3:
0x20: {  	v0 =	vld [tilespmem:s13+$0xFFFFFE70]  }
0x21: {  	v1 =	vld [tilespmem:s13+$0x70]  }
0x22: {  	v2 =	vld [tilespmem:s13+$0x0]  }
0x23: {  	v3 =	vld [tilespmem:s13+$0xFFFFFE10]  }
0x24: {  	v4 =	vld [tilespmem:s13+$0x10]  }
0x25: {  	v5 =	vld [tilespmem:s13+$0xFFFFFE20]  }
0x26: {  	v7 =	vld [tilespmem:s13+$0x20]  }
0x27: {  	v11 =	vld [tilespmem:s13+$0x30];
	v6 =	vunpack.i.l.s16.s32 v0;
	v8 =	vunpack.i.u.s16.s32 v0;
	v9 =	vunpack.i.u.s16.s32 v1  }
0x28: {  	v10 =	vunpack.i.l.s16.s32 v1;
	v0 =	vunpack.i.u.s16.s32 v2;
	v1 =	vunpack.i.l.s16.s32 v2;
	v2 =	vld [tilespmem:s13+$0xFFFFFE30]  }
0x29: {  	v8 =	vpack.i.b32.b16 v9, v8;
	v9 =	vunpack.i.u.s16.s32 v3;
	v3 =	vunpack.i.l.s16.s32 v3  }
0x2a: {  	v12 =	vld [tilespmem:s13+$0xFFFFFE40];
	v6 =	vpack.i.b32.b16 v10, v6;
	[tilespmem:s14+$0x70] =	vst v8;
	v8 =	vunpack.i.u.s16.s32 v4;
	v4 =	vunpack.i.l.s16.s32 v4  }
0x2b: {  	v13 =	vld [tilespmem:s13+$0x40];
	v10 =	vunpack.i.u.s16.s32 v5;
	v5 =	vunpack.i.l.s16.s32 v5;
	[tilespmem:s14+$0xFFFFFFF0] =	vst v6;
	v3 =	vpack.i.b32.b16 v4, v3  }
0x2c: {  	v6 =	vunpack.i.l.s16.s32 v7;
	v4 =	vld [tilespmem:s13+$0xFFFFFE50];
	[tilespmem:s14+$0xFFFFFF90] =	vst v3;
	v3 =	vpack.i.b32.b16 v8, v9;
	v8 =	vunpack.i.u.s16.s32 v7  }
0x2d: {  	v7 =	vunpack.i.l.s16.s32 v11;
	[tilespmem:s14+$0x10] =	vst v3;
	v3 =	vpack.i.b32.b16 v6, v5;
	v9 =	vunpack.i.u.s16.s32 v2;
	v6 =	vld [tilespmem:s13+$0x50]  }
0x2e: {  	v5 =	vunpack.i.l.s16.s32 v2;
	v2 =	vld [tilespmem:s13+$0xFFFFFE60];
	[tilespmem:s14+$0xFFFFFFA0] =	vst v3;
	v3 =	vpack.i.b32.b16 v8, v10;
	v10 =	vunpack.i.u.s16.s32 v11  }
0x2f: {  	s19 =	simm.s32 $0x0;
	v11 =	vpack.i.b32.b16 v7, v5;
	v7 =	vunpack.i.u.s16.s32 v12;
	v8 =	vunpack.i.l.s16.s32 v12;
	[tilespmem:s14+$0x20] =	vst v3;
	v3 =	vld [tilespmem:s13+$0x60]  }
0x30: {  	s20 =	sadd.s32 $0x80, s13;
	s18 =	smov.u32 s14;
	s17 =	smov.u32 s14;
	v5 =	vld [tilespmem:s13+$0xFFFFFE00];
	[tilespmem:s14+$0xFFFFFFB0] =	vst v11;
	v10 =	vpack.i.b32.b16 v10, v9;
	v9 =	vunpack.i.u.s16.s32 v13;
	v11 =	vunpack.i.l.s16.s32 v13  }
.LBB1_4:
0x31: {  	v12 =	vld [tilespmem:s20+$0xFFFFFE70];
	[tilespmem:s18+$0x30] =	vst v10;
	v8 =	vpack.i.b32.b16 v11, v8;
	v10 =	vunpack.i.u.s16.s32 v4;
	v4 =	vunpack.i.l.s16.s32 v4  }
0x32: {  	s19 =	sadd.s32 $0x2, s19;
	v7 =	vpack.i.b32.b16 v9, v7;
	v11 =	vld [tilespmem:s20+$0x70];
	[tilespmem:s18+$0xFFFFFFC0] =	vst v8;
	v8 =	vunpack.i.u.s16.s32 v6;
	v6 =	vunpack.i.l.s16.s32 v6  }
0x33: {  	p0 =	slt.u32 s19, $0x6;
	v9 =	vld [tilespmem:s20+$0x0];
	[tilespmem:s18+$0x40] =	vst v7;
	v4 =	vpack.i.b32.b16 v6, v4;
	v6 =	vunpack.i.u.s16.s32 v2;
	v2 =	vunpack.i.l.s16.s32 v2  }
0x34: {  	v7 =	vld [tilespmem:s20+$0xFFFFFE10];
	[tilespmem:s18+$0xFFFFFFD0] =	vst v4;
	v4 =	vpack.i.b32.b16 v8, v10;
	v8 =	vunpack.i.u.s16.s32 v3;
	v3 =	vunpack.i.l.s16.s32 v3  }
0x35: {  	v10 =	vld [tilespmem:s20+$0x10];
	v13 =	vunpack.i.u.s16.s32 v5;
	v5 =	vunpack.i.l.s16.s32 v5;
	[tilespmem:s18+$0x50] =	vst v4;
	v2 =	vpack.i.b32.b16 v3, v2  }
0x36: {  	v3 =	vld [tilespmem:s20+$0xFFFFFE20];
	v4 =	vunpack.i.l.s16.s32 v12;
	v1 =	vpack.i.b32.b16 v1, v5;
	v5 =	vpack.i.b32.b16 v0, v13;
	[tilespmem:s18+$0xFFFFFFE0] =	vst v2  }
0x37: {  	v12 =	vunpack.i.u.s16.s32 v12;
	v2 =	vld [tilespmem:s20+$0x20];
	v13 =	vunpack.i.u.s16.s32 v11;
	v11 =	vunpack.i.l.s16.s32 v11;
	[tilespmem:s18+$0xFFFFFF80] =	vst v1  }
0x38: {  	s18 =	sadd.s32 $0x100, s18;
	v0 =	vunpack.i.u.s16.s32 v9;
	v1 =	vunpack.i.l.s16.s32 v9;
	v9 =	vld [tilespmem:s20+$0xFFFFFE30];
	v12 =	vpack.i.b32.b16 v13, v12;
	[tilespmem:s17+$0x0] =	vst v5  }
0x39: {  	v6 =	vpack.i.b32.b16 v8, v6;
	v5 =	vunpack.i.u.s16.s32 v7;
	v7 =	vunpack.i.l.s16.s32 v7;
	v13 =	vld [tilespmem:s20+$0x30];
	[tilespmem:s18+$0x70] =	vst v12  }
0x3a: {  	v4 =	vpack.i.b32.b16 v11, v4;
	v8 =	vunpack.i.u.s16.s32 v10;
	v10 =	vunpack.i.l.s16.s32 v10;
	v12 =	vld [tilespmem:s20+$0xFFFFFE40];
	[tilespmem:s17+$0x60] =	vst v6;
	s17 =	smov.u32 s18  }
0x3b: {  	v6 =	vpack.i.b32.b16 v10, v7;
	v7 =	vunpack.i.u.s16.s32 v3;
	v3 =	vunpack.i.l.s16.s32 v3;
	v11 =	vld [tilespmem:s20+$0x40];
	[tilespmem:s18+$0xFFFFFFF0] =	vst v4  }
.Ltmp3:
0x3c: {  	v5 =	vpack.i.b32.b16 v8, v5;
	[tilespmem:s18+$0xFFFFFF90] =	vst v6;
	v8 =	vunpack.i.u.s16.s32 v2;
	v2 =	vunpack.i.l.s16.s32 v2;
	v4 =	vld [tilespmem:s20+$0xFFFFFE50];
	(pc) =	sbr.rel @p0 .LBB1_4-.Ltmp3, $4  }
0x3d: {  	[tilespmem:s18+$0x10] =	vst v5;
	v2 =	vpack.i.b32.b16 v2, v3;
	v10 =	vunpack.i.u.s16.s32 v9;
	v3 =	vunpack.i.l.s16.s32 v9;
	v6 =	vld [tilespmem:s20+$0x50]  }
0x3e: {  	v5 =	vpack.i.b32.b16 v8, v7;
	[tilespmem:s18+$0xFFFFFFA0] =	vst v2;
	v9 =	vunpack.i.u.s16.s32 v13;
	v7 =	vunpack.i.l.s16.s32 v13;
	v2 =	vld [tilespmem:s20+$0xFFFFFE60]  }
0x3f: {  	[tilespmem:s18+$0x20] =	vst v5;
	v13 =	vpack.i.b32.b16 v7, v3;
	v7 =	vunpack.i.u.s16.s32 v12;
	v8 =	vunpack.i.l.s16.s32 v12;
	v3 =	vld [tilespmem:s20+$0x60]  }
0x40: {  	v10 =	vpack.i.b32.b16 v9, v10;
	v5 =	vld [tilespmem:s20+$0xFFFFFE00];
	[tilespmem:s18+$0xFFFFFFB0] =	vst v13;
	v9 =	vunpack.i.u.s16.s32 v11;
	v11 =	vunpack.i.l.s16.s32 v11;
	s20 =	sadd.s32 $0x80, s20  }
0x41: {  	[tilespmem:s18+$0x30] =	vst v10;
	v8 =	vpack.i.b32.b16 v11, v8  }
0x42: {  	v51 =	vunpack.i.l.s16.s32 v4;
	v7 =	vpack.i.b32.b16 v9, v7;
	[tilespmem:s18+$0xFFFFFFC0] =	vst v8;
	v52 =	vunpack.i.l.s16.s32 v6  }
0x43: {  	v53 =	vunpack.i.u.s16.s32 v4;
	s16 =	sadd.s32 $0x1, s16;
	v54 =	vunpack.i.u.s16.s32 v6;
	[tilespmem:s18+$0x40] =	vst v7;
	v55 =	vpack.i.b32.b16 v52, v51  }
0x44: {  	p0 =	sne.s32 s16, $0x10;
	v56 =	vunpack.i.l.s16.s32 v2;
	v4 =	vpack.i.b32.b16 v54, v53;
	[tilespmem:s18+$0xFFFFFFD0] =	vst v55;
	v57 =	vunpack.i.l.s16.s32 v3  }
.Ltmp4:
0x45: {  	[tilespmem:s18+$0x50] =	vst v4;
	v58 =	vunpack.i.l.s16.s32 v5;
	v59 =	vpack.i.b32.b16 v57, v56;
	(pc) =	sbr.rel @p0 .LBB1_3-.Ltmp4, $4  }
0x46: {  	v61 =	vunpack.i.u.s16.s32 v2;
	v62 =	vunpack.i.u.s16.s32 v3;
	v1 =	vpack.i.b32.b16 v1, v58;
	[tilespmem:s18+$0xFFFFFFE0] =	vst v59  }
0x47: {  	v60 =	vunpack.i.u.s16.s32 v5;
	v63 =	vpack.i.b32.b16 v62, v61;
	[tilespmem:s18+$0xFFFFFF80] =	vst v1  }
0x48: {  	v0 =	vpack.i.b32.b16 v0, v60;
	[tilespmem:s17+$0x60] =	vst v63  }
0x49: {  	s13 =	sadd.s32 $0x400, s13;
	s14 =	sadd.s32 $0x400, s14;
	[tilespmem:s17+$0x0] =	vst v0  }
.Ltmp5:
0x4a: {  	(pc) =	sbr.rel .LBB1_7-.Ltmp5, $4  }
0x4b: {  	_ = 	snop  }
0x4c: {  	s12 =	sshll.u32 s12, $0x7  }
0x4d: {  	s12 =	sadd.s32 s4, s12  }
0x4e: {  	[hbm4b:s12+s8] =	stream.linear.scatter [tilespmem:s15], [sflag:$0x2], $0x4000, $0x38;
	[tilespmem:$0x10000] =	vst v63  }
.LBB1_8:
0x4f: {  	_ =	sfence.sel $0x180000  }
0x50: {  	s2 =	simm.s32 $0x1;
	[bflag:$0x0] =	sbarrier.arrive $0xFFFF  }
0x51: {  	s31 =	simm.s32 $0x2;
	[sflag:s2] =	ssyncpa.u1 $0x1  }
0x52: {  	[sflag:s31] =	ssyncpa.u1 $0x1  }
0x53: {  	p0 =	sne.s32 s0, $0x0;
	_ =	strace $0x90000047  }
0x54: {  	s0 =	sadd.s32 @!p0 $0x100000, s1;
	[bflag:$0x2] =	sbarrier.arrive $0xFFFF  }
0x55: {  	[sflag:s0] =	ssyncadd.tile.s32 @!p0 $0x1;
	_ =	shalt  }
.Lfunc_end1:
_tile_overlayer_lowered:
.L_overlay_start_2:
0x56: {  	(tag) =	ssettag $0x2  }
0x57: {  	s0 =	rddreg [dreg:$0x0];
	s2 =	stileid.u32  }
0x58: {  	s1 =	rddreg [dreg:$0x1];
	p0 =	sne.s32 s2, $0x0  }
0x59: {  	s3 =	rddreg [dreg:$0x2];
	[bflag:$0x3] =	sbarrier.arrive $0xFFFF;
	s2 =	simm.s32 @!p0 $0x1C01  }
0x5a: {  	[timem:s3], [sflag:s2] =	dma.local @!p0 [hbm:s0], s1  }
0x5b: {  	s0 =	simm.s32 @!p0 $0x1  }
0x5c: {  	_ =	swait.ge @!p0 [sflag:s0], s1  }
0x5d: {  	s1 =	ssub.s32 @!p0 $0x0, s1;
	[sflag:s0] =	ssyncset.done @!p0 $0x0  }
0x5e: {  	[sflag:s0] =	ssyncadd.s32 @!p0 s1  }
0x5f: {  	[bflag:$0x3] =	sbarrier.arrive $0xFFFF  }
0x60: {  	_ =	shalt  }

</sc_bundles>
